<compile_context>
chip_gen: v7x
topology: tpu7x:2x2x1
jax: 0.10.2.dev20260603
libtpu: 0.0.44.dev20260713+nightly
codegen_flags: <defaults>
</compile_context>

<pallas_src>
import functools

import jax
import jax.numpy as jnp
from jax import lax
from jax.experimental import pallas as pl
from jax.experimental.pallas import tpu as pltpu
from jax.experimental.pallas import tpu_sc as plsc

N_NODE = 10000
D_FEAT = 128
N_ACC = 10112
ROWS_PER_TILE = N_ACC // 16
PAD_IDX = 10000
N_BATCH = 16
CHUNK = 128
N_WORKERS = 32
GRP = 8


def _pack_edges(edge_index, e_pad):
    e = edge_index.shape[1]
    cpt = e_pad // (N_WORKERS * CHUNK)
    padv = PAD_IDX + jnp.arange(e_pad - e, dtype=jnp.int32) % (N_ACC - PAD_IDX)
    src = jnp.concatenate([edge_index[0], padv]).reshape(N_WORKERS, cpt, CHUNK)
    dst = jnp.concatenate([edge_index[1], padv]).reshape(N_WORKERS, cpt, CHUNK)
    return src, dst



def _sc_mesh():
    return plsc.VectorSubcoreMesh(core_axis_name="c", subcore_axis_name="s")


def _deg_body(cpt_sub, cpt_glob, dst_sub, dst_glob, out_hbm,
              idxd_s, idxd_g, ones_v, zbuf_v, deg_sub_sh, deg_glob_sh, sem):
    c = lax.axis_index("c")
    s = lax.axis_index("s")
    wid = c * 16 + s

    pltpu.sync_copy(dst_sub.at[wid], idxd_s)
    pltpu.sync_copy(dst_glob.at[wid], idxd_g)

    def fill(i, _):
        ones_v[pl.ds(i * 16, 16)] = jnp.ones((16,), jnp.float32)
        return 0
    lax.fori_loop(0, CHUNK // 16, fill, 0)

    def zfill(i, _):
        zbuf_v[pl.ds(i * 16, 16)] = jnp.zeros((16,), jnp.float32)
        return 0
    lax.fori_loop(0, N_ACC // 16, zfill, 0)

    @pl.when(s == 0)
    def _():
        pltpu.sync_copy(zbuf_v, deg_sub_sh)
        pltpu.sync_copy(zbuf_v, deg_glob_sh)
    plsc.subcore_barrier()

    def scatter_graph(idxd, deg_sh, cpt):
        def body(i, _):
            for j in range(8):
                pltpu.async_copy(ones_v, deg_sh.at[idxd.at[i * 8 + j]], sem,
                                 add=True)
            for j in range(8):
                pltpu.make_async_copy(ones_v, deg_sh.at[idxd.at[0]],
                                      sem).wait()
            return 0
        lax.fori_loop(0, cpt // 8, body, 0)

    scatter_graph(idxd_s, deg_sub_sh, cpt_sub)
    scatter_graph(idxd_g, deg_glob_sh, cpt_glob)
    plsc.subcore_barrier()

    @pl.when(jnp.logical_and(s == 0, c == 0))
    def _():
        pltpu.sync_copy(deg_sub_sh, out_hbm.at[0, 0])
        pltpu.sync_copy(deg_glob_sh, out_hbm.at[1, 0])

    @pl.when(jnp.logical_and(s == 0, c == 1))
    def _():
        pltpu.sync_copy(deg_sub_sh, out_hbm.at[0, 1])
        pltpu.sync_copy(deg_glob_sh, out_hbm.at[1, 1])


def _make_deg_kernel(cpt_sub, cpt_glob):
    return pl.kernel(
        functools.partial(_deg_body, cpt_sub, cpt_glob),
        out_type=jax.ShapeDtypeStruct((2, 2, N_ACC), jnp.float32),
        mesh=_sc_mesh(),
        scratch_types=[
            pltpu.VMEM((cpt_sub, CHUNK), jnp.int32),
            pltpu.VMEM((cpt_glob, CHUNK), jnp.int32),
            pltpu.VMEM((CHUNK,), jnp.float32),
            pltpu.VMEM((N_ACC,), jnp.float32),
            pltpu.VMEM_SHARED((N_ACC,), jnp.float32),
            pltpu.VMEM_SHARED((N_ACC,), jnp.float32),
            pltpu.SemaphoreType.DMA,
        ],
    )


def _rows_body(cpt, h_hbm, src_hbm, dst_hbm, zeros_hbm, out_hbm,
               idxd, sbuf, rows_v, acc_sh, gsem, ssem):
    c = lax.axis_index("c")
    s = lax.axis_index("s")
    wid = c * 16 + s

    pltpu.sync_copy(dst_hbm.at[wid], idxd)

    pltpu.sync_copy(zeros_hbm, rows_v.at[0])
    base = s * ROWS_PER_TILE
    for j in range(4):
        pltpu.sync_copy(rows_v.at[0], acc_sh.at[pl.ds(base + j * CHUNK, CHUNK)])
    pltpu.sync_copy(rows_v.at[0, pl.ds(0, ROWS_PER_TILE - 4 * CHUNK)],
                    acc_sh.at[pl.ds(base + 4 * CHUNK, ROWS_PER_TILE - 4 * CHUNK)])
    plsc.subcore_barrier()

    def body(g, _):
        pltpu.sync_copy(src_hbm.at[wid, pl.ds(pl.multiple_of(g * GRP, 8),
                                              GRP)], sbuf)
        for j in range(GRP):
            b = j % 2
            k = g * GRP + j
            pltpu.async_copy(h_hbm.at[sbuf.at[j]], rows_v.at[b], gsem.at[b])

            @pl.when(k >= 1)
            def _():
                pltpu.make_async_copy(rows_v.at[1 - b], acc_sh.at[idxd.at[0]],
                                      ssem.at[1 - b]).wait()
            pltpu.make_async_copy(h_hbm.at[sbuf.at[j]], rows_v.at[b],
                                  gsem.at[b]).wait()
            pltpu.async_copy(rows_v.at[b], acc_sh.at[idxd.at[k]],
                             ssem.at[b], add=True)
        return 0
    lax.fori_loop(0, cpt // GRP, body, 0)
    pltpu.make_async_copy(rows_v.at[1], acc_sh.at[idxd.at[0]],
                          ssem.at[1]).wait()
    plsc.subcore_barrier()

    sizes = [CHUNK] * 4 + [ROWS_PER_TILE - 4 * CHUNK]

    @pl.when(c == 0)
    def _():
        o = 0
        for sz in sizes:
            pltpu.sync_copy(acc_sh.at[pl.ds(base + o, sz)],
                            out_hbm.at[0, pl.ds(base + o, sz)])
            o += sz

    @pl.when(c == 1)
    def _():
        o = 0
        for sz in sizes:
            pltpu.sync_copy(acc_sh.at[pl.ds(base + o, sz)],
                            out_hbm.at[1, pl.ds(base + o, sz)])
            o += sz


def _make_rows_kernel(cpt):
    return pl.kernel(
        functools.partial(_rows_body, cpt),
        out_type=jax.ShapeDtypeStruct((2, N_ACC, D_FEAT), jnp.float32),
        mesh=_sc_mesh(),
        scratch_types=[
            pltpu.VMEM((cpt, CHUNK), jnp.int32),
            pltpu.VMEM((GRP, CHUNK), jnp.int32),
            pltpu.VMEM((2, CHUNK, D_FEAT), jnp.float32),
            pltpu.VMEM_SHARED((N_ACC, D_FEAT), jnp.float32),
            pltpu.SemaphoreType.DMA((2,)),
            pltpu.SemaphoreType.DMA((2,)),
        ],
    )



def _dinv(degp_ref, g):
    deg = degp_ref[g, 0, 0:N_NODE, :] + degp_ref[g, 1, 0:N_NODE, :] + 1.0
    return lax.rsqrt(jnp.maximum(deg, 1e-12))


def _mm_sub_body(x_ref, w_ref, degp_ref, o_ref):
    h = jnp.dot(x_ref[:], w_ref[:], preferred_element_type=jnp.float32)
    o_ref[0:N_NODE, :] = h * _dinv(degp_ref, 0)
    o_ref[N_NODE:N_ACC, :] = jnp.zeros((N_ACC - N_NODE, D_FEAT), jnp.float32)


def _fin_sub_body(hsub_ref, acc_ref, degp_ref, b_ref, batch_ref, o_ref):
    dinv = _dinv(degp_ref, 0)
    pre = (hsub_ref[0:N_NODE, :] + acc_ref[0, 0:N_NODE, :]
           + acc_ref[1, 0:N_NODE, :]) * dinv + b_ref[:]
    hs = jnp.maximum(pre, 0.0)
    onehot = (batch_ref[:] == lax.broadcasted_iota(
        jnp.int32, (N_NODE, N_BATCH), 1)).astype(jnp.float32)
    dn = (((0,), (0,)), ((), ()))
    psum = lax.dot_general(onehot, hs, dn,
                           preferred_element_type=jnp.float32)
    cnt = lax.dot_general(onehot, jnp.ones((N_NODE, 1), jnp.float32), dn,
                          preferred_element_type=jnp.float32)
    o_ref[:] = psum / jnp.maximum(cnt, 1.0)


def _mm_glob_body(x_ref, w_ref, degp_ref, pooled_ref, sidx_ref, o_ref):
    h = jnp.dot(x_ref[:], w_ref[:], preferred_element_type=jnp.float32)
    o_ref[0:N_NODE, :] = h
    for j in range(N_BATCH):
        r = (sidx_ref[j] - 1) % N_NODE
        xr = x_ref[pl.ds(r, 1), :] + pooled_ref[pl.ds(j, 1), :]
        o_ref[pl.ds(r, 1), :] = jnp.dot(xr, w_ref[:],
                                        preferred_element_type=jnp.float32)
    o_ref[0:N_NODE, :] = o_ref[0:N_NODE, :] * _dinv(degp_ref, 1)
    o_ref[N_NODE:N_ACC, :] = jnp.zeros((N_ACC - N_NODE, D_FEAT), jnp.float32)


def _fin_glob_body(hg_ref, acc_ref, degp_ref, b_ref, wfc_ref, bfc_ref, o_ref):
    dinv = _dinv(degp_ref, 1)
    pre = (hg_ref[0:N_NODE, :] + acc_ref[0, 0:N_NODE, :]
           + acc_ref[1, 0:N_NODE, :]) * dinv + b_ref[:]
    hg = jnp.maximum(pre, 0.0)
    emb = jnp.sum(hg, axis=0, keepdims=True) / jnp.float32(N_NODE)
    o_ref[:] = jnp.dot(emb, wfc_ref[:],
                       preferred_element_type=jnp.float32) + bfc_ref[:]


def _tc_call(body, out_shape, n_in, smem_args=()):
    in_specs = [pl.BlockSpec(memory_space=pltpu.VMEM) for _ in range(n_in)]
    for i in smem_args:
        in_specs[i] = pl.BlockSpec(memory_space=pltpu.SMEM)
    return pl.pallas_call(body, out_shape=out_shape, in_specs=in_specs)



def _round_up(x, m):
    return ((x + m - 1) // m) * m


@jax.jit
def kernel(sub_x, sub_edge_index, sub_batch, sub_index, global_x,
           global_edge_index, global_batch, W_sub, b_sub, W_glob, b_glob,
           W_fc, b_fc):
    e_sub = sub_edge_index.shape[1]
    e_glob = global_edge_index.shape[1]
    ep_sub = _round_up(e_sub, N_WORKERS * CHUNK * GRP)
    ep_glob = _round_up(e_glob, N_WORKERS * CHUNK * GRP)
    cpt_sub = ep_sub // (N_WORKERS * CHUNK)
    cpt_glob = ep_glob // (N_WORKERS * CHUNK)

    src_s, dst_s = _pack_edges(sub_edge_index, ep_sub)
    src_g, dst_g = _pack_edges(global_edge_index, ep_glob)
    zeros_blk = jnp.zeros((CHUNK, D_FEAT), jnp.float32)

    degp = _make_deg_kernel(cpt_sub, cpt_glob)(dst_s, dst_g)
    degp = degp.reshape(2, 2, N_ACC, 1)

    hsub = _tc_call(_mm_sub_body,
                    jax.ShapeDtypeStruct((N_ACC, D_FEAT), jnp.float32),
                    3)(sub_x, W_sub, degp)

    acc_s = _make_rows_kernel(cpt_sub)(hsub, src_s, dst_s, zeros_blk)

    pooled = _tc_call(_fin_sub_body,
                      jax.ShapeDtypeStruct((N_BATCH, D_FEAT), jnp.float32),
                      5)(hsub, acc_s, degp, b_sub.reshape(1, D_FEAT),
                         sub_batch.reshape(N_NODE, 1))

    hglob = _tc_call(_mm_glob_body,
                     jax.ShapeDtypeStruct((N_ACC, D_FEAT), jnp.float32),
                     5, smem_args=(4,))(global_x, W_glob, degp, pooled,
                                        sub_index)

    acc_g = _make_rows_kernel(cpt_glob)(hglob, src_g, dst_g, zeros_blk)

    out = _tc_call(_fin_glob_body,
                   jax.ShapeDtypeStruct((1, D_FEAT), jnp.float32),
                   6)(hglob, acc_g, degp, b_glob.reshape(1, D_FEAT),
                      W_fc, b_fc.reshape(1, D_FEAT))
    return out

# --- scband reference (transcript-rebuilt; emitter-appended) ---
"""Pipeline reference for scband-gcnwith-subgraphs-2052994367515 (READ-ONLY COPY).

The authoritative reference and input builder live on the scoring server;
editing this copy changes nothing except your own understanding.
"""

import jax, jax.numpy as jnp
import numpy as np

N_GLOBAL = 10000
N_SUB = 10000
E_GLOBAL = 320000
E_SUB = 160000
D = 128
H = 128
B_SUB = 16


def gcn_conv(x, edge_index, W, b, n):
    # PyG-style GCNConv: add self-loops, symmetric normalization, linear, scatter-add, bias
    src = edge_index[0]
    dst = edge_index[1]
    loop = jnp.arange(n, dtype=edge_index.dtype)
    src = jnp.concatenate([src, loop])
    dst = jnp.concatenate([dst, loop])
    deg = jnp.zeros((n,), dtype=x.dtype).at[dst].add(1.0)
    dinv = jax.lax.rsqrt(jnp.maximum(deg, 1e-12))
    norm = dinv[src] * dinv[dst]
    h = x @ W
    msg = h[src] * norm[:, None]
    out = jax.ops.segment_sum(msg, dst, num_segments=n)
    return out + b


def global_mean_pool(x, batch, nseg):
    s = jax.ops.segment_sum(x, batch, num_segments=nseg)
    cnt = jax.ops.segment_sum(jnp.ones((x.shape[0],), x.dtype), batch, num_segments=nseg)
    return s / jnp.maximum(cnt, 1.0)[:, None]


def setup_inputs(seed: int = 0) -> dict:
    key = jax.random.key(seed)
    ks = jax.random.split(key, 12)
    sub_x = jax.random.normal(ks[0], (N_SUB, D), jnp.float32)
    sub_edge_index = jax.random.randint(ks[1], (2, E_SUB), 0, N_SUB, jnp.int32)
    sub_batch = jnp.sort(jax.random.randint(ks[2], (N_SUB,), 0, B_SUB, jnp.int32))
    sub_index = jax.random.randint(ks[3], (B_SUB,), 0, N_GLOBAL, jnp.int32)
    global_x = jax.random.normal(ks[4], (N_GLOBAL, D), jnp.float32)
    global_edge_index = jax.random.randint(ks[5], (2, E_GLOBAL), 0, N_GLOBAL, jnp.int32)
    global_batch = jnp.zeros((N_GLOBAL,), jnp.int32)
    sc = 1.0 / np.sqrt(D)
    W_sub = jax.random.normal(ks[6], (D, H), jnp.float32) * sc
    b_sub = jnp.zeros((H,), jnp.float32)
    W_glob = jax.random.normal(ks[7], (D, H), jnp.float32) * sc
    b_glob = jnp.zeros((H,), jnp.float32)
    W_fc = jax.random.normal(ks[8], (H, H), jnp.float32) * (1.0 / np.sqrt(H))
    b_fc = jnp.zeros((H,), jnp.float32)
    return {
        "sub_x": sub_x, "sub_edge_index": sub_edge_index, "sub_batch": sub_batch,
        "sub_index": sub_index, "global_x": global_x,
        "global_edge_index": global_edge_index, "global_batch": global_batch,
        "W_sub": W_sub, "b_sub": b_sub, "W_glob": W_glob, "b_glob": b_glob,
        "W_fc": W_fc, "b_fc": b_fc,
    }


def reference(sub_x, sub_edge_index, sub_batch, sub_index, global_x,
              global_edge_index, global_batch, W_sub, b_sub, W_glob, b_glob,
              W_fc, b_fc):
    # subgraph branch (single subgraph in the list)
    hs = jax.nn.relu(gcn_conv(sub_x, sub_edge_index, W_sub, b_sub, N_SUB))
    pooled = global_mean_pool(hs, sub_batch, B_SUB)
    # global_data.x[index - 1] = global_data.x[index - 1] + pooled_x
    # torch negative indexing (index-1 == -1 -> last row) matched via mod
    idx = (sub_index - 1) % N_GLOBAL
    gx = global_x.at[idx].set(global_x[idx] + pooled)
    # global branch
    hg = jax.nn.relu(gcn_conv(gx, global_edge_index, W_glob, b_glob, N_GLOBAL))
    emb = global_mean_pool(hg, global_batch, 1)
    out = emb @ W_fc + b_fc
    return out

if __name__ == "__main__":
    import jax
    _d = setup_inputs()
    print(jax.jit(kernel)(*tuple(_d.values())))

</pallas_src>

<mosaic_0001>
#map = affine_map<(d0, d1) -> (0, 0, 0)>
module attributes {stable_mosaic.version = 14 : i64} {
  func.func @_deg_body(%arg0: i32, %arg1: i32, %arg2: memref<32x40x128xi32, #tpu.memory_space<hbm>>, %arg3: memref<32x80x128xi32, #tpu.memory_space<hbm>>, %arg4: memref<2x2x10112xf32, #tpu.memory_space<hbm>>, %arg5: memref<40x128xi32, #tpu.memory_space<vmem>>, %arg6: memref<80x128xi32, #tpu.memory_space<vmem>>, %arg7: memref<128xf32, #tpu.memory_space<vmem>>, %arg8: memref<10112xf32, #tpu.memory_space<vmem>>, %arg9: memref<10112xf32, #tpu.memory_space<vmem_shared>>, %arg10: memref<10112xf32, #tpu.memory_space<vmem_shared>>, %arg11: memref<!tpu.dma_semaphore, #tpu.memory_space<semaphore_mem>>) attributes {dimension_semantics = [#tpu.dimension_semantics<core_parallel>, #tpu.dimension_semantics<subcore_parallel>], iteration_bounds = array<i64: 2, 16>, scalar_prefetch = 0 : i64, scratch_operands = 7 : i64, tpu.core_type = #tpu.core_type<sc_vector_subcore>, window_params = [{transform_indices = #map}, {transform_indices = #map}, {transform_indices = #map}]} {
    %mul3A = arith.constant 16 : i32
    %mul3A_0 = arith.muli %arg0, %mul3A : i32
    %add3A = arith.addi %mul3A_0, %arg1 : i32
    "tpu.region"() ({
      %run_scoped3A = tpu.sem_alloc : memref<!tpu.dma_semaphore, #tpu.memory_space<semaphore_mem>>
      %dma_start3A = arith.constant 0 : i32
      %dma_start3A_46 = arith.constant 0 : i32
      %dma_start3A_47 = tpu.memref_slice %arg2[%add3A, %dma_start3A, %dma_start3A_46] : memref<32x40x128xi32, #tpu.memory_space<hbm>> -> memref<1x40x128xi32, #tpu.memory_space<hbm>>
      %dma_start3A_48 = tpu.memref_squeeze %dma_start3A_47 : memref<1x40x128xi32, #tpu.memory_space<hbm>> -> memref<40x128xi32, #tpu.memory_space<hbm>>
      %dma_start3A_49 = arith.constant 0 : i32
      %dma_start3A_50 = arith.constant 0 : i32
      %dma_start3A_51 = tpu.memref_slice %arg2[%add3A, %dma_start3A_49, %dma_start3A_50] : memref<32x40x128xi32, #tpu.memory_space<hbm>> -> memref<1x40x128xi32, #tpu.memory_space<hbm>>
      %dma_start3A_52 = tpu.memref_squeeze %dma_start3A_51 : memref<1x40x128xi32, #tpu.memory_space<hbm>> -> memref<40x128xi32, #tpu.memory_space<hbm>>
      tpu.enqueue_dma source(%dma_start3A_52 : memref<40x128xi32, #tpu.memory_space<hbm>>) target(%arg5 : memref<40x128xi32, #tpu.memory_space<vmem>>) target_semaphore(%run_scoped3A : memref<!tpu.dma_semaphore, #tpu.memory_space<semaphore_mem>>)
      %dma_wait3A = arith.constant 0 : i32
      %dma_wait3A_53 = arith.constant 0 : i32
      %dma_wait3A_54 = tpu.memref_slice %arg2[%add3A, %dma_wait3A, %dma_wait3A_53] : memref<32x40x128xi32, #tpu.memory_space<hbm>> -> memref<1x40x128xi32, #tpu.memory_space<hbm>>
      %dma_wait3A_55 = tpu.memref_squeeze %dma_wait3A_54 : memref<1x40x128xi32, #tpu.memory_space<hbm>> -> memref<40x128xi32, #tpu.memory_space<hbm>>
      %dma_wait3A_56 = arith.constant 0 : i32
      %dma_wait3A_57 = arith.constant 0 : i32
      %dma_wait3A_58 = tpu.memref_slice %arg2[%add3A, %dma_wait3A_56, %dma_wait3A_57] : memref<32x40x128xi32, #tpu.memory_space<hbm>> -> memref<1x40x128xi32, #tpu.memory_space<hbm>>
      %dma_wait3A_59 = tpu.memref_squeeze %dma_wait3A_58 : memref<1x40x128xi32, #tpu.memory_space<hbm>> -> memref<40x128xi32, #tpu.memory_space<hbm>>
      tpu.wait_dma2 semaphore(%run_scoped3A : memref<!tpu.dma_semaphore, #tpu.memory_space<semaphore_mem>>) src(%dma_wait3A_59 : memref<40x128xi32, #tpu.memory_space<hbm>>) dst(%arg5 : memref<40x128xi32, #tpu.memory_space<vmem>>)
      tpu.yield
    }) : () -> ()
    "tpu.region"() ({
      %run_scoped3A = tpu.sem_alloc : memref<!tpu.dma_semaphore, #tpu.memory_space<semaphore_mem>>
      %dma_start3A = arith.constant 0 : i32
      %dma_start3A_46 = arith.constant 0 : i32
      %dma_start3A_47 = tpu.memref_slice %arg3[%add3A, %dma_start3A, %dma_start3A_46] : memref<32x80x128xi32, #tpu.memory_space<hbm>> -> memref<1x80x128xi32, #tpu.memory_space<hbm>>
      %dma_start3A_48 = tpu.memref_squeeze %dma_start3A_47 : memref<1x80x128xi32, #tpu.memory_space<hbm>> -> memref<80x128xi32, #tpu.memory_space<hbm>>
      %dma_start3A_49 = arith.constant 0 : i32
      %dma_start3A_50 = arith.constant 0 : i32
      %dma_start3A_51 = tpu.memref_slice %arg3[%add3A, %dma_start3A_49, %dma_start3A_50] : memref<32x80x128xi32, #tpu.memory_space<hbm>> -> memref<1x80x128xi32, #tpu.memory_space<hbm>>
      %dma_start3A_52 = tpu.memref_squeeze %dma_start3A_51 : memref<1x80x128xi32, #tpu.memory_space<hbm>> -> memref<80x128xi32, #tpu.memory_space<hbm>>
      tpu.enqueue_dma source(%dma_start3A_52 : memref<80x128xi32, #tpu.memory_space<hbm>>) target(%arg6 : memref<80x128xi32, #tpu.memory_space<vmem>>) target_semaphore(%run_scoped3A : memref<!tpu.dma_semaphore, #tpu.memory_space<semaphore_mem>>)
      %dma_wait3A = arith.constant 0 : i32
      %dma_wait3A_53 = arith.constant 0 : i32
      %dma_wait3A_54 = tpu.memref_slice %arg3[%add3A, %dma_wait3A, %dma_wait3A_53] : memref<32x80x128xi32, #tpu.memory_space<hbm>> -> memref<1x80x128xi32, #tpu.memory_space<hbm>>
      %dma_wait3A_55 = tpu.memref_squeeze %dma_wait3A_54 : memref<1x80x128xi32, #tpu.memory_space<hbm>> -> memref<80x128xi32, #tpu.memory_space<hbm>>
      %dma_wait3A_56 = arith.constant 0 : i32
      %dma_wait3A_57 = arith.constant 0 : i32
      %dma_wait3A_58 = tpu.memref_slice %arg3[%add3A, %dma_wait3A_56, %dma_wait3A_57] : memref<32x80x128xi32, #tpu.memory_space<hbm>> -> memref<1x80x128xi32, #tpu.memory_space<hbm>>
      %dma_wait3A_59 = tpu.memref_squeeze %dma_wait3A_58 : memref<1x80x128xi32, #tpu.memory_space<hbm>> -> memref<80x128xi32, #tpu.memory_space<hbm>>
      tpu.wait_dma2 semaphore(%run_scoped3A : memref<!tpu.dma_semaphore, #tpu.memory_space<semaphore_mem>>) src(%dma_wait3A_59 : memref<80x128xi32, #tpu.memory_space<hbm>>) dst(%arg6 : memref<80x128xi32, #tpu.memory_space<vmem>>)
      tpu.yield
    }) : () -> ()
    %scan3A = arith.constant 0 : i32
    %scan3A_1 = arith.constant 0 : i32
    %scan3A_2 = arith.constant 8 : i32
    %scan3A_3 = arith.addi %scan3A_1, %scan3A_2 : i32
    %scan3A_4 = arith.constant 1 : i32
    %scan3A_5 = scf.for %scan3A_46 = %scan3A_1 to %scan3A_3 step %scan3A_4 iter_args(%scan3A_47 = %scan3A) -> (i32)  : i32 {
      %broadcast_in_dim3A = arith.constant 1.000000e+00 : f32
      %broadcast_in_dim3A_48 = vector.broadcast %broadcast_in_dim3A : f32 to vector<16xf32>
      %mul3A_49 = arith.constant 16 : i32
      %mul3A_50 = arith.muli %scan3A_46, %mul3A_49 : i32
      %swap3A = arith.index_cast %mul3A_50 : i32 to index
      %swap3A_51 = tpu.vector_load %arg7[%swap3A] {strides = array<i32>} : memref<128xf32, #tpu.memory_space<vmem>>, vector<16xf32>,
      %swap3A_52 = vector.shape_cast %swap3A_51 : vector<16xf32> to vector<16xf32>
      %swap3A_53 = vector.shape_cast %broadcast_in_dim3A_48 : vector<16xf32> to vector<16xf32>
      tpu.vector_store %arg7[%swap3A], %swap3A_53 {strides = array<i32>} : memref<128xf32, #tpu.memory_space<vmem>>, vector<16xf32>,
      %scan3A_54 = arith.constant 0 : i32
      scf.yield %scan3A_54 : i32
    }
    %scan3A_6 = arith.constant 8 : i32
    %scan3A_7 = arith.constant 0 : i32
    %scan3A_8 = arith.constant 0 : i32
    %scan3A_9 = arith.constant 632 : i32
    %scan3A_10 = arith.addi %scan3A_8, %scan3A_9 : i32
    %scan3A_11 = arith.constant 1 : i32
    %scan3A_12 = scf.for %scan3A_46 = %scan3A_8 to %scan3A_10 step %scan3A_11 iter_args(%scan3A_47 = %scan3A_7) -> (i32)  : i32 {
      %broadcast_in_dim3A = arith.constant 0.000000e+00 : f32
      %broadcast_in_dim3A_48 = vector.broadcast %broadcast_in_dim3A : f32 to vector<16xf32>
      %mul3A_49 = arith.constant 16 : i32
      %mul3A_50 = arith.muli %scan3A_46, %mul3A_49 : i32
      %swap3A = arith.index_cast %mul3A_50 : i32 to index
      %swap3A_51 = tpu.vector_load %arg8[%swap3A] {strides = array<i32>} : memref<10112xf32, #tpu.memory_space<vmem>>, vector<16xf32>,
      %swap3A_52 = vector.shape_cast %swap3A_51 : vector<16xf32> to vector<16xf32>
      %swap3A_53 = vector.shape_cast %broadcast_in_dim3A_48 : vector<16xf32> to vector<16xf32>
      tpu.vector_store %arg8[%swap3A], %swap3A_53 {strides = array<i32>} : memref<10112xf32, #tpu.memory_space<vmem>>, vector<16xf32>,
      %scan3A_54 = arith.constant 0 : i32
      scf.yield %scan3A_54 : i32
    }
    %scan3A_13 = arith.constant 632 : i32
    %eq3A = arith.constant 0 : i32
    %eq3A_14 = arith.cmpi eq, %arg1, %eq3A : i32
    %convert_element_type3A = arith.extui %eq3A_14 : i1 to i32
    %cond3A = arith.constant 0 : i32
    %cond3A_15 = arith.cmpi ne, %convert_element_type3A, %cond3A : i32
    scf.if %cond3A_15 {
      "tpu.region"() ({
        %run_scoped3A = tpu.sem_alloc : memref<!tpu.dma_semaphore, #tpu.memory_space<semaphore_mem>>
        tpu.enqueue_dma source(%arg8 : memref<10112xf32, #tpu.memory_space<vmem>>) target(%arg9 : memref<10112xf32, #tpu.memory_space<vmem_shared>>) target_semaphore(%run_scoped3A : memref<!tpu.dma_semaphore, #tpu.memory_space<semaphore_mem>>)
        tpu.wait_dma2 semaphore(%run_scoped3A : memref<!tpu.dma_semaphore, #tpu.memory_space<semaphore_mem>>) src(%arg8 : memref<10112xf32, #tpu.memory_space<vmem>>) dst(%arg9 : memref<10112xf32, #tpu.memory_space<vmem_shared>>)
        tpu.yield
      }) : () -> ()
      "tpu.region"() ({
        %run_scoped3A = tpu.sem_alloc : memref<!tpu.dma_semaphore, #tpu.memory_space<semaphore_mem>>
        tpu.enqueue_dma source(%arg8 : memref<10112xf32, #tpu.memory_space<vmem>>) target(%arg10 : memref<10112xf32, #tpu.memory_space<vmem_shared>>) target_semaphore(%run_scoped3A : memref<!tpu.dma_semaphore, #tpu.memory_space<semaphore_mem>>)
        tpu.wait_dma2 semaphore(%run_scoped3A : memref<!tpu.dma_semaphore, #tpu.memory_space<semaphore_mem>>) src(%arg8 : memref<10112xf32, #tpu.memory_space<vmem>>) dst(%arg10 : memref<10112xf32, #tpu.memory_space<vmem_shared>>)
        tpu.yield
      }) : () -> ()
    } else {
    }
    %barrier3A = arith.constant 0 : index
    tpu.barrier barrier_id(%barrier3A)
    %scan3A_16 = arith.constant 0 : i32
    %scan3A_17 = arith.constant 0 : i32
    %scan3A_18 = arith.constant 5 : i32
    %scan3A_19 = arith.addi %scan3A_17, %scan3A_18 : i32
    %scan3A_20 = arith.constant 1 : i32
    %scan3A_21 = scf.for %scan3A_46 = %scan3A_17 to %scan3A_19 step %scan3A_20 iter_args(%scan3A_47 = %scan3A_16) -> (i32)  : i32 {
      %mul3A_48 = arith.constant 8 : i32
      %mul3A_49 = arith.muli %scan3A_46, %mul3A_48 : i32
      %add3A_50 = arith.constant 0 : i32
      %add3A_51 = arith.addi %mul3A_49, %add3A_50 : i32
      %dma_start3A = arith.constant 0 : i32
      %dma_start3A_52 = tpu.memref_slice %arg5[%add3A_51, %dma_start3A] : memref<40x128xi32, #tpu.memory_space<vmem>> -> memref<1x128xi32, #tpu.memory_space<vmem>>
      %dma_start3A_53 = tpu.memref_squeeze %dma_start3A_52 : memref<1x128xi32, #tpu.memory_space<vmem>> -> memref<128xi32, #tpu.memory_space<vmem>>
      %dma_start3A_54 = arith.constant 0 : i32
      %dma_start3A_55 = tpu.memref_slice %arg9[%dma_start3A_54] : memref<10112xf32, #tpu.memory_space<vmem_shared>> -> memref<10112xf32, #tpu.memory_space<vmem_shared>>
      tpu.enqueue_indirect_dma source(%arg7 : memref<128xf32, #tpu.memory_space<vmem>>) target(%dma_start3A_55 : memref<10112xf32, #tpu.memory_space<vmem_shared>>) offsets(%dma_start3A_53 : memref<128xi32, #tpu.memory_space<vmem>>) semaphore(%arg11 : memref<!tpu.dma_semaphore, #tpu.memory_space<semaphore_mem>>) {add = true}
      %mul3A_56 = arith.constant 8 : i32
      %mul3A_57 = arith.muli %scan3A_46, %mul3A_56 : i32
      %add3A_58 = arith.constant 1 : i32
      %add3A_59 = arith.addi %mul3A_57, %add3A_58 : i32
      %dma_start3A_60 = arith.constant 0 : i32
      %dma_start3A_61 = tpu.memref_slice %arg5[%add3A_59, %dma_start3A_60] : memref<40x128xi32, #tpu.memory_space<vmem>> -> memref<1x128xi32, #tpu.memory_space<vmem>>
      %dma_start3A_62 = tpu.memref_squeeze %dma_start3A_61 : memref<1x128xi32, #tpu.memory_space<vmem>> -> memref<128xi32, #tpu.memory_space<vmem>>
      %dma_start3A_63 = arith.constant 0 : i32
      %dma_start3A_64 = tpu.memref_slice %arg9[%dma_start3A_63] : memref<10112xf32, #tpu.memory_space<vmem_shared>> -> memref<10112xf32, #tpu.memory_space<vmem_shared>>
      tpu.enqueue_indirect_dma source(%arg7 : memref<128xf32, #tpu.memory_space<vmem>>) target(%dma_start3A_64 : memref<10112xf32, #tpu.memory_space<vmem_shared>>) offsets(%dma_start3A_62 : memref<128xi32, #tpu.memory_space<vmem>>) semaphore(%arg11 : memref<!tpu.dma_semaphore, #tpu.memory_space<semaphore_mem>>) {add = true}
      %mul3A_65 = arith.constant 8 : i32
      %mul3A_66 = arith.muli %scan3A_46, %mul3A_65 : i32
      %add3A_67 = arith.constant 2 : i32
      %add3A_68 = arith.addi %mul3A_66, %add3A_67 : i32
      %dma_start3A_69 = arith.constant 0 : i32
      %dma_start3A_70 = tpu.memref_slice %arg5[%add3A_68, %dma_start3A_69] : memref<40x128xi32, #tpu.memory_space<vmem>> -> memref<1x128xi32, #tpu.memory_space<vmem>>
      %dma_start3A_71 = tpu.memref_squeeze %dma_start3A_70 : memref<1x128xi32, #tpu.memory_space<vmem>> -> memref<128xi32, #tpu.memory_space<vmem>>
      %dma_start3A_72 = arith.constant 0 : i32
      %dma_start3A_73 = tpu.memref_slice %arg9[%dma_start3A_72] : memref<10112xf32, #tpu.memory_space<vmem_shared>> -> memref<10112xf32, #tpu.memory_space<vmem_shared>>
      tpu.enqueue_indirect_dma source(%arg7 : memref<128xf32, #tpu.memory_space<vmem>>) target(%dma_start3A_73 : memref<10112xf32, #tpu.memory_space<vmem_shared>>) offsets(%dma_start3A_71 : memref<128xi32, #tpu.memory_space<vmem>>) semaphore(%arg11 : memref<!tpu.dma_semaphore, #tpu.memory_space<semaphore_mem>>) {add = true}
      %mul3A_74 = arith.constant 8 : i32
      %mul3A_75 = arith.muli %scan3A_46, %mul3A_74 : i32
      %add3A_76 = arith.constant 3 : i32
      %add3A_77 = arith.addi %mul3A_75, %add3A_76 : i32
      %dma_start3A_78 = arith.constant 0 : i32
      %dma_start3A_79 = tpu.memref_slice %arg5[%add3A_77, %dma_start3A_78] : memref<40x128xi32, #tpu.memory_space<vmem>> -> memref<1x128xi32, #tpu.memory_space<vmem>>
      %dma_start3A_80 = tpu.memref_squeeze %dma_start3A_79 : memref<1x128xi32, #tpu.memory_space<vmem>> -> memref<128xi32, #tpu.memory_space<vmem>>
      %dma_start3A_81 = arith.constant 0 : i32
      %dma_start3A_82 = tpu.memref_slice %arg9[%dma_start3A_81] : memref<10112xf32, #tpu.memory_space<vmem_shared>> -> memref<10112xf32, #tpu.memory_space<vmem_shared>>
      tpu.enqueue_indirect_dma source(%arg7 : memref<128xf32, #tpu.memory_space<vmem>>) target(%dma_start3A_82 : memref<10112xf32, #tpu.memory_space<vmem_shared>>) offsets(%dma_start3A_80 : memref<128xi32, #tpu.memory_space<vmem>>) semaphore(%arg11 : memref<!tpu.dma_semaphore, #tpu.memory_space<semaphore_mem>>) {add = true}
      %mul3A_83 = arith.constant 8 : i32
      %mul3A_84 = arith.muli %scan3A_46, %mul3A_83 : i32
      %add3A_85 = arith.constant 4 : i32
      %add3A_86 = arith.addi %mul3A_84, %add3A_85 : i32
      %dma_start3A_87 = arith.constant 0 : i32
      %dma_start3A_88 = tpu.memref_slice %arg5[%add3A_86, %dma_start3A_87] : memref<40x128xi32, #tpu.memory_space<vmem>> -> memref<1x128xi32, #tpu.memory_space<vmem>>
      %dma_start3A_89 = tpu.memref_squeeze %dma_start3A_88 : memref<1x128xi32, #tpu.memory_space<vmem>> -> memref<128xi32, #tpu.memory_space<vmem>>
      %dma_start3A_90 = arith.constant 0 : i32
      %dma_start3A_91 = tpu.memref_slice %arg9[%dma_start3A_90] : memref<10112xf32, #tpu.memory_space<vmem_shared>> -> memref<10112xf32, #tpu.memory_space<vmem_shared>>
      tpu.enqueue_indirect_dma source(%arg7 : memref<128xf32, #tpu.memory_space<vmem>>) target(%dma_start3A_91 : memref<10112xf32, #tpu.memory_space<vmem_shared>>) offsets(%dma_start3A_89 : memref<128xi32, #tpu.memory_space<vmem>>) semaphore(%arg11 : memref<!tpu.dma_semaphore, #tpu.memory_space<semaphore_mem>>) {add = true}
      %mul3A_92 = arith.constant 8 : i32
      %mul3A_93 = arith.muli %scan3A_46, %mul3A_92 : i32
      %add3A_94 = arith.constant 5 : i32
      %add3A_95 = arith.addi %mul3A_93, %add3A_94 : i32
      %dma_start3A_96 = arith.constant 0 : i32
      %dma_start3A_97 = tpu.memref_slice %arg5[%add3A_95, %dma_start3A_96] : memref<40x128xi32, #tpu.memory_space<vmem>> -> memref<1x128xi32, #tpu.memory_space<vmem>>
      %dma_start3A_98 = tpu.memref_squeeze %dma_start3A_97 : memref<1x128xi32, #tpu.memory_space<vmem>> -> memref<128xi32, #tpu.memory_space<vmem>>
      %dma_start3A_99 = arith.constant 0 : i32
      %dma_start3A_100 = tpu.memref_slice %arg9[%dma_start3A_99] : memref<10112xf32, #tpu.memory_space<vmem_shared>> -> memref<10112xf32, #tpu.memory_space<vmem_shared>>
      tpu.enqueue_indirect_dma source(%arg7 : memref<128xf32, #tpu.memory_space<vmem>>) target(%dma_start3A_100 : memref<10112xf32, #tpu.memory_space<vmem_shared>>) offsets(%dma_start3A_98 : memref<128xi32, #tpu.memory_space<vmem>>) semaphore(%arg11 : memref<!tpu.dma_semaphore, #tpu.memory_space<semaphore_mem>>) {add = true}
      %mul3A_101 = arith.constant 8 : i32
      %mul3A_102 = arith.muli %scan3A_46, %mul3A_101 : i32
      %add3A_103 = arith.constant 6 : i32
      %add3A_104 = arith.addi %mul3A_102, %add3A_103 : i32
      %dma_start3A_105 = arith.constant 0 : i32
      %dma_start3A_106 = tpu.memref_slice %arg5[%add3A_104, %dma_start3A_105] : memref<40x128xi32, #tpu.memory_space<vmem>> -> memref<1x128xi32, #tpu.memory_space<vmem>>
      %dma_start3A_107 = tpu.memref_squeeze %dma_start3A_106 : memref<1x128xi32, #tpu.memory_space<vmem>> -> memref<128xi32, #tpu.memory_space<vmem>>
      %dma_start3A_108 = arith.constant 0 : i32
      %dma_start3A_109 = tpu.memref_slice %arg9[%dma_start3A_108] : memref<10112xf32, #tpu.memory_space<vmem_shared>> -> memref<10112xf32, #tpu.memory_space<vmem_shared>>
      tpu.enqueue_indirect_dma source(%arg7 : memref<128xf32, #tpu.memory_space<vmem>>) target(%dma_start3A_109 : memref<10112xf32, #tpu.memory_space<vmem_shared>>) offsets(%dma_start3A_107 : memref<128xi32, #tpu.memory_space<vmem>>) semaphore(%arg11 : memref<!tpu.dma_semaphore, #tpu.memory_space<semaphore_mem>>) {add = true}
      %mul3A_110 = arith.constant 8 : i32
      %mul3A_111 = arith.muli %scan3A_46, %mul3A_110 : i32
      %add3A_112 = arith.constant 7 : i32
      %add3A_113 = arith.addi %mul3A_111, %add3A_112 : i32
      %dma_start3A_114 = arith.constant 0 : i32
      %dma_start3A_115 = tpu.memref_slice %arg5[%add3A_113, %dma_start3A_114] : memref<40x128xi32, #tpu.memory_space<vmem>> -> memref<1x128xi32, #tpu.memory_space<vmem>>
      %dma_start3A_116 = tpu.memref_squeeze %dma_start3A_115 : memref<1x128xi32, #tpu.memory_space<vmem>> -> memref<128xi32, #tpu.memory_space<vmem>>
      %dma_start3A_117 = arith.constant 0 : i32
      %dma_start3A_118 = tpu.memref_slice %arg9[%dma_start3A_117] : memref<10112xf32, #tpu.memory_space<vmem_shared>> -> memref<10112xf32, #tpu.memory_space<vmem_shared>>
      tpu.enqueue_indirect_dma source(%arg7 : memref<128xf32, #tpu.memory_space<vmem>>) target(%dma_start3A_118 : memref<10112xf32, #tpu.memory_space<vmem_shared>>) offsets(%dma_start3A_116 : memref<128xi32, #tpu.memory_space<vmem>>) semaphore(%arg11 : memref<!tpu.dma_semaphore, #tpu.memory_space<semaphore_mem>>) {add = true}
      %dma_wait3A = arith.constant 0 : i32
      %dma_wait3A_119 = arith.constant 0 : i32
      %dma_wait3A_120 = tpu.memref_slice %arg5[%dma_wait3A, %dma_wait3A_119] : memref<40x128xi32, #tpu.memory_space<vmem>> -> memref<1x128xi32, #tpu.memory_space<vmem>>
      %dma_wait3A_121 = tpu.memref_squeeze %dma_wait3A_120 : memref<1x128xi32, #tpu.memory_space<vmem>> -> memref<128xi32, #tpu.memory_space<vmem>>
      %dma_wait3A_122 = arith.constant 0 : i32
      %dma_wait3A_123 = tpu.memref_slice %arg9[%dma_wait3A_122] : memref<10112xf32, #tpu.memory_space<vmem_shared>> -> memref<10112xf32, #tpu.memory_space<vmem_shared>>
      tpu.wait_indirect_dma semaphore(%arg11 : memref<!tpu.dma_semaphore, #tpu.memory_space<semaphore_mem>>) src(%arg7 : memref<128xf32, #tpu.memory_space<vmem>>) dst(%dma_wait3A_123 : memref<10112xf32, #tpu.memory_space<vmem_shared>>)
      %dma_wait3A_124 = arith.constant 0 : i32
      %dma_wait3A_125 = arith.constant 0 : i32
      %dma_wait3A_126 = tpu.memref_slice %arg5[%dma_wait3A_124, %dma_wait3A_125] : memref<40x128xi32, #tpu.memory_space<vmem>> -> memref<1x128xi32, #tpu.memory_space<vmem>>
      %dma_wait3A_127 = tpu.memref_squeeze %dma_wait3A_126 : memref<1x128xi32, #tpu.memory_space<vmem>> -> memref<128xi32, #tpu.memory_space<vmem>>
      %dma_wait3A_128 = arith.constant 0 : i32
      %dma_wait3A_129 = tpu.memref_slice %arg9[%dma_wait3A_128] : memref<10112xf32, #tpu.memory_space<vmem_shared>> -> memref<10112xf32, #tpu.memory_space<vmem_shared>>
      tpu.wait_indirect_dma semaphore(%arg11 : memref<!tpu.dma_semaphore, #tpu.memory_space<semaphore_mem>>) src(%arg7 : memref<128xf32, #tpu.memory_space<vmem>>) dst(%dma_wait3A_129 : memref<10112xf32, #tpu.memory_space<vmem_shared>>)
      %dma_wait3A_130 = arith.constant 0 : i32
      %dma_wait3A_131 = arith.constant 0 : i32
      %dma_wait3A_132 = tpu.memref_slice %arg5[%dma_wait3A_130, %dma_wait3A_131] : memref<40x128xi32, #tpu.memory_space<vmem>> -> memref<1x128xi32, #tpu.memory_space<vmem>>
      %dma_wait3A_133 = tpu.memref_squeeze %dma_wait3A_132 : memref<1x128xi32, #tpu.memory_space<vmem>> -> memref<128xi32, #tpu.memory_space<vmem>>
      %dma_wait3A_134 = arith.constant 0 : i32
      %dma_wait3A_135 = tpu.memref_slice %arg9[%dma_wait3A_134] : memref<10112xf32, #tpu.memory_space<vmem_shared>> -> memref<10112xf32, #tpu.memory_space<vmem_shared>>
      tpu.wait_indirect_dma semaphore(%arg11 : memref<!tpu.dma_semaphore, #tpu.memory_space<semaphore_mem>>) src(%arg7 : memref<128xf32, #tpu.memory_space<vmem>>) dst(%dma_wait3A_135 : memref<10112xf32, #tpu.memory_space<vmem_shared>>)
      %dma_wait3A_136 = arith.constant 0 : i32
      %dma_wait3A_137 = arith.constant 0 : i32
      %dma_wait3A_138 = tpu.memref_slice %arg5[%dma_wait3A_136, %dma_wait3A_137] : memref<40x128xi32, #tpu.memory_space<vmem>> -> memref<1x128xi32, #tpu.memory_space<vmem>>
      %dma_wait3A_139 = tpu.memref_squeeze %dma_wait3A_138 : memref<1x128xi32, #tpu.memory_space<vmem>> -> memref<128xi32, #tpu.memory_space<vmem>>
      %dma_wait3A_140 = arith.constant 0 : i32
      %dma_wait3A_141 = tpu.memref_slice %arg9[%dma_wait3A_140] : memref<10112xf32, #tpu.memory_space<vmem_shared>> -> memref<10112xf32, #tpu.memory_space<vmem_shared>>
      tpu.wait_indirect_dma semaphore(%arg11 : memref<!tpu.dma_semaphore, #tpu.memory_space<semaphore_mem>>) src(%arg7 : memref<128xf32, #tpu.memory_space<vmem>>) dst(%dma_wait3A_141 : memref<10112xf32, #tpu.memory_space<vmem_shared>>)
      %dma_wait3A_142 = arith.constant 0 : i32
      %dma_wait3A_143 = arith.constant 0 : i32
      %dma_wait3A_144 = tpu.memref_slice %arg5[%dma_wait3A_142, %dma_wait3A_143] : memref<40x128xi32, #tpu.memory_space<vmem>> -> memref<1x128xi32, #tpu.memory_space<vmem>>
      %dma_wait3A_145 = tpu.memref_squeeze %dma_wait3A_144 : memref<1x128xi32, #tpu.memory_space<vmem>> -> memref<128xi32, #tpu.memory_space<vmem>>
      %dma_wait3A_146 = arith.constant 0 : i32
      %dma_wait3A_147 = tpu.memref_slice %arg9[%dma_wait3A_146] : memref<10112xf32, #tpu.memory_space<vmem_shared>> -> memref<10112xf32, #tpu.memory_space<vmem_shared>>
      tpu.wait_indirect_dma semaphore(%arg11 : memref<!tpu.dma_semaphore, #tpu.memory_space<semaphore_mem>>) src(%arg7 : memref<128xf32, #tpu.memory_space<vmem>>) dst(%dma_wait3A_147 : memref<10112xf32, #tpu.memory_space<vmem_shared>>)
      %dma_wait3A_148 = arith.constant 0 : i32
      %dma_wait3A_149 = arith.constant 0 : i32
      %dma_wait3A_150 = tpu.memref_slice %arg5[%dma_wait3A_148, %dma_wait3A_149] : memref<40x128xi32, #tpu.memory_space<vmem>> -> memref<1x128xi32, #tpu.memory_space<vmem>>
      %dma_wait3A_151 = tpu.memref_squeeze %dma_wait3A_150 : memref<1x128xi32, #tpu.memory_space<vmem>> -> memref<128xi32, #tpu.memory_space<vmem>>
      %dma_wait3A_152 = arith.constant 0 : i32
      %dma_wait3A_153 = tpu.memref_slice %arg9[%dma_wait3A_152] : memref<10112xf32, #tpu.memory_space<vmem_shared>> -> memref<10112xf32, #tpu.memory_space<vmem_shared>>
      tpu.wait_indirect_dma semaphore(%arg11 : memref<!tpu.dma_semaphore, #tpu.memory_space<semaphore_mem>>) src(%arg7 : memref<128xf32, #tpu.memory_space<vmem>>) dst(%dma_wait3A_153 : memref<10112xf32, #tpu.memory_space<vmem_shared>>)
      %dma_wait3A_154 = arith.constant 0 : i32
      %dma_wait3A_155 = arith.constant 0 : i32
      %dma_wait3A_156 = tpu.memref_slice %arg5[%dma_wait3A_154, %dma_wait3A_155] : memref<40x128xi32, #tpu.memory_space<vmem>> -> memref<1x128xi32, #tpu.memory_space<vmem>>
      %dma_wait3A_157 = tpu.memref_squeeze %dma_wait3A_156 : memref<1x128xi32, #tpu.memory_space<vmem>> -> memref<128xi32, #tpu.memory_space<vmem>>
      %dma_wait3A_158 = arith.constant 0 : i32
      %dma_wait3A_159 = tpu.memref_slice %arg9[%dma_wait3A_158] : memref<10112xf32, #tpu.memory_space<vmem_shared>> -> memref<10112xf32, #tpu.memory_space<vmem_shared>>
      tpu.wait_indirect_dma semaphore(%arg11 : memref<!tpu.dma_semaphore, #tpu.memory_space<semaphore_mem>>) src(%arg7 : memref<128xf32, #tpu.memory_space<vmem>>) dst(%dma_wait3A_159 : memref<10112xf32, #tpu.memory_space<vmem_shared>>)
      %dma_wait3A_160 = arith.constant 0 : i32
      %dma_wait3A_161 = arith.constant 0 : i32
      %dma_wait3A_162 = tpu.memref_slice %arg5[%dma_wait3A_160, %dma_wait3A_161] : memref<40x128xi32, #tpu.memory_space<vmem>> -> memref<1x128xi32, #tpu.memory_space<vmem>>
      %dma_wait3A_163 = tpu.memref_squeeze %dma_wait3A_162 : memref<1x128xi32, #tpu.memory_space<vmem>> -> memref<128xi32, #tpu.memory_space<vmem>>
      %dma_wait3A_164 = arith.constant 0 : i32
      %dma_wait3A_165 = tpu.memref_slice %arg9[%dma_wait3A_164] : memref<10112xf32, #tpu.memory_space<vmem_shared>> -> memref<10112xf32, #tpu.memory_space<vmem_shared>>
      tpu.wait_indirect_dma semaphore(%arg11 : memref<!tpu.dma_semaphore, #tpu.memory_space<semaphore_mem>>) src(%arg7 : memref<128xf32, #tpu.memory_space<vmem>>) dst(%dma_wait3A_165 : memref<10112xf32, #tpu.memory_space<vmem_shared>>)
      %scan3A_166 = arith.constant 0 : i32
      scf.yield %scan3A_166 : i32
    }
    %scan3A_22 = arith.constant 5 : i32
    %scan3A_23 = arith.constant 0 : i32
    %scan3A_24 = arith.constant 0 : i32
    %scan3A_25 = arith.constant 10 : i32
    %scan3A_26 = arith.addi %scan3A_24, %scan3A_25 : i32
    %scan3A_27 = arith.constant 1 : i32
    %scan3A_28 = scf.for %scan3A_46 = %scan3A_24 to %scan3A_26 step %scan3A_27 iter_args(%scan3A_47 = %scan3A_23) -> (i32)  : i32 {
      %mul3A_48 = arith.constant 8 : i32
      %mul3A_49 = arith.muli %scan3A_46, %mul3A_48 : i32
      %add3A_50 = arith.constant 0 : i32
      %add3A_51 = arith.addi %mul3A_49, %add3A_50 : i32
      %dma_start3A = arith.constant 0 : i32
      %dma_start3A_52 = tpu.memref_slice %arg6[%add3A_51, %dma_start3A] : memref<80x128xi32, #tpu.memory_space<vmem>> -> memref<1x128xi32, #tpu.memory_space<vmem>>
      %dma_start3A_53 = tpu.memref_squeeze %dma_start3A_52 : memref<1x128xi32, #tpu.memory_space<vmem>> -> memref<128xi32, #tpu.memory_space<vmem>>
      %dma_start3A_54 = arith.constant 0 : i32
      %dma_start3A_55 = tpu.memref_slice %arg10[%dma_start3A_54] : memref<10112xf32, #tpu.memory_space<vmem_shared>> -> memref<10112xf32, #tpu.memory_space<vmem_shared>>
      tpu.enqueue_indirect_dma source(%arg7 : memref<128xf32, #tpu.memory_space<vmem>>) target(%dma_start3A_55 : memref<10112xf32, #tpu.memory_space<vmem_shared>>) offsets(%dma_start3A_53 : memref<128xi32, #tpu.memory_space<vmem>>) semaphore(%arg11 : memref<!tpu.dma_semaphore, #tpu.memory_space<semaphore_mem>>) {add = true}
      %mul3A_56 = arith.constant 8 : i32
      %mul3A_57 = arith.muli %scan3A_46, %mul3A_56 : i32
      %add3A_58 = arith.constant 1 : i32
      %add3A_59 = arith.addi %mul3A_57, %add3A_58 : i32
      %dma_start3A_60 = arith.constant 0 : i32
      %dma_start3A_61 = tpu.memref_slice %arg6[%add3A_59, %dma_start3A_60] : memref<80x128xi32, #tpu.memory_space<vmem>> -> memref<1x128xi32, #tpu.memory_space<vmem>>
      %dma_start3A_62 = tpu.memref_squeeze %dma_start3A_61 : memref<1x128xi32, #tpu.memory_space<vmem>> -> memref<128xi32, #tpu.memory_space<vmem>>
      %dma_start3A_63 = arith.constant 0 : i32
      %dma_start3A_64 = tpu.memref_slice %arg10[%dma_start3A_63] : memref<10112xf32, #tpu.memory_space<vmem_shared>> -> memref<10112xf32, #tpu.memory_space<vmem_shared>>
      tpu.enqueue_indirect_dma source(%arg7 : memref<128xf32, #tpu.memory_space<vmem>>) target(%dma_start3A_64 : memref<10112xf32, #tpu.memory_space<vmem_shared>>) offsets(%dma_start3A_62 : memref<128xi32, #tpu.memory_space<vmem>>) semaphore(%arg11 : memref<!tpu.dma_semaphore, #tpu.memory_space<semaphore_mem>>) {add = true}
      %mul3A_65 = arith.constant 8 : i32
      %mul3A_66 = arith.muli %scan3A_46, %mul3A_65 : i32
      %add3A_67 = arith.constant 2 : i32
      %add3A_68 = arith.addi %mul3A_66, %add3A_67 : i32
      %dma_start3A_69 = arith.constant 0 : i32
      %dma_start3A_70 = tpu.memref_slice %arg6[%add3A_68, %dma_start3A_69] : memref<80x128xi32, #tpu.memory_space<vmem>> -> memref<1x128xi32, #tpu.memory_space<vmem>>
      %dma_start3A_71 = tpu.memref_squeeze %dma_start3A_70 : memref<1x128xi32, #tpu.memory_space<vmem>> -> memref<128xi32, #tpu.memory_space<vmem>>
      %dma_start3A_72 = arith.constant 0 : i32
      %dma_start3A_73 = tpu.memref_slice %arg10[%dma_start3A_72] : memref<10112xf32, #tpu.memory_space<vmem_shared>> -> memref<10112xf32, #tpu.memory_space<vmem_shared>>
      tpu.enqueue_indirect_dma source(%arg7 : memref<128xf32, #tpu.memory_space<vmem>>) target(%dma_start3A_73 : memref<10112xf32, #tpu.memory_space<vmem_shared>>) offsets(%dma_start3A_71 : memref<128xi32, #tpu.memory_space<vmem>>) semaphore(%arg11 : memref<!tpu.dma_semaphore, #tpu.memory_space<semaphore_mem>>) {add = true}
      %mul3A_74 = arith.constant 8 : i32
      %mul3A_75 = arith.muli %scan3A_46, %mul3A_74 : i32
      %add3A_76 = arith.constant 3 : i32
      %add3A_77 = arith.addi %mul3A_75, %add3A_76 : i32
      %dma_start3A_78 = arith.constant 0 : i32
      %dma_start3A_79 = tpu.memref_slice %arg6[%add3A_77, %dma_start3A_78] : memref<80x128xi32, #tpu.memory_space<vmem>> -> memref<1x128xi32, #tpu.memory_space<vmem>>
      %dma_start3A_80 = tpu.memref_squeeze %dma_start3A_79 : memref<1x128xi32, #tpu.memory_space<vmem>> -> memref<128xi32, #tpu.memory_space<vmem>>
      %dma_start3A_81 = arith.constant 0 : i32
      %dma_start3A_82 = tpu.memref_slice %arg10[%dma_start3A_81] : memref<10112xf32, #tpu.memory_space<vmem_shared>> -> memref<10112xf32, #tpu.memory_space<vmem_shared>>
      tpu.enqueue_indirect_dma source(%arg7 : memref<128xf32, #tpu.memory_space<vmem>>) target(%dma_start3A_82 : memref<10112xf32, #tpu.memory_space<vmem_shared>>) offsets(%dma_start3A_80 : memref<128xi32, #tpu.memory_space<vmem>>) semaphore(%arg11 : memref<!tpu.dma_semaphore, #tpu.memory_space<semaphore_mem>>) {add = true}
      %mul3A_83 = arith.constant 8 : i32
      %mul3A_84 = arith.muli %scan3A_46, %mul3A_83 : i32
      %add3A_85 = arith.constant 4 : i32
      %add3A_86 = arith.addi %mul3A_84, %add3A_85 : i32
      %dma_start3A_87 = arith.constant 0 : i32
      %dma_start3A_88 = tpu.memref_slice %arg6[%add3A_86, %dma_start3A_87] : memref<80x128xi32, #tpu.memory_space<vmem>> -> memref<1x128xi32, #tpu.memory_space<vmem>>
      %dma_start3A_89 = tpu.memref_squeeze %dma_start3A_88 : memref<1x128xi32, #tpu.memory_space<vmem>> -> memref<128xi32, #tpu.memory_space<vmem>>
      %dma_start3A_90 = arith.constant 0 : i32
      %dma_start3A_91 = tpu.memref_slice %arg10[%dma_start3A_90] : memref<10112xf32, #tpu.memory_space<vmem_shared>> -> memref<10112xf32, #tpu.memory_space<vmem_shared>>
      tpu.enqueue_indirect_dma source(%arg7 : memref<128xf32, #tpu.memory_space<vmem>>) target(%dma_start3A_91 : memref<10112xf32, #tpu.memory_space<vmem_shared>>) offsets(%dma_start3A_89 : memref<128xi32, #tpu.memory_space<vmem>>) semaphore(%arg11 : memref<!tpu.dma_semaphore, #tpu.memory_space<semaphore_mem>>) {add = true}
      %mul3A_92 = arith.constant 8 : i32
      %mul3A_93 = arith.muli %scan3A_46, %mul3A_92 : i32
      %add3A_94 = arith.constant 5 : i32
      %add3A_95 = arith.addi %mul3A_93, %add3A_94 : i32
      %dma_start3A_96 = arith.constant 0 : i32
      %dma_start3A_97 = tpu.memref_slice %arg6[%add3A_95, %dma_start3A_96] : memref<80x128xi32, #tpu.memory_space<vmem>> -> memref<1x128xi32, #tpu.memory_space<vmem>>
      %dma_start3A_98 = tpu.memref_squeeze %dma_start3A_97 : memref<1x128xi32, #tpu.memory_space<vmem>> -> memref<128xi32, #tpu.memory_space<vmem>>
      %dma_start3A_99 = arith.constant 0 : i32
      %dma_start3A_100 = tpu.memref_slice %arg10[%dma_start3A_99] : memref<10112xf32, #tpu.memory_space<vmem_shared>> -> memref<10112xf32, #tpu.memory_space<vmem_shared>>
      tpu.enqueue_indirect_dma source(%arg7 : memref<128xf32, #tpu.memory_space<vmem>>) target(%dma_start3A_100 : memref<10112xf32, #tpu.memory_space<vmem_shared>>) offsets(%dma_start3A_98 : memref<128xi32, #tpu.memory_space<vmem>>) semaphore(%arg11 : memref<!tpu.dma_semaphore, #tpu.memory_space<semaphore_mem>>) {add = true}
      %mul3A_101 = arith.constant 8 : i32
      %mul3A_102 = arith.muli %scan3A_46, %mul3A_101 : i32
      %add3A_103 = arith.constant 6 : i32
      %add3A_104 = arith.addi %mul3A_102, %add3A_103 : i32
      %dma_start3A_105 = arith.constant 0 : i32
      %dma_start3A_106 = tpu.memref_slice %arg6[%add3A_104, %dma_start3A_105] : memref<80x128xi32, #tpu.memory_space<vmem>> -> memref<1x128xi32, #tpu.memory_space<vmem>>
      %dma_start3A_107 = tpu.memref_squeeze %dma_start3A_106 : memref<1x128xi32, #tpu.memory_space<vmem>> -> memref<128xi32, #tpu.memory_space<vmem>>
      %dma_start3A_108 = arith.constant 0 : i32
      %dma_start3A_109 = tpu.memref_slice %arg10[%dma_start3A_108] : memref<10112xf32, #tpu.memory_space<vmem_shared>> -> memref<10112xf32, #tpu.memory_space<vmem_shared>>
      tpu.enqueue_indirect_dma source(%arg7 : memref<128xf32, #tpu.memory_space<vmem>>) target(%dma_start3A_109 : memref<10112xf32, #tpu.memory_space<vmem_shared>>) offsets(%dma_start3A_107 : memref<128xi32, #tpu.memory_space<vmem>>) semaphore(%arg11 : memref<!tpu.dma_semaphore, #tpu.memory_space<semaphore_mem>>) {add = true}
      %mul3A_110 = arith.constant 8 : i32
      %mul3A_111 = arith.muli %scan3A_46, %mul3A_110 : i32
      %add3A_112 = arith.constant 7 : i32
      %add3A_113 = arith.addi %mul3A_111, %add3A_112 : i32
      %dma_start3A_114 = arith.constant 0 : i32
      %dma_start3A_115 = tpu.memref_slice %arg6[%add3A_113, %dma_start3A_114] : memref<80x128xi32, #tpu.memory_space<vmem>> -> memref<1x128xi32, #tpu.memory_space<vmem>>
      %dma_start3A_116 = tpu.memref_squeeze %dma_start3A_115 : memref<1x128xi32, #tpu.memory_space<vmem>> -> memref<128xi32, #tpu.memory_space<vmem>>
      %dma_start3A_117 = arith.constant 0 : i32
      %dma_start3A_118 = tpu.memref_slice %arg10[%dma_start3A_117] : memref<10112xf32, #tpu.memory_space<vmem_shared>> -> memref<10112xf32, #tpu.memory_space<vmem_shared>>
      tpu.enqueue_indirect_dma source(%arg7 : memref<128xf32, #tpu.memory_space<vmem>>) target(%dma_start3A_118 : memref<10112xf32, #tpu.memory_space<vmem_shared>>) offsets(%dma_start3A_116 : memref<128xi32, #tpu.memory_space<vmem>>) semaphore(%arg11 : memref<!tpu.dma_semaphore, #tpu.memory_space<semaphore_mem>>) {add = true}
      %dma_wait3A = arith.constant 0 : i32
      %dma_wait3A_119 = arith.constant 0 : i32
      %dma_wait3A_120 = tpu.memref_slice %arg6[%dma_wait3A, %dma_wait3A_119] : memref<80x128xi32, #tpu.memory_space<vmem>> -> memref<1x128xi32, #tpu.memory_space<vmem>>
      %dma_wait3A_121 = tpu.memref_squeeze %dma_wait3A_120 : memref<1x128xi32, #tpu.memory_space<vmem>> -> memref<128xi32, #tpu.memory_space<vmem>>
      %dma_wait3A_122 = arith.constant 0 : i32
      %dma_wait3A_123 = tpu.memref_slice %arg10[%dma_wait3A_122] : memref<10112xf32, #tpu.memory_space<vmem_shared>> -> memref<10112xf32, #tpu.memory_space<vmem_shared>>
      tpu.wait_indirect_dma semaphore(%arg11 : memref<!tpu.dma_semaphore, #tpu.memory_space<semaphore_mem>>) src(%arg7 : memref<128xf32, #tpu.memory_space<vmem>>) dst(%dma_wait3A_123 : memref<10112xf32, #tpu.memory_space<vmem_shared>>)
      %dma_wait3A_124 = arith.constant 0 : i32
      %dma_wait3A_125 = arith.constant 0 : i32
      %dma_wait3A_126 = tpu.memref_slice %arg6[%dma_wait3A_124, %dma_wait3A_125] : memref<80x128xi32, #tpu.memory_space<vmem>> -> memref<1x128xi32, #tpu.memory_space<vmem>>
      %dma_wait3A_127 = tpu.memref_squeeze %dma_wait3A_126 : memref<1x128xi32, #tpu.memory_space<vmem>> -> memref<128xi32, #tpu.memory_space<vmem>>
      %dma_wait3A_128 = arith.constant 0 : i32
      %dma_wait3A_129 = tpu.memref_slice %arg10[%dma_wait3A_128] : memref<10112xf32, #tpu.memory_space<vmem_shared>> -> memref<10112xf32, #tpu.memory_space<vmem_shared>>
      tpu.wait_indirect_dma semaphore(%arg11 : memref<!tpu.dma_semaphore, #tpu.memory_space<semaphore_mem>>) src(%arg7 : memref<128xf32, #tpu.memory_space<vmem>>) dst(%dma_wait3A_129 : memref<10112xf32, #tpu.memory_space<vmem_shared>>)
      %dma_wait3A_130 = arith.constant 0 : i32
      %dma_wait3A_131 = arith.constant 0 : i32
      %dma_wait3A_132 = tpu.memref_slice %arg6[%dma_wait3A_130, %dma_wait3A_131] : memref<80x128xi32, #tpu.memory_space<vmem>> -> memref<1x128xi32, #tpu.memory_space<vmem>>
      %dma_wait3A_133 = tpu.memref_squeeze %dma_wait3A_132 : memref<1x128xi32, #tpu.memory_space<vmem>> -> memref<128xi32, #tpu.memory_space<vmem>>
      %dma_wait3A_134 = arith.constant 0 : i32
      %dma_wait3A_135 = tpu.memref_slice %arg10[%dma_wait3A_134] : memref<10112xf32, #tpu.memory_space<vmem_shared>> -> memref<10112xf32, #tpu.memory_space<vmem_shared>>
      tpu.wait_indirect_dma semaphore(%arg11 : memref<!tpu.dma_semaphore, #tpu.memory_space<semaphore_mem>>) src(%arg7 : memref<128xf32, #tpu.memory_space<vmem>>) dst(%dma_wait3A_135 : memref<10112xf32, #tpu.memory_space<vmem_shared>>)
      %dma_wait3A_136 = arith.constant 0 : i32
      %dma_wait3A_137 = arith.constant 0 : i32
      %dma_wait3A_138 = tpu.memref_slice %arg6[%dma_wait3A_136, %dma_wait3A_137] : memref<80x128xi32, #tpu.memory_space<vmem>> -> memref<1x128xi32, #tpu.memory_space<vmem>>
      %dma_wait3A_139 = tpu.memref_squeeze %dma_wait3A_138 : memref<1x128xi32, #tpu.memory_space<vmem>> -> memref<128xi32, #tpu.memory_space<vmem>>
      %dma_wait3A_140 = arith.constant 0 : i32
      %dma_wait3A_141 = tpu.memref_slice %arg10[%dma_wait3A_140] : memref<10112xf32, #tpu.memory_space<vmem_shared>> -> memref<10112xf32, #tpu.memory_space<vmem_shared>>
      tpu.wait_indirect_dma semaphore(%arg11 : memref<!tpu.dma_semaphore, #tpu.memory_space<semaphore_mem>>) src(%arg7 : memref<128xf32, #tpu.memory_space<vmem>>) dst(%dma_wait3A_141 : memref<10112xf32, #tpu.memory_space<vmem_shared>>)
      %dma_wait3A_142 = arith.constant 0 : i32
      %dma_wait3A_143 = arith.constant 0 : i32
      %dma_wait3A_144 = tpu.memref_slice %arg6[%dma_wait3A_142, %dma_wait3A_143] : memref<80x128xi32, #tpu.memory_space<vmem>> -> memref<1x128xi32, #tpu.memory_space<vmem>>
      %dma_wait3A_145 = tpu.memref_squeeze %dma_wait3A_144 : memref<1x128xi32, #tpu.memory_space<vmem>> -> memref<128xi32, #tpu.memory_space<vmem>>
      %dma_wait3A_146 = arith.constant 0 : i32
      %dma_wait3A_147 = tpu.memref_slice %arg10[%dma_wait3A_146] : memref<10112xf32, #tpu.memory_space<vmem_shared>> -> memref<10112xf32, #tpu.memory_space<vmem_shared>>
      tpu.wait_indirect_dma semaphore(%arg11 : memref<!tpu.dma_semaphore, #tpu.memory_space<semaphore_mem>>) src(%arg7 : memref<128xf32, #tpu.memory_space<vmem>>) dst(%dma_wait3A_147 : memref<10112xf32, #tpu.memory_space<vmem_shared>>)
      %dma_wait3A_148 = arith.constant 0 : i32
      %dma_wait3A_149 = arith.constant 0 : i32
      %dma_wait3A_150 = tpu.memref_slice %arg6[%dma_wait3A_148, %dma_wait3A_149] : memref<80x128xi32, #tpu.memory_space<vmem>> -> memref<1x128xi32, #tpu.memory_space<vmem>>
      %dma_wait3A_151 = tpu.memref_squeeze %dma_wait3A_150 : memref<1x128xi32, #tpu.memory_space<vmem>> -> memref<128xi32, #tpu.memory_space<vmem>>
      %dma_wait3A_152 = arith.constant 0 : i32
      %dma_wait3A_153 = tpu.memref_slice %arg10[%dma_wait3A_152] : memref<10112xf32, #tpu.memory_space<vmem_shared>> -> memref<10112xf32, #tpu.memory_space<vmem_shared>>
      tpu.wait_indirect_dma semaphore(%arg11 : memref<!tpu.dma_semaphore, #tpu.memory_space<semaphore_mem>>) src(%arg7 : memref<128xf32, #tpu.memory_space<vmem>>) dst(%dma_wait3A_153 : memref<10112xf32, #tpu.memory_space<vmem_shared>>)
      %dma_wait3A_154 = arith.constant 0 : i32
      %dma_wait3A_155 = arith.constant 0 : i32
      %dma_wait3A_156 = tpu.memref_slice %arg6[%dma_wait3A_154, %dma_wait3A_155] : memref<80x128xi32, #tpu.memory_space<vmem>> -> memref<1x128xi32, #tpu.memory_space<vmem>>
      %dma_wait3A_157 = tpu.memref_squeeze %dma_wait3A_156 : memref<1x128xi32, #tpu.memory_space<vmem>> -> memref<128xi32, #tpu.memory_space<vmem>>
      %dma_wait3A_158 = arith.constant 0 : i32
      %dma_wait3A_159 = tpu.memref_slice %arg10[%dma_wait3A_158] : memref<10112xf32, #tpu.memory_space<vmem_shared>> -> memref<10112xf32, #tpu.memory_space<vmem_shared>>
      tpu.wait_indirect_dma semaphore(%arg11 : memref<!tpu.dma_semaphore, #tpu.memory_space<semaphore_mem>>) src(%arg7 : memref<128xf32, #tpu.memory_space<vmem>>) dst(%dma_wait3A_159 : memref<10112xf32, #tpu.memory_space<vmem_shared>>)
      %dma_wait3A_160 = arith.constant 0 : i32
      %dma_wait3A_161 = arith.constant 0 : i32
      %dma_wait3A_162 = tpu.memref_slice %arg6[%dma_wait3A_160, %dma_wait3A_161] : memref<80x128xi32, #tpu.memory_space<vmem>> -> memref<1x128xi32, #tpu.memory_space<vmem>>
      %dma_wait3A_163 = tpu.memref_squeeze %dma_wait3A_162 : memref<1x128xi32, #tpu.memory_space<vmem>> -> memref<128xi32, #tpu.memory_space<vmem>>
      %dma_wait3A_164 = arith.constant 0 : i32
      %dma_wait3A_165 = tpu.memref_slice %arg10[%dma_wait3A_164] : memref<10112xf32, #tpu.memory_space<vmem_shared>> -> memref<10112xf32, #tpu.memory_space<vmem_shared>>
      tpu.wait_indirect_dma semaphore(%arg11 : memref<!tpu.dma_semaphore, #tpu.memory_space<semaphore_mem>>) src(%arg7 : memref<128xf32, #tpu.memory_space<vmem>>) dst(%dma_wait3A_165 : memref<10112xf32, #tpu.memory_space<vmem_shared>>)
      %scan3A_166 = arith.constant 0 : i32
      scf.yield %scan3A_166 : i32
    }
    %scan3A_29 = arith.constant 10 : i32
    %barrier3A_30 = arith.constant 0 : index
    tpu.barrier barrier_id(%barrier3A_30)
    %eq3A_31 = arith.constant 0 : i32
    %eq3A_32 = arith.cmpi eq, %arg1, %eq3A_31 : i32
    %eq3A_33 = arith.constant 0 : i32
    %eq3A_34 = arith.cmpi eq, %arg0, %eq3A_33 : i32
    %and3A = arith.andi %eq3A_32, %eq3A_34 : i1
    %convert_element_type3A_35 = arith.extui %and3A : i1 to i32
    %cond3A_36 = arith.constant 0 : i32
    %cond3A_37 = arith.cmpi ne, %convert_element_type3A_35, %cond3A_36 : i32
    scf.if %cond3A_37 {
      %run_scoped3A = arith.constant 0 : i32
      %run_scoped3A_46 = arith.constant 0 : i32
      "tpu.region"() ({
        %run_scoped3A_49 = tpu.sem_alloc : memref<!tpu.dma_semaphore, #tpu.memory_space<semaphore_mem>>
        %dma_start3A = arith.constant 0 : i32
        %dma_start3A_50 = tpu.memref_slice %arg4[%run_scoped3A, %run_scoped3A_46, %dma_start3A] : memref<2x2x10112xf32, #tpu.memory_space<hbm>> -> memref<1x1x10112xf32, #tpu.memory_space<hbm>>
        %dma_start3A_51 = tpu.memref_squeeze %dma_start3A_50 : memref<1x1x10112xf32, #tpu.memory_space<hbm>> -> memref<10112xf32, #tpu.memory_space<hbm>>
        tpu.enqueue_dma source(%arg9 : memref<10112xf32, #tpu.memory_space<vmem_shared>>) target(%dma_start3A_51 : memref<10112xf32, #tpu.memory_space<hbm>>) target_semaphore(%run_scoped3A_49 : memref<!tpu.dma_semaphore, #tpu.memory_space<semaphore_mem>>)
        %dma_wait3A = arith.constant 0 : i32
        %dma_wait3A_52 = tpu.memref_slice %arg4[%run_scoped3A, %run_scoped3A_46, %dma_wait3A] : memref<2x2x10112xf32, #tpu.memory_space<hbm>> -> memref<1x1x10112xf32, #tpu.memory_space<hbm>>
        %dma_wait3A_53 = tpu.memref_squeeze %dma_wait3A_52 : memref<1x1x10112xf32, #tpu.memory_space<hbm>> -> memref<10112xf32, #tpu.memory_space<hbm>>
        tpu.wait_dma2 semaphore(%run_scoped3A_49 : memref<!tpu.dma_semaphore, #tpu.memory_space<semaphore_mem>>) src(%arg9 : memref<10112xf32, #tpu.memory_space<vmem_shared>>) dst(%dma_wait3A_53 : memref<10112xf32, #tpu.memory_space<hbm>>)
        tpu.yield
      }) : () -> ()
      %run_scoped3A_47 = arith.constant 1 : i32
      %run_scoped3A_48 = arith.constant 0 : i32
      "tpu.region"() ({
        %run_scoped3A_49 = tpu.sem_alloc : memref<!tpu.dma_semaphore, #tpu.memory_space<semaphore_mem>>
        %dma_start3A = arith.constant 0 : i32
        %dma_start3A_50 = tpu.memref_slice %arg4[%run_scoped3A_47, %run_scoped3A_48, %dma_start3A] : memref<2x2x10112xf32, #tpu.memory_space<hbm>> -> memref<1x1x10112xf32, #tpu.memory_space<hbm>>
        %dma_start3A_51 = tpu.memref_squeeze %dma_start3A_50 : memref<1x1x10112xf32, #tpu.memory_space<hbm>> -> memref<10112xf32, #tpu.memory_space<hbm>>
        tpu.enqueue_dma source(%arg10 : memref<10112xf32, #tpu.memory_space<vmem_shared>>) target(%dma_start3A_51 : memref<10112xf32, #tpu.memory_space<hbm>>) target_semaphore(%run_scoped3A_49 : memref<!tpu.dma_semaphore, #tpu.memory_space<semaphore_mem>>)
        %dma_wait3A = arith.constant 0 : i32
        %dma_wait3A_52 = tpu.memref_slice %arg4[%run_scoped3A_47, %run_scoped3A_48, %dma_wait3A] : memref<2x2x10112xf32, #tpu.memory_space<hbm>> -> memref<1x1x10112xf32, #tpu.memory_space<hbm>>
        %dma_wait3A_53 = tpu.memref_squeeze %dma_wait3A_52 : memref<1x1x10112xf32, #tpu.memory_space<hbm>> -> memref<10112xf32, #tpu.memory_space<hbm>>
        tpu.wait_dma2 semaphore(%run_scoped3A_49 : memref<!tpu.dma_semaphore, #tpu.memory_space<semaphore_mem>>) src(%arg10 : memref<10112xf32, #tpu.memory_space<vmem_shared>>) dst(%dma_wait3A_53 : memref<10112xf32, #tpu.memory_space<hbm>>)
        tpu.yield
      }) : () -> ()
    } else {
    }
    %eq3A_38 = arith.constant 0 : i32
    %eq3A_39 = arith.cmpi eq, %arg1, %eq3A_38 : i32
    %eq3A_40 = arith.constant 1 : i32
    %eq3A_41 = arith.cmpi eq, %arg0, %eq3A_40 : i32
    %and3A_42 = arith.andi %eq3A_39, %eq3A_41 : i1
    %convert_element_type3A_43 = arith.extui %and3A_42 : i1 to i32
    %cond3A_44 = arith.constant 0 : i32
    %cond3A_45 = arith.cmpi ne, %convert_element_type3A_43, %cond3A_44 : i32
    scf.if %cond3A_45 {
      %run_scoped3A = arith.constant 0 : i32
      %run_scoped3A_46 = arith.constant 1 : i32
      "tpu.region"() ({
        %run_scoped3A_49 = tpu.sem_alloc : memref<!tpu.dma_semaphore, #tpu.memory_space<semaphore_mem>>
        %dma_start3A = arith.constant 0 : i32
        %dma_start3A_50 = tpu.memref_slice %arg4[%run_scoped3A, %run_scoped3A_46, %dma_start3A] : memref<2x2x10112xf32, #tpu.memory_space<hbm>> -> memref<1x1x10112xf32, #tpu.memory_space<hbm>>
        %dma_start3A_51 = tpu.memref_squeeze %dma_start3A_50 : memref<1x1x10112xf32, #tpu.memory_space<hbm>> -> memref<10112xf32, #tpu.memory_space<hbm>>
        tpu.enqueue_dma source(%arg9 : memref<10112xf32, #tpu.memory_space<vmem_shared>>) target(%dma_start3A_51 : memref<10112xf32, #tpu.memory_space<hbm>>) target_semaphore(%run_scoped3A_49 : memref<!tpu.dma_semaphore, #tpu.memory_space<semaphore_mem>>)
        %dma_wait3A = arith.constant 0 : i32
        %dma_wait3A_52 = tpu.memref_slice %arg4[%run_scoped3A, %run_scoped3A_46, %dma_wait3A] : memref<2x2x10112xf32, #tpu.memory_space<hbm>> -> memref<1x1x10112xf32, #tpu.memory_space<hbm>>
        %dma_wait3A_53 = tpu.memref_squeeze %dma_wait3A_52 : memref<1x1x10112xf32, #tpu.memory_space<hbm>> -> memref<10112xf32, #tpu.memory_space<hbm>>
        tpu.wait_dma2 semaphore(%run_scoped3A_49 : memref<!tpu.dma_semaphore, #tpu.memory_space<semaphore_mem>>) src(%arg9 : memref<10112xf32, #tpu.memory_space<vmem_shared>>) dst(%dma_wait3A_53 : memref<10112xf32, #tpu.memory_space<hbm>>)
        tpu.yield
      }) : () -> ()
      %run_scoped3A_47 = arith.constant 1 : i32
      %run_scoped3A_48 = arith.constant 1 : i32
      "tpu.region"() ({
        %run_scoped3A_49 = tpu.sem_alloc : memref<!tpu.dma_semaphore, #tpu.memory_space<semaphore_mem>>
        %dma_start3A = arith.constant 0 : i32
        %dma_start3A_50 = tpu.memref_slice %arg4[%run_scoped3A_47, %run_scoped3A_48, %dma_start3A] : memref<2x2x10112xf32, #tpu.memory_space<hbm>> -> memref<1x1x10112xf32, #tpu.memory_space<hbm>>
        %dma_start3A_51 = tpu.memref_squeeze %dma_start3A_50 : memref<1x1x10112xf32, #tpu.memory_space<hbm>> -> memref<10112xf32, #tpu.memory_space<hbm>>
        tpu.enqueue_dma source(%arg10 : memref<10112xf32, #tpu.memory_space<vmem_shared>>) target(%dma_start3A_51 : memref<10112xf32, #tpu.memory_space<hbm>>) target_semaphore(%run_scoped3A_49 : memref<!tpu.dma_semaphore, #tpu.memory_space<semaphore_mem>>)
        %dma_wait3A = arith.constant 0 : i32
        %dma_wait3A_52 = tpu.memref_slice %arg4[%run_scoped3A_47, %run_scoped3A_48, %dma_wait3A] : memref<2x2x10112xf32, #tpu.memory_space<hbm>> -> memref<1x1x10112xf32, #tpu.memory_space<hbm>>
        %dma_wait3A_53 = tpu.memref_squeeze %dma_wait3A_52 : memref<1x1x10112xf32, #tpu.memory_space<hbm>> -> memref<10112xf32, #tpu.memory_space<hbm>>
        tpu.wait_dma2 semaphore(%run_scoped3A_49 : memref<!tpu.dma_semaphore, #tpu.memory_space<semaphore_mem>>) src(%arg10 : memref<10112xf32, #tpu.memory_space<vmem_shared>>) dst(%dma_wait3A_53 : memref<10112xf32, #tpu.memory_space<hbm>>)
        tpu.yield
      }) : () -> ()
    } else {
    }
    return
  }
}

#map = affine_map<(d0, d1) -> (0, 0)>
#map1 = affine_map<(d0, d1) -> (0, 0, 0)>
module attributes {stable_mosaic.version = 14 : i64} {
  func.func @_rows_body(%arg0: i32, %arg1: i32, %arg2: memref<10112x128xf32, #tpu.memory_space<hbm>>, %arg3: memref<32x80x128xi32, #tpu.memory_space<hbm>>, %arg4: memref<32x80x128xi32, #tpu.memory_space<hbm>>, %arg5: memref<128x128xf32, #tpu.memory_space<hbm>>, %arg6: memref<2x10112x128xf32, #tpu.memory_space<hbm>>, %arg7: memref<80x128xi32, #tpu.memory_space<vmem>>, %arg8: memref<8x128xi32, #tpu.memory_space<vmem>>, %arg9: memref<2x128x128xf32, #tpu.memory_space<vmem>>, %arg10: memref<10112x128xf32, #tpu.memory_space<vmem_shared>>, %arg11: memref<2x!tpu.dma_semaphore, #tpu.memory_space<semaphore_mem>>, %arg12: memref<2x!tpu.dma_semaphore, #tpu.memory_space<semaphore_mem>>) attributes {dimension_semantics = [#tpu.dimension_semantics<core_parallel>, #tpu.dimension_semantics<subcore_parallel>], iteration_bounds = array<i64: 2, 16>, scalar_prefetch = 0 : i64, scratch_operands = 6 : i64, tpu.core_type = #tpu.core_type<sc_vector_subcore>, window_params = [{transform_indices = #map}, {transform_indices = #map1}, {transform_indices = #map1}, {transform_indices = #map}, {transform_indices = #map1}]} {
    %mul3A = arith.constant 16 : i32
    %mul3A_0 = arith.muli %arg0, %mul3A : i32
    %add3A = arith.addi %mul3A_0, %arg1 : i32
    "tpu.region"() ({
      %run_scoped3A_46 = tpu.sem_alloc : memref<!tpu.dma_semaphore, #tpu.memory_space<semaphore_mem>>
      %dma_start3A = arith.constant 0 : i32
      %dma_start3A_47 = arith.constant 0 : i32
      %dma_start3A_48 = tpu.memref_slice %arg4[%add3A, %dma_start3A, %dma_start3A_47] : memref<32x80x128xi32, #tpu.memory_space<hbm>> -> memref<1x80x128xi32, #tpu.memory_space<hbm>>
      %dma_start3A_49 = tpu.memref_squeeze %dma_start3A_48 : memref<1x80x128xi32, #tpu.memory_space<hbm>> -> memref<80x128xi32, #tpu.memory_space<hbm>>
      %dma_start3A_50 = arith.constant 0 : i32
      %dma_start3A_51 = arith.constant 0 : i32
      %dma_start3A_52 = tpu.memref_slice %arg4[%add3A, %dma_start3A_50, %dma_start3A_51] : memref<32x80x128xi32, #tpu.memory_space<hbm>> -> memref<1x80x128xi32, #tpu.memory_space<hbm>>
      %dma_start3A_53 = tpu.memref_squeeze %dma_start3A_52 : memref<1x80x128xi32, #tpu.memory_space<hbm>> -> memref<80x128xi32, #tpu.memory_space<hbm>>
      tpu.enqueue_dma source(%dma_start3A_53 : memref<80x128xi32, #tpu.memory_space<hbm>>) target(%arg7 : memref<80x128xi32, #tpu.memory_space<vmem>>) target_semaphore(%run_scoped3A_46 : memref<!tpu.dma_semaphore, #tpu.memory_space<semaphore_mem>>)
      %dma_wait3A_54 = arith.constant 0 : i32
      %dma_wait3A_55 = arith.constant 0 : i32
      %dma_wait3A_56 = tpu.memref_slice %arg4[%add3A, %dma_wait3A_54, %dma_wait3A_55] : memref<32x80x128xi32, #tpu.memory_space<hbm>> -> memref<1x80x128xi32, #tpu.memory_space<hbm>>
      %dma_wait3A_57 = tpu.memref_squeeze %dma_wait3A_56 : memref<1x80x128xi32, #tpu.memory_space<hbm>> -> memref<80x128xi32, #tpu.memory_space<hbm>>
      %dma_wait3A_58 = arith.constant 0 : i32
      %dma_wait3A_59 = arith.constant 0 : i32
      %dma_wait3A_60 = tpu.memref_slice %arg4[%add3A, %dma_wait3A_58, %dma_wait3A_59] : memref<32x80x128xi32, #tpu.memory_space<hbm>> -> memref<1x80x128xi32, #tpu.memory_space<hbm>>
      %dma_wait3A_61 = tpu.memref_squeeze %dma_wait3A_60 : memref<1x80x128xi32, #tpu.memory_space<hbm>> -> memref<80x128xi32, #tpu.memory_space<hbm>>
      tpu.wait_dma2 semaphore(%run_scoped3A_46 : memref<!tpu.dma_semaphore, #tpu.memory_space<semaphore_mem>>) src(%dma_wait3A_61 : memref<80x128xi32, #tpu.memory_space<hbm>>) dst(%arg7 : memref<80x128xi32, #tpu.memory_space<vmem>>)
      tpu.yield
    }) : () -> ()
    %run_scoped3A = arith.constant 0 : i32
    "tpu.region"() ({
      %run_scoped3A_46 = tpu.sem_alloc : memref<!tpu.dma_semaphore, #tpu.memory_space<semaphore_mem>>
      %dma_start3A = arith.constant 0 : i32
      %dma_start3A_47 = arith.constant 0 : i32
      %dma_start3A_48 = tpu.memref_slice %arg9[%run_scoped3A, %dma_start3A, %dma_start3A_47] : memref<2x128x128xf32, #tpu.memory_space<vmem>> -> memref<1x128x128xf32, #tpu.memory_space<vmem>>
      %dma_start3A_49 = tpu.memref_squeeze %dma_start3A_48 : memref<1x128x128xf32, #tpu.memory_space<vmem>> -> memref<128x128xf32, #tpu.memory_space<vmem>>
      %dma_start3A_50 = arith.constant 0 : i32
      %dma_start3A_51 = arith.constant 0 : i32
      %dma_start3A_52 = tpu.memref_slice %arg9[%run_scoped3A, %dma_start3A_50, %dma_start3A_51] : memref<2x128x128xf32, #tpu.memory_space<vmem>> -> memref<1x128x128xf32, #tpu.memory_space<vmem>>
      %dma_start3A_53 = tpu.memref_squeeze %dma_start3A_52 : memref<1x128x128xf32, #tpu.memory_space<vmem>> -> memref<128x128xf32, #tpu.memory_space<vmem>>
      tpu.enqueue_dma source(%arg5 : memref<128x128xf32, #tpu.memory_space<hbm>>) target(%dma_start3A_53 : memref<128x128xf32, #tpu.memory_space<vmem>>) target_semaphore(%run_scoped3A_46 : memref<!tpu.dma_semaphore, #tpu.memory_space<semaphore_mem>>)
      %dma_wait3A_54 = arith.constant 0 : i32
      %dma_wait3A_55 = arith.constant 0 : i32
      %dma_wait3A_56 = tpu.memref_slice %arg9[%run_scoped3A, %dma_wait3A_54, %dma_wait3A_55] : memref<2x128x128xf32, #tpu.memory_space<vmem>> -> memref<1x128x128xf32, #tpu.memory_space<vmem>>
      %dma_wait3A_57 = tpu.memref_squeeze %dma_wait3A_56 : memref<1x128x128xf32, #tpu.memory_space<vmem>> -> memref<128x128xf32, #tpu.memory_space<vmem>>
      %dma_wait3A_58 = arith.constant 0 : i32
      %dma_wait3A_59 = arith.constant 0 : i32
      %dma_wait3A_60 = tpu.memref_slice %arg9[%run_scoped3A, %dma_wait3A_58, %dma_wait3A_59] : memref<2x128x128xf32, #tpu.memory_space<vmem>> -> memref<1x128x128xf32, #tpu.memory_space<vmem>>
      %dma_wait3A_61 = tpu.memref_squeeze %dma_wait3A_60 : memref<1x128x128xf32, #tpu.memory_space<vmem>> -> memref<128x128xf32, #tpu.memory_space<vmem>>
      tpu.wait_dma2 semaphore(%run_scoped3A_46 : memref<!tpu.dma_semaphore, #tpu.memory_space<semaphore_mem>>) src(%arg5 : memref<128x128xf32, #tpu.memory_space<hbm>>) dst(%dma_wait3A_61 : memref<128x128xf32, #tpu.memory_space<vmem>>)
      tpu.yield
    }) : () -> ()
    %mul3A_1 = arith.constant 632 : i32
    %mul3A_2 = arith.muli %arg1, %mul3A_1 : i32
    %add3A_3 = arith.constant 0 : i32
    %add3A_4 = arith.addi %mul3A_2, %add3A_3 : i32
    %run_scoped3A_5 = arith.constant 0 : i32
    "tpu.region"() ({
      %run_scoped3A_46 = tpu.sem_alloc : memref<!tpu.dma_semaphore, #tpu.memory_space<semaphore_mem>>
      %dma_start3A = arith.constant 0 : i32
      %dma_start3A_47 = arith.constant 0 : i32
      %dma_start3A_48 = tpu.memref_slice %arg9[%run_scoped3A_5, %dma_start3A, %dma_start3A_47] : memref<2x128x128xf32, #tpu.memory_space<vmem>> -> memref<1x128x128xf32, #tpu.memory_space<vmem>>
      %dma_start3A_49 = tpu.memref_squeeze %dma_start3A_48 : memref<1x128x128xf32, #tpu.memory_space<vmem>> -> memref<128x128xf32, #tpu.memory_space<vmem>>
      %dma_start3A_50 = arith.constant 0 : i32
      %dma_start3A_51 = tpu.memref_slice %arg10[%add3A_4, %dma_start3A_50] : memref<10112x128xf32, #tpu.memory_space<vmem_shared>> -> memref<128x128xf32, #tpu.memory_space<vmem_shared>>
      %dma_start3A_52 = arith.constant 0 : i32
      %dma_start3A_53 = tpu.memref_slice %arg10[%add3A_4, %dma_start3A_52] : memref<10112x128xf32, #tpu.memory_space<vmem_shared>> -> memref<128x128xf32, #tpu.memory_space<vmem_shared>>
      %dma_start3A_54 = arith.constant 0 : i32
      %dma_start3A_55 = arith.constant 0 : i32
      %dma_start3A_56 = tpu.memref_slice %arg9[%run_scoped3A_5, %dma_start3A_54, %dma_start3A_55] : memref<2x128x128xf32, #tpu.memory_space<vmem>> -> memref<1x128x128xf32, #tpu.memory_space<vmem>>
      %dma_start3A_57 = tpu.memref_squeeze %dma_start3A_56 : memref<1x128x128xf32, #tpu.memory_space<vmem>> -> memref<128x128xf32, #tpu.memory_space<vmem>>
      tpu.enqueue_dma source(%dma_start3A_57 : memref<128x128xf32, #tpu.memory_space<vmem>>) target(%dma_start3A_53 : memref<128x128xf32, #tpu.memory_space<vmem_shared>>) target_semaphore(%run_scoped3A_46 : memref<!tpu.dma_semaphore, #tpu.memory_space<semaphore_mem>>)
      %dma_wait3A_58 = arith.constant 0 : i32
      %dma_wait3A_59 = arith.constant 0 : i32
      %dma_wait3A_60 = tpu.memref_slice %arg9[%run_scoped3A_5, %dma_wait3A_58, %dma_wait3A_59] : memref<2x128x128xf32, #tpu.memory_space<vmem>> -> memref<1x128x128xf32, #tpu.memory_space<vmem>>
      %dma_wait3A_61 = tpu.memref_squeeze %dma_wait3A_60 : memref<1x128x128xf32, #tpu.memory_space<vmem>> -> memref<128x128xf32, #tpu.memory_space<vmem>>
      %dma_wait3A_62 = arith.constant 0 : i32
      %dma_wait3A_63 = tpu.memref_slice %arg10[%add3A_4, %dma_wait3A_62] : memref<10112x128xf32, #tpu.memory_space<vmem_shared>> -> memref<128x128xf32, #tpu.memory_space<vmem_shared>>
      %dma_wait3A_64 = arith.constant 0 : i32
      %dma_wait3A_65 = tpu.memref_slice %arg10[%add3A_4, %dma_wait3A_64] : memref<10112x128xf32, #tpu.memory_space<vmem_shared>> -> memref<128x128xf32, #tpu.memory_space<vmem_shared>>
      %dma_wait3A_66 = arith.constant 0 : i32
      %dma_wait3A_67 = arith.constant 0 : i32
      %dma_wait3A_68 = tpu.memref_slice %arg9[%run_scoped3A_5, %dma_wait3A_66, %dma_wait3A_67] : memref<2x128x128xf32, #tpu.memory_space<vmem>> -> memref<1x128x128xf32, #tpu.memory_space<vmem>>
      %dma_wait3A_69 = tpu.memref_squeeze %dma_wait3A_68 : memref<1x128x128xf32, #tpu.memory_space<vmem>> -> memref<128x128xf32, #tpu.memory_space<vmem>>
      tpu.wait_dma2 semaphore(%run_scoped3A_46 : memref<!tpu.dma_semaphore, #tpu.memory_space<semaphore_mem>>) src(%dma_wait3A_69 : memref<128x128xf32, #tpu.memory_space<vmem>>) dst(%dma_wait3A_65 : memref<128x128xf32, #tpu.memory_space<vmem_shared>>)
      tpu.yield
    }) : () -> ()
    %add3A_6 = arith.constant 128 : i32
    %add3A_7 = arith.addi %mul3A_2, %add3A_6 : i32
    %run_scoped3A_8 = arith.constant 0 : i32
    "tpu.region"() ({
      %run_scoped3A_46 = tpu.sem_alloc : memref<!tpu.dma_semaphore, #tpu.memory_space<semaphore_mem>>
      %dma_start3A = arith.constant 0 : i32
      %dma_start3A_47 = arith.constant 0 : i32
      %dma_start3A_48 = tpu.memref_slice %arg9[%run_scoped3A_8, %dma_start3A, %dma_start3A_47] : memref<2x128x128xf32, #tpu.memory_space<vmem>> -> memref<1x128x128xf32, #tpu.memory_space<vmem>>
      %dma_start3A_49 = tpu.memref_squeeze %dma_start3A_48 : memref<1x128x128xf32, #tpu.memory_space<vmem>> -> memref<128x128xf32, #tpu.memory_space<vmem>>
      %dma_start3A_50 = arith.constant 0 : i32
      %dma_start3A_51 = tpu.memref_slice %arg10[%add3A_7, %dma_start3A_50] : memref<10112x128xf32, #tpu.memory_space<vmem_shared>> -> memref<128x128xf32, #tpu.memory_space<vmem_shared>>
      %dma_start3A_52 = arith.constant 0 : i32
      %dma_start3A_53 = tpu.memref_slice %arg10[%add3A_7, %dma_start3A_52] : memref<10112x128xf32, #tpu.memory_space<vmem_shared>> -> memref<128x128xf32, #tpu.memory_space<vmem_shared>>
      %dma_start3A_54 = arith.constant 0 : i32
      %dma_start3A_55 = arith.constant 0 : i32
      %dma_start3A_56 = tpu.memref_slice %arg9[%run_scoped3A_8, %dma_start3A_54, %dma_start3A_55] : memref<2x128x128xf32, #tpu.memory_space<vmem>> -> memref<1x128x128xf32, #tpu.memory_space<vmem>>
      %dma_start3A_57 = tpu.memref_squeeze %dma_start3A_56 : memref<1x128x128xf32, #tpu.memory_space<vmem>> -> memref<128x128xf32, #tpu.memory_space<vmem>>
      tpu.enqueue_dma source(%dma_start3A_57 : memref<128x128xf32, #tpu.memory_space<vmem>>) target(%dma_start3A_53 : memref<128x128xf32, #tpu.memory_space<vmem_shared>>) target_semaphore(%run_scoped3A_46 : memref<!tpu.dma_semaphore, #tpu.memory_space<semaphore_mem>>)
      %dma_wait3A_58 = arith.constant 0 : i32
      %dma_wait3A_59 = arith.constant 0 : i32
      %dma_wait3A_60 = tpu.memref_slice %arg9[%run_scoped3A_8, %dma_wait3A_58, %dma_wait3A_59] : memref<2x128x128xf32, #tpu.memory_space<vmem>> -> memref<1x128x128xf32, #tpu.memory_space<vmem>>
      %dma_wait3A_61 = tpu.memref_squeeze %dma_wait3A_60 : memref<1x128x128xf32, #tpu.memory_space<vmem>> -> memref<128x128xf32, #tpu.memory_space<vmem>>
      %dma_wait3A_62 = arith.constant 0 : i32
      %dma_wait3A_63 = tpu.memref_slice %arg10[%add3A_7, %dma_wait3A_62] : memref<10112x128xf32, #tpu.memory_space<vmem_shared>> -> memref<128x128xf32, #tpu.memory_space<vmem_shared>>
      %dma_wait3A_64 = arith.constant 0 : i32
      %dma_wait3A_65 = tpu.memref_slice %arg10[%add3A_7, %dma_wait3A_64] : memref<10112x128xf32, #tpu.memory_space<vmem_shared>> -> memref<128x128xf32, #tpu.memory_space<vmem_shared>>
      %dma_wait3A_66 = arith.constant 0 : i32
      %dma_wait3A_67 = arith.constant 0 : i32
      %dma_wait3A_68 = tpu.memref_slice %arg9[%run_scoped3A_8, %dma_wait3A_66, %dma_wait3A_67] : memref<2x128x128xf32, #tpu.memory_space<vmem>> -> memref<1x128x128xf32, #tpu.memory_space<vmem>>
      %dma_wait3A_69 = tpu.memref_squeeze %dma_wait3A_68 : memref<1x128x128xf32, #tpu.memory_space<vmem>> -> memref<128x128xf32, #tpu.memory_space<vmem>>
      tpu.wait_dma2 semaphore(%run_scoped3A_46 : memref<!tpu.dma_semaphore, #tpu.memory_space<semaphore_mem>>) src(%dma_wait3A_69 : memref<128x128xf32, #tpu.memory_space<vmem>>) dst(%dma_wait3A_65 : memref<128x128xf32, #tpu.memory_space<vmem_shared>>)
      tpu.yield
    }) : () -> ()
    %add3A_9 = arith.constant 256 : i32
    %add3A_10 = arith.addi %mul3A_2, %add3A_9 : i32
    %run_scoped3A_11 = arith.constant 0 : i32
    "tpu.region"() ({
      %run_scoped3A_46 = tpu.sem_alloc : memref<!tpu.dma_semaphore, #tpu.memory_space<semaphore_mem>>
      %dma_start3A = arith.constant 0 : i32
      %dma_start3A_47 = arith.constant 0 : i32
      %dma_start3A_48 = tpu.memref_slice %arg9[%run_scoped3A_11, %dma_start3A, %dma_start3A_47] : memref<2x128x128xf32, #tpu.memory_space<vmem>> -> memref<1x128x128xf32, #tpu.memory_space<vmem>>
      %dma_start3A_49 = tpu.memref_squeeze %dma_start3A_48 : memref<1x128x128xf32, #tpu.memory_space<vmem>> -> memref<128x128xf32, #tpu.memory_space<vmem>>
      %dma_start3A_50 = arith.constant 0 : i32
      %dma_start3A_51 = tpu.memref_slice %arg10[%add3A_10, %dma_start3A_50] : memref<10112x128xf32, #tpu.memory_space<vmem_shared>> -> memref<128x128xf32, #tpu.memory_space<vmem_shared>>
      %dma_start3A_52 = arith.constant 0 : i32
      %dma_start3A_53 = tpu.memref_slice %arg10[%add3A_10, %dma_start3A_52] : memref<10112x128xf32, #tpu.memory_space<vmem_shared>> -> memref<128x128xf32, #tpu.memory_space<vmem_shared>>
      %dma_start3A_54 = arith.constant 0 : i32
      %dma_start3A_55 = arith.constant 0 : i32
      %dma_start3A_56 = tpu.memref_slice %arg9[%run_scoped3A_11, %dma_start3A_54, %dma_start3A_55] : memref<2x128x128xf32, #tpu.memory_space<vmem>> -> memref<1x128x128xf32, #tpu.memory_space<vmem>>
      %dma_start3A_57 = tpu.memref_squeeze %dma_start3A_56 : memref<1x128x128xf32, #tpu.memory_space<vmem>> -> memref<128x128xf32, #tpu.memory_space<vmem>>
      tpu.enqueue_dma source(%dma_start3A_57 : memref<128x128xf32, #tpu.memory_space<vmem>>) target(%dma_start3A_53 : memref<128x128xf32, #tpu.memory_space<vmem_shared>>) target_semaphore(%run_scoped3A_46 : memref<!tpu.dma_semaphore, #tpu.memory_space<semaphore_mem>>)
      %dma_wait3A_58 = arith.constant 0 : i32
      %dma_wait3A_59 = arith.constant 0 : i32
      %dma_wait3A_60 = tpu.memref_slice %arg9[%run_scoped3A_11, %dma_wait3A_58, %dma_wait3A_59] : memref<2x128x128xf32, #tpu.memory_space<vmem>> -> memref<1x128x128xf32, #tpu.memory_space<vmem>>
      %dma_wait3A_61 = tpu.memref_squeeze %dma_wait3A_60 : memref<1x128x128xf32, #tpu.memory_space<vmem>> -> memref<128x128xf32, #tpu.memory_space<vmem>>
      %dma_wait3A_62 = arith.constant 0 : i32
      %dma_wait3A_63 = tpu.memref_slice %arg10[%add3A_10, %dma_wait3A_62] : memref<10112x128xf32, #tpu.memory_space<vmem_shared>> -> memref<128x128xf32, #tpu.memory_space<vmem_shared>>
      %dma_wait3A_64 = arith.constant 0 : i32
      %dma_wait3A_65 = tpu.memref_slice %arg10[%add3A_10, %dma_wait3A_64] : memref<10112x128xf32, #tpu.memory_space<vmem_shared>> -> memref<128x128xf32, #tpu.memory_space<vmem_shared>>
      %dma_wait3A_66 = arith.constant 0 : i32
      %dma_wait3A_67 = arith.constant 0 : i32
      %dma_wait3A_68 = tpu.memref_slice %arg9[%run_scoped3A_11, %dma_wait3A_66, %dma_wait3A_67] : memref<2x128x128xf32, #tpu.memory_space<vmem>> -> memref<1x128x128xf32, #tpu.memory_space<vmem>>
      %dma_wait3A_69 = tpu.memref_squeeze %dma_wait3A_68 : memref<1x128x128xf32, #tpu.memory_space<vmem>> -> memref<128x128xf32, #tpu.memory_space<vmem>>
      tpu.wait_dma2 semaphore(%run_scoped3A_46 : memref<!tpu.dma_semaphore, #tpu.memory_space<semaphore_mem>>) src(%dma_wait3A_69 : memref<128x128xf32, #tpu.memory_space<vmem>>) dst(%dma_wait3A_65 : memref<128x128xf32, #tpu.memory_space<vmem_shared>>)
      tpu.yield
    }) : () -> ()
    %add3A_12 = arith.constant 384 : i32
    %add3A_13 = arith.addi %mul3A_2, %add3A_12 : i32
    %run_scoped3A_14 = arith.constant 0 : i32
    "tpu.region"() ({
      %run_scoped3A_46 = tpu.sem_alloc : memref<!tpu.dma_semaphore, #tpu.memory_space<semaphore_mem>>
      %dma_start3A = arith.constant 0 : i32
      %dma_start3A_47 = arith.constant 0 : i32
      %dma_start3A_48 = tpu.memref_slice %arg9[%run_scoped3A_14, %dma_start3A, %dma_start3A_47] : memref<2x128x128xf32, #tpu.memory_space<vmem>> -> memref<1x128x128xf32, #tpu.memory_space<vmem>>
      %dma_start3A_49 = tpu.memref_squeeze %dma_start3A_48 : memref<1x128x128xf32, #tpu.memory_space<vmem>> -> memref<128x128xf32, #tpu.memory_space<vmem>>
      %dma_start3A_50 = arith.constant 0 : i32
      %dma_start3A_51 = tpu.memref_slice %arg10[%add3A_13, %dma_start3A_50] : memref<10112x128xf32, #tpu.memory_space<vmem_shared>> -> memref<128x128xf32, #tpu.memory_space<vmem_shared>>
      %dma_start3A_52 = arith.constant 0 : i32
      %dma_start3A_53 = tpu.memref_slice %arg10[%add3A_13, %dma_start3A_52] : memref<10112x128xf32, #tpu.memory_space<vmem_shared>> -> memref<128x128xf32, #tpu.memory_space<vmem_shared>>
      %dma_start3A_54 = arith.constant 0 : i32
      %dma_start3A_55 = arith.constant 0 : i32
      %dma_start3A_56 = tpu.memref_slice %arg9[%run_scoped3A_14, %dma_start3A_54, %dma_start3A_55] : memref<2x128x128xf32, #tpu.memory_space<vmem>> -> memref<1x128x128xf32, #tpu.memory_space<vmem>>
      %dma_start3A_57 = tpu.memref_squeeze %dma_start3A_56 : memref<1x128x128xf32, #tpu.memory_space<vmem>> -> memref<128x128xf32, #tpu.memory_space<vmem>>
      tpu.enqueue_dma source(%dma_start3A_57 : memref<128x128xf32, #tpu.memory_space<vmem>>) target(%dma_start3A_53 : memref<128x128xf32, #tpu.memory_space<vmem_shared>>) target_semaphore(%run_scoped3A_46 : memref<!tpu.dma_semaphore, #tpu.memory_space<semaphore_mem>>)
      %dma_wait3A_58 = arith.constant 0 : i32
      %dma_wait3A_59 = arith.constant 0 : i32
      %dma_wait3A_60 = tpu.memref_slice %arg9[%run_scoped3A_14, %dma_wait3A_58, %dma_wait3A_59] : memref<2x128x128xf32, #tpu.memory_space<vmem>> -> memref<1x128x128xf32, #tpu.memory_space<vmem>>
      %dma_wait3A_61 = tpu.memref_squeeze %dma_wait3A_60 : memref<1x128x128xf32, #tpu.memory_space<vmem>> -> memref<128x128xf32, #tpu.memory_space<vmem>>
      %dma_wait3A_62 = arith.constant 0 : i32
      %dma_wait3A_63 = tpu.memref_slice %arg10[%add3A_13, %dma_wait3A_62] : memref<10112x128xf32, #tpu.memory_space<vmem_shared>> -> memref<128x128xf32, #tpu.memory_space<vmem_shared>>
      %dma_wait3A_64 = arith.constant 0 : i32
      %dma_wait3A_65 = tpu.memref_slice %arg10[%add3A_13, %dma_wait3A_64] : memref<10112x128xf32, #tpu.memory_space<vmem_shared>> -> memref<128x128xf32, #tpu.memory_space<vmem_shared>>
      %dma_wait3A_66 = arith.constant 0 : i32
      %dma_wait3A_67 = arith.constant 0 : i32
      %dma_wait3A_68 = tpu.memref_slice %arg9[%run_scoped3A_14, %dma_wait3A_66, %dma_wait3A_67] : memref<2x128x128xf32, #tpu.memory_space<vmem>> -> memref<1x128x128xf32, #tpu.memory_space<vmem>>
      %dma_wait3A_69 = tpu.memref_squeeze %dma_wait3A_68 : memref<1x128x128xf32, #tpu.memory_space<vmem>> -> memref<128x128xf32, #tpu.memory_space<vmem>>
      tpu.wait_dma2 semaphore(%run_scoped3A_46 : memref<!tpu.dma_semaphore, #tpu.memory_space<semaphore_mem>>) src(%dma_wait3A_69 : memref<128x128xf32, #tpu.memory_space<vmem>>) dst(%dma_wait3A_65 : memref<128x128xf32, #tpu.memory_space<vmem_shared>>)
      tpu.yield
    }) : () -> ()
    %add3A_15 = arith.constant 512 : i32
    %add3A_16 = arith.addi %mul3A_2, %add3A_15 : i32
    %run_scoped3A_17 = arith.constant 0 : i32
    "tpu.region"() ({
      %run_scoped3A_46 = tpu.sem_alloc : memref<!tpu.dma_semaphore, #tpu.memory_space<semaphore_mem>>
      %dma_start3A = arith.constant 0 : i32
      %dma_start3A_47 = arith.constant 0 : i32
      %dma_start3A_48 = tpu.memref_slice %arg9[%run_scoped3A_17, %dma_start3A, %dma_start3A_47] : memref<2x128x128xf32, #tpu.memory_space<vmem>> -> memref<1x120x128xf32, #tpu.memory_space<vmem>>
      %dma_start3A_49 = tpu.memref_squeeze %dma_start3A_48 : memref<1x120x128xf32, #tpu.memory_space<vmem>> -> memref<120x128xf32, #tpu.memory_space<vmem>>
      %dma_start3A_50 = arith.constant 0 : i32
      %dma_start3A_51 = tpu.memref_slice %arg10[%add3A_16, %dma_start3A_50] : memref<10112x128xf32, #tpu.memory_space<vmem_shared>> -> memref<120x128xf32, #tpu.memory_space<vmem_shared>>
      %dma_start3A_52 = arith.constant 0 : i32
      %dma_start3A_53 = tpu.memref_slice %arg10[%add3A_16, %dma_start3A_52] : memref<10112x128xf32, #tpu.memory_space<vmem_shared>> -> memref<120x128xf32, #tpu.memory_space<vmem_shared>>
      %dma_start3A_54 = arith.constant 0 : i32
      %dma_start3A_55 = arith.constant 0 : i32
      %dma_start3A_56 = tpu.memref_slice %arg9[%run_scoped3A_17, %dma_start3A_54, %dma_start3A_55] : memref<2x128x128xf32, #tpu.memory_space<vmem>> -> memref<1x120x128xf32, #tpu.memory_space<vmem>>
      %dma_start3A_57 = tpu.memref_squeeze %dma_start3A_56 : memref<1x120x128xf32, #tpu.memory_space<vmem>> -> memref<120x128xf32, #tpu.memory_space<vmem>>
      tpu.enqueue_dma source(%dma_start3A_57 : memref<120x128xf32, #tpu.memory_space<vmem>>) target(%dma_start3A_53 : memref<120x128xf32, #tpu.memory_space<vmem_shared>>) target_semaphore(%run_scoped3A_46 : memref<!tpu.dma_semaphore, #tpu.memory_space<semaphore_mem>>)
      %dma_wait3A_58 = arith.constant 0 : i32
      %dma_wait3A_59 = arith.constant 0 : i32
      %dma_wait3A_60 = tpu.memref_slice %arg9[%run_scoped3A_17, %dma_wait3A_58, %dma_wait3A_59] : memref<2x128x128xf32, #tpu.memory_space<vmem>> -> memref<1x120x128xf32, #tpu.memory_space<vmem>>
      %dma_wait3A_61 = tpu.memref_squeeze %dma_wait3A_60 : memref<1x120x128xf32, #tpu.memory_space<vmem>> -> memref<120x128xf32, #tpu.memory_space<vmem>>
      %dma_wait3A_62 = arith.constant 0 : i32
      %dma_wait3A_63 = tpu.memref_slice %arg10[%add3A_16, %dma_wait3A_62] : memref<10112x128xf32, #tpu.memory_space<vmem_shared>> -> memref<120x128xf32, #tpu.memory_space<vmem_shared>>
      %dma_wait3A_64 = arith.constant 0 : i32
      %dma_wait3A_65 = tpu.memref_slice %arg10[%add3A_16, %dma_wait3A_64] : memref<10112x128xf32, #tpu.memory_space<vmem_shared>> -> memref<120x128xf32, #tpu.memory_space<vmem_shared>>
      %dma_wait3A_66 = arith.constant 0 : i32
      %dma_wait3A_67 = arith.constant 0 : i32
      %dma_wait3A_68 = tpu.memref_slice %arg9[%run_scoped3A_17, %dma_wait3A_66, %dma_wait3A_67] : memref<2x128x128xf32, #tpu.memory_space<vmem>> -> memref<1x120x128xf32, #tpu.memory_space<vmem>>
      %dma_wait3A_69 = tpu.memref_squeeze %dma_wait3A_68 : memref<1x120x128xf32, #tpu.memory_space<vmem>> -> memref<120x128xf32, #tpu.memory_space<vmem>>
      tpu.wait_dma2 semaphore(%run_scoped3A_46 : memref<!tpu.dma_semaphore, #tpu.memory_space<semaphore_mem>>) src(%dma_wait3A_69 : memref<120x128xf32, #tpu.memory_space<vmem>>) dst(%dma_wait3A_65 : memref<120x128xf32, #tpu.memory_space<vmem_shared>>)
      tpu.yield
    }) : () -> ()
    %barrier3A = arith.constant 0 : index
    tpu.barrier barrier_id(%barrier3A)
    %scan3A = arith.constant 0 : i32
    %scan3A_18 = arith.constant 0 : i32
    %scan3A_19 = arith.constant 10 : i32
    %scan3A_20 = arith.addi %scan3A_18, %scan3A_19 : i32
    %scan3A_21 = arith.constant 1 : i32
    %scan3A_22 = scf.for %scan3A_46 = %scan3A_18 to %scan3A_20 step %scan3A_21 iter_args(%scan3A_47 = %scan3A) -> (i32)  : i32 {
      %mul3A_48 = arith.constant 8 : i32
      %mul3A_49 = arith.muli %scan3A_46, %mul3A_48 : i32
      %multiple_of3A = tpu.assume_multiple %mul3A_49, 8 : i32
      "tpu.region"() ({
        %run_scoped3A_473 = tpu.sem_alloc : memref<!tpu.dma_semaphore, #tpu.memory_space<semaphore_mem>>
        %dma_start3A_474 = arith.constant 0 : i32
        %dma_start3A_475 = tpu.memref_slice %arg3[%add3A, %multiple_of3A, %dma_start3A_474] : memref<32x80x128xi32, #tpu.memory_space<hbm>> -> memref<1x8x128xi32, #tpu.memory_space<hbm>>
        %dma_start3A_476 = tpu.memref_squeeze %dma_start3A_475 : memref<1x8x128xi32, #tpu.memory_space<hbm>> -> memref<8x128xi32, #tpu.memory_space<hbm>>
        %dma_start3A_477 = arith.constant 0 : i32
        %dma_start3A_478 = tpu.memref_slice %arg3[%add3A, %multiple_of3A, %dma_start3A_477] : memref<32x80x128xi32, #tpu.memory_space<hbm>> -> memref<1x8x128xi32, #tpu.memory_space<hbm>>
        %dma_start3A_479 = tpu.memref_squeeze %dma_start3A_478 : memref<1x8x128xi32, #tpu.memory_space<hbm>> -> memref<8x128xi32, #tpu.memory_space<hbm>>
        tpu.enqueue_dma source(%dma_start3A_479 : memref<8x128xi32, #tpu.memory_space<hbm>>) target(%arg8 : memref<8x128xi32, #tpu.memory_space<vmem>>) target_semaphore(%run_scoped3A_473 : memref<!tpu.dma_semaphore, #tpu.memory_space<semaphore_mem>>)
        %dma_wait3A_480 = arith.constant 0 : i32
        %dma_wait3A_481 = tpu.memref_slice %arg3[%add3A, %multiple_of3A, %dma_wait3A_480] : memref<32x80x128xi32, #tpu.memory_space<hbm>> -> memref<1x8x128xi32, #tpu.memory_space<hbm>>
        %dma_wait3A_482 = tpu.memref_squeeze %dma_wait3A_481 : memref<1x8x128xi32, #tpu.memory_space<hbm>> -> memref<8x128xi32, #tpu.memory_space<hbm>>
        %dma_wait3A_483 = arith.constant 0 : i32
        %dma_wait3A_484 = tpu.memref_slice %arg3[%add3A, %multiple_of3A, %dma_wait3A_483] : memref<32x80x128xi32, #tpu.memory_space<hbm>> -> memref<1x8x128xi32, #tpu.memory_space<hbm>>
        %dma_wait3A_485 = tpu.memref_squeeze %dma_wait3A_484 : memref<1x8x128xi32, #tpu.memory_space<hbm>> -> memref<8x128xi32, #tpu.memory_space<hbm>>
        tpu.wait_dma2 semaphore(%run_scoped3A_473 : memref<!tpu.dma_semaphore, #tpu.memory_space<semaphore_mem>>) src(%dma_wait3A_485 : memref<8x128xi32, #tpu.memory_space<hbm>>) dst(%arg8 : memref<8x128xi32, #tpu.memory_space<vmem>>)
        tpu.yield
      }) : () -> ()
      %mul3A_50 = arith.constant 8 : i32
      %mul3A_51 = arith.muli %scan3A_46, %mul3A_50 : i32
      %add3A_52 = arith.constant 0 : i32
      %add3A_53 = arith.addi %mul3A_51, %add3A_52 : i32
      %dma_start3A = arith.constant 0 : i32
      %dma_start3A_54 = arith.constant 0 : i32
      %dma_start3A_55 = arith.constant 0 : i32
      %dma_start3A_56 = arith.constant 0 : i32
      %dma_start3A_57 = arith.constant 0 : i32
      %dma_start3A_58 = tpu.memref_slice %arg9[%dma_start3A_54, %dma_start3A_56, %dma_start3A_57] : memref<2x128x128xf32, #tpu.memory_space<vmem>> -> memref<1x128x128xf32, #tpu.memory_space<vmem>>
      %dma_start3A_59 = tpu.memref_squeeze %dma_start3A_58 : memref<1x128x128xf32, #tpu.memory_space<vmem>> -> memref<128x128xf32, #tpu.memory_space<vmem>>
      %dma_start3A_60 = arith.constant 0 : i32
      %dma_start3A_61 = tpu.memref_slice %arg8[%dma_start3A, %dma_start3A_60] : memref<8x128xi32, #tpu.memory_space<vmem>> -> memref<1x128xi32, #tpu.memory_space<vmem>>
      %dma_start3A_62 = tpu.memref_squeeze %dma_start3A_61 : memref<1x128xi32, #tpu.memory_space<vmem>> -> memref<128xi32, #tpu.memory_space<vmem>>
      %dma_start3A_63 = arith.constant 0 : i32
      %dma_start3A_64 = arith.constant 0 : i32
      %dma_start3A_65 = tpu.memref_slice %arg2[%dma_start3A_63, %dma_start3A_64] : memref<10112x128xf32, #tpu.memory_space<hbm>> -> memref<10112x128xf32, #tpu.memory_space<hbm>>
      %dma_start3A_66 = tpu.memref_slice %arg11[%dma_start3A_55] : memref<2x!tpu.dma_semaphore, #tpu.memory_space<semaphore_mem>> -> memref<1x!tpu.dma_semaphore, #tpu.memory_space<semaphore_mem>>
      %dma_start3A_67 = tpu.memref_squeeze %dma_start3A_66 : memref<1x!tpu.dma_semaphore, #tpu.memory_space<semaphore_mem>> -> memref<!tpu.dma_semaphore, #tpu.memory_space<semaphore_mem>>
      tpu.enqueue_indirect_dma source(%dma_start3A_65 : memref<10112x128xf32, #tpu.memory_space<hbm>>) target(%dma_start3A_59 : memref<128x128xf32, #tpu.memory_space<vmem>>) offsets(%dma_start3A_62 : memref<128xi32, #tpu.memory_space<vmem>>) semaphore(%dma_start3A_67 : memref<!tpu.dma_semaphore, #tpu.memory_space<semaphore_mem>>)
      %ge3A = arith.constant 1 : i32
      %ge3A_68 = arith.cmpi sge, %add3A_53, %ge3A : i32
      %convert_element_type3A_69 = arith.extui %ge3A_68 : i1 to i32
      %cond3A_70 = arith.constant 0 : i32
      %cond3A_71 = arith.cmpi ne, %convert_element_type3A_69, %cond3A_70 : i32
      scf.if %cond3A_71 {
        %dma_wait3A_473 = arith.constant 1 : i32
        %dma_wait3A_474 = arith.constant 0 : i32
        %dma_wait3A_475 = arith.constant 1 : i32
        %dma_wait3A_476 = arith.constant 0 : i32
        %dma_wait3A_477 = arith.constant 0 : i32
        %dma_wait3A_478 = tpu.memref_slice %arg9[%dma_wait3A_473, %dma_wait3A_476, %dma_wait3A_477] : memref<2x128x128xf32, #tpu.memory_space<vmem>> -> memref<1x128x128xf32, #tpu.memory_space<vmem>>
        %dma_wait3A_479 = tpu.memref_squeeze %dma_wait3A_478 : memref<1x128x128xf32, #tpu.memory_space<vmem>> -> memref<128x128xf32, #tpu.memory_space<vmem>>
        %dma_wait3A_480 = arith.constant 0 : i32
        %dma_wait3A_481 = tpu.memref_slice %arg7[%dma_wait3A_474, %dma_wait3A_480] : memref<80x128xi32, #tpu.memory_space<vmem>> -> memref<1x128xi32, #tpu.memory_space<vmem>>
        %dma_wait3A_482 = tpu.memref_squeeze %dma_wait3A_481 : memref<1x128xi32, #tpu.memory_space<vmem>> -> memref<128xi32, #tpu.memory_space<vmem>>
        %dma_wait3A_483 = arith.constant 0 : i32
        %dma_wait3A_484 = arith.constant 0 : i32
        %dma_wait3A_485 = tpu.memref_slice %arg10[%dma_wait3A_483, %dma_wait3A_484] : memref<10112x128xf32, #tpu.memory_space<vmem_shared>> -> memref<10112x128xf32, #tpu.memory_space<vmem_shared>>
        %dma_wait3A_486 = tpu.memref_slice %arg12[%dma_wait3A_475] : memref<2x!tpu.dma_semaphore, #tpu.memory_space<semaphore_mem>> -> memref<1x!tpu.dma_semaphore, #tpu.memory_space<semaphore_mem>>
        %dma_wait3A_487 = tpu.memref_squeeze %dma_wait3A_486 : memref<1x!tpu.dma_semaphore, #tpu.memory_space<semaphore_mem>> -> memref<!tpu.dma_semaphore, #tpu.memory_space<semaphore_mem>>
        tpu.wait_indirect_dma semaphore(%dma_wait3A_487 : memref<!tpu.dma_semaphore, #tpu.memory_space<semaphore_mem>>) src(%dma_wait3A_479 : memref<128x128xf32, #tpu.memory_space<vmem>>) dst(%dma_wait3A_485 : memref<10112x128xf32, #tpu.memory_space<vmem_shared>>)
      } else {
      }
      %dma_wait3A_72 = arith.constant 0 : i32
      %dma_wait3A_73 = arith.constant 0 : i32
      %dma_wait3A_74 = arith.constant 0 : i32
      %dma_wait3A_75 = arith.constant 0 : i32
      %dma_wait3A_76 = arith.constant 0 : i32
      %dma_wait3A_77 = tpu.memref_slice %arg9[%dma_wait3A_73, %dma_wait3A_75, %dma_wait3A_76] : memref<2x128x128xf32, #tpu.memory_space<vmem>> -> memref<1x128x128xf32, #tpu.memory_space<vmem>>
      %dma_wait3A_78 = tpu.memref_squeeze %dma_wait3A_77 : memref<1x128x128xf32, #tpu.memory_space<vmem>> -> memref<128x128xf32, #tpu.memory_space<vmem>>
      %dma_wait3A_79 = arith.constant 0 : i32
      %dma_wait3A_80 = tpu.memref_slice %arg8[%dma_wait3A_72, %dma_wait3A_79] : memref<8x128xi32, #tpu.memory_space<vmem>> -> memref<1x128xi32, #tpu.memory_space<vmem>>
      %dma_wait3A_81 = tpu.memref_squeeze %dma_wait3A_80 : memref<1x128xi32, #tpu.memory_space<vmem>> -> memref<128xi32, #tpu.memory_space<vmem>>
      %dma_wait3A_82 = arith.constant 0 : i32
      %dma_wait3A_83 = arith.constant 0 : i32
      %dma_wait3A_84 = tpu.memref_slice %arg2[%dma_wait3A_82, %dma_wait3A_83] : memref<10112x128xf32, #tpu.memory_space<hbm>> -> memref<10112x128xf32, #tpu.memory_space<hbm>>
      %dma_wait3A_85 = tpu.memref_slice %arg11[%dma_wait3A_74] : memref<2x!tpu.dma_semaphore, #tpu.memory_space<semaphore_mem>> -> memref<1x!tpu.dma_semaphore, #tpu.memory_space<semaphore_mem>>
      %dma_wait3A_86 = tpu.memref_squeeze %dma_wait3A_85 : memref<1x!tpu.dma_semaphore, #tpu.memory_space<semaphore_mem>> -> memref<!tpu.dma_semaphore, #tpu.memory_space<semaphore_mem>>
      tpu.wait_indirect_dma semaphore(%dma_wait3A_86 : memref<!tpu.dma_semaphore, #tpu.memory_space<semaphore_mem>>) src(%dma_wait3A_84 : memref<10112x128xf32, #tpu.memory_space<hbm>>) dst(%dma_wait3A_78 : memref<128x128xf32, #tpu.memory_space<vmem>>)
      %dma_start3A_87 = arith.constant 0 : i32
      %dma_start3A_88 = arith.constant 0 : i32
      %dma_start3A_89 = arith.constant 0 : i32
      %dma_start3A_90 = arith.constant 0 : i32
      %dma_start3A_91 = tpu.memref_slice %arg9[%dma_start3A_87, %dma_start3A_89, %dma_start3A_90] : memref<2x128x128xf32, #tpu.memory_space<vmem>> -> memref<1x128x128xf32, #tpu.memory_space<vmem>>
      %dma_start3A_92 = tpu.memref_squeeze %dma_start3A_91 : memref<1x128x128xf32, #tpu.memory_space<vmem>> -> memref<128x128xf32, #tpu.memory_space<vmem>>
      %dma_start3A_93 = arith.constant 0 : i32
      %dma_start3A_94 = tpu.memref_slice %arg7[%add3A_53, %dma_start3A_93] : memref<80x128xi32, #tpu.memory_space<vmem>> -> memref<1x128xi32, #tpu.memory_space<vmem>>
      %dma_start3A_95 = tpu.memref_squeeze %dma_start3A_94 : memref<1x128xi32, #tpu.memory_space<vmem>> -> memref<128xi32, #tpu.memory_space<vmem>>
      %dma_start3A_96 = arith.constant 0 : i32
      %dma_start3A_97 = arith.constant 0 : i32
      %dma_start3A_98 = tpu.memref_slice %arg10[%dma_start3A_96, %dma_start3A_97] : memref<10112x128xf32, #tpu.memory_space<vmem_shared>> -> memref<10112x128xf32, #tpu.memory_space<vmem_shared>>
      %dma_start3A_99 = tpu.memref_slice %arg12[%dma_start3A_88] : memref<2x!tpu.dma_semaphore, #tpu.memory_space<semaphore_mem>> -> memref<1x!tpu.dma_semaphore, #tpu.memory_space<semaphore_mem>>
      %dma_start3A_100 = tpu.memref_squeeze %dma_start3A_99 : memref<1x!tpu.dma_semaphore, #tpu.memory_space<semaphore_mem>> -> memref<!tpu.dma_semaphore, #tpu.memory_space<semaphore_mem>>
      tpu.enqueue_indirect_dma source(%dma_start3A_92 : memref<128x128xf32, #tpu.memory_space<vmem>>) target(%dma_start3A_98 : memref<10112x128xf32, #tpu.memory_space<vmem_shared>>) offsets(%dma_start3A_95 : memref<128xi32, #tpu.memory_space<vmem>>) semaphore(%dma_start3A_100 : memref<!tpu.dma_semaphore, #tpu.memory_space<semaphore_mem>>) {add = true}
      %mul3A_101 = arith.constant 8 : i32
      %mul3A_102 = arith.muli %scan3A_46, %mul3A_101 : i32
      %add3A_103 = arith.constant 1 : i32
      %add3A_104 = arith.addi %mul3A_102, %add3A_103 : i32
      %dma_start3A_105 = arith.constant 1 : i32
      %dma_start3A_106 = arith.constant 1 : i32
      %dma_start3A_107 = arith.constant 1 : i32
      %dma_start3A_108 = arith.constant 0 : i32
      %dma_start3A_109 = arith.constant 0 : i32
      %dma_start3A_110 = tpu.memref_slice %arg9[%dma_start3A_106, %dma_start3A_108, %dma_start3A_109] : memref<2x128x128xf32, #tpu.memory_space<vmem>> -> memref<1x128x128xf32, #tpu.memory_space<vmem>>
      %dma_start3A_111 = tpu.memref_squeeze %dma_start3A_110 : memref<1x128x128xf32, #tpu.memory_space<vmem>> -> memref<128x128xf32, #tpu.memory_space<vmem>>
      %dma_start3A_112 = arith.constant 0 : i32
      %dma_start3A_113 = tpu.memref_slice %arg8[%dma_start3A_105, %dma_start3A_112] : memref<8x128xi32, #tpu.memory_space<vmem>> -> memref<1x128xi32, #tpu.memory_space<vmem>>
      %dma_start3A_114 = tpu.memref_squeeze %dma_start3A_113 : memref<1x128xi32, #tpu.memory_space<vmem>> -> memref<128xi32, #tpu.memory_space<vmem>>
      %dma_start3A_115 = arith.constant 0 : i32
      %dma_start3A_116 = arith.constant 0 : i32
      %dma_start3A_117 = tpu.memref_slice %arg2[%dma_start3A_115, %dma_start3A_116] : memref<10112x128xf32, #tpu.memory_space<hbm>> -> memref<10112x128xf32, #tpu.memory_space<hbm>>
      %dma_start3A_118 = tpu.memref_slice %arg11[%dma_start3A_107] : memref<2x!tpu.dma_semaphore, #tpu.memory_space<semaphore_mem>> -> memref<1x!tpu.dma_semaphore, #tpu.memory_space<semaphore_mem>>
      %dma_start3A_119 = tpu.memref_squeeze %dma_start3A_118 : memref<1x!tpu.dma_semaphore, #tpu.memory_space<semaphore_mem>> -> memref<!tpu.dma_semaphore, #tpu.memory_space<semaphore_mem>>
      tpu.enqueue_indirect_dma source(%dma_start3A_117 : memref<10112x128xf32, #tpu.memory_space<hbm>>) target(%dma_start3A_111 : memref<128x128xf32, #tpu.memory_space<vmem>>) offsets(%dma_start3A_114 : memref<128xi32, #tpu.memory_space<vmem>>) semaphore(%dma_start3A_119 : memref<!tpu.dma_semaphore, #tpu.memory_space<semaphore_mem>>)
      %ge3A_120 = arith.constant 1 : i32
      %ge3A_121 = arith.cmpi sge, %add3A_104, %ge3A_120 : i32
      %convert_element_type3A_122 = arith.extui %ge3A_121 : i1 to i32
      %cond3A_123 = arith.constant 0 : i32
      %cond3A_124 = arith.cmpi ne, %convert_element_type3A_122, %cond3A_123 : i32
      scf.if %cond3A_124 {
        %dma_wait3A_473 = arith.constant 0 : i32
        %dma_wait3A_474 = arith.constant 0 : i32
        %dma_wait3A_475 = arith.constant 0 : i32
        %dma_wait3A_476 = arith.constant 0 : i32
        %dma_wait3A_477 = arith.constant 0 : i32
        %dma_wait3A_478 = tpu.memref_slice %arg9[%dma_wait3A_473, %dma_wait3A_476, %dma_wait3A_477] : memref<2x128x128xf32, #tpu.memory_space<vmem>> -> memref<1x128x128xf32, #tpu.memory_space<vmem>>
        %dma_wait3A_479 = tpu.memref_squeeze %dma_wait3A_478 : memref<1x128x128xf32, #tpu.memory_space<vmem>> -> memref<128x128xf32, #tpu.memory_space<vmem>>
        %dma_wait3A_480 = arith.constant 0 : i32
        %dma_wait3A_481 = tpu.memref_slice %arg7[%dma_wait3A_474, %dma_wait3A_480] : memref<80x128xi32, #tpu.memory_space<vmem>> -> memref<1x128xi32, #tpu.memory_space<vmem>>
        %dma_wait3A_482 = tpu.memref_squeeze %dma_wait3A_481 : memref<1x128xi32, #tpu.memory_space<vmem>> -> memref<128xi32, #tpu.memory_space<vmem>>
        %dma_wait3A_483 = arith.constant 0 : i32
        %dma_wait3A_484 = arith.constant 0 : i32
        %dma_wait3A_485 = tpu.memref_slice %arg10[%dma_wait3A_483, %dma_wait3A_484] : memref<10112x128xf32, #tpu.memory_space<vmem_shared>> -> memref<10112x128xf32, #tpu.memory_space<vmem_shared>>
        %dma_wait3A_486 = tpu.memref_slice %arg12[%dma_wait3A_475] : memref<2x!tpu.dma_semaphore, #tpu.memory_space<semaphore_mem>> -> memref<1x!tpu.dma_semaphore, #tpu.memory_space<semaphore_mem>>
        %dma_wait3A_487 = tpu.memref_squeeze %dma_wait3A_486 : memref<1x!tpu.dma_semaphore, #tpu.memory_space<semaphore_mem>> -> memref<!tpu.dma_semaphore, #tpu.memory_space<semaphore_mem>>
        tpu.wait_indirect_dma semaphore(%dma_wait3A_487 : memref<!tpu.dma_semaphore, #tpu.memory_space<semaphore_mem>>) src(%dma_wait3A_479 : memref<128x128xf32, #tpu.memory_space<vmem>>) dst(%dma_wait3A_485 : memref<10112x128xf32, #tpu.memory_space<vmem_shared>>)
      } else {
      }
      %dma_wait3A_125 = arith.constant 1 : i32
      %dma_wait3A_126 = arith.constant 1 : i32
      %dma_wait3A_127 = arith.constant 1 : i32
      %dma_wait3A_128 = arith.constant 0 : i32
      %dma_wait3A_129 = arith.constant 0 : i32
      %dma_wait3A_130 = tpu.memref_slice %arg9[%dma_wait3A_126, %dma_wait3A_128, %dma_wait3A_129] : memref<2x128x128xf32, #tpu.memory_space<vmem>> -> memref<1x128x128xf32, #tpu.memory_space<vmem>>
      %dma_wait3A_131 = tpu.memref_squeeze %dma_wait3A_130 : memref<1x128x128xf32, #tpu.memory_space<vmem>> -> memref<128x128xf32, #tpu.memory_space<vmem>>
      %dma_wait3A_132 = arith.constant 0 : i32
      %dma_wait3A_133 = tpu.memref_slice %arg8[%dma_wait3A_125, %dma_wait3A_132] : memref<8x128xi32, #tpu.memory_space<vmem>> -> memref<1x128xi32, #tpu.memory_space<vmem>>
      %dma_wait3A_134 = tpu.memref_squeeze %dma_wait3A_133 : memref<1x128xi32, #tpu.memory_space<vmem>> -> memref<128xi32, #tpu.memory_space<vmem>>
      %dma_wait3A_135 = arith.constant 0 : i32
      %dma_wait3A_136 = arith.constant 0 : i32
      %dma_wait3A_137 = tpu.memref_slice %arg2[%dma_wait3A_135, %dma_wait3A_136] : memref<10112x128xf32, #tpu.memory_space<hbm>> -> memref<10112x128xf32, #tpu.memory_space<hbm>>
      %dma_wait3A_138 = tpu.memref_slice %arg11[%dma_wait3A_127] : memref<2x!tpu.dma_semaphore, #tpu.memory_space<semaphore_mem>> -> memref<1x!tpu.dma_semaphore, #tpu.memory_space<semaphore_mem>>
      %dma_wait3A_139 = tpu.memref_squeeze %dma_wait3A_138 : memref<1x!tpu.dma_semaphore, #tpu.memory_space<semaphore_mem>> -> memref<!tpu.dma_semaphore, #tpu.memory_space<semaphore_mem>>
      tpu.wait_indirect_dma semaphore(%dma_wait3A_139 : memref<!tpu.dma_semaphore, #tpu.memory_space<semaphore_mem>>) src(%dma_wait3A_137 : memref<10112x128xf32, #tpu.memory_space<hbm>>) dst(%dma_wait3A_131 : memref<128x128xf32, #tpu.memory_space<vmem>>)
      %dma_start3A_140 = arith.constant 1 : i32
      %dma_start3A_141 = arith.constant 1 : i32
      %dma_start3A_142 = arith.constant 0 : i32
      %dma_start3A_143 = arith.constant 0 : i32
      %dma_start3A_144 = tpu.memref_slice %arg9[%dma_start3A_140, %dma_start3A_142, %dma_start3A_143] : memref<2x128x128xf32, #tpu.memory_space<vmem>> -> memref<1x128x128xf32, #tpu.memory_space<vmem>>
      %dma_start3A_145 = tpu.memref_squeeze %dma_start3A_144 : memref<1x128x128xf32, #tpu.memory_space<vmem>> -> memref<128x128xf32, #tpu.memory_space<vmem>>
      %dma_start3A_146 = arith.constant 0 : i32
      %dma_start3A_147 = tpu.memref_slice %arg7[%add3A_104, %dma_start3A_146] : memref<80x128xi32, #tpu.memory_space<vmem>> -> memref<1x128xi32, #tpu.memory_space<vmem>>
      %dma_start3A_148 = tpu.memref_squeeze %dma_start3A_147 : memref<1x128xi32, #tpu.memory_space<vmem>> -> memref<128xi32, #tpu.memory_space<vmem>>
      %dma_start3A_149 = arith.constant 0 : i32
      %dma_start3A_150 = arith.constant 0 : i32
      %dma_start3A_151 = tpu.memref_slice %arg10[%dma_start3A_149, %dma_start3A_150] : memref<10112x128xf32, #tpu.memory_space<vmem_shared>> -> memref<10112x128xf32, #tpu.memory_space<vmem_shared>>
      %dma_start3A_152 = tpu.memref_slice %arg12[%dma_start3A_141] : memref<2x!tpu.dma_semaphore, #tpu.memory_space<semaphore_mem>> -> memref<1x!tpu.dma_semaphore, #tpu.memory_space<semaphore_mem>>
      %dma_start3A_153 = tpu.memref_squeeze %dma_start3A_152 : memref<1x!tpu.dma_semaphore, #tpu.memory_space<semaphore_mem>> -> memref<!tpu.dma_semaphore, #tpu.memory_space<semaphore_mem>>
      tpu.enqueue_indirect_dma source(%dma_start3A_145 : memref<128x128xf32, #tpu.memory_space<vmem>>) target(%dma_start3A_151 : memref<10112x128xf32, #tpu.memory_space<vmem_shared>>) offsets(%dma_start3A_148 : memref<128xi32, #tpu.memory_space<vmem>>) semaphore(%dma_start3A_153 : memref<!tpu.dma_semaphore, #tpu.memory_space<semaphore_mem>>) {add = true}
      %mul3A_154 = arith.constant 8 : i32
      %mul3A_155 = arith.muli %scan3A_46, %mul3A_154 : i32
      %add3A_156 = arith.constant 2 : i32
      %add3A_157 = arith.addi %mul3A_155, %add3A_156 : i32
      %dma_start3A_158 = arith.constant 2 : i32
      %dma_start3A_159 = arith.constant 0 : i32
      %dma_start3A_160 = arith.constant 0 : i32
      %dma_start3A_161 = arith.constant 0 : i32
      %dma_start3A_162 = arith.constant 0 : i32
      %dma_start3A_163 = tpu.memref_slice %arg9[%dma_start3A_159, %dma_start3A_161, %dma_start3A_162] : memref<2x128x128xf32, #tpu.memory_space<vmem>> -> memref<1x128x128xf32, #tpu.memory_space<vmem>>
      %dma_start3A_164 = tpu.memref_squeeze %dma_start3A_163 : memref<1x128x128xf32, #tpu.memory_space<vmem>> -> memref<128x128xf32, #tpu.memory_space<vmem>>
      %dma_start3A_165 = arith.constant 0 : i32
      %dma_start3A_166 = tpu.memref_slice %arg8[%dma_start3A_158, %dma_start3A_165] : memref<8x128xi32, #tpu.memory_space<vmem>> -> memref<1x128xi32, #tpu.memory_space<vmem>>
      %dma_start3A_167 = tpu.memref_squeeze %dma_start3A_166 : memref<1x128xi32, #tpu.memory_space<vmem>> -> memref<128xi32, #tpu.memory_space<vmem>>
      %dma_start3A_168 = arith.constant 0 : i32
      %dma_start3A_169 = arith.constant 0 : i32
      %dma_start3A_170 = tpu.memref_slice %arg2[%dma_start3A_168, %dma_start3A_169] : memref<10112x128xf32, #tpu.memory_space<hbm>> -> memref<10112x128xf32, #tpu.memory_space<hbm>>
      %dma_start3A_171 = tpu.memref_slice %arg11[%dma_start3A_160] : memref<2x!tpu.dma_semaphore, #tpu.memory_space<semaphore_mem>> -> memref<1x!tpu.dma_semaphore, #tpu.memory_space<semaphore_mem>>
      %dma_start3A_172 = tpu.memref_squeeze %dma_start3A_171 : memref<1x!tpu.dma_semaphore, #tpu.memory_space<semaphore_mem>> -> memref<!tpu.dma_semaphore, #tpu.memory_space<semaphore_mem>>
      tpu.enqueue_indirect_dma source(%dma_start3A_170 : memref<10112x128xf32, #tpu.memory_space<hbm>>) target(%dma_start3A_164 : memref<128x128xf32, #tpu.memory_space<vmem>>) offsets(%dma_start3A_167 : memref<128xi32, #tpu.memory_space<vmem>>) semaphore(%dma_start3A_172 : memref<!tpu.dma_semaphore, #tpu.memory_space<semaphore_mem>>)
      %ge3A_173 = arith.constant 1 : i32
      %ge3A_174 = arith.cmpi sge, %add3A_157, %ge3A_173 : i32
      %convert_element_type3A_175 = arith.extui %ge3A_174 : i1 to i32
      %cond3A_176 = arith.constant 0 : i32
      %cond3A_177 = arith.cmpi ne, %convert_element_type3A_175, %cond3A_176 : i32
      scf.if %cond3A_177 {
        %dma_wait3A_473 = arith.constant 1 : i32
        %dma_wait3A_474 = arith.constant 0 : i32
        %dma_wait3A_475 = arith.constant 1 : i32
        %dma_wait3A_476 = arith.constant 0 : i32
        %dma_wait3A_477 = arith.constant 0 : i32
        %dma_wait3A_478 = tpu.memref_slice %arg9[%dma_wait3A_473, %dma_wait3A_476, %dma_wait3A_477] : memref<2x128x128xf32, #tpu.memory_space<vmem>> -> memref<1x128x128xf32, #tpu.memory_space<vmem>>
        %dma_wait3A_479 = tpu.memref_squeeze %dma_wait3A_478 : memref<1x128x128xf32, #tpu.memory_space<vmem>> -> memref<128x128xf32, #tpu.memory_space<vmem>>
        %dma_wait3A_480 = arith.constant 0 : i32
        %dma_wait3A_481 = tpu.memref_slice %arg7[%dma_wait3A_474, %dma_wait3A_480] : memref<80x128xi32, #tpu.memory_space<vmem>> -> memref<1x128xi32, #tpu.memory_space<vmem>>
        %dma_wait3A_482 = tpu.memref_squeeze %dma_wait3A_481 : memref<1x128xi32, #tpu.memory_space<vmem>> -> memref<128xi32, #tpu.memory_space<vmem>>
        %dma_wait3A_483 = arith.constant 0 : i32
        %dma_wait3A_484 = arith.constant 0 : i32
        %dma_wait3A_485 = tpu.memref_slice %arg10[%dma_wait3A_483, %dma_wait3A_484] : memref<10112x128xf32, #tpu.memory_space<vmem_shared>> -> memref<10112x128xf32, #tpu.memory_space<vmem_shared>>
        %dma_wait3A_486 = tpu.memref_slice %arg12[%dma_wait3A_475] : memref<2x!tpu.dma_semaphore, #tpu.memory_space<semaphore_mem>> -> memref<1x!tpu.dma_semaphore, #tpu.memory_space<semaphore_mem>>
        %dma_wait3A_487 = tpu.memref_squeeze %dma_wait3A_486 : memref<1x!tpu.dma_semaphore, #tpu.memory_space<semaphore_mem>> -> memref<!tpu.dma_semaphore, #tpu.memory_space<semaphore_mem>>
        tpu.wait_indirect_dma semaphore(%dma_wait3A_487 : memref<!tpu.dma_semaphore, #tpu.memory_space<semaphore_mem>>) src(%dma_wait3A_479 : memref<128x128xf32, #tpu.memory_space<vmem>>) dst(%dma_wait3A_485 : memref<10112x128xf32, #tpu.memory_space<vmem_shared>>)
      } else {
      }
      %dma_wait3A_178 = arith.constant 2 : i32
      %dma_wait3A_179 = arith.constant 0 : i32
      %dma_wait3A_180 = arith.constant 0 : i32
      %dma_wait3A_181 = arith.constant 0 : i32
      %dma_wait3A_182 = arith.constant 0 : i32
      %dma_wait3A_183 = tpu.memref_slice %arg9[%dma_wait3A_179, %dma_wait3A_181, %dma_wait3A_182] : memref<2x128x128xf32, #tpu.memory_space<vmem>> -> memref<1x128x128xf32, #tpu.memory_space<vmem>>
      %dma_wait3A_184 = tpu.memref_squeeze %dma_wait3A_183 : memref<1x128x128xf32, #tpu.memory_space<vmem>> -> memref<128x128xf32, #tpu.memory_space<vmem>>
      %dma_wait3A_185 = arith.constant 0 : i32
      %dma_wait3A_186 = tpu.memref_slice %arg8[%dma_wait3A_178, %dma_wait3A_185] : memref<8x128xi32, #tpu.memory_space<vmem>> -> memref<1x128xi32, #tpu.memory_space<vmem>>
      %dma_wait3A_187 = tpu.memref_squeeze %dma_wait3A_186 : memref<1x128xi32, #tpu.memory_space<vmem>> -> memref<128xi32, #tpu.memory_space<vmem>>
      %dma_wait3A_188 = arith.constant 0 : i32
      %dma_wait3A_189 = arith.constant 0 : i32
      %dma_wait3A_190 = tpu.memref_slice %arg2[%dma_wait3A_188, %dma_wait3A_189] : memref<10112x128xf32, #tpu.memory_space<hbm>> -> memref<10112x128xf32, #tpu.memory_space<hbm>>
      %dma_wait3A_191 = tpu.memref_slice %arg11[%dma_wait3A_180] : memref<2x!tpu.dma_semaphore, #tpu.memory_space<semaphore_mem>> -> memref<1x!tpu.dma_semaphore, #tpu.memory_space<semaphore_mem>>
      %dma_wait3A_192 = tpu.memref_squeeze %dma_wait3A_191 : memref<1x!tpu.dma_semaphore, #tpu.memory_space<semaphore_mem>> -> memref<!tpu.dma_semaphore, #tpu.memory_space<semaphore_mem>>
      tpu.wait_indirect_dma semaphore(%dma_wait3A_192 : memref<!tpu.dma_semaphore, #tpu.memory_space<semaphore_mem>>) src(%dma_wait3A_190 : memref<10112x128xf32, #tpu.memory_space<hbm>>) dst(%dma_wait3A_184 : memref<128x128xf32, #tpu.memory_space<vmem>>)
      %dma_start3A_193 = arith.constant 0 : i32
      %dma_start3A_194 = arith.constant 0 : i32
      %dma_start3A_195 = arith.constant 0 : i32
      %dma_start3A_196 = arith.constant 0 : i32
      %dma_start3A_197 = tpu.memref_slice %arg9[%dma_start3A_193, %dma_start3A_195, %dma_start3A_196] : memref<2x128x128xf32, #tpu.memory_space<vmem>> -> memref<1x128x128xf32, #tpu.memory_space<vmem>>
      %dma_start3A_198 = tpu.memref_squeeze %dma_start3A_197 : memref<1x128x128xf32, #tpu.memory_space<vmem>> -> memref<128x128xf32, #tpu.memory_space<vmem>>
      %dma_start3A_199 = arith.constant 0 : i32
      %dma_start3A_200 = tpu.memref_slice %arg7[%add3A_157, %dma_start3A_199] : memref<80x128xi32, #tpu.memory_space<vmem>> -> memref<1x128xi32, #tpu.memory_space<vmem>>
      %dma_start3A_201 = tpu.memref_squeeze %dma_start3A_200 : memref<1x128xi32, #tpu.memory_space<vmem>> -> memref<128xi32, #tpu.memory_space<vmem>>
      %dma_start3A_202 = arith.constant 0 : i32
      %dma_start3A_203 = arith.constant 0 : i32
      %dma_start3A_204 = tpu.memref_slice %arg10[%dma_start3A_202, %dma_start3A_203] : memref<10112x128xf32, #tpu.memory_space<vmem_shared>> -> memref<10112x128xf32, #tpu.memory_space<vmem_shared>>
      %dma_start3A_205 = tpu.memref_slice %arg12[%dma_start3A_194] : memref<2x!tpu.dma_semaphore, #tpu.memory_space<semaphore_mem>> -> memref<1x!tpu.dma_semaphore, #tpu.memory_space<semaphore_mem>>
      %dma_start3A_206 = tpu.memref_squeeze %dma_start3A_205 : memref<1x!tpu.dma_semaphore, #tpu.memory_space<semaphore_mem>> -> memref<!tpu.dma_semaphore, #tpu.memory_space<semaphore_mem>>
      tpu.enqueue_indirect_dma source(%dma_start3A_198 : memref<128x128xf32, #tpu.memory_space<vmem>>) target(%dma_start3A_204 : memref<10112x128xf32, #tpu.memory_space<vmem_shared>>) offsets(%dma_start3A_201 : memref<128xi32, #tpu.memory_space<vmem>>) semaphore(%dma_start3A_206 : memref<!tpu.dma_semaphore, #tpu.memory_space<semaphore_mem>>) {add = true}
      %mul3A_207 = arith.constant 8 : i32
      %mul3A_208 = arith.muli %scan3A_46, %mul3A_207 : i32
      %add3A_209 = arith.constant 3 : i32
      %add3A_210 = arith.addi %mul3A_208, %add3A_209 : i32
      %dma_start3A_211 = arith.constant 3 : i32
      %dma_start3A_212 = arith.constant 1 : i32
      %dma_start3A_213 = arith.constant 1 : i32
      %dma_start3A_214 = arith.constant 0 : i32
      %dma_start3A_215 = arith.constant 0 : i32
      %dma_start3A_216 = tpu.memref_slice %arg9[%dma_start3A_212, %dma_start3A_214, %dma_start3A_215] : memref<2x128x128xf32, #tpu.memory_space<vmem>> -> memref<1x128x128xf32, #tpu.memory_space<vmem>>
      %dma_start3A_217 = tpu.memref_squeeze %dma_start3A_216 : memref<1x128x128xf32, #tpu.memory_space<vmem>> -> memref<128x128xf32, #tpu.memory_space<vmem>>
      %dma_start3A_218 = arith.constant 0 : i32
      %dma_start3A_219 = tpu.memref_slice %arg8[%dma_start3A_211, %dma_start3A_218] : memref<8x128xi32, #tpu.memory_space<vmem>> -> memref<1x128xi32, #tpu.memory_space<vmem>>
      %dma_start3A_220 = tpu.memref_squeeze %dma_start3A_219 : memref<1x128xi32, #tpu.memory_space<vmem>> -> memref<128xi32, #tpu.memory_space<vmem>>
      %dma_start3A_221 = arith.constant 0 : i32
      %dma_start3A_222 = arith.constant 0 : i32
      %dma_start3A_223 = tpu.memref_slice %arg2[%dma_start3A_221, %dma_start3A_222] : memref<10112x128xf32, #tpu.memory_space<hbm>> -> memref<10112x128xf32, #tpu.memory_space<hbm>>
      %dma_start3A_224 = tpu.memref_slice %arg11[%dma_start3A_213] : memref<2x!tpu.dma_semaphore, #tpu.memory_space<semaphore_mem>> -> memref<1x!tpu.dma_semaphore, #tpu.memory_space<semaphore_mem>>
      %dma_start3A_225 = tpu.memref_squeeze %dma_start3A_224 : memref<1x!tpu.dma_semaphore, #tpu.memory_space<semaphore_mem>> -> memref<!tpu.dma_semaphore, #tpu.memory_space<semaphore_mem>>
      tpu.enqueue_indirect_dma source(%dma_start3A_223 : memref<10112x128xf32, #tpu.memory_space<hbm>>) target(%dma_start3A_217 : memref<128x128xf32, #tpu.memory_space<vmem>>) offsets(%dma_start3A_220 : memref<128xi32, #tpu.memory_space<vmem>>) semaphore(%dma_start3A_225 : memref<!tpu.dma_semaphore, #tpu.memory_space<semaphore_mem>>)
      %ge3A_226 = arith.constant 1 : i32
      %ge3A_227 = arith.cmpi sge, %add3A_210, %ge3A_226 : i32
      %convert_element_type3A_228 = arith.extui %ge3A_227 : i1 to i32
      %cond3A_229 = arith.constant 0 : i32
      %cond3A_230 = arith.cmpi ne, %convert_element_type3A_228, %cond3A_229 : i32
      scf.if %cond3A_230 {
        %dma_wait3A_473 = arith.constant 0 : i32
        %dma_wait3A_474 = arith.constant 0 : i32
        %dma_wait3A_475 = arith.constant 0 : i32
        %dma_wait3A_476 = arith.constant 0 : i32
        %dma_wait3A_477 = arith.constant 0 : i32
        %dma_wait3A_478 = tpu.memref_slice %arg9[%dma_wait3A_473, %dma_wait3A_476, %dma_wait3A_477] : memref<2x128x128xf32, #tpu.memory_space<vmem>> -> memref<1x128x128xf32, #tpu.memory_space<vmem>>
        %dma_wait3A_479 = tpu.memref_squeeze %dma_wait3A_478 : memref<1x128x128xf32, #tpu.memory_space<vmem>> -> memref<128x128xf32, #tpu.memory_space<vmem>>
        %dma_wait3A_480 = arith.constant 0 : i32
        %dma_wait3A_481 = tpu.memref_slice %arg7[%dma_wait3A_474, %dma_wait3A_480] : memref<80x128xi32, #tpu.memory_space<vmem>> -> memref<1x128xi32, #tpu.memory_space<vmem>>
        %dma_wait3A_482 = tpu.memref_squeeze %dma_wait3A_481 : memref<1x128xi32, #tpu.memory_space<vmem>> -> memref<128xi32, #tpu.memory_space<vmem>>
        %dma_wait3A_483 = arith.constant 0 : i32
        %dma_wait3A_484 = arith.constant 0 : i32
        %dma_wait3A_485 = tpu.memref_slice %arg10[%dma_wait3A_483, %dma_wait3A_484] : memref<10112x128xf32, #tpu.memory_space<vmem_shared>> -> memref<10112x128xf32, #tpu.memory_space<vmem_shared>>
        %dma_wait3A_486 = tpu.memref_slice %arg12[%dma_wait3A_475] : memref<2x!tpu.dma_semaphore, #tpu.memory_space<semaphore_mem>> -> memref<1x!tpu.dma_semaphore, #tpu.memory_space<semaphore_mem>>
        %dma_wait3A_487 = tpu.memref_squeeze %dma_wait3A_486 : memref<1x!tpu.dma_semaphore, #tpu.memory_space<semaphore_mem>> -> memref<!tpu.dma_semaphore, #tpu.memory_space<semaphore_mem>>
        tpu.wait_indirect_dma semaphore(%dma_wait3A_487 : memref<!tpu.dma_semaphore, #tpu.memory_space<semaphore_mem>>) src(%dma_wait3A_479 : memref<128x128xf32, #tpu.memory_space<vmem>>) dst(%dma_wait3A_485 : memref<10112x128xf32, #tpu.memory_space<vmem_shared>>)
      } else {
      }
      %dma_wait3A_231 = arith.constant 3 : i32
      %dma_wait3A_232 = arith.constant 1 : i32
      %dma_wait3A_233 = arith.constant 1 : i32
      %dma_wait3A_234 = arith.constant 0 : i32
      %dma_wait3A_235 = arith.constant 0 : i32
      %dma_wait3A_236 = tpu.memref_slice %arg9[%dma_wait3A_232, %dma_wait3A_234, %dma_wait3A_235] : memref<2x128x128xf32, #tpu.memory_space<vmem>> -> memref<1x128x128xf32, #tpu.memory_space<vmem>>
      %dma_wait3A_237 = tpu.memref_squeeze %dma_wait3A_236 : memref<1x128x128xf32, #tpu.memory_space<vmem>> -> memref<128x128xf32, #tpu.memory_space<vmem>>
      %dma_wait3A_238 = arith.constant 0 : i32
      %dma_wait3A_239 = tpu.memref_slice %arg8[%dma_wait3A_231, %dma_wait3A_238] : memref<8x128xi32, #tpu.memory_space<vmem>> -> memref<1x128xi32, #tpu.memory_space<vmem>>
      %dma_wait3A_240 = tpu.memref_squeeze %dma_wait3A_239 : memref<1x128xi32, #tpu.memory_space<vmem>> -> memref<128xi32, #tpu.memory_space<vmem>>
      %dma_wait3A_241 = arith.constant 0 : i32
      %dma_wait3A_242 = arith.constant 0 : i32
      %dma_wait3A_243 = tpu.memref_slice %arg2[%dma_wait3A_241, %dma_wait3A_242] : memref<10112x128xf32, #tpu.memory_space<hbm>> -> memref<10112x128xf32, #tpu.memory_space<hbm>>
      %dma_wait3A_244 = tpu.memref_slice %arg11[%dma_wait3A_233] : memref<2x!tpu.dma_semaphore, #tpu.memory_space<semaphore_mem>> -> memref<1x!tpu.dma_semaphore, #tpu.memory_space<semaphore_mem>>
      %dma_wait3A_245 = tpu.memref_squeeze %dma_wait3A_244 : memref<1x!tpu.dma_semaphore, #tpu.memory_space<semaphore_mem>> -> memref<!tpu.dma_semaphore, #tpu.memory_space<semaphore_mem>>
      tpu.wait_indirect_dma semaphore(%dma_wait3A_245 : memref<!tpu.dma_semaphore, #tpu.memory_space<semaphore_mem>>) src(%dma_wait3A_243 : memref<10112x128xf32, #tpu.memory_space<hbm>>) dst(%dma_wait3A_237 : memref<128x128xf32, #tpu.memory_space<vmem>>)
      %dma_start3A_246 = arith.constant 1 : i32
      %dma_start3A_247 = arith.constant 1 : i32
      %dma_start3A_248 = arith.constant 0 : i32
      %dma_start3A_249 = arith.constant 0 : i32
      %dma_start3A_250 = tpu.memref_slice %arg9[%dma_start3A_246, %dma_start3A_248, %dma_start3A_249] : memref<2x128x128xf32, #tpu.memory_space<vmem>> -> memref<1x128x128xf32, #tpu.memory_space<vmem>>
      %dma_start3A_251 = tpu.memref_squeeze %dma_start3A_250 : memref<1x128x128xf32, #tpu.memory_space<vmem>> -> memref<128x128xf32, #tpu.memory_space<vmem>>
      %dma_start3A_252 = arith.constant 0 : i32
      %dma_start3A_253 = tpu.memref_slice %arg7[%add3A_210, %dma_start3A_252] : memref<80x128xi32, #tpu.memory_space<vmem>> -> memref<1x128xi32, #tpu.memory_space<vmem>>
      %dma_start3A_254 = tpu.memref_squeeze %dma_start3A_253 : memref<1x128xi32, #tpu.memory_space<vmem>> -> memref<128xi32, #tpu.memory_space<vmem>>
      %dma_start3A_255 = arith.constant 0 : i32
      %dma_start3A_256 = arith.constant 0 : i32
      %dma_start3A_257 = tpu.memref_slice %arg10[%dma_start3A_255, %dma_start3A_256] : memref<10112x128xf32, #tpu.memory_space<vmem_shared>> -> memref<10112x128xf32, #tpu.memory_space<vmem_shared>>
      %dma_start3A_258 = tpu.memref_slice %arg12[%dma_start3A_247] : memref<2x!tpu.dma_semaphore, #tpu.memory_space<semaphore_mem>> -> memref<1x!tpu.dma_semaphore, #tpu.memory_space<semaphore_mem>>
      %dma_start3A_259 = tpu.memref_squeeze %dma_start3A_258 : memref<1x!tpu.dma_semaphore, #tpu.memory_space<semaphore_mem>> -> memref<!tpu.dma_semaphore, #tpu.memory_space<semaphore_mem>>
      tpu.enqueue_indirect_dma source(%dma_start3A_251 : memref<128x128xf32, #tpu.memory_space<vmem>>) target(%dma_start3A_257 : memref<10112x128xf32, #tpu.memory_space<vmem_shared>>) offsets(%dma_start3A_254 : memref<128xi32, #tpu.memory_space<vmem>>) semaphore(%dma_start3A_259 : memref<!tpu.dma_semaphore, #tpu.memory_space<semaphore_mem>>) {add = true}
      %mul3A_260 = arith.constant 8 : i32
      %mul3A_261 = arith.muli %scan3A_46, %mul3A_260 : i32
      %add3A_262 = arith.constant 4 : i32
      %add3A_263 = arith.addi %mul3A_261, %add3A_262 : i32
      %dma_start3A_264 = arith.constant 4 : i32
      %dma_start3A_265 = arith.constant 0 : i32
      %dma_start3A_266 = arith.constant 0 : i32
      %dma_start3A_267 = arith.constant 0 : i32
      %dma_start3A_268 = arith.constant 0 : i32
      %dma_start3A_269 = tpu.memref_slice %arg9[%dma_start3A_265, %dma_start3A_267, %dma_start3A_268] : memref<2x128x128xf32, #tpu.memory_space<vmem>> -> memref<1x128x128xf32, #tpu.memory_space<vmem>>
      %dma_start3A_270 = tpu.memref_squeeze %dma_start3A_269 : memref<1x128x128xf32, #tpu.memory_space<vmem>> -> memref<128x128xf32, #tpu.memory_space<vmem>>
      %dma_start3A_271 = arith.constant 0 : i32
      %dma_start3A_272 = tpu.memref_slice %arg8[%dma_start3A_264, %dma_start3A_271] : memref<8x128xi32, #tpu.memory_space<vmem>> -> memref<1x128xi32, #tpu.memory_space<vmem>>
      %dma_start3A_273 = tpu.memref_squeeze %dma_start3A_272 : memref<1x128xi32, #tpu.memory_space<vmem>> -> memref<128xi32, #tpu.memory_space<vmem>>
      %dma_start3A_274 = arith.constant 0 : i32
      %dma_start3A_275 = arith.constant 0 : i32
      %dma_start3A_276 = tpu.memref_slice %arg2[%dma_start3A_274, %dma_start3A_275] : memref<10112x128xf32, #tpu.memory_space<hbm>> -> memref<10112x128xf32, #tpu.memory_space<hbm>>
      %dma_start3A_277 = tpu.memref_slice %arg11[%dma_start3A_266] : memref<2x!tpu.dma_semaphore, #tpu.memory_space<semaphore_mem>> -> memref<1x!tpu.dma_semaphore, #tpu.memory_space<semaphore_mem>>
      %dma_start3A_278 = tpu.memref_squeeze %dma_start3A_277 : memref<1x!tpu.dma_semaphore, #tpu.memory_space<semaphore_mem>> -> memref<!tpu.dma_semaphore, #tpu.memory_space<semaphore_mem>>
      tpu.enqueue_indirect_dma source(%dma_start3A_276 : memref<10112x128xf32, #tpu.memory_space<hbm>>) target(%dma_start3A_270 : memref<128x128xf32, #tpu.memory_space<vmem>>) offsets(%dma_start3A_273 : memref<128xi32, #tpu.memory_space<vmem>>) semaphore(%dma_start3A_278 : memref<!tpu.dma_semaphore, #tpu.memory_space<semaphore_mem>>)
      %ge3A_279 = arith.constant 1 : i32
      %ge3A_280 = arith.cmpi sge, %add3A_263, %ge3A_279 : i32
      %convert_element_type3A_281 = arith.extui %ge3A_280 : i1 to i32
      %cond3A_282 = arith.constant 0 : i32
      %cond3A_283 = arith.cmpi ne, %convert_element_type3A_281, %cond3A_282 : i32
      scf.if %cond3A_283 {
        %dma_wait3A_473 = arith.constant 1 : i32
        %dma_wait3A_474 = arith.constant 0 : i32
        %dma_wait3A_475 = arith.constant 1 : i32
        %dma_wait3A_476 = arith.constant 0 : i32
        %dma_wait3A_477 = arith.constant 0 : i32
        %dma_wait3A_478 = tpu.memref_slice %arg9[%dma_wait3A_473, %dma_wait3A_476, %dma_wait3A_477] : memref<2x128x128xf32, #tpu.memory_space<vmem>> -> memref<1x128x128xf32, #tpu.memory_space<vmem>>
        %dma_wait3A_479 = tpu.memref_squeeze %dma_wait3A_478 : memref<1x128x128xf32, #tpu.memory_space<vmem>> -> memref<128x128xf32, #tpu.memory_space<vmem>>
        %dma_wait3A_480 = arith.constant 0 : i32
        %dma_wait3A_481 = tpu.memref_slice %arg7[%dma_wait3A_474, %dma_wait3A_480] : memref<80x128xi32, #tpu.memory_space<vmem>> -> memref<1x128xi32, #tpu.memory_space<vmem>>
        %dma_wait3A_482 = tpu.memref_squeeze %dma_wait3A_481 : memref<1x128xi32, #tpu.memory_space<vmem>> -> memref<128xi32, #tpu.memory_space<vmem>>
        %dma_wait3A_483 = arith.constant 0 : i32
        %dma_wait3A_484 = arith.constant 0 : i32
        %dma_wait3A_485 = tpu.memref_slice %arg10[%dma_wait3A_483, %dma_wait3A_484] : memref<10112x128xf32, #tpu.memory_space<vmem_shared>> -> memref<10112x128xf32, #tpu.memory_space<vmem_shared>>
        %dma_wait3A_486 = tpu.memref_slice %arg12[%dma_wait3A_475] : memref<2x!tpu.dma_semaphore, #tpu.memory_space<semaphore_mem>> -> memref<1x!tpu.dma_semaphore, #tpu.memory_space<semaphore_mem>>
        %dma_wait3A_487 = tpu.memref_squeeze %dma_wait3A_486 : memref<1x!tpu.dma_semaphore, #tpu.memory_space<semaphore_mem>> -> memref<!tpu.dma_semaphore, #tpu.memory_space<semaphore_mem>>
        tpu.wait_indirect_dma semaphore(%dma_wait3A_487 : memref<!tpu.dma_semaphore, #tpu.memory_space<semaphore_mem>>) src(%dma_wait3A_479 : memref<128x128xf32, #tpu.memory_space<vmem>>) dst(%dma_wait3A_485 : memref<10112x128xf32, #tpu.memory_space<vmem_shared>>)
      } else {
      }
      %dma_wait3A_284 = arith.constant 4 : i32
      %dma_wait3A_285 = arith.constant 0 : i32
      %dma_wait3A_286 = arith.constant 0 : i32
      %dma_wait3A_287 = arith.constant 0 : i32
      %dma_wait3A_288 = arith.constant 0 : i32
      %dma_wait3A_289 = tpu.memref_slice %arg9[%dma_wait3A_285, %dma_wait3A_287, %dma_wait3A_288] : memref<2x128x128xf32, #tpu.memory_space<vmem>> -> memref<1x128x128xf32, #tpu.memory_space<vmem>>
      %dma_wait3A_290 = tpu.memref_squeeze %dma_wait3A_289 : memref<1x128x128xf32, #tpu.memory_space<vmem>> -> memref<128x128xf32, #tpu.memory_space<vmem>>
      %dma_wait3A_291 = arith.constant 0 : i32
      %dma_wait3A_292 = tpu.memref_slice %arg8[%dma_wait3A_284, %dma_wait3A_291] : memref<8x128xi32, #tpu.memory_space<vmem>> -> memref<1x128xi32, #tpu.memory_space<vmem>>
      %dma_wait3A_293 = tpu.memref_squeeze %dma_wait3A_292 : memref<1x128xi32, #tpu.memory_space<vmem>> -> memref<128xi32, #tpu.memory_space<vmem>>
      %dma_wait3A_294 = arith.constant 0 : i32
      %dma_wait3A_295 = arith.constant 0 : i32
      %dma_wait3A_296 = tpu.memref_slice %arg2[%dma_wait3A_294, %dma_wait3A_295] : memref<10112x128xf32, #tpu.memory_space<hbm>> -> memref<10112x128xf32, #tpu.memory_space<hbm>>
      %dma_wait3A_297 = tpu.memref_slice %arg11[%dma_wait3A_286] : memref<2x!tpu.dma_semaphore, #tpu.memory_space<semaphore_mem>> -> memref<1x!tpu.dma_semaphore, #tpu.memory_space<semaphore_mem>>
      %dma_wait3A_298 = tpu.memref_squeeze %dma_wait3A_297 : memref<1x!tpu.dma_semaphore, #tpu.memory_space<semaphore_mem>> -> memref<!tpu.dma_semaphore, #tpu.memory_space<semaphore_mem>>
      tpu.wait_indirect_dma semaphore(%dma_wait3A_298 : memref<!tpu.dma_semaphore, #tpu.memory_space<semaphore_mem>>) src(%dma_wait3A_296 : memref<10112x128xf32, #tpu.memory_space<hbm>>) dst(%dma_wait3A_290 : memref<128x128xf32, #tpu.memory_space<vmem>>)
      %dma_start3A_299 = arith.constant 0 : i32
      %dma_start3A_300 = arith.constant 0 : i32
      %dma_start3A_301 = arith.constant 0 : i32
      %dma_start3A_302 = arith.constant 0 : i32
      %dma_start3A_303 = tpu.memref_slice %arg9[%dma_start3A_299, %dma_start3A_301, %dma_start3A_302] : memref<2x128x128xf32, #tpu.memory_space<vmem>> -> memref<1x128x128xf32, #tpu.memory_space<vmem>>
      %dma_start3A_304 = tpu.memref_squeeze %dma_start3A_303 : memref<1x128x128xf32, #tpu.memory_space<vmem>> -> memref<128x128xf32, #tpu.memory_space<vmem>>
      %dma_start3A_305 = arith.constant 0 : i32
      %dma_start3A_306 = tpu.memref_slice %arg7[%add3A_263, %dma_start3A_305] : memref<80x128xi32, #tpu.memory_space<vmem>> -> memref<1x128xi32, #tpu.memory_space<vmem>>
      %dma_start3A_307 = tpu.memref_squeeze %dma_start3A_306 : memref<1x128xi32, #tpu.memory_space<vmem>> -> memref<128xi32, #tpu.memory_space<vmem>>
      %dma_start3A_308 = arith.constant 0 : i32
      %dma_start3A_309 = arith.constant 0 : i32
      %dma_start3A_310 = tpu.memref_slice %arg10[%dma_start3A_308, %dma_start3A_309] : memref<10112x128xf32, #tpu.memory_space<vmem_shared>> -> memref<10112x128xf32, #tpu.memory_space<vmem_shared>>
      %dma_start3A_311 = tpu.memref_slice %arg12[%dma_start3A_300] : memref<2x!tpu.dma_semaphore, #tpu.memory_space<semaphore_mem>> -> memref<1x!tpu.dma_semaphore, #tpu.memory_space<semaphore_mem>>
      %dma_start3A_312 = tpu.memref_squeeze %dma_start3A_311 : memref<1x!tpu.dma_semaphore, #tpu.memory_space<semaphore_mem>> -> memref<!tpu.dma_semaphore, #tpu.memory_space<semaphore_mem>>
      tpu.enqueue_indirect_dma source(%dma_start3A_304 : memref<128x128xf32, #tpu.memory_space<vmem>>) target(%dma_start3A_310 : memref<10112x128xf32, #tpu.memory_space<vmem_shared>>) offsets(%dma_start3A_307 : memref<128xi32, #tpu.memory_space<vmem>>) semaphore(%dma_start3A_312 : memref<!tpu.dma_semaphore, #tpu.memory_space<semaphore_mem>>) {add = true}
      %mul3A_313 = arith.constant 8 : i32
      %mul3A_314 = arith.muli %scan3A_46, %mul3A_313 : i32
      %add3A_315 = arith.constant 5 : i32
      %add3A_316 = arith.addi %mul3A_314, %add3A_315 : i32
      %dma_start3A_317 = arith.constant 5 : i32
      %dma_start3A_318 = arith.constant 1 : i32
      %dma_start3A_319 = arith.constant 1 : i32
      %dma_start3A_320 = arith.constant 0 : i32
      %dma_start3A_321 = arith.constant 0 : i32
      %dma_start3A_322 = tpu.memref_slice %arg9[%dma_start3A_318, %dma_start3A_320, %dma_start3A_321] : memref<2x128x128xf32, #tpu.memory_space<vmem>> -> memref<1x128x128xf32, #tpu.memory_space<vmem>>
      %dma_start3A_323 = tpu.memref_squeeze %dma_start3A_322 : memref<1x128x128xf32, #tpu.memory_space<vmem>> -> memref<128x128xf32, #tpu.memory_space<vmem>>
      %dma_start3A_324 = arith.constant 0 : i32
      %dma_start3A_325 = tpu.memref_slice %arg8[%dma_start3A_317, %dma_start3A_324] : memref<8x128xi32, #tpu.memory_space<vmem>> -> memref<1x128xi32, #tpu.memory_space<vmem>>
      %dma_start3A_326 = tpu.memref_squeeze %dma_start3A_325 : memref<1x128xi32, #tpu.memory_space<vmem>> -> memref<128xi32, #tpu.memory_space<vmem>>
      %dma_start3A_327 = arith.constant 0 : i32
      %dma_start3A_328 = arith.constant 0 : i32
      %dma_start3A_329 = tpu.memref_slice %arg2[%dma_start3A_327, %dma_start3A_328] : memref<10112x128xf32, #tpu.memory_space<hbm>> -> memref<10112x128xf32, #tpu.memory_space<hbm>>
      %dma_start3A_330 = tpu.memref_slice %arg11[%dma_start3A_319] : memref<2x!tpu.dma_semaphore, #tpu.memory_space<semaphore_mem>> -> memref<1x!tpu.dma_semaphore, #tpu.memory_space<semaphore_mem>>
      %dma_start3A_331 = tpu.memref_squeeze %dma_start3A_330 : memref<1x!tpu.dma_semaphore, #tpu.memory_space<semaphore_mem>> -> memref<!tpu.dma_semaphore, #tpu.memory_space<semaphore_mem>>
      tpu.enqueue_indirect_dma source(%dma_start3A_329 : memref<10112x128xf32, #tpu.memory_space<hbm>>) target(%dma_start3A_323 : memref<128x128xf32, #tpu.memory_space<vmem>>) offsets(%dma_start3A_326 : memref<128xi32, #tpu.memory_space<vmem>>) semaphore(%dma_start3A_331 : memref<!tpu.dma_semaphore, #tpu.memory_space<semaphore_mem>>)
      %ge3A_332 = arith.constant 1 : i32
      %ge3A_333 = arith.cmpi sge, %add3A_316, %ge3A_332 : i32
      %convert_element_type3A_334 = arith.extui %ge3A_333 : i1 to i32
      %cond3A_335 = arith.constant 0 : i32
      %cond3A_336 = arith.cmpi ne, %convert_element_type3A_334, %cond3A_335 : i32
      scf.if %cond3A_336 {
        %dma_wait3A_473 = arith.constant 0 : i32
        %dma_wait3A_474 = arith.constant 0 : i32
        %dma_wait3A_475 = arith.constant 0 : i32
        %dma_wait3A_476 = arith.constant 0 : i32
        %dma_wait3A_477 = arith.constant 0 : i32
        %dma_wait3A_478 = tpu.memref_slice %arg9[%dma_wait3A_473, %dma_wait3A_476, %dma_wait3A_477] : memref<2x128x128xf32, #tpu.memory_space<vmem>> -> memref<1x128x128xf32, #tpu.memory_space<vmem>>
        %dma_wait3A_479 = tpu.memref_squeeze %dma_wait3A_478 : memref<1x128x128xf32, #tpu.memory_space<vmem>> -> memref<128x128xf32, #tpu.memory_space<vmem>>
        %dma_wait3A_480 = arith.constant 0 : i32
        %dma_wait3A_481 = tpu.memref_slice %arg7[%dma_wait3A_474, %dma_wait3A_480] : memref<80x128xi32, #tpu.memory_space<vmem>> -> memref<1x128xi32, #tpu.memory_space<vmem>>
        %dma_wait3A_482 = tpu.memref_squeeze %dma_wait3A_481 : memref<1x128xi32, #tpu.memory_space<vmem>> -> memref<128xi32, #tpu.memory_space<vmem>>
        %dma_wait3A_483 = arith.constant 0 : i32
        %dma_wait3A_484 = arith.constant 0 : i32
        %dma_wait3A_485 = tpu.memref_slice %arg10[%dma_wait3A_483, %dma_wait3A_484] : memref<10112x128xf32, #tpu.memory_space<vmem_shared>> -> memref<10112x128xf32, #tpu.memory_space<vmem_shared>>
        %dma_wait3A_486 = tpu.memref_slice %arg12[%dma_wait3A_475] : memref<2x!tpu.dma_semaphore, #tpu.memory_space<semaphore_mem>> -> memref<1x!tpu.dma_semaphore, #tpu.memory_space<semaphore_mem>>
        %dma_wait3A_487 = tpu.memref_squeeze %dma_wait3A_486 : memref<1x!tpu.dma_semaphore, #tpu.memory_space<semaphore_mem>> -> memref<!tpu.dma_semaphore, #tpu.memory_space<semaphore_mem>>
        tpu.wait_indirect_dma semaphore(%dma_wait3A_487 : memref<!tpu.dma_semaphore, #tpu.memory_space<semaphore_mem>>) src(%dma_wait3A_479 : memref<128x128xf32, #tpu.memory_space<vmem>>) dst(%dma_wait3A_485 : memref<10112x128xf32, #tpu.memory_space<vmem_shared>>)
      } else {
      }
      %dma_wait3A_337 = arith.constant 5 : i32
      %dma_wait3A_338 = arith.constant 1 : i32
      %dma_wait3A_339 = arith.constant 1 : i32
      %dma_wait3A_340 = arith.constant 0 : i32
      %dma_wait3A_341 = arith.constant 0 : i32
      %dma_wait3A_342 = tpu.memref_slice %arg9[%dma_wait3A_338, %dma_wait3A_340, %dma_wait3A_341] : memref<2x128x128xf32, #tpu.memory_space<vmem>> -> memref<1x128x128xf32, #tpu.memory_space<vmem>>
      %dma_wait3A_343 = tpu.memref_squeeze %dma_wait3A_342 : memref<1x128x128xf32, #tpu.memory_space<vmem>> -> memref<128x128xf32, #tpu.memory_space<vmem>>
      %dma_wait3A_344 = arith.constant 0 : i32
      %dma_wait3A_345 = tpu.memref_slice %arg8[%dma_wait3A_337, %dma_wait3A_344] : memref<8x128xi32, #tpu.memory_space<vmem>> -> memref<1x128xi32, #tpu.memory_space<vmem>>
      %dma_wait3A_346 = tpu.memref_squeeze %dma_wait3A_345 : memref<1x128xi32, #tpu.memory_space<vmem>> -> memref<128xi32, #tpu.memory_space<vmem>>
      %dma_wait3A_347 = arith.constant 0 : i32
      %dma_wait3A_348 = arith.constant 0 : i32
      %dma_wait3A_349 = tpu.memref_slice %arg2[%dma_wait3A_347, %dma_wait3A_348] : memref<10112x128xf32, #tpu.memory_space<hbm>> -> memref<10112x128xf32, #tpu.memory_space<hbm>>
      %dma_wait3A_350 = tpu.memref_slice %arg11[%dma_wait3A_339] : memref<2x!tpu.dma_semaphore, #tpu.memory_space<semaphore_mem>> -> memref<1x!tpu.dma_semaphore, #tpu.memory_space<semaphore_mem>>
      %dma_wait3A_351 = tpu.memref_squeeze %dma_wait3A_350 : memref<1x!tpu.dma_semaphore, #tpu.memory_space<semaphore_mem>> -> memref<!tpu.dma_semaphore, #tpu.memory_space<semaphore_mem>>
      tpu.wait_indirect_dma semaphore(%dma_wait3A_351 : memref<!tpu.dma_semaphore, #tpu.memory_space<semaphore_mem>>) src(%dma_wait3A_349 : memref<10112x128xf32, #tpu.memory_space<hbm>>) dst(%dma_wait3A_343 : memref<128x128xf32, #tpu.memory_space<vmem>>)
      %dma_start3A_352 = arith.constant 1 : i32
      %dma_start3A_353 = arith.constant 1 : i32
      %dma_start3A_354 = arith.constant 0 : i32
      %dma_start3A_355 = arith.constant 0 : i32
      %dma_start3A_356 = tpu.memref_slice %arg9[%dma_start3A_352, %dma_start3A_354, %dma_start3A_355] : memref<2x128x128xf32, #tpu.memory_space<vmem>> -> memref<1x128x128xf32, #tpu.memory_space<vmem>>
      %dma_start3A_357 = tpu.memref_squeeze %dma_start3A_356 : memref<1x128x128xf32, #tpu.memory_space<vmem>> -> memref<128x128xf32, #tpu.memory_space<vmem>>
      %dma_start3A_358 = arith.constant 0 : i32
      %dma_start3A_359 = tpu.memref_slice %arg7[%add3A_316, %dma_start3A_358] : memref<80x128xi32, #tpu.memory_space<vmem>> -> memref<1x128xi32, #tpu.memory_space<vmem>>
      %dma_start3A_360 = tpu.memref_squeeze %dma_start3A_359 : memref<1x128xi32, #tpu.memory_space<vmem>> -> memref<128xi32, #tpu.memory_space<vmem>>
      %dma_start3A_361 = arith.constant 0 : i32
      %dma_start3A_362 = arith.constant 0 : i32
      %dma_start3A_363 = tpu.memref_slice %arg10[%dma_start3A_361, %dma_start3A_362] : memref<10112x128xf32, #tpu.memory_space<vmem_shared>> -> memref<10112x128xf32, #tpu.memory_space<vmem_shared>>
      %dma_start3A_364 = tpu.memref_slice %arg12[%dma_start3A_353] : memref<2x!tpu.dma_semaphore, #tpu.memory_space<semaphore_mem>> -> memref<1x!tpu.dma_semaphore, #tpu.memory_space<semaphore_mem>>
      %dma_start3A_365 = tpu.memref_squeeze %dma_start3A_364 : memref<1x!tpu.dma_semaphore, #tpu.memory_space<semaphore_mem>> -> memref<!tpu.dma_semaphore, #tpu.memory_space<semaphore_mem>>
      tpu.enqueue_indirect_dma source(%dma_start3A_357 : memref<128x128xf32, #tpu.memory_space<vmem>>) target(%dma_start3A_363 : memref<10112x128xf32, #tpu.memory_space<vmem_shared>>) offsets(%dma_start3A_360 : memref<128xi32, #tpu.memory_space<vmem>>) semaphore(%dma_start3A_365 : memref<!tpu.dma_semaphore, #tpu.memory_space<semaphore_mem>>) {add = true}
      %mul3A_366 = arith.constant 8 : i32
      %mul3A_367 = arith.muli %scan3A_46, %mul3A_366 : i32
      %add3A_368 = arith.constant 6 : i32
      %add3A_369 = arith.addi %mul3A_367, %add3A_368 : i32
      %dma_start3A_370 = arith.constant 6 : i32
      %dma_start3A_371 = arith.constant 0 : i32
      %dma_start3A_372 = arith.constant 0 : i32
      %dma_start3A_373 = arith.constant 0 : i32
      %dma_start3A_374 = arith.constant 0 : i32
      %dma_start3A_375 = tpu.memref_slice %arg9[%dma_start3A_371, %dma_start3A_373, %dma_start3A_374] : memref<2x128x128xf32, #tpu.memory_space<vmem>> -> memref<1x128x128xf32, #tpu.memory_space<vmem>>
      %dma_start3A_376 = tpu.memref_squeeze %dma_start3A_375 : memref<1x128x128xf32, #tpu.memory_space<vmem>> -> memref<128x128xf32, #tpu.memory_space<vmem>>
      %dma_start3A_377 = arith.constant 0 : i32
      %dma_start3A_378 = tpu.memref_slice %arg8[%dma_start3A_370, %dma_start3A_377] : memref<8x128xi32, #tpu.memory_space<vmem>> -> memref<1x128xi32, #tpu.memory_space<vmem>>
      %dma_start3A_379 = tpu.memref_squeeze %dma_start3A_378 : memref<1x128xi32, #tpu.memory_space<vmem>> -> memref<128xi32, #tpu.memory_space<vmem>>
      %dma_start3A_380 = arith.constant 0 : i32
      %dma_start3A_381 = arith.constant 0 : i32
      %dma_start3A_382 = tpu.memref_slice %arg2[%dma_start3A_380, %dma_start3A_381] : memref<10112x128xf32, #tpu.memory_space<hbm>> -> memref<10112x128xf32, #tpu.memory_space<hbm>>
      %dma_start3A_383 = tpu.memref_slice %arg11[%dma_start3A_372] : memref<2x!tpu.dma_semaphore, #tpu.memory_space<semaphore_mem>> -> memref<1x!tpu.dma_semaphore, #tpu.memory_space<semaphore_mem>>
      %dma_start3A_384 = tpu.memref_squeeze %dma_start3A_383 : memref<1x!tpu.dma_semaphore, #tpu.memory_space<semaphore_mem>> -> memref<!tpu.dma_semaphore, #tpu.memory_space<semaphore_mem>>
      tpu.enqueue_indirect_dma source(%dma_start3A_382 : memref<10112x128xf32, #tpu.memory_space<hbm>>) target(%dma_start3A_376 : memref<128x128xf32, #tpu.memory_space<vmem>>) offsets(%dma_start3A_379 : memref<128xi32, #tpu.memory_space<vmem>>) semaphore(%dma_start3A_384 : memref<!tpu.dma_semaphore, #tpu.memory_space<semaphore_mem>>)
      %ge3A_385 = arith.constant 1 : i32
      %ge3A_386 = arith.cmpi sge, %add3A_369, %ge3A_385 : i32
      %convert_element_type3A_387 = arith.extui %ge3A_386 : i1 to i32
      %cond3A_388 = arith.constant 0 : i32
      %cond3A_389 = arith.cmpi ne, %convert_element_type3A_387, %cond3A_388 : i32
      scf.if %cond3A_389 {
        %dma_wait3A_473 = arith.constant 1 : i32
        %dma_wait3A_474 = arith.constant 0 : i32
        %dma_wait3A_475 = arith.constant 1 : i32
        %dma_wait3A_476 = arith.constant 0 : i32
        %dma_wait3A_477 = arith.constant 0 : i32
        %dma_wait3A_478 = tpu.memref_slice %arg9[%dma_wait3A_473, %dma_wait3A_476, %dma_wait3A_477] : memref<2x128x128xf32, #tpu.memory_space<vmem>> -> memref<1x128x128xf32, #tpu.memory_space<vmem>>
        %dma_wait3A_479 = tpu.memref_squeeze %dma_wait3A_478 : memref<1x128x128xf32, #tpu.memory_space<vmem>> -> memref<128x128xf32, #tpu.memory_space<vmem>>
        %dma_wait3A_480 = arith.constant 0 : i32
        %dma_wait3A_481 = tpu.memref_slice %arg7[%dma_wait3A_474, %dma_wait3A_480] : memref<80x128xi32, #tpu.memory_space<vmem>> -> memref<1x128xi32, #tpu.memory_space<vmem>>
        %dma_wait3A_482 = tpu.memref_squeeze %dma_wait3A_481 : memref<1x128xi32, #tpu.memory_space<vmem>> -> memref<128xi32, #tpu.memory_space<vmem>>
        %dma_wait3A_483 = arith.constant 0 : i32
        %dma_wait3A_484 = arith.constant 0 : i32
        %dma_wait3A_485 = tpu.memref_slice %arg10[%dma_wait3A_483, %dma_wait3A_484] : memref<10112x128xf32, #tpu.memory_space<vmem_shared>> -> memref<10112x128xf32, #tpu.memory_space<vmem_shared>>
        %dma_wait3A_486 = tpu.memref_slice %arg12[%dma_wait3A_475] : memref<2x!tpu.dma_semaphore, #tpu.memory_space<semaphore_mem>> -> memref<1x!tpu.dma_semaphore, #tpu.memory_space<semaphore_mem>>
        %dma_wait3A_487 = tpu.memref_squeeze %dma_wait3A_486 : memref<1x!tpu.dma_semaphore, #tpu.memory_space<semaphore_mem>> -> memref<!tpu.dma_semaphore, #tpu.memory_space<semaphore_mem>>
        tpu.wait_indirect_dma semaphore(%dma_wait3A_487 : memref<!tpu.dma_semaphore, #tpu.memory_space<semaphore_mem>>) src(%dma_wait3A_479 : memref<128x128xf32, #tpu.memory_space<vmem>>) dst(%dma_wait3A_485 : memref<10112x128xf32, #tpu.memory_space<vmem_shared>>)
      } else {
      }
      %dma_wait3A_390 = arith.constant 6 : i32
      %dma_wait3A_391 = arith.constant 0 : i32
      %dma_wait3A_392 = arith.constant 0 : i32
      %dma_wait3A_393 = arith.constant 0 : i32
      %dma_wait3A_394 = arith.constant 0 : i32
      %dma_wait3A_395 = tpu.memref_slice %arg9[%dma_wait3A_391, %dma_wait3A_393, %dma_wait3A_394] : memref<2x128x128xf32, #tpu.memory_space<vmem>> -> memref<1x128x128xf32, #tpu.memory_space<vmem>>
      %dma_wait3A_396 = tpu.memref_squeeze %dma_wait3A_395 : memref<1x128x128xf32, #tpu.memory_space<vmem>> -> memref<128x128xf32, #tpu.memory_space<vmem>>
      %dma_wait3A_397 = arith.constant 0 : i32
      %dma_wait3A_398 = tpu.memref_slice %arg8[%dma_wait3A_390, %dma_wait3A_397] : memref<8x128xi32, #tpu.memory_space<vmem>> -> memref<1x128xi32, #tpu.memory_space<vmem>>
      %dma_wait3A_399 = tpu.memref_squeeze %dma_wait3A_398 : memref<1x128xi32, #tpu.memory_space<vmem>> -> memref<128xi32, #tpu.memory_space<vmem>>
      %dma_wait3A_400 = arith.constant 0 : i32
      %dma_wait3A_401 = arith.constant 0 : i32
      %dma_wait3A_402 = tpu.memref_slice %arg2[%dma_wait3A_400, %dma_wait3A_401] : memref<10112x128xf32, #tpu.memory_space<hbm>> -> memref<10112x128xf32, #tpu.memory_space<hbm>>
      %dma_wait3A_403 = tpu.memref_slice %arg11[%dma_wait3A_392] : memref<2x!tpu.dma_semaphore, #tpu.memory_space<semaphore_mem>> -> memref<1x!tpu.dma_semaphore, #tpu.memory_space<semaphore_mem>>
      %dma_wait3A_404 = tpu.memref_squeeze %dma_wait3A_403 : memref<1x!tpu.dma_semaphore, #tpu.memory_space<semaphore_mem>> -> memref<!tpu.dma_semaphore, #tpu.memory_space<semaphore_mem>>
      tpu.wait_indirect_dma semaphore(%dma_wait3A_404 : memref<!tpu.dma_semaphore, #tpu.memory_space<semaphore_mem>>) src(%dma_wait3A_402 : memref<10112x128xf32, #tpu.memory_space<hbm>>) dst(%dma_wait3A_396 : memref<128x128xf32, #tpu.memory_space<vmem>>)
      %dma_start3A_405 = arith.constant 0 : i32
      %dma_start3A_406 = arith.constant 0 : i32
      %dma_start3A_407 = arith.constant 0 : i32
      %dma_start3A_408 = arith.constant 0 : i32
      %dma_start3A_409 = tpu.memref_slice %arg9[%dma_start3A_405, %dma_start3A_407, %dma_start3A_408] : memref<2x128x128xf32, #tpu.memory_space<vmem>> -> memref<1x128x128xf32, #tpu.memory_space<vmem>>
      %dma_start3A_410 = tpu.memref_squeeze %dma_start3A_409 : memref<1x128x128xf32, #tpu.memory_space<vmem>> -> memref<128x128xf32, #tpu.memory_space<vmem>>
      %dma_start3A_411 = arith.constant 0 : i32
      %dma_start3A_412 = tpu.memref_slice %arg7[%add3A_369, %dma_start3A_411] : memref<80x128xi32, #tpu.memory_space<vmem>> -> memref<1x128xi32, #tpu.memory_space<vmem>>
      %dma_start3A_413 = tpu.memref_squeeze %dma_start3A_412 : memref<1x128xi32, #tpu.memory_space<vmem>> -> memref<128xi32, #tpu.memory_space<vmem>>
      %dma_start3A_414 = arith.constant 0 : i32
      %dma_start3A_415 = arith.constant 0 : i32
      %dma_start3A_416 = tpu.memref_slice %arg10[%dma_start3A_414, %dma_start3A_415] : memref<10112x128xf32, #tpu.memory_space<vmem_shared>> -> memref<10112x128xf32, #tpu.memory_space<vmem_shared>>
      %dma_start3A_417 = tpu.memref_slice %arg12[%dma_start3A_406] : memref<2x!tpu.dma_semaphore, #tpu.memory_space<semaphore_mem>> -> memref<1x!tpu.dma_semaphore, #tpu.memory_space<semaphore_mem>>
      %dma_start3A_418 = tpu.memref_squeeze %dma_start3A_417 : memref<1x!tpu.dma_semaphore, #tpu.memory_space<semaphore_mem>> -> memref<!tpu.dma_semaphore, #tpu.memory_space<semaphore_mem>>
      tpu.enqueue_indirect_dma source(%dma_start3A_410 : memref<128x128xf32, #tpu.memory_space<vmem>>) target(%dma_start3A_416 : memref<10112x128xf32, #tpu.memory_space<vmem_shared>>) offsets(%dma_start3A_413 : memref<128xi32, #tpu.memory_space<vmem>>) semaphore(%dma_start3A_418 : memref<!tpu.dma_semaphore, #tpu.memory_space<semaphore_mem>>) {add = true}
      %mul3A_419 = arith.constant 8 : i32
      %mul3A_420 = arith.muli %scan3A_46, %mul3A_419 : i32
      %add3A_421 = arith.constant 7 : i32
      %add3A_422 = arith.addi %mul3A_420, %add3A_421 : i32
      %dma_start3A_423 = arith.constant 7 : i32
      %dma_start3A_424 = arith.constant 1 : i32
      %dma_start3A_425 = arith.constant 1 : i32
      %dma_start3A_426 = arith.constant 0 : i32
      %dma_start3A_427 = arith.constant 0 : i32
      %dma_start3A_428 = tpu.memref_slice %arg9[%dma_start3A_424, %dma_start3A_426, %dma_start3A_427] : memref<2x128x128xf32, #tpu.memory_space<vmem>> -> memref<1x128x128xf32, #tpu.memory_space<vmem>>
      %dma_start3A_429 = tpu.memref_squeeze %dma_start3A_428 : memref<1x128x128xf32, #tpu.memory_space<vmem>> -> memref<128x128xf32, #tpu.memory_space<vmem>>
      %dma_start3A_430 = arith.constant 0 : i32
      %dma_start3A_431 = tpu.memref_slice %arg8[%dma_start3A_423, %dma_start3A_430] : memref<8x128xi32, #tpu.memory_space<vmem>> -> memref<1x128xi32, #tpu.memory_space<vmem>>
      %dma_start3A_432 = tpu.memref_squeeze %dma_start3A_431 : memref<1x128xi32, #tpu.memory_space<vmem>> -> memref<128xi32, #tpu.memory_space<vmem>>
      %dma_start3A_433 = arith.constant 0 : i32
      %dma_start3A_434 = arith.constant 0 : i32
      %dma_start3A_435 = tpu.memref_slice %arg2[%dma_start3A_433, %dma_start3A_434] : memref<10112x128xf32, #tpu.memory_space<hbm>> -> memref<10112x128xf32, #tpu.memory_space<hbm>>
      %dma_start3A_436 = tpu.memref_slice %arg11[%dma_start3A_425] : memref<2x!tpu.dma_semaphore, #tpu.memory_space<semaphore_mem>> -> memref<1x!tpu.dma_semaphore, #tpu.memory_space<semaphore_mem>>
      %dma_start3A_437 = tpu.memref_squeeze %dma_start3A_436 : memref<1x!tpu.dma_semaphore, #tpu.memory_space<semaphore_mem>> -> memref<!tpu.dma_semaphore, #tpu.memory_space<semaphore_mem>>
      tpu.enqueue_indirect_dma source(%dma_start3A_435 : memref<10112x128xf32, #tpu.memory_space<hbm>>) target(%dma_start3A_429 : memref<128x128xf32, #tpu.memory_space<vmem>>) offsets(%dma_start3A_432 : memref<128xi32, #tpu.memory_space<vmem>>) semaphore(%dma_start3A_437 : memref<!tpu.dma_semaphore, #tpu.memory_space<semaphore_mem>>)
      %ge3A_438 = arith.constant 1 : i32
      %ge3A_439 = arith.cmpi sge, %add3A_422, %ge3A_438 : i32
      %convert_element_type3A_440 = arith.extui %ge3A_439 : i1 to i32
      %cond3A_441 = arith.constant 0 : i32
      %cond3A_442 = arith.cmpi ne, %convert_element_type3A_440, %cond3A_441 : i32
      scf.if %cond3A_442 {
        %dma_wait3A_473 = arith.constant 0 : i32
        %dma_wait3A_474 = arith.constant 0 : i32
        %dma_wait3A_475 = arith.constant 0 : i32
        %dma_wait3A_476 = arith.constant 0 : i32
        %dma_wait3A_477 = arith.constant 0 : i32
        %dma_wait3A_478 = tpu.memref_slice %arg9[%dma_wait3A_473, %dma_wait3A_476, %dma_wait3A_477] : memref<2x128x128xf32, #tpu.memory_space<vmem>> -> memref<1x128x128xf32, #tpu.memory_space<vmem>>
        %dma_wait3A_479 = tpu.memref_squeeze %dma_wait3A_478 : memref<1x128x128xf32, #tpu.memory_space<vmem>> -> memref<128x128xf32, #tpu.memory_space<vmem>>
        %dma_wait3A_480 = arith.constant 0 : i32
        %dma_wait3A_481 = tpu.memref_slice %arg7[%dma_wait3A_474, %dma_wait3A_480] : memref<80x128xi32, #tpu.memory_space<vmem>> -> memref<1x128xi32, #tpu.memory_space<vmem>>
        %dma_wait3A_482 = tpu.memref_squeeze %dma_wait3A_481 : memref<1x128xi32, #tpu.memory_space<vmem>> -> memref<128xi32, #tpu.memory_space<vmem>>
        %dma_wait3A_483 = arith.constant 0 : i32
        %dma_wait3A_484 = arith.constant 0 : i32
        %dma_wait3A_485 = tpu.memref_slice %arg10[%dma_wait3A_483, %dma_wait3A_484] : memref<10112x128xf32, #tpu.memory_space<vmem_shared>> -> memref<10112x128xf32, #tpu.memory_space<vmem_shared>>
        %dma_wait3A_486 = tpu.memref_slice %arg12[%dma_wait3A_475] : memref<2x!tpu.dma_semaphore, #tpu.memory_space<semaphore_mem>> -> memref<1x!tpu.dma_semaphore, #tpu.memory_space<semaphore_mem>>
        %dma_wait3A_487 = tpu.memref_squeeze %dma_wait3A_486 : memref<1x!tpu.dma_semaphore, #tpu.memory_space<semaphore_mem>> -> memref<!tpu.dma_semaphore, #tpu.memory_space<semaphore_mem>>
        tpu.wait_indirect_dma semaphore(%dma_wait3A_487 : memref<!tpu.dma_semaphore, #tpu.memory_space<semaphore_mem>>) src(%dma_wait3A_479 : memref<128x128xf32, #tpu.memory_space<vmem>>) dst(%dma_wait3A_485 : memref<10112x128xf32, #tpu.memory_space<vmem_shared>>)
      } else {
      }
      %dma_wait3A_443 = arith.constant 7 : i32
      %dma_wait3A_444 = arith.constant 1 : i32
      %dma_wait3A_445 = arith.constant 1 : i32
      %dma_wait3A_446 = arith.constant 0 : i32
      %dma_wait3A_447 = arith.constant 0 : i32
      %dma_wait3A_448 = tpu.memref_slice %arg9[%dma_wait3A_444, %dma_wait3A_446, %dma_wait3A_447] : memref<2x128x128xf32, #tpu.memory_space<vmem>> -> memref<1x128x128xf32, #tpu.memory_space<vmem>>
      %dma_wait3A_449 = tpu.memref_squeeze %dma_wait3A_448 : memref<1x128x128xf32, #tpu.memory_space<vmem>> -> memref<128x128xf32, #tpu.memory_space<vmem>>
      %dma_wait3A_450 = arith.constant 0 : i32
      %dma_wait3A_451 = tpu.memref_slice %arg8[%dma_wait3A_443, %dma_wait3A_450] : memref<8x128xi32, #tpu.memory_space<vmem>> -> memref<1x128xi32, #tpu.memory_space<vmem>>
      %dma_wait3A_452 = tpu.memref_squeeze %dma_wait3A_451 : memref<1x128xi32, #tpu.memory_space<vmem>> -> memref<128xi32, #tpu.memory_space<vmem>>
      %dma_wait3A_453 = arith.constant 0 : i32
      %dma_wait3A_454 = arith.constant 0 : i32
      %dma_wait3A_455 = tpu.memref_slice %arg2[%dma_wait3A_453, %dma_wait3A_454] : memref<10112x128xf32, #tpu.memory_space<hbm>> -> memref<10112x128xf32, #tpu.memory_space<hbm>>
      %dma_wait3A_456 = tpu.memref_slice %arg11[%dma_wait3A_445] : memref<2x!tpu.dma_semaphore, #tpu.memory_space<semaphore_mem>> -> memref<1x!tpu.dma_semaphore, #tpu.memory_space<semaphore_mem>>
      %dma_wait3A_457 = tpu.memref_squeeze %dma_wait3A_456 : memref<1x!tpu.dma_semaphore, #tpu.memory_space<semaphore_mem>> -> memref<!tpu.dma_semaphore, #tpu.memory_space<semaphore_mem>>
      tpu.wait_indirect_dma semaphore(%dma_wait3A_457 : memref<!tpu.dma_semaphore, #tpu.memory_space<semaphore_mem>>) src(%dma_wait3A_455 : memref<10112x128xf32, #tpu.memory_space<hbm>>) dst(%dma_wait3A_449 : memref<128x128xf32, #tpu.memory_space<vmem>>)
      %dma_start3A_458 = arith.constant 1 : i32
      %dma_start3A_459 = arith.constant 1 : i32
      %dma_start3A_460 = arith.constant 0 : i32
      %dma_start3A_461 = arith.constant 0 : i32
      %dma_start3A_462 = tpu.memref_slice %arg9[%dma_start3A_458, %dma_start3A_460, %dma_start3A_461] : memref<2x128x128xf32, #tpu.memory_space<vmem>> -> memref<1x128x128xf32, #tpu.memory_space<vmem>>
      %dma_start3A_463 = tpu.memref_squeeze %dma_start3A_462 : memref<1x128x128xf32, #tpu.memory_space<vmem>> -> memref<128x128xf32, #tpu.memory_space<vmem>>
      %dma_start3A_464 = arith.constant 0 : i32
      %dma_start3A_465 = tpu.memref_slice %arg7[%add3A_422, %dma_start3A_464] : memref<80x128xi32, #tpu.memory_space<vmem>> -> memref<1x128xi32, #tpu.memory_space<vmem>>
      %dma_start3A_466 = tpu.memref_squeeze %dma_start3A_465 : memref<1x128xi32, #tpu.memory_space<vmem>> -> memref<128xi32, #tpu.memory_space<vmem>>
      %dma_start3A_467 = arith.constant 0 : i32
      %dma_start3A_468 = arith.constant 0 : i32
      %dma_start3A_469 = tpu.memref_slice %arg10[%dma_start3A_467, %dma_start3A_468] : memref<10112x128xf32, #tpu.memory_space<vmem_shared>> -> memref<10112x128xf32, #tpu.memory_space<vmem_shared>>
      %dma_start3A_470 = tpu.memref_slice %arg12[%dma_start3A_459] : memref<2x!tpu.dma_semaphore, #tpu.memory_space<semaphore_mem>> -> memref<1x!tpu.dma_semaphore, #tpu.memory_space<semaphore_mem>>
      %dma_start3A_471 = tpu.memref_squeeze %dma_start3A_470 : memref<1x!tpu.dma_semaphore, #tpu.memory_space<semaphore_mem>> -> memref<!tpu.dma_semaphore, #tpu.memory_space<semaphore_mem>>
      tpu.enqueue_indirect_dma source(%dma_start3A_463 : memref<128x128xf32, #tpu.memory_space<vmem>>) target(%dma_start3A_469 : memref<10112x128xf32, #tpu.memory_space<vmem_shared>>) offsets(%dma_start3A_466 : memref<128xi32, #tpu.memory_space<vmem>>) semaphore(%dma_start3A_471 : memref<!tpu.dma_semaphore, #tpu.memory_space<semaphore_mem>>) {add = true}
      %scan3A_472 = arith.constant 0 : i32
      scf.yield %scan3A_472 : i32
    }
    %scan3A_23 = arith.constant 10 : i32
    %dma_wait3A = arith.constant 1 : i32
    %dma_wait3A_24 = arith.constant 0 : i32
    %dma_wait3A_25 = arith.constant 1 : i32
    %dma_wait3A_26 = arith.constant 0 : i32
    %dma_wait3A_27 = arith.constant 0 : i32
    %dma_wait3A_28 = tpu.memref_slice %arg9[%dma_wait3A, %dma_wait3A_26, %dma_wait3A_27] : memref<2x128x128xf32, #tpu.memory_space<vmem>> -> memref<1x128x128xf32, #tpu.memory_space<vmem>>
    %dma_wait3A_29 = tpu.memref_squeeze %dma_wait3A_28 : memref<1x128x128xf32, #tpu.memory_space<vmem>> -> memref<128x128xf32, #tpu.memory_space<vmem>>
    %dma_wait3A_30 = arith.constant 0 : i32
    %dma_wait3A_31 = tpu.memref_slice %arg7[%dma_wait3A_24, %dma_wait3A_30] : memref<80x128xi32, #tpu.memory_space<vmem>> -> memref<1x128xi32, #tpu.memory_space<vmem>>
    %dma_wait3A_32 = tpu.memref_squeeze %dma_wait3A_31 : memref<1x128xi32, #tpu.memory_space<vmem>> -> memref<128xi32, #tpu.memory_space<vmem>>
    %dma_wait3A_33 = arith.constant 0 : i32
    %dma_wait3A_34 = arith.constant 0 : i32
    %dma_wait3A_35 = tpu.memref_slice %arg10[%dma_wait3A_33, %dma_wait3A_34] : memref<10112x128xf32, #tpu.memory_space<vmem_shared>> -> memref<10112x128xf32, #tpu.memory_space<vmem_shared>>
    %dma_wait3A_36 = tpu.memref_slice %arg12[%dma_wait3A_25] : memref<2x!tpu.dma_semaphore, #tpu.memory_space<semaphore_mem>> -> memref<1x!tpu.dma_semaphore, #tpu.memory_space<semaphore_mem>>
    %dma_wait3A_37 = tpu.memref_squeeze %dma_wait3A_36 : memref<1x!tpu.dma_semaphore, #tpu.memory_space<semaphore_mem>> -> memref<!tpu.dma_semaphore, #tpu.memory_space<semaphore_mem>>
    tpu.wait_indirect_dma semaphore(%dma_wait3A_37 : memref<!tpu.dma_semaphore, #tpu.memory_space<semaphore_mem>>) src(%dma_wait3A_29 : memref<128x128xf32, #tpu.memory_space<vmem>>) dst(%dma_wait3A_35 : memref<10112x128xf32, #tpu.memory_space<vmem_shared>>)
    %barrier3A_38 = arith.constant 0 : index
    tpu.barrier barrier_id(%barrier3A_38)
    %eq3A = arith.constant 0 : i32
    %eq3A_39 = arith.cmpi eq, %arg0, %eq3A : i32
    %convert_element_type3A = arith.extui %eq3A_39 : i1 to i32
    %cond3A = arith.constant 0 : i32
    %cond3A_40 = arith.cmpi ne, %convert_element_type3A, %cond3A : i32
    scf.if %cond3A_40 {
      %add3A_46 = arith.constant 0 : i32
      %add3A_47 = arith.addi %mul3A_2, %add3A_46 : i32
      %add3A_48 = arith.constant 0 : i32
      %add3A_49 = arith.addi %mul3A_2, %add3A_48 : i32
      %run_scoped3A_50 = arith.constant 0 : i32
      "tpu.region"() ({
        %run_scoped3A_71 = tpu.sem_alloc : memref<!tpu.dma_semaphore, #tpu.memory_space<semaphore_mem>>
        %dma_start3A = arith.constant 0 : i32
        %dma_start3A_72 = tpu.memref_slice %arg6[%run_scoped3A_50, %add3A_49, %dma_start3A] : memref<2x10112x128xf32, #tpu.memory_space<hbm>> -> memref<1x128x128xf32, #tpu.memory_space<hbm>>
        %dma_start3A_73 = tpu.memref_squeeze %dma_start3A_72 : memref<1x128x128xf32, #tpu.memory_space<hbm>> -> memref<128x128xf32, #tpu.memory_space<hbm>>
        %dma_start3A_74 = arith.constant 0 : i32
        %dma_start3A_75 = tpu.memref_slice %arg10[%add3A_47, %dma_start3A_74] : memref<10112x128xf32, #tpu.memory_space<vmem_shared>> -> memref<128x128xf32, #tpu.memory_space<vmem_shared>>
        tpu.enqueue_dma source(%dma_start3A_75 : memref<128x128xf32, #tpu.memory_space<vmem_shared>>) target(%dma_start3A_73 : memref<128x128xf32, #tpu.memory_space<hbm>>) target_semaphore(%run_scoped3A_71 : memref<!tpu.dma_semaphore, #tpu.memory_space<semaphore_mem>>)
        %dma_wait3A_76 = arith.constant 0 : i32
        %dma_wait3A_77 = tpu.memref_slice %arg6[%run_scoped3A_50, %add3A_49, %dma_wait3A_76] : memref<2x10112x128xf32, #tpu.memory_space<hbm>> -> memref<1x128x128xf32, #tpu.memory_space<hbm>>
        %dma_wait3A_78 = tpu.memref_squeeze %dma_wait3A_77 : memref<1x128x128xf32, #tpu.memory_space<hbm>> -> memref<128x128xf32, #tpu.memory_space<hbm>>
        %dma_wait3A_79 = arith.constant 0 : i32
        %dma_wait3A_80 = tpu.memref_slice %arg10[%add3A_47, %dma_wait3A_79] : memref<10112x128xf32, #tpu.memory_space<vmem_shared>> -> memref<128x128xf32, #tpu.memory_space<vmem_shared>>
        tpu.wait_dma2 semaphore(%run_scoped3A_71 : memref<!tpu.dma_semaphore, #tpu.memory_space<semaphore_mem>>) src(%dma_wait3A_80 : memref<128x128xf32, #tpu.memory_space<vmem_shared>>) dst(%dma_wait3A_78 : memref<128x128xf32, #tpu.memory_space<hbm>>)
        tpu.yield
      }) : () -> ()
      %add3A_51 = arith.constant 128 : i32
      %add3A_52 = arith.addi %mul3A_2, %add3A_51 : i32
      %add3A_53 = arith.constant 128 : i32
      %add3A_54 = arith.addi %mul3A_2, %add3A_53 : i32
      %run_scoped3A_55 = arith.constant 0 : i32
      "tpu.region"() ({
        %run_scoped3A_71 = tpu.sem_alloc : memref<!tpu.dma_semaphore, #tpu.memory_space<semaphore_mem>>
        %dma_start3A = arith.constant 0 : i32
        %dma_start3A_72 = tpu.memref_slice %arg6[%run_scoped3A_55, %add3A_54, %dma_start3A] : memref<2x10112x128xf32, #tpu.memory_space<hbm>> -> memref<1x128x128xf32, #tpu.memory_space<hbm>>
        %dma_start3A_73 = tpu.memref_squeeze %dma_start3A_72 : memref<1x128x128xf32, #tpu.memory_space<hbm>> -> memref<128x128xf32, #tpu.memory_space<hbm>>
        %dma_start3A_74 = arith.constant 0 : i32
        %dma_start3A_75 = tpu.memref_slice %arg10[%add3A_52, %dma_start3A_74] : memref<10112x128xf32, #tpu.memory_space<vmem_shared>> -> memref<128x128xf32, #tpu.memory_space<vmem_shared>>
        tpu.enqueue_dma source(%dma_start3A_75 : memref<128x128xf32, #tpu.memory_space<vmem_shared>>) target(%dma_start3A_73 : memref<128x128xf32, #tpu.memory_space<hbm>>) target_semaphore(%run_scoped3A_71 : memref<!tpu.dma_semaphore, #tpu.memory_space<semaphore_mem>>)
        %dma_wait3A_76 = arith.constant 0 : i32
        %dma_wait3A_77 = tpu.memref_slice %arg6[%run_scoped3A_55, %add3A_54, %dma_wait3A_76] : memref<2x10112x128xf32, #tpu.memory_space<hbm>> -> memref<1x128x128xf32, #tpu.memory_space<hbm>>
        %dma_wait3A_78 = tpu.memref_squeeze %dma_wait3A_77 : memref<1x128x128xf32, #tpu.memory_space<hbm>> -> memref<128x128xf32, #tpu.memory_space<hbm>>
        %dma_wait3A_79 = arith.constant 0 : i32
        %dma_wait3A_80 = tpu.memref_slice %arg10[%add3A_52, %dma_wait3A_79] : memref<10112x128xf32, #tpu.memory_space<vmem_shared>> -> memref<128x128xf32, #tpu.memory_space<vmem_shared>>
        tpu.wait_dma2 semaphore(%run_scoped3A_71 : memref<!tpu.dma_semaphore, #tpu.memory_space<semaphore_mem>>) src(%dma_wait3A_80 : memref<128x128xf32, #tpu.memory_space<vmem_shared>>) dst(%dma_wait3A_78 : memref<128x128xf32, #tpu.memory_space<hbm>>)
        tpu.yield
      }) : () -> ()
      %add3A_56 = arith.constant 256 : i32
      %add3A_57 = arith.addi %mul3A_2, %add3A_56 : i32
      %add3A_58 = arith.constant 256 : i32
      %add3A_59 = arith.addi %mul3A_2, %add3A_58 : i32
      %run_scoped3A_60 = arith.constant 0 : i32
      "tpu.region"() ({
        %run_scoped3A_71 = tpu.sem_alloc : memref<!tpu.dma_semaphore, #tpu.memory_space<semaphore_mem>>
        %dma_start3A = arith.constant 0 : i32
        %dma_start3A_72 = tpu.memref_slice %arg6[%run_scoped3A_60, %add3A_59, %dma_start3A] : memref<2x10112x128xf32, #tpu.memory_space<hbm>> -> memref<1x128x128xf32, #tpu.memory_space<hbm>>
        %dma_start3A_73 = tpu.memref_squeeze %dma_start3A_72 : memref<1x128x128xf32, #tpu.memory_space<hbm>> -> memref<128x128xf32, #tpu.memory_space<hbm>>
        %dma_start3A_74 = arith.constant 0 : i32
        %dma_start3A_75 = tpu.memref_slice %arg10[%add3A_57, %dma_start3A_74] : memref<10112x128xf32, #tpu.memory_space<vmem_shared>> -> memref<128x128xf32, #tpu.memory_space<vmem_shared>>
        tpu.enqueue_dma source(%dma_start3A_75 : memref<128x128xf32, #tpu.memory_space<vmem_shared>>) target(%dma_start3A_73 : memref<128x128xf32, #tpu.memory_space<hbm>>) target_semaphore(%run_scoped3A_71 : memref<!tpu.dma_semaphore, #tpu.memory_space<semaphore_mem>>)
        %dma_wait3A_76 = arith.constant 0 : i32
        %dma_wait3A_77 = tpu.memref_slice %arg6[%run_scoped3A_60, %add3A_59, %dma_wait3A_76] : memref<2x10112x128xf32, #tpu.memory_space<hbm>> -> memref<1x128x128xf32, #tpu.memory_space<hbm>>
        %dma_wait3A_78 = tpu.memref_squeeze %dma_wait3A_77 : memref<1x128x128xf32, #tpu.memory_space<hbm>> -> memref<128x128xf32, #tpu.memory_space<hbm>>
        %dma_wait3A_79 = arith.constant 0 : i32
        %dma_wait3A_80 = tpu.memref_slice %arg10[%add3A_57, %dma_wait3A_79] : memref<10112x128xf32, #tpu.memory_space<vmem_shared>> -> memref<128x128xf32, #tpu.memory_space<vmem_shared>>
        tpu.wait_dma2 semaphore(%run_scoped3A_71 : memref<!tpu.dma_semaphore, #tpu.memory_space<semaphore_mem>>) src(%dma_wait3A_80 : memref<128x128xf32, #tpu.memory_space<vmem_shared>>) dst(%dma_wait3A_78 : memref<128x128xf32, #tpu.memory_space<hbm>>)
        tpu.yield
      }) : () -> ()
      %add3A_61 = arith.constant 384 : i32
      %add3A_62 = arith.addi %mul3A_2, %add3A_61 : i32
      %add3A_63 = arith.constant 384 : i32
      %add3A_64 = arith.addi %mul3A_2, %add3A_63 : i32
      %run_scoped3A_65 = arith.constant 0 : i32
      "tpu.region"() ({
        %run_scoped3A_71 = tpu.sem_alloc : memref<!tpu.dma_semaphore, #tpu.memory_space<semaphore_mem>>
        %dma_start3A = arith.constant 0 : i32
        %dma_start3A_72 = tpu.memref_slice %arg6[%run_scoped3A_65, %add3A_64, %dma_start3A] : memref<2x10112x128xf32, #tpu.memory_space<hbm>> -> memref<1x128x128xf32, #tpu.memory_space<hbm>>
        %dma_start3A_73 = tpu.memref_squeeze %dma_start3A_72 : memref<1x128x128xf32, #tpu.memory_space<hbm>> -> memref<128x128xf32, #tpu.memory_space<hbm>>
        %dma_start3A_74 = arith.constant 0 : i32
        %dma_start3A_75 = tpu.memref_slice %arg10[%add3A_62, %dma_start3A_74] : memref<10112x128xf32, #tpu.memory_space<vmem_shared>> -> memref<128x128xf32, #tpu.memory_space<vmem_shared>>
        tpu.enqueue_dma source(%dma_start3A_75 : memref<128x128xf32, #tpu.memory_space<vmem_shared>>) target(%dma_start3A_73 : memref<128x128xf32, #tpu.memory_space<hbm>>) target_semaphore(%run_scoped3A_71 : memref<!tpu.dma_semaphore, #tpu.memory_space<semaphore_mem>>)
        %dma_wait3A_76 = arith.constant 0 : i32
        %dma_wait3A_77 = tpu.memref_slice %arg6[%run_scoped3A_65, %add3A_64, %dma_wait3A_76] : memref<2x10112x128xf32, #tpu.memory_space<hbm>> -> memref<1x128x128xf32, #tpu.memory_space<hbm>>
        %dma_wait3A_78 = tpu.memref_squeeze %dma_wait3A_77 : memref<1x128x128xf32, #tpu.memory_space<hbm>> -> memref<128x128xf32, #tpu.memory_space<hbm>>
        %dma_wait3A_79 = arith.constant 0 : i32
        %dma_wait3A_80 = tpu.memref_slice %arg10[%add3A_62, %dma_wait3A_79] : memref<10112x128xf32, #tpu.memory_space<vmem_shared>> -> memref<128x128xf32, #tpu.memory_space<vmem_shared>>
        tpu.wait_dma2 semaphore(%run_scoped3A_71 : memref<!tpu.dma_semaphore, #tpu.memory_space<semaphore_mem>>) src(%dma_wait3A_80 : memref<128x128xf32, #tpu.memory_space<vmem_shared>>) dst(%dma_wait3A_78 : memref<128x128xf32, #tpu.memory_space<hbm>>)
        tpu.yield
      }) : () -> ()
      %add3A_66 = arith.constant 512 : i32
      %add3A_67 = arith.addi %mul3A_2, %add3A_66 : i32
      %add3A_68 = arith.constant 512 : i32
      %add3A_69 = arith.addi %mul3A_2, %add3A_68 : i32
      %run_scoped3A_70 = arith.constant 0 : i32
      "tpu.region"() ({
        %run_scoped3A_71 = tpu.sem_alloc : memref<!tpu.dma_semaphore, #tpu.memory_space<semaphore_mem>>
        %dma_start3A = arith.constant 0 : i32
        %dma_start3A_72 = tpu.memref_slice %arg6[%run_scoped3A_70, %add3A_69, %dma_start3A] : memref<2x10112x128xf32, #tpu.memory_space<hbm>> -> memref<1x120x128xf32, #tpu.memory_space<hbm>>
        %dma_start3A_73 = tpu.memref_squeeze %dma_start3A_72 : memref<1x120x128xf32, #tpu.memory_space<hbm>> -> memref<120x128xf32, #tpu.memory_space<hbm>>
        %dma_start3A_74 = arith.constant 0 : i32
        %dma_start3A_75 = tpu.memref_slice %arg10[%add3A_67, %dma_start3A_74] : memref<10112x128xf32, #tpu.memory_space<vmem_shared>> -> memref<120x128xf32, #tpu.memory_space<vmem_shared>>
        tpu.enqueue_dma source(%dma_start3A_75 : memref<120x128xf32, #tpu.memory_space<vmem_shared>>) target(%dma_start3A_73 : memref<120x128xf32, #tpu.memory_space<hbm>>) target_semaphore(%run_scoped3A_71 : memref<!tpu.dma_semaphore, #tpu.memory_space<semaphore_mem>>)
        %dma_wait3A_76 = arith.constant 0 : i32
        %dma_wait3A_77 = tpu.memref_slice %arg6[%run_scoped3A_70, %add3A_69, %dma_wait3A_76] : memref<2x10112x128xf32, #tpu.memory_space<hbm>> -> memref<1x120x128xf32, #tpu.memory_space<hbm>>
        %dma_wait3A_78 = tpu.memref_squeeze %dma_wait3A_77 : memref<1x120x128xf32, #tpu.memory_space<hbm>> -> memref<120x128xf32, #tpu.memory_space<hbm>>
        %dma_wait3A_79 = arith.constant 0 : i32
        %dma_wait3A_80 = tpu.memref_slice %arg10[%add3A_67, %dma_wait3A_79] : memref<10112x128xf32, #tpu.memory_space<vmem_shared>> -> memref<120x128xf32, #tpu.memory_space<vmem_shared>>
        tpu.wait_dma2 semaphore(%run_scoped3A_71 : memref<!tpu.dma_semaphore, #tpu.memory_space<semaphore_mem>>) src(%dma_wait3A_80 : memref<120x128xf32, #tpu.memory_space<vmem_shared>>) dst(%dma_wait3A_78 : memref<120x128xf32, #tpu.memory_space<hbm>>)
        tpu.yield
      }) : () -> ()
    } else {
    }
    %eq3A_41 = arith.constant 1 : i32
    %eq3A_42 = arith.cmpi eq, %arg0, %eq3A_41 : i32
    %convert_element_type3A_43 = arith.extui %eq3A_42 : i1 to i32
    %cond3A_44 = arith.constant 0 : i32
    %cond3A_45 = arith.cmpi ne, %convert_element_type3A_43, %cond3A_44 : i32
    scf.if %cond3A_45 {
      %add3A_46 = arith.constant 0 : i32
      %add3A_47 = arith.addi %mul3A_2, %add3A_46 : i32
      %add3A_48 = arith.constant 0 : i32
      %add3A_49 = arith.addi %mul3A_2, %add3A_48 : i32
      %run_scoped3A_50 = arith.constant 1 : i32
      "tpu.region"() ({
        %run_scoped3A_71 = tpu.sem_alloc : memref<!tpu.dma_semaphore, #tpu.memory_space<semaphore_mem>>
        %dma_start3A = arith.constant 0 : i32
        %dma_start3A_72 = tpu.memref_slice %arg6[%run_scoped3A_50, %add3A_49, %dma_start3A] : memref<2x10112x128xf32, #tpu.memory_space<hbm>> -> memref<1x128x128xf32, #tpu.memory_space<hbm>>
        %dma_start3A_73 = tpu.memref_squeeze %dma_start3A_72 : memref<1x128x128xf32, #tpu.memory_space<hbm>> -> memref<128x128xf32, #tpu.memory_space<hbm>>
        %dma_start3A_74 = arith.constant 0 : i32
        %dma_start3A_75 = tpu.memref_slice %arg10[%add3A_47, %dma_start3A_74] : memref<10112x128xf32, #tpu.memory_space<vmem_shared>> -> memref<128x128xf32, #tpu.memory_space<vmem_shared>>
        tpu.enqueue_dma source(%dma_start3A_75 : memref<128x128xf32, #tpu.memory_space<vmem_shared>>) target(%dma_start3A_73 : memref<128x128xf32, #tpu.memory_space<hbm>>) target_semaphore(%run_scoped3A_71 : memref<!tpu.dma_semaphore, #tpu.memory_space<semaphore_mem>>)
        %dma_wait3A_76 = arith.constant 0 : i32
        %dma_wait3A_77 = tpu.memref_slice %arg6[%run_scoped3A_50, %add3A_49, %dma_wait3A_76] : memref<2x10112x128xf32, #tpu.memory_space<hbm>> -> memref<1x128x128xf32, #tpu.memory_space<hbm>>
        %dma_wait3A_78 = tpu.memref_squeeze %dma_wait3A_77 : memref<1x128x128xf32, #tpu.memory_space<hbm>> -> memref<128x128xf32, #tpu.memory_space<hbm>>
        %dma_wait3A_79 = arith.constant 0 : i32
        %dma_wait3A_80 = tpu.memref_slice %arg10[%add3A_47, %dma_wait3A_79] : memref<10112x128xf32, #tpu.memory_space<vmem_shared>> -> memref<128x128xf32, #tpu.memory_space<vmem_shared>>
        tpu.wait_dma2 semaphore(%run_scoped3A_71 : memref<!tpu.dma_semaphore, #tpu.memory_space<semaphore_mem>>) src(%dma_wait3A_80 : memref<128x128xf32, #tpu.memory_space<vmem_shared>>) dst(%dma_wait3A_78 : memref<128x128xf32, #tpu.memory_space<hbm>>)
        tpu.yield
      }) : () -> ()
      %add3A_51 = arith.constant 128 : i32
      %add3A_52 = arith.addi %mul3A_2, %add3A_51 : i32
      %add3A_53 = arith.constant 128 : i32
      %add3A_54 = arith.addi %mul3A_2, %add3A_53 : i32
      %run_scoped3A_55 = arith.constant 1 : i32
      "tpu.region"() ({
        %run_scoped3A_71 = tpu.sem_alloc : memref<!tpu.dma_semaphore, #tpu.memory_space<semaphore_mem>>
        %dma_start3A = arith.constant 0 : i32
        %dma_start3A_72 = tpu.memref_slice %arg6[%run_scoped3A_55, %add3A_54, %dma_start3A] : memref<2x10112x128xf32, #tpu.memory_space<hbm>> -> memref<1x128x128xf32, #tpu.memory_space<hbm>>
        %dma_start3A_73 = tpu.memref_squeeze %dma_start3A_72 : memref<1x128x128xf32, #tpu.memory_space<hbm>> -> memref<128x128xf32, #tpu.memory_space<hbm>>
        %dma_start3A_74 = arith.constant 0 : i32
        %dma_start3A_75 = tpu.memref_slice %arg10[%add3A_52, %dma_start3A_74] : memref<10112x128xf32, #tpu.memory_space<vmem_shared>> -> memref<128x128xf32, #tpu.memory_space<vmem_shared>>
        tpu.enqueue_dma source(%dma_start3A_75 : memref<128x128xf32, #tpu.memory_space<vmem_shared>>) target(%dma_start3A_73 : memref<128x128xf32, #tpu.memory_space<hbm>>) target_semaphore(%run_scoped3A_71 : memref<!tpu.dma_semaphore, #tpu.memory_space<semaphore_mem>>)
        %dma_wait3A_76 = arith.constant 0 : i32
        %dma_wait3A_77 = tpu.memref_slice %arg6[%run_scoped3A_55, %add3A_54, %dma_wait3A_76] : memref<2x10112x128xf32, #tpu.memory_space<hbm>> -> memref<1x128x128xf32, #tpu.memory_space<hbm>>
        %dma_wait3A_78 = tpu.memref_squeeze %dma_wait3A_77 : memref<1x128x128xf32, #tpu.memory_space<hbm>> -> memref<128x128xf32, #tpu.memory_space<hbm>>
        %dma_wait3A_79 = arith.constant 0 : i32
        %dma_wait3A_80 = tpu.memref_slice %arg10[%add3A_52, %dma_wait3A_79] : memref<10112x128xf32, #tpu.memory_space<vmem_shared>> -> memref<128x128xf32, #tpu.memory_space<vmem_shared>>
        tpu.wait_dma2 semaphore(%run_scoped3A_71 : memref<!tpu.dma_semaphore, #tpu.memory_space<semaphore_mem>>) src(%dma_wait3A_80 : memref<128x128xf32, #tpu.memory_space<vmem_shared>>) dst(%dma_wait3A_78 : memref<128x128xf32, #tpu.memory_space<hbm>>)
        tpu.yield
      }) : () -> ()
      %add3A_56 = arith.constant 256 : i32
      %add3A_57 = arith.addi %mul3A_2, %add3A_56 : i32
      %add3A_58 = arith.constant 256 : i32
      %add3A_59 = arith.addi %mul3A_2, %add3A_58 : i32
      %run_scoped3A_60 = arith.constant 1 : i32
      "tpu.region"() ({
        %run_scoped3A_71 = tpu.sem_alloc : memref<!tpu.dma_semaphore, #tpu.memory_space<semaphore_mem>>
        %dma_start3A = arith.constant 0 : i32
        %dma_start3A_72 = tpu.memref_slice %arg6[%run_scoped3A_60, %add3A_59, %dma_start3A] : memref<2x10112x128xf32, #tpu.memory_space<hbm>> -> memref<1x128x128xf32, #tpu.memory_space<hbm>>
        %dma_start3A_73 = tpu.memref_squeeze %dma_start3A_72 : memref<1x128x128xf32, #tpu.memory_space<hbm>> -> memref<128x128xf32, #tpu.memory_space<hbm>>
        %dma_start3A_74 = arith.constant 0 : i32
        %dma_start3A_75 = tpu.memref_slice %arg10[%add3A_57, %dma_start3A_74] : memref<10112x128xf32, #tpu.memory_space<vmem_shared>> -> memref<128x128xf32, #tpu.memory_space<vmem_shared>>
        tpu.enqueue_dma source(%dma_start3A_75 : memref<128x128xf32, #tpu.memory_space<vmem_shared>>) target(%dma_start3A_73 : memref<128x128xf32, #tpu.memory_space<hbm>>) target_semaphore(%run_scoped3A_71 : memref<!tpu.dma_semaphore, #tpu.memory_space<semaphore_mem>>)
        %dma_wait3A_76 = arith.constant 0 : i32
        %dma_wait3A_77 = tpu.memref_slice %arg6[%run_scoped3A_60, %add3A_59, %dma_wait3A_76] : memref<2x10112x128xf32, #tpu.memory_space<hbm>> -> memref<1x128x128xf32, #tpu.memory_space<hbm>>
        %dma_wait3A_78 = tpu.memref_squeeze %dma_wait3A_77 : memref<1x128x128xf32, #tpu.memory_space<hbm>> -> memref<128x128xf32, #tpu.memory_space<hbm>>
        %dma_wait3A_79 = arith.constant 0 : i32
        %dma_wait3A_80 = tpu.memref_slice %arg10[%add3A_57, %dma_wait3A_79] : memref<10112x128xf32, #tpu.memory_space<vmem_shared>> -> memref<128x128xf32, #tpu.memory_space<vmem_shared>>
        tpu.wait_dma2 semaphore(%run_scoped3A_71 : memref<!tpu.dma_semaphore, #tpu.memory_space<semaphore_mem>>) src(%dma_wait3A_80 : memref<128x128xf32, #tpu.memory_space<vmem_shared>>) dst(%dma_wait3A_78 : memref<128x128xf32, #tpu.memory_space<hbm>>)
        tpu.yield
      }) : () -> ()
      %add3A_61 = arith.constant 384 : i32
      %add3A_62 = arith.addi %mul3A_2, %add3A_61 : i32
      %add3A_63 = arith.constant 384 : i32
      %add3A_64 = arith.addi %mul3A_2, %add3A_63 : i32
      %run_scoped3A_65 = arith.constant 1 : i32
      "tpu.region"() ({
        %run_scoped3A_71 = tpu.sem_alloc : memref<!tpu.dma_semaphore, #tpu.memory_space<semaphore_mem>>
        %dma_start3A = arith.constant 0 : i32
        %dma_start3A_72 = tpu.memref_slice %arg6[%run_scoped3A_65, %add3A_64, %dma_start3A] : memref<2x10112x128xf32, #tpu.memory_space<hbm>> -> memref<1x128x128xf32, #tpu.memory_space<hbm>>
        %dma_start3A_73 = tpu.memref_squeeze %dma_start3A_72 : memref<1x128x128xf32, #tpu.memory_space<hbm>> -> memref<128x128xf32, #tpu.memory_space<hbm>>
        %dma_start3A_74 = arith.constant 0 : i32
        %dma_start3A_75 = tpu.memref_slice %arg10[%add3A_62, %dma_start3A_74] : memref<10112x128xf32, #tpu.memory_space<vmem_shared>> -> memref<128x128xf32, #tpu.memory_space<vmem_shared>>
        tpu.enqueue_dma source(%dma_start3A_75 : memref<128x128xf32, #tpu.memory_space<vmem_shared>>) target(%dma_start3A_73 : memref<128x128xf32, #tpu.memory_space<hbm>>) target_semaphore(%run_scoped3A_71 : memref<!tpu.dma_semaphore, #tpu.memory_space<semaphore_mem>>)
        %dma_wait3A_76 = arith.constant 0 : i32
        %dma_wait3A_77 = tpu.memref_slice %arg6[%run_scoped3A_65, %add3A_64, %dma_wait3A_76] : memref<2x10112x128xf32, #tpu.memory_space<hbm>> -> memref<1x128x128xf32, #tpu.memory_space<hbm>>
        %dma_wait3A_78 = tpu.memref_squeeze %dma_wait3A_77 : memref<1x128x128xf32, #tpu.memory_space<hbm>> -> memref<128x128xf32, #tpu.memory_space<hbm>>
        %dma_wait3A_79 = arith.constant 0 : i32
        %dma_wait3A_80 = tpu.memref_slice %arg10[%add3A_62, %dma_wait3A_79] : memref<10112x128xf32, #tpu.memory_space<vmem_shared>> -> memref<128x128xf32, #tpu.memory_space<vmem_shared>>
        tpu.wait_dma2 semaphore(%run_scoped3A_71 : memref<!tpu.dma_semaphore, #tpu.memory_space<semaphore_mem>>) src(%dma_wait3A_80 : memref<128x128xf32, #tpu.memory_space<vmem_shared>>) dst(%dma_wait3A_78 : memref<128x128xf32, #tpu.memory_space<hbm>>)
        tpu.yield
      }) : () -> ()
      %add3A_66 = arith.constant 512 : i32
      %add3A_67 = arith.addi %mul3A_2, %add3A_66 : i32
      %add3A_68 = arith.constant 512 : i32
      %add3A_69 = arith.addi %mul3A_2, %add3A_68 : i32
      %run_scoped3A_70 = arith.constant 1 : i32
      "tpu.region"() ({
        %run_scoped3A_71 = tpu.sem_alloc : memref<!tpu.dma_semaphore, #tpu.memory_space<semaphore_mem>>
        %dma_start3A = arith.constant 0 : i32
        %dma_start3A_72 = tpu.memref_slice %arg6[%run_scoped3A_70, %add3A_69, %dma_start3A] : memref<2x10112x128xf32, #tpu.memory_space<hbm>> -> memref<1x120x128xf32, #tpu.memory_space<hbm>>
        %dma_start3A_73 = tpu.memref_squeeze %dma_start3A_72 : memref<1x120x128xf32, #tpu.memory_space<hbm>> -> memref<120x128xf32, #tpu.memory_space<hbm>>
        %dma_start3A_74 = arith.constant 0 : i32
        %dma_start3A_75 = tpu.memref_slice %arg10[%add3A_67, %dma_start3A_74] : memref<10112x128xf32, #tpu.memory_space<vmem_shared>> -> memref<120x128xf32, #tpu.memory_space<vmem_shared>>
        tpu.enqueue_dma source(%dma_start3A_75 : memref<120x128xf32, #tpu.memory_space<vmem_shared>>) target(%dma_start3A_73 : memref<120x128xf32, #tpu.memory_space<hbm>>) target_semaphore(%run_scoped3A_71 : memref<!tpu.dma_semaphore, #tpu.memory_space<semaphore_mem>>)
        %dma_wait3A_76 = arith.constant 0 : i32
        %dma_wait3A_77 = tpu.memref_slice %arg6[%run_scoped3A_70, %add3A_69, %dma_wait3A_76] : memref<2x10112x128xf32, #tpu.memory_space<hbm>> -> memref<1x120x128xf32, #tpu.memory_space<hbm>>
        %dma_wait3A_78 = tpu.memref_squeeze %dma_wait3A_77 : memref<1x120x128xf32, #tpu.memory_space<hbm>> -> memref<120x128xf32, #tpu.memory_space<hbm>>
        %dma_wait3A_79 = arith.constant 0 : i32
        %dma_wait3A_80 = tpu.memref_slice %arg10[%add3A_67, %dma_wait3A_79] : memref<10112x128xf32, #tpu.memory_space<vmem_shared>> -> memref<120x128xf32, #tpu.memory_space<vmem_shared>>
        tpu.wait_dma2 semaphore(%run_scoped3A_71 : memref<!tpu.dma_semaphore, #tpu.memory_space<semaphore_mem>>) src(%dma_wait3A_80 : memref<120x128xf32, #tpu.memory_space<vmem_shared>>) dst(%dma_wait3A_78 : memref<120x128xf32, #tpu.memory_space<hbm>>)
        tpu.yield
      }) : () -> ()
    } else {
    }
    return
  }
}

#map = affine_map<(d0, d1) -> (0, 0)>
#map1 = affine_map<(d0, d1) -> (0, 0, 0)>
module attributes {stable_mosaic.version = 14 : i64} {
  func.func @_rows_body(%arg0: i32, %arg1: i32, %arg2: memref<10112x128xf32, #tpu.memory_space<hbm>>, %arg3: memref<32x40x128xi32, #tpu.memory_space<hbm>>, %arg4: memref<32x40x128xi32, #tpu.memory_space<hbm>>, %arg5: memref<128x128xf32, #tpu.memory_space<hbm>>, %arg6: memref<2x10112x128xf32, #tpu.memory_space<hbm>>, %arg7: memref<40x128xi32, #tpu.memory_space<vmem>>, %arg8: memref<8x128xi32, #tpu.memory_space<vmem>>, %arg9: memref<2x128x128xf32, #tpu.memory_space<vmem>>, %arg10: memref<10112x128xf32, #tpu.memory_space<vmem_shared>>, %arg11: memref<2x!tpu.dma_semaphore, #tpu.memory_space<semaphore_mem>>, %arg12: memref<2x!tpu.dma_semaphore, #tpu.memory_space<semaphore_mem>>) attributes {dimension_semantics = [#tpu.dimension_semantics<core_parallel>, #tpu.dimension_semantics<subcore_parallel>], iteration_bounds = array<i64: 2, 16>, scalar_prefetch = 0 : i64, scratch_operands = 6 : i64, tpu.core_type = #tpu.core_type<sc_vector_subcore>, window_params = [{transform_indices = #map}, {transform_indices = #map1}, {transform_indices = #map1}, {transform_indices = #map}, {transform_indices = #map1}]} {
    %mul3A = arith.constant 16 : i32
    %mul3A_0 = arith.muli %arg0, %mul3A : i32
    %add3A = arith.addi %mul3A_0, %arg1 : i32
    "tpu.region"() ({
      %run_scoped3A_46 = tpu.sem_alloc : memref<!tpu.dma_semaphore, #tpu.memory_space<semaphore_mem>>
      %dma_start3A = arith.constant 0 : i32
      %dma_start3A_47 = arith.constant 0 : i32
      %dma_start3A_48 = tpu.memref_slice %arg4[%add3A, %dma_start3A, %dma_start3A_47] : memref<32x40x128xi32, #tpu.memory_space<hbm>> -> memref<1x40x128xi32, #tpu.memory_space<hbm>>
      %dma_start3A_49 = tpu.memref_squeeze %dma_start3A_48 : memref<1x40x128xi32, #tpu.memory_space<hbm>> -> memref<40x128xi32, #tpu.memory_space<hbm>>
      %dma_start3A_50 = arith.constant 0 : i32
      %dma_start3A_51 = arith.constant 0 : i32
      %dma_start3A_52 = tpu.memref_slice %arg4[%add3A, %dma_start3A_50, %dma_start3A_51] : memref<32x40x128xi32, #tpu.memory_space<hbm>> -> memref<1x40x128xi32, #tpu.memory_space<hbm>>
      %dma_start3A_53 = tpu.memref_squeeze %dma_start3A_52 : memref<1x40x128xi32, #tpu.memory_space<hbm>> -> memref<40x128xi32, #tpu.memory_space<hbm>>
      tpu.enqueue_dma source(%dma_start3A_53 : memref<40x128xi32, #tpu.memory_space<hbm>>) target(%arg7 : memref<40x128xi32, #tpu.memory_space<vmem>>) target_semaphore(%run_scoped3A_46 : memref<!tpu.dma_semaphore, #tpu.memory_space<semaphore_mem>>)
      %dma_wait3A_54 = arith.constant 0 : i32
      %dma_wait3A_55 = arith.constant 0 : i32
      %dma_wait3A_56 = tpu.memref_slice %arg4[%add3A, %dma_wait3A_54, %dma_wait3A_55] : memref<32x40x128xi32, #tpu.memory_space<hbm>> -> memref<1x40x128xi32, #tpu.memory_space<hbm>>
      %dma_wait3A_57 = tpu.memref_squeeze %dma_wait3A_56 : memref<1x40x128xi32, #tpu.memory_space<hbm>> -> memref<40x128xi32, #tpu.memory_space<hbm>>
      %dma_wait3A_58 = arith.constant 0 : i32
      %dma_wait3A_59 = arith.constant 0 : i32
      %dma_wait3A_60 = tpu.memref_slice %arg4[%add3A, %dma_wait3A_58, %dma_wait3A_59] : memref<32x40x128xi32, #tpu.memory_space<hbm>> -> memref<1x40x128xi32, #tpu.memory_space<hbm>>
      %dma_wait3A_61 = tpu.memref_squeeze %dma_wait3A_60 : memref<1x40x128xi32, #tpu.memory_space<hbm>> -> memref<40x128xi32, #tpu.memory_space<hbm>>
      tpu.wait_dma2 semaphore(%run_scoped3A_46 : memref<!tpu.dma_semaphore, #tpu.memory_space<semaphore_mem>>) src(%dma_wait3A_61 : memref<40x128xi32, #tpu.memory_space<hbm>>) dst(%arg7 : memref<40x128xi32, #tpu.memory_space<vmem>>)
      tpu.yield
    }) : () -> ()
    %run_scoped3A = arith.constant 0 : i32
    "tpu.region"() ({
      %run_scoped3A_46 = tpu.sem_alloc : memref<!tpu.dma_semaphore, #tpu.memory_space<semaphore_mem>>
      %dma_start3A = arith.constant 0 : i32
      %dma_start3A_47 = arith.constant 0 : i32
      %dma_start3A_48 = tpu.memref_slice %arg9[%run_scoped3A, %dma_start3A, %dma_start3A_47] : memref<2x128x128xf32, #tpu.memory_space<vmem>> -> memref<1x128x128xf32, #tpu.memory_space<vmem>>
      %dma_start3A_49 = tpu.memref_squeeze %dma_start3A_48 : memref<1x128x128xf32, #tpu.memory_space<vmem>> -> memref<128x128xf32, #tpu.memory_space<vmem>>
      %dma_start3A_50 = arith.constant 0 : i32
      %dma_start3A_51 = arith.constant 0 : i32
      %dma_start3A_52 = tpu.memref_slice %arg9[%run_scoped3A, %dma_start3A_50, %dma_start3A_51] : memref<2x128x128xf32, #tpu.memory_space<vmem>> -> memref<1x128x128xf32, #tpu.memory_space<vmem>>
      %dma_start3A_53 = tpu.memref_squeeze %dma_start3A_52 : memref<1x128x128xf32, #tpu.memory_space<vmem>> -> memref<128x128xf32, #tpu.memory_space<vmem>>
      tpu.enqueue_dma source(%arg5 : memref<128x128xf32, #tpu.memory_space<hbm>>) target(%dma_start3A_53 : memref<128x128xf32, #tpu.memory_space<vmem>>) target_semaphore(%run_scoped3A_46 : memref<!tpu.dma_semaphore, #tpu.memory_space<semaphore_mem>>)
      %dma_wait3A_54 = arith.constant 0 : i32
      %dma_wait3A_55 = arith.constant 0 : i32
      %dma_wait3A_56 = tpu.memref_slice %arg9[%run_scoped3A, %dma_wait3A_54, %dma_wait3A_55] : memref<2x128x128xf32, #tpu.memory_space<vmem>> -> memref<1x128x128xf32, #tpu.memory_space<vmem>>
      %dma_wait3A_57 = tpu.memref_squeeze %dma_wait3A_56 : memref<1x128x128xf32, #tpu.memory_space<vmem>> -> memref<128x128xf32, #tpu.memory_space<vmem>>
      %dma_wait3A_58 = arith.constant 0 : i32
      %dma_wait3A_59 = arith.constant 0 : i32
      %dma_wait3A_60 = tpu.memref_slice %arg9[%run_scoped3A, %dma_wait3A_58, %dma_wait3A_59] : memref<2x128x128xf32, #tpu.memory_space<vmem>> -> memref<1x128x128xf32, #tpu.memory_space<vmem>>
      %dma_wait3A_61 = tpu.memref_squeeze %dma_wait3A_60 : memref<1x128x128xf32, #tpu.memory_space<vmem>> -> memref<128x128xf32, #tpu.memory_space<vmem>>
      tpu.wait_dma2 semaphore(%run_scoped3A_46 : memref<!tpu.dma_semaphore, #tpu.memory_space<semaphore_mem>>) src(%arg5 : memref<128x128xf32, #tpu.memory_space<hbm>>) dst(%dma_wait3A_61 : memref<128x128xf32, #tpu.memory_space<vmem>>)
      tpu.yield
    }) : () -> ()
    %mul3A_1 = arith.constant 632 : i32
    %mul3A_2 = arith.muli %arg1, %mul3A_1 : i32
    %add3A_3 = arith.constant 0 : i32
    %add3A_4 = arith.addi %mul3A_2, %add3A_3 : i32
    %run_scoped3A_5 = arith.constant 0 : i32
    "tpu.region"() ({
      %run_scoped3A_46 = tpu.sem_alloc : memref<!tpu.dma_semaphore, #tpu.memory_space<semaphore_mem>>
      %dma_start3A = arith.constant 0 : i32
      %dma_start3A_47 = arith.constant 0 : i32
      %dma_start3A_48 = tpu.memref_slice %arg9[%run_scoped3A_5, %dma_start3A, %dma_start3A_47] : memref<2x128x128xf32, #tpu.memory_space<vmem>> -> memref<1x128x128xf32, #tpu.memory_space<vmem>>
      %dma_start3A_49 = tpu.memref_squeeze %dma_start3A_48 : memref<1x128x128xf32, #tpu.memory_space<vmem>> -> memref<128x128xf32, #tpu.memory_space<vmem>>
      %dma_start3A_50 = arith.constant 0 : i32
      %dma_start3A_51 = tpu.memref_slice %arg10[%add3A_4, %dma_start3A_50] : memref<10112x128xf32, #tpu.memory_space<vmem_shared>> -> memref<128x128xf32, #tpu.memory_space<vmem_shared>>
      %dma_start3A_52 = arith.constant 0 : i32
      %dma_start3A_53 = tpu.memref_slice %arg10[%add3A_4, %dma_start3A_52] : memref<10112x128xf32, #tpu.memory_space<vmem_shared>> -> memref<128x128xf32, #tpu.memory_space<vmem_shared>>
      %dma_start3A_54 = arith.constant 0 : i32
      %dma_start3A_55 = arith.constant 0 : i32
      %dma_start3A_56 = tpu.memref_slice %arg9[%run_scoped3A_5, %dma_start3A_54, %dma_start3A_55] : memref<2x128x128xf32, #tpu.memory_space<vmem>> -> memref<1x128x128xf32, #tpu.memory_space<vmem>>
      %dma_start3A_57 = tpu.memref_squeeze %dma_start3A_56 : memref<1x128x128xf32, #tpu.memory_space<vmem>> -> memref<128x128xf32, #tpu.memory_space<vmem>>
      tpu.enqueue_dma source(%dma_start3A_57 : memref<128x128xf32, #tpu.memory_space<vmem>>) target(%dma_start3A_53 : memref<128x128xf32, #tpu.memory_space<vmem_shared>>) target_semaphore(%run_scoped3A_46 : memref<!tpu.dma_semaphore, #tpu.memory_space<semaphore_mem>>)
      %dma_wait3A_58 = arith.constant 0 : i32
      %dma_wait3A_59 = arith.constant 0 : i32
      %dma_wait3A_60 = tpu.memref_slice %arg9[%run_scoped3A_5, %dma_wait3A_58, %dma_wait3A_59] : memref<2x128x128xf32, #tpu.memory_space<vmem>> -> memref<1x128x128xf32, #tpu.memory_space<vmem>>
      %dma_wait3A_61 = tpu.memref_squeeze %dma_wait3A_60 : memref<1x128x128xf32, #tpu.memory_space<vmem>> -> memref<128x128xf32, #tpu.memory_space<vmem>>
      %dma_wait3A_62 = arith.constant 0 : i32
      %dma_wait3A_63 = tpu.memref_slice %arg10[%add3A_4, %dma_wait3A_62] : memref<10112x128xf32, #tpu.memory_space<vmem_shared>> -> memref<128x128xf32, #tpu.memory_space<vmem_shared>>
      %dma_wait3A_64 = arith.constant 0 : i32
      %dma_wait3A_65 = tpu.memref_slice %arg10[%add3A_4, %dma_wait3A_64] : memref<10112x128xf32, #tpu.memory_space<vmem_shared>> -> memref<128x128xf32, #tpu.memory_space<vmem_shared>>
      %dma_wait3A_66 = arith.constant 0 : i32
      %dma_wait3A_67 = arith.constant 0 : i32
      %dma_wait3A_68 = tpu.memref_slice %arg9[%run_scoped3A_5, %dma_wait3A_66, %dma_wait3A_67] : memref<2x128x128xf32, #tpu.memory_space<vmem>> -> memref<1x128x128xf32, #tpu.memory_space<vmem>>
      %dma_wait3A_69 = tpu.memref_squeeze %dma_wait3A_68 : memref<1x128x128xf32, #tpu.memory_space<vmem>> -> memref<128x128xf32, #tpu.memory_space<vmem>>
      tpu.wait_dma2 semaphore(%run_scoped3A_46 : memref<!tpu.dma_semaphore, #tpu.memory_space<semaphore_mem>>) src(%dma_wait3A_69 : memref<128x128xf32, #tpu.memory_space<vmem>>) dst(%dma_wait3A_65 : memref<128x128xf32, #tpu.memory_space<vmem_shared>>)
      tpu.yield
    }) : () -> ()
    %add3A_6 = arith.constant 128 : i32
    %add3A_7 = arith.addi %mul3A_2, %add3A_6 : i32
    %run_scoped3A_8 = arith.constant 0 : i32
    "tpu.region"() ({
      %run_scoped3A_46 = tpu.sem_alloc : memref<!tpu.dma_semaphore, #tpu.memory_space<semaphore_mem>>
      %dma_start3A = arith.constant 0 : i32
      %dma_start3A_47 = arith.constant 0 : i32
      %dma_start3A_48 = tpu.memref_slice %arg9[%run_scoped3A_8, %dma_start3A, %dma_start3A_47] : memref<2x128x128xf32, #tpu.memory_space<vmem>> -> memref<1x128x128xf32, #tpu.memory_space<vmem>>
      %dma_start3A_49 = tpu.memref_squeeze %dma_start3A_48 : memref<1x128x128xf32, #tpu.memory_space<vmem>> -> memref<128x128xf32, #tpu.memory_space<vmem>>
      %dma_start3A_50 = arith.constant 0 : i32
      %dma_start3A_51 = tpu.memref_slice %arg10[%add3A_7, %dma_start3A_50] : memref<10112x128xf32, #tpu.memory_space<vmem_shared>> -> memref<128x128xf32, #tpu.memory_space<vmem_shared>>
      %dma_start3A_52 = arith.constant 0 : i32
      %dma_start3A_53 = tpu.memref_slice %arg10[%add3A_7, %dma_start3A_52] : memref<10112x128xf32, #tpu.memory_space<vmem_shared>> -> memref<128x128xf32, #tpu.memory_space<vmem_shared>>
      %dma_start3A_54 = arith.constant 0 : i32
      %dma_start3A_55 = arith.constant 0 : i32
      %dma_start3A_56 = tpu.memref_slice %arg9[%run_scoped3A_8, %dma_start3A_54, %dma_start3A_55] : memref<2x128x128xf32, #tpu.memory_space<vmem>> -> memref<1x128x128xf32, #tpu.memory_space<vmem>>
      %dma_start3A_57 = tpu.memref_squeeze %dma_start3A_56 : memref<1x128x128xf32, #tpu.memory_space<vmem>> -> memref<128x128xf32, #tpu.memory_space<vmem>>
      tpu.enqueue_dma source(%dma_start3A_57 : memref<128x128xf32, #tpu.memory_space<vmem>>) target(%dma_start3A_53 : memref<128x128xf32, #tpu.memory_space<vmem_shared>>) target_semaphore(%run_scoped3A_46 : memref<!tpu.dma_semaphore, #tpu.memory_space<semaphore_mem>>)
      %dma_wait3A_58 = arith.constant 0 : i32
      %dma_wait3A_59 = arith.constant 0 : i32
      %dma_wait3A_60 = tpu.memref_slice %arg9[%run_scoped3A_8, %dma_wait3A_58, %dma_wait3A_59] : memref<2x128x128xf32, #tpu.memory_space<vmem>> -> memref<1x128x128xf32, #tpu.memory_space<vmem>>
      %dma_wait3A_61 = tpu.memref_squeeze %dma_wait3A_60 : memref<1x128x128xf32, #tpu.memory_space<vmem>> -> memref<128x128xf32, #tpu.memory_space<vmem>>
      %dma_wait3A_62 = arith.constant 0 : i32
      %dma_wait3A_63 = tpu.memref_slice %arg10[%add3A_7, %dma_wait3A_62] : memref<10112x128xf32, #tpu.memory_space<vmem_shared>> -> memref<128x128xf32, #tpu.memory_space<vmem_shared>>
      %dma_wait3A_64 = arith.constant 0 : i32
      %dma_wait3A_65 = tpu.memref_slice %arg10[%add3A_7, %dma_wait3A_64] : memref<10112x128xf32, #tpu.memory_space<vmem_shared>> -> memref<128x128xf32, #tpu.memory_space<vmem_shared>>
      %dma_wait3A_66 = arith.constant 0 : i32
      %dma_wait3A_67 = arith.constant 0 : i32
      %dma_wait3A_68 = tpu.memref_slice %arg9[%run_scoped3A_8, %dma_wait3A_66, %dma_wait3A_67] : memref<2x128x128xf32, #tpu.memory_space<vmem>> -> memref<1x128x128xf32, #tpu.memory_space<vmem>>
      %dma_wait3A_69 = tpu.memref_squeeze %dma_wait3A_68 : memref<1x128x128xf32, #tpu.memory_space<vmem>> -> memref<128x128xf32, #tpu.memory_space<vmem>>
      tpu.wait_dma2 semaphore(%run_scoped3A_46 : memref<!tpu.dma_semaphore, #tpu.memory_space<semaphore_mem>>) src(%dma_wait3A_69 : memref<128x128xf32, #tpu.memory_space<vmem>>) dst(%dma_wait3A_65 : memref<128x128xf32, #tpu.memory_space<vmem_shared>>)
      tpu.yield
    }) : () -> ()
    %add3A_9 = arith.constant 256 : i32
    %add3A_10 = arith.addi %mul3A_2, %add3A_9 : i32
    %run_scoped3A_11 = arith.constant 0 : i32
    "tpu.region"() ({
      %run_scoped3A_46 = tpu.sem_alloc : memref<!tpu.dma_semaphore, #tpu.memory_space<semaphore_mem>>
      %dma_start3A = arith.constant 0 : i32
      %dma_start3A_47 = arith.constant 0 : i32
      %dma_start3A_48 = tpu.memref_slice %arg9[%run_scoped3A_11, %dma_start3A, %dma_start3A_47] : memref<2x128x128xf32, #tpu.memory_space<vmem>> -> memref<1x128x128xf32, #tpu.memory_space<vmem>>
      %dma_start3A_49 = tpu.memref_squeeze %dma_start3A_48 : memref<1x128x128xf32, #tpu.memory_space<vmem>> -> memref<128x128xf32, #tpu.memory_space<vmem>>
      %dma_start3A_50 = arith.constant 0 : i32
      %dma_start3A_51 = tpu.memref_slice %arg10[%add3A_10, %dma_start3A_50] : memref<10112x128xf32, #tpu.memory_space<vmem_shared>> -> memref<128x128xf32, #tpu.memory_space<vmem_shared>>
      %dma_start3A_52 = arith.constant 0 : i32
      %dma_start3A_53 = tpu.memref_slice %arg10[%add3A_10, %dma_start3A_52] : memref<10112x128xf32, #tpu.memory_space<vmem_shared>> -> memref<128x128xf32, #tpu.memory_space<vmem_shared>>
      %dma_start3A_54 = arith.constant 0 : i32
      %dma_start3A_55 = arith.constant 0 : i32
      %dma_start3A_56 = tpu.memref_slice %arg9[%run_scoped3A_11, %dma_start3A_54, %dma_start3A_55] : memref<2x128x128xf32, #tpu.memory_space<vmem>> -> memref<1x128x128xf32, #tpu.memory_space<vmem>>
      %dma_start3A_57 = tpu.memref_squeeze %dma_start3A_56 : memref<1x128x128xf32, #tpu.memory_space<vmem>> -> memref<128x128xf32, #tpu.memory_space<vmem>>
      tpu.enqueue_dma source(%dma_start3A_57 : memref<128x128xf32, #tpu.memory_space<vmem>>) target(%dma_start3A_53 : memref<128x128xf32, #tpu.memory_space<vmem_shared>>) target_semaphore(%run_scoped3A_46 : memref<!tpu.dma_semaphore, #tpu.memory_space<semaphore_mem>>)
      %dma_wait3A_58 = arith.constant 0 : i32
      %dma_wait3A_59 = arith.constant 0 : i32
      %dma_wait3A_60 = tpu.memref_slice %arg9[%run_scoped3A_11, %dma_wait3A_58, %dma_wait3A_59] : memref<2x128x128xf32, #tpu.memory_space<vmem>> -> memref<1x128x128xf32, #tpu.memory_space<vmem>>
      %dma_wait3A_61 = tpu.memref_squeeze %dma_wait3A_60 : memref<1x128x128xf32, #tpu.memory_space<vmem>> -> memref<128x128xf32, #tpu.memory_space<vmem>>
      %dma_wait3A_62 = arith.constant 0 : i32
      %dma_wait3A_63 = tpu.memref_slice %arg10[%add3A_10, %dma_wait3A_62] : memref<10112x128xf32, #tpu.memory_space<vmem_shared>> -> memref<128x128xf32, #tpu.memory_space<vmem_shared>>
      %dma_wait3A_64 = arith.constant 0 : i32
      %dma_wait3A_65 = tpu.memref_slice %arg10[%add3A_10, %dma_wait3A_64] : memref<10112x128xf32, #tpu.memory_space<vmem_shared>> -> memref<128x128xf32, #tpu.memory_space<vmem_shared>>
      %dma_wait3A_66 = arith.constant 0 : i32
      %dma_wait3A_67 = arith.constant 0 : i32
      %dma_wait3A_68 = tpu.memref_slice %arg9[%run_scoped3A_11, %dma_wait3A_66, %dma_wait3A_67] : memref<2x128x128xf32, #tpu.memory_space<vmem>> -> memref<1x128x128xf32, #tpu.memory_space<vmem>>
      %dma_wait3A_69 = tpu.memref_squeeze %dma_wait3A_68 : memref<1x128x128xf32, #tpu.memory_space<vmem>> -> memref<128x128xf32, #tpu.memory_space<vmem>>
      tpu.wait_dma2 semaphore(%run_scoped3A_46 : memref<!tpu.dma_semaphore, #tpu.memory_space<semaphore_mem>>) src(%dma_wait3A_69 : memref<128x128xf32, #tpu.memory_space<vmem>>) dst(%dma_wait3A_65 : memref<128x128xf32, #tpu.memory_space<vmem_shared>>)
      tpu.yield
    }) : () -> ()
    %add3A_12 = arith.constant 384 : i32
    %add3A_13 = arith.addi %mul3A_2, %add3A_12 : i32
    %run_scoped3A_14 = arith.constant 0 : i32
    "tpu.region"() ({
      %run_scoped3A_46 = tpu.sem_alloc : memref<!tpu.dma_semaphore, #tpu.memory_space<semaphore_mem>>
      %dma_start3A = arith.constant 0 : i32
      %dma_start3A_47 = arith.constant 0 : i32
      %dma_start3A_48 = tpu.memref_slice %arg9[%run_scoped3A_14, %dma_start3A, %dma_start3A_47] : memref<2x128x128xf32, #tpu.memory_space<vmem>> -> memref<1x128x128xf32, #tpu.memory_space<vmem>>
      %dma_start3A_49 = tpu.memref_squeeze %dma_start3A_48 : memref<1x128x128xf32, #tpu.memory_space<vmem>> -> memref<128x128xf32, #tpu.memory_space<vmem>>
      %dma_start3A_50 = arith.constant 0 : i32
      %dma_start3A_51 = tpu.memref_slice %arg10[%add3A_13, %dma_start3A_50] : memref<10112x128xf32, #tpu.memory_space<vmem_shared>> -> memref<128x128xf32, #tpu.memory_space<vmem_shared>>
      %dma_start3A_52 = arith.constant 0 : i32
      %dma_start3A_53 = tpu.memref_slice %arg10[%add3A_13, %dma_start3A_52] : memref<10112x128xf32, #tpu.memory_space<vmem_shared>> -> memref<128x128xf32, #tpu.memory_space<vmem_shared>>
      %dma_start3A_54 = arith.constant 0 : i32
      %dma_start3A_55 = arith.constant 0 : i32
      %dma_start3A_56 = tpu.memref_slice %arg9[%run_scoped3A_14, %dma_start3A_54, %dma_start3A_55] : memref<2x128x128xf32, #tpu.memory_space<vmem>> -> memref<1x128x128xf32, #tpu.memory_space<vmem>>
      %dma_start3A_57 = tpu.memref_squeeze %dma_start3A_56 : memref<1x128x128xf32, #tpu.memory_space<vmem>> -> memref<128x128xf32, #tpu.memory_space<vmem>>
      tpu.enqueue_dma source(%dma_start3A_57 : memref<128x128xf32, #tpu.memory_space<vmem>>) target(%dma_start3A_53 : memref<128x128xf32, #tpu.memory_space<vmem_shared>>) target_semaphore(%run_scoped3A_46 : memref<!tpu.dma_semaphore, #tpu.memory_space<semaphore_mem>>)
      %dma_wait3A_58 = arith.constant 0 : i32
      %dma_wait3A_59 = arith.constant 0 : i32
      %dma_wait3A_60 = tpu.memref_slice %arg9[%run_scoped3A_14, %dma_wait3A_58, %dma_wait3A_59] : memref<2x128x128xf32, #tpu.memory_space<vmem>> -> memref<1x128x128xf32, #tpu.memory_space<vmem>>
      %dma_wait3A_61 = tpu.memref_squeeze %dma_wait3A_60 : memref<1x128x128xf32, #tpu.memory_space<vmem>> -> memref<128x128xf32, #tpu.memory_space<vmem>>
      %dma_wait3A_62 = arith.constant 0 : i32
      %dma_wait3A_63 = tpu.memref_slice %arg10[%add3A_13, %dma_wait3A_62] : memref<10112x128xf32, #tpu.memory_space<vmem_shared>> -> memref<128x128xf32, #tpu.memory_space<vmem_shared>>
      %dma_wait3A_64 = arith.constant 0 : i32
      %dma_wait3A_65 = tpu.memref_slice %arg10[%add3A_13, %dma_wait3A_64] : memref<10112x128xf32, #tpu.memory_space<vmem_shared>> -> memref<128x128xf32, #tpu.memory_space<vmem_shared>>
      %dma_wait3A_66 = arith.constant 0 : i32
      %dma_wait3A_67 = arith.constant 0 : i32
      %dma_wait3A_68 = tpu.memref_slice %arg9[%run_scoped3A_14, %dma_wait3A_66, %dma_wait3A_67] : memref<2x128x128xf32, #tpu.memory_space<vmem>> -> memref<1x128x128xf32, #tpu.memory_space<vmem>>
      %dma_wait3A_69 = tpu.memref_squeeze %dma_wait3A_68 : memref<1x128x128xf32, #tpu.memory_space<vmem>> -> memref<128x128xf32, #tpu.memory_space<vmem>>
      tpu.wait_dma2 semaphore(%run_scoped3A_46 : memref<!tpu.dma_semaphore, #tpu.memory_space<semaphore_mem>>) src(%dma_wait3A_69 : memref<128x128xf32, #tpu.memory_space<vmem>>) dst(%dma_wait3A_65 : memref<128x128xf32, #tpu.memory_space<vmem_shared>>)
      tpu.yield
    }) : () -> ()
    %add3A_15 = arith.constant 512 : i32
    %add3A_16 = arith.addi %mul3A_2, %add3A_15 : i32
    %run_scoped3A_17 = arith.constant 0 : i32
    "tpu.region"() ({
      %run_scoped3A_46 = tpu.sem_alloc : memref<!tpu.dma_semaphore, #tpu.memory_space<semaphore_mem>>
      %dma_start3A = arith.constant 0 : i32
      %dma_start3A_47 = arith.constant 0 : i32
      %dma_start3A_48 = tpu.memref_slice %arg9[%run_scoped3A_17, %dma_start3A, %dma_start3A_47] : memref<2x128x128xf32, #tpu.memory_space<vmem>> -> memref<1x120x128xf32, #tpu.memory_space<vmem>>
      %dma_start3A_49 = tpu.memref_squeeze %dma_start3A_48 : memref<1x120x128xf32, #tpu.memory_space<vmem>> -> memref<120x128xf32, #tpu.memory_space<vmem>>
      %dma_start3A_50 = arith.constant 0 : i32
      %dma_start3A_51 = tpu.memref_slice %arg10[%add3A_16, %dma_start3A_50] : memref<10112x128xf32, #tpu.memory_space<vmem_shared>> -> memref<120x128xf32, #tpu.memory_space<vmem_shared>>
      %dma_start3A_52 = arith.constant 0 : i32
      %dma_start3A_53 = tpu.memref_slice %arg10[%add3A_16, %dma_start3A_52] : memref<10112x128xf32, #tpu.memory_space<vmem_shared>> -> memref<120x128xf32, #tpu.memory_space<vmem_shared>>
      %dma_start3A_54 = arith.constant 0 : i32
      %dma_start3A_55 = arith.constant 0 : i32
      %dma_start3A_56 = tpu.memref_slice %arg9[%run_scoped3A_17, %dma_start3A_54, %dma_start3A_55] : memref<2x128x128xf32, #tpu.memory_space<vmem>> -> memref<1x120x128xf32, #tpu.memory_space<vmem>>
      %dma_start3A_57 = tpu.memref_squeeze %dma_start3A_56 : memref<1x120x128xf32, #tpu.memory_space<vmem>> -> memref<120x128xf32, #tpu.memory_space<vmem>>
      tpu.enqueue_dma source(%dma_start3A_57 : memref<120x128xf32, #tpu.memory_space<vmem>>) target(%dma_start3A_53 : memref<120x128xf32, #tpu.memory_space<vmem_shared>>) target_semaphore(%run_scoped3A_46 : memref<!tpu.dma_semaphore, #tpu.memory_space<semaphore_mem>>)
      %dma_wait3A_58 = arith.constant 0 : i32
      %dma_wait3A_59 = arith.constant 0 : i32
      %dma_wait3A_60 = tpu.memref_slice %arg9[%run_scoped3A_17, %dma_wait3A_58, %dma_wait3A_59] : memref<2x128x128xf32, #tpu.memory_space<vmem>> -> memref<1x120x128xf32, #tpu.memory_space<vmem>>
      %dma_wait3A_61 = tpu.memref_squeeze %dma_wait3A_60 : memref<1x120x128xf32, #tpu.memory_space<vmem>> -> memref<120x128xf32, #tpu.memory_space<vmem>>
      %dma_wait3A_62 = arith.constant 0 : i32
      %dma_wait3A_63 = tpu.memref_slice %arg10[%add3A_16, %dma_wait3A_62] : memref<10112x128xf32, #tpu.memory_space<vmem_shared>> -> memref<120x128xf32, #tpu.memory_space<vmem_shared>>
      %dma_wait3A_64 = arith.constant 0 : i32
      %dma_wait3A_65 = tpu.memref_slice %arg10[%add3A_16, %dma_wait3A_64] : memref<10112x128xf32, #tpu.memory_space<vmem_shared>> -> memref<120x128xf32, #tpu.memory_space<vmem_shared>>
      %dma_wait3A_66 = arith.constant 0 : i32
      %dma_wait3A_67 = arith.constant 0 : i32
      %dma_wait3A_68 = tpu.memref_slice %arg9[%run_scoped3A_17, %dma_wait3A_66, %dma_wait3A_67] : memref<2x128x128xf32, #tpu.memory_space<vmem>> -> memref<1x120x128xf32, #tpu.memory_space<vmem>>
      %dma_wait3A_69 = tpu.memref_squeeze %dma_wait3A_68 : memref<1x120x128xf32, #tpu.memory_space<vmem>> -> memref<120x128xf32, #tpu.memory_space<vmem>>
      tpu.wait_dma2 semaphore(%run_scoped3A_46 : memref<!tpu.dma_semaphore, #tpu.memory_space<semaphore_mem>>) src(%dma_wait3A_69 : memref<120x128xf32, #tpu.memory_space<vmem>>) dst(%dma_wait3A_65 : memref<120x128xf32, #tpu.memory_space<vmem_shared>>)
      tpu.yield
    }) : () -> ()
    %barrier3A = arith.constant 0 : index
    tpu.barrier barrier_id(%barrier3A)
    %scan3A = arith.constant 0 : i32
    %scan3A_18 = arith.constant 0 : i32
    %scan3A_19 = arith.constant 5 : i32
    %scan3A_20 = arith.addi %scan3A_18, %scan3A_19 : i32
    %scan3A_21 = arith.constant 1 : i32
    %scan3A_22 = scf.for %scan3A_46 = %scan3A_18 to %scan3A_20 step %scan3A_21 iter_args(%scan3A_47 = %scan3A) -> (i32)  : i32 {
      %mul3A_48 = arith.constant 8 : i32
      %mul3A_49 = arith.muli %scan3A_46, %mul3A_48 : i32
      %multiple_of3A = tpu.assume_multiple %mul3A_49, 8 : i32
      "tpu.region"() ({
        %run_scoped3A_473 = tpu.sem_alloc : memref<!tpu.dma_semaphore, #tpu.memory_space<semaphore_mem>>
        %dma_start3A_474 = arith.constant 0 : i32
        %dma_start3A_475 = tpu.memref_slice %arg3[%add3A, %multiple_of3A, %dma_start3A_474] : memref<32x40x128xi32, #tpu.memory_space<hbm>> -> memref<1x8x128xi32, #tpu.memory_space<hbm>>
        %dma_start3A_476 = tpu.memref_squeeze %dma_start3A_475 : memref<1x8x128xi32, #tpu.memory_space<hbm>> -> memref<8x128xi32, #tpu.memory_space<hbm>>
        %dma_start3A_477 = arith.constant 0 : i32
        %dma_start3A_478 = tpu.memref_slice %arg3[%add3A, %multiple_of3A, %dma_start3A_477] : memref<32x40x128xi32, #tpu.memory_space<hbm>> -> memref<1x8x128xi32, #tpu.memory_space<hbm>>
        %dma_start3A_479 = tpu.memref_squeeze %dma_start3A_478 : memref<1x8x128xi32, #tpu.memory_space<hbm>> -> memref<8x128xi32, #tpu.memory_space<hbm>>
        tpu.enqueue_dma source(%dma_start3A_479 : memref<8x128xi32, #tpu.memory_space<hbm>>) target(%arg8 : memref<8x128xi32, #tpu.memory_space<vmem>>) target_semaphore(%run_scoped3A_473 : memref<!tpu.dma_semaphore, #tpu.memory_space<semaphore_mem>>)
        %dma_wait3A_480 = arith.constant 0 : i32
        %dma_wait3A_481 = tpu.memref_slice %arg3[%add3A, %multiple_of3A, %dma_wait3A_480] : memref<32x40x128xi32, #tpu.memory_space<hbm>> -> memref<1x8x128xi32, #tpu.memory_space<hbm>>
        %dma_wait3A_482 = tpu.memref_squeeze %dma_wait3A_481 : memref<1x8x128xi32, #tpu.memory_space<hbm>> -> memref<8x128xi32, #tpu.memory_space<hbm>>
        %dma_wait3A_483 = arith.constant 0 : i32
        %dma_wait3A_484 = tpu.memref_slice %arg3[%add3A, %multiple_of3A, %dma_wait3A_483] : memref<32x40x128xi32, #tpu.memory_space<hbm>> -> memref<1x8x128xi32, #tpu.memory_space<hbm>>
        %dma_wait3A_485 = tpu.memref_squeeze %dma_wait3A_484 : memref<1x8x128xi32, #tpu.memory_space<hbm>> -> memref<8x128xi32, #tpu.memory_space<hbm>>
        tpu.wait_dma2 semaphore(%run_scoped3A_473 : memref<!tpu.dma_semaphore, #tpu.memory_space<semaphore_mem>>) src(%dma_wait3A_485 : memref<8x128xi32, #tpu.memory_space<hbm>>) dst(%arg8 : memref<8x128xi32, #tpu.memory_space<vmem>>)
        tpu.yield
      }) : () -> ()
      %mul3A_50 = arith.constant 8 : i32
      %mul3A_51 = arith.muli %scan3A_46, %mul3A_50 : i32
      %add3A_52 = arith.constant 0 : i32
      %add3A_53 = arith.addi %mul3A_51, %add3A_52 : i32
      %dma_start3A = arith.constant 0 : i32
      %dma_start3A_54 = arith.constant 0 : i32
      %dma_start3A_55 = arith.constant 0 : i32
      %dma_start3A_56 = arith.constant 0 : i32
      %dma_start3A_57 = arith.constant 0 : i32
      %dma_start3A_58 = tpu.memref_slice %arg9[%dma_start3A_54, %dma_start3A_56, %dma_start3A_57] : memref<2x128x128xf32, #tpu.memory_space<vmem>> -> memref<1x128x128xf32, #tpu.memory_space<vmem>>
      %dma_start3A_59 = tpu.memref_squeeze %dma_start3A_58 : memref<1x128x128xf32, #tpu.memory_space<vmem>> -> memref<128x128xf32, #tpu.memory_space<vmem>>
      %dma_start3A_60 = arith.constant 0 : i32
      %dma_start3A_61 = tpu.memref_slice %arg8[%dma_start3A, %dma_start3A_60] : memref<8x128xi32, #tpu.memory_space<vmem>> -> memref<1x128xi32, #tpu.memory_space<vmem>>
      %dma_start3A_62 = tpu.memref_squeeze %dma_start3A_61 : memref<1x128xi32, #tpu.memory_space<vmem>> -> memref<128xi32, #tpu.memory_space<vmem>>
      %dma_start3A_63 = arith.constant 0 : i32
      %dma_start3A_64 = arith.constant 0 : i32
      %dma_start3A_65 = tpu.memref_slice %arg2[%dma_start3A_63, %dma_start3A_64] : memref<10112x128xf32, #tpu.memory_space<hbm>> -> memref<10112x128xf32, #tpu.memory_space<hbm>>
      %dma_start3A_66 = tpu.memref_slice %arg11[%dma_start3A_55] : memref<2x!tpu.dma_semaphore, #tpu.memory_space<semaphore_mem>> -> memref<1x!tpu.dma_semaphore, #tpu.memory_space<semaphore_mem>>
      %dma_start3A_67 = tpu.memref_squeeze %dma_start3A_66 : memref<1x!tpu.dma_semaphore, #tpu.memory_space<semaphore_mem>> -> memref<!tpu.dma_semaphore, #tpu.memory_space<semaphore_mem>>
      tpu.enqueue_indirect_dma source(%dma_start3A_65 : memref<10112x128xf32, #tpu.memory_space<hbm>>) target(%dma_start3A_59 : memref<128x128xf32, #tpu.memory_space<vmem>>) offsets(%dma_start3A_62 : memref<128xi32, #tpu.memory_space<vmem>>) semaphore(%dma_start3A_67 : memref<!tpu.dma_semaphore, #tpu.memory_space<semaphore_mem>>)
      %ge3A = arith.constant 1 : i32
      %ge3A_68 = arith.cmpi sge, %add3A_53, %ge3A : i32
      %convert_element_type3A_69 = arith.extui %ge3A_68 : i1 to i32
      %cond3A_70 = arith.constant 0 : i32
      %cond3A_71 = arith.cmpi ne, %convert_element_type3A_69, %cond3A_70 : i32
      scf.if %cond3A_71 {
        %dma_wait3A_473 = arith.constant 1 : i32
        %dma_wait3A_474 = arith.constant 0 : i32
        %dma_wait3A_475 = arith.constant 1 : i32
        %dma_wait3A_476 = arith.constant 0 : i32
        %dma_wait3A_477 = arith.constant 0 : i32
        %dma_wait3A_478 = tpu.memref_slice %arg9[%dma_wait3A_473, %dma_wait3A_476, %dma_wait3A_477] : memref<2x128x128xf32, #tpu.memory_space<vmem>> -> memref<1x128x128xf32, #tpu.memory_space<vmem>>
        %dma_wait3A_479 = tpu.memref_squeeze %dma_wait3A_478 : memref<1x128x128xf32, #tpu.memory_space<vmem>> -> memref<128x128xf32, #tpu.memory_space<vmem>>
        %dma_wait3A_480 = arith.constant 0 : i32
        %dma_wait3A_481 = tpu.memref_slice %arg7[%dma_wait3A_474, %dma_wait3A_480] : memref<40x128xi32, #tpu.memory_space<vmem>> -> memref<1x128xi32, #tpu.memory_space<vmem>>
        %dma_wait3A_482 = tpu.memref_squeeze %dma_wait3A_481 : memref<1x128xi32, #tpu.memory_space<vmem>> -> memref<128xi32, #tpu.memory_space<vmem>>
        %dma_wait3A_483 = arith.constant 0 : i32
        %dma_wait3A_484 = arith.constant 0 : i32
        %dma_wait3A_485 = tpu.memref_slice %arg10[%dma_wait3A_483, %dma_wait3A_484] : memref<10112x128xf32, #tpu.memory_space<vmem_shared>> -> memref<10112x128xf32, #tpu.memory_space<vmem_shared>>
        %dma_wait3A_486 = tpu.memref_slice %arg12[%dma_wait3A_475] : memref<2x!tpu.dma_semaphore, #tpu.memory_space<semaphore_mem>> -> memref<1x!tpu.dma_semaphore, #tpu.memory_space<semaphore_mem>>
        %dma_wait3A_487 = tpu.memref_squeeze %dma_wait3A_486 : memref<1x!tpu.dma_semaphore, #tpu.memory_space<semaphore_mem>> -> memref<!tpu.dma_semaphore, #tpu.memory_space<semaphore_mem>>
        tpu.wait_indirect_dma semaphore(%dma_wait3A_487 : memref<!tpu.dma_semaphore, #tpu.memory_space<semaphore_mem>>) src(%dma_wait3A_479 : memref<128x128xf32, #tpu.memory_space<vmem>>) dst(%dma_wait3A_485 : memref<10112x128xf32, #tpu.memory_space<vmem_shared>>)
      } else {
      }
      %dma_wait3A_72 = arith.constant 0 : i32
      %dma_wait3A_73 = arith.constant 0 : i32
      %dma_wait3A_74 = arith.constant 0 : i32
      %dma_wait3A_75 = arith.constant 0 : i32
      %dma_wait3A_76 = arith.constant 0 : i32
      %dma_wait3A_77 = tpu.memref_slice %arg9[%dma_wait3A_73, %dma_wait3A_75, %dma_wait3A_76] : memref<2x128x128xf32, #tpu.memory_space<vmem>> -> memref<1x128x128xf32, #tpu.memory_space<vmem>>
      %dma_wait3A_78 = tpu.memref_squeeze %dma_wait3A_77 : memref<1x128x128xf32, #tpu.memory_space<vmem>> -> memref<128x128xf32, #tpu.memory_space<vmem>>
      %dma_wait3A_79 = arith.constant 0 : i32
      %dma_wait3A_80 = tpu.memref_slice %arg8[%dma_wait3A_72, %dma_wait3A_79] : memref<8x128xi32, #tpu.memory_space<vmem>> -> memref<1x128xi32, #tpu.memory_space<vmem>>
      %dma_wait3A_81 = tpu.memref_squeeze %dma_wait3A_80 : memref<1x128xi32, #tpu.memory_space<vmem>> -> memref<128xi32, #tpu.memory_space<vmem>>
      %dma_wait3A_82 = arith.constant 0 : i32
      %dma_wait3A_83 = arith.constant 0 : i32
      %dma_wait3A_84 = tpu.memref_slice %arg2[%dma_wait3A_82, %dma_wait3A_83] : memref<10112x128xf32, #tpu.memory_space<hbm>> -> memref<10112x128xf32, #tpu.memory_space<hbm>>
      %dma_wait3A_85 = tpu.memref_slice %arg11[%dma_wait3A_74] : memref<2x!tpu.dma_semaphore, #tpu.memory_space<semaphore_mem>> -> memref<1x!tpu.dma_semaphore, #tpu.memory_space<semaphore_mem>>
      %dma_wait3A_86 = tpu.memref_squeeze %dma_wait3A_85 : memref<1x!tpu.dma_semaphore, #tpu.memory_space<semaphore_mem>> -> memref<!tpu.dma_semaphore, #tpu.memory_space<semaphore_mem>>
      tpu.wait_indirect_dma semaphore(%dma_wait3A_86 : memref<!tpu.dma_semaphore, #tpu.memory_space<semaphore_mem>>) src(%dma_wait3A_84 : memref<10112x128xf32, #tpu.memory_space<hbm>>) dst(%dma_wait3A_78 : memref<128x128xf32, #tpu.memory_space<vmem>>)
      %dma_start3A_87 = arith.constant 0 : i32
      %dma_start3A_88 = arith.constant 0 : i32
      %dma_start3A_89 = arith.constant 0 : i32
      %dma_start3A_90 = arith.constant 0 : i32
      %dma_start3A_91 = tpu.memref_slice %arg9[%dma_start3A_87, %dma_start3A_89, %dma_start3A_90] : memref<2x128x128xf32, #tpu.memory_space<vmem>> -> memref<1x128x128xf32, #tpu.memory_space<vmem>>
      %dma_start3A_92 = tpu.memref_squeeze %dma_start3A_91 : memref<1x128x128xf32, #tpu.memory_space<vmem>> -> memref<128x128xf32, #tpu.memory_space<vmem>>
      %dma_start3A_93 = arith.constant 0 : i32
      %dma_start3A_94 = tpu.memref_slice %arg7[%add3A_53, %dma_start3A_93] : memref<40x128xi32, #tpu.memory_space<vmem>> -> memref<1x128xi32, #tpu.memory_space<vmem>>
      %dma_start3A_95 = tpu.memref_squeeze %dma_start3A_94 : memref<1x128xi32, #tpu.memory_space<vmem>> -> memref<128xi32, #tpu.memory_space<vmem>>
      %dma_start3A_96 = arith.constant 0 : i32
      %dma_start3A_97 = arith.constant 0 : i32
      %dma_start3A_98 = tpu.memref_slice %arg10[%dma_start3A_96, %dma_start3A_97] : memref<10112x128xf32, #tpu.memory_space<vmem_shared>> -> memref<10112x128xf32, #tpu.memory_space<vmem_shared>>
      %dma_start3A_99 = tpu.memref_slice %arg12[%dma_start3A_88] : memref<2x!tpu.dma_semaphore, #tpu.memory_space<semaphore_mem>> -> memref<1x!tpu.dma_semaphore, #tpu.memory_space<semaphore_mem>>
      %dma_start3A_100 = tpu.memref_squeeze %dma_start3A_99 : memref<1x!tpu.dma_semaphore, #tpu.memory_space<semaphore_mem>> -> memref<!tpu.dma_semaphore, #tpu.memory_space<semaphore_mem>>
      tpu.enqueue_indirect_dma source(%dma_start3A_92 : memref<128x128xf32, #tpu.memory_space<vmem>>) target(%dma_start3A_98 : memref<10112x128xf32, #tpu.memory_space<vmem_shared>>) offsets(%dma_start3A_95 : memref<128xi32, #tpu.memory_space<vmem>>) semaphore(%dma_start3A_100 : memref<!tpu.dma_semaphore, #tpu.memory_space<semaphore_mem>>) {add = true}
      %mul3A_101 = arith.constant 8 : i32
      %mul3A_102 = arith.muli %scan3A_46, %mul3A_101 : i32
      %add3A_103 = arith.constant 1 : i32
      %add3A_104 = arith.addi %mul3A_102, %add3A_103 : i32
      %dma_start3A_105 = arith.constant 1 : i32
      %dma_start3A_106 = arith.constant 1 : i32
      %dma_start3A_107 = arith.constant 1 : i32
      %dma_start3A_108 = arith.constant 0 : i32
      %dma_start3A_109 = arith.constant 0 : i32
      %dma_start3A_110 = tpu.memref_slice %arg9[%dma_start3A_106, %dma_start3A_108, %dma_start3A_109] : memref<2x128x128xf32, #tpu.memory_space<vmem>> -> memref<1x128x128xf32, #tpu.memory_space<vmem>>
      %dma_start3A_111 = tpu.memref_squeeze %dma_start3A_110 : memref<1x128x128xf32, #tpu.memory_space<vmem>> -> memref<128x128xf32, #tpu.memory_space<vmem>>
      %dma_start3A_112 = arith.constant 0 : i32
      %dma_start3A_113 = tpu.memref_slice %arg8[%dma_start3A_105, %dma_start3A_112] : memref<8x128xi32, #tpu.memory_space<vmem>> -> memref<1x128xi32, #tpu.memory_space<vmem>>
      %dma_start3A_114 = tpu.memref_squeeze %dma_start3A_113 : memref<1x128xi32, #tpu.memory_space<vmem>> -> memref<128xi32, #tpu.memory_space<vmem>>
      %dma_start3A_115 = arith.constant 0 : i32
      %dma_start3A_116 = arith.constant 0 : i32
      %dma_start3A_117 = tpu.memref_slice %arg2[%dma_start3A_115, %dma_start3A_116] : memref<10112x128xf32, #tpu.memory_space<hbm>> -> memref<10112x128xf32, #tpu.memory_space<hbm>>
      %dma_start3A_118 = tpu.memref_slice %arg11[%dma_start3A_107] : memref<2x!tpu.dma_semaphore, #tpu.memory_space<semaphore_mem>> -> memref<1x!tpu.dma_semaphore, #tpu.memory_space<semaphore_mem>>
      %dma_start3A_119 = tpu.memref_squeeze %dma_start3A_118 : memref<1x!tpu.dma_semaphore, #tpu.memory_space<semaphore_mem>> -> memref<!tpu.dma_semaphore, #tpu.memory_space<semaphore_mem>>
      tpu.enqueue_indirect_dma source(%dma_start3A_117 : memref<10112x128xf32, #tpu.memory_space<hbm>>) target(%dma_start3A_111 : memref<128x128xf32, #tpu.memory_space<vmem>>) offsets(%dma_start3A_114 : memref<128xi32, #tpu.memory_space<vmem>>) semaphore(%dma_start3A_119 : memref<!tpu.dma_semaphore, #tpu.memory_space<semaphore_mem>>)
      %ge3A_120 = arith.constant 1 : i32
      %ge3A_121 = arith.cmpi sge, %add3A_104, %ge3A_120 : i32
      %convert_element_type3A_122 = arith.extui %ge3A_121 : i1 to i32
      %cond3A_123 = arith.constant 0 : i32
      %cond3A_124 = arith.cmpi ne, %convert_element_type3A_122, %cond3A_123 : i32
      scf.if %cond3A_124 {
        %dma_wait3A_473 = arith.constant 0 : i32
        %dma_wait3A_474 = arith.constant 0 : i32
        %dma_wait3A_475 = arith.constant 0 : i32
        %dma_wait3A_476 = arith.constant 0 : i32
        %dma_wait3A_477 = arith.constant 0 : i32
        %dma_wait3A_478 = tpu.memref_slice %arg9[%dma_wait3A_473, %dma_wait3A_476, %dma_wait3A_477] : memref<2x128x128xf32, #tpu.memory_space<vmem>> -> memref<1x128x128xf32, #tpu.memory_space<vmem>>
        %dma_wait3A_479 = tpu.memref_squeeze %dma_wait3A_478 : memref<1x128x128xf32, #tpu.memory_space<vmem>> -> memref<128x128xf32, #tpu.memory_space<vmem>>
        %dma_wait3A_480 = arith.constant 0 : i32
        %dma_wait3A_481 = tpu.memref_slice %arg7[%dma_wait3A_474, %dma_wait3A_480] : memref<40x128xi32, #tpu.memory_space<vmem>> -> memref<1x128xi32, #tpu.memory_space<vmem>>
        %dma_wait3A_482 = tpu.memref_squeeze %dma_wait3A_481 : memref<1x128xi32, #tpu.memory_space<vmem>> -> memref<128xi32, #tpu.memory_space<vmem>>
        %dma_wait3A_483 = arith.constant 0 : i32
        %dma_wait3A_484 = arith.constant 0 : i32
        %dma_wait3A_485 = tpu.memref_slice %arg10[%dma_wait3A_483, %dma_wait3A_484] : memref<10112x128xf32, #tpu.memory_space<vmem_shared>> -> memref<10112x128xf32, #tpu.memory_space<vmem_shared>>
        %dma_wait3A_486 = tpu.memref_slice %arg12[%dma_wait3A_475] : memref<2x!tpu.dma_semaphore, #tpu.memory_space<semaphore_mem>> -> memref<1x!tpu.dma_semaphore, #tpu.memory_space<semaphore_mem>>
        %dma_wait3A_487 = tpu.memref_squeeze %dma_wait3A_486 : memref<1x!tpu.dma_semaphore, #tpu.memory_space<semaphore_mem>> -> memref<!tpu.dma_semaphore, #tpu.memory_space<semaphore_mem>>
        tpu.wait_indirect_dma semaphore(%dma_wait3A_487 : memref<!tpu.dma_semaphore, #tpu.memory_space<semaphore_mem>>) src(%dma_wait3A_479 : memref<128x128xf32, #tpu.memory_space<vmem>>) dst(%dma_wait3A_485 : memref<10112x128xf32, #tpu.memory_space<vmem_shared>>)
      } else {
      }
      %dma_wait3A_125 = arith.constant 1 : i32
      %dma_wait3A_126 = arith.constant 1 : i32
      %dma_wait3A_127 = arith.constant 1 : i32
      %dma_wait3A_128 = arith.constant 0 : i32
      %dma_wait3A_129 = arith.constant 0 : i32
      %dma_wait3A_130 = tpu.memref_slice %arg9[%dma_wait3A_126, %dma_wait3A_128, %dma_wait3A_129] : memref<2x128x128xf32, #tpu.memory_space<vmem>> -> memref<1x128x128xf32, #tpu.memory_space<vmem>>
      %dma_wait3A_131 = tpu.memref_squeeze %dma_wait3A_130 : memref<1x128x128xf32, #tpu.memory_space<vmem>> -> memref<128x128xf32, #tpu.memory_space<vmem>>
      %dma_wait3A_132 = arith.constant 0 : i32
      %dma_wait3A_133 = tpu.memref_slice %arg8[%dma_wait3A_125, %dma_wait3A_132] : memref<8x128xi32, #tpu.memory_space<vmem>> -> memref<1x128xi32, #tpu.memory_space<vmem>>
      %dma_wait3A_134 = tpu.memref_squeeze %dma_wait3A_133 : memref<1x128xi32, #tpu.memory_space<vmem>> -> memref<128xi32, #tpu.memory_space<vmem>>
      %dma_wait3A_135 = arith.constant 0 : i32
      %dma_wait3A_136 = arith.constant 0 : i32
      %dma_wait3A_137 = tpu.memref_slice %arg2[%dma_wait3A_135, %dma_wait3A_136] : memref<10112x128xf32, #tpu.memory_space<hbm>> -> memref<10112x128xf32, #tpu.memory_space<hbm>>
      %dma_wait3A_138 = tpu.memref_slice %arg11[%dma_wait3A_127] : memref<2x!tpu.dma_semaphore, #tpu.memory_space<semaphore_mem>> -> memref<1x!tpu.dma_semaphore, #tpu.memory_space<semaphore_mem>>
      %dma_wait3A_139 = tpu.memref_squeeze %dma_wait3A_138 : memref<1x!tpu.dma_semaphore, #tpu.memory_space<semaphore_mem>> -> memref<!tpu.dma_semaphore, #tpu.memory_space<semaphore_mem>>
      tpu.wait_indirect_dma semaphore(%dma_wait3A_139 : memref<!tpu.dma_semaphore, #tpu.memory_space<semaphore_mem>>) src(%dma_wait3A_137 : memref<10112x128xf32, #tpu.memory_space<hbm>>) dst(%dma_wait3A_131 : memref<128x128xf32, #tpu.memory_space<vmem>>)
      %dma_start3A_140 = arith.constant 1 : i32
      %dma_start3A_141 = arith.constant 1 : i32
      %dma_start3A_142 = arith.constant 0 : i32
      %dma_start3A_143 = arith.constant 0 : i32
      %dma_start3A_144 = tpu.memref_slice %arg9[%dma_start3A_140, %dma_start3A_142, %dma_start3A_143] : memref<2x128x128xf32, #tpu.memory_space<vmem>> -> memref<1x128x128xf32, #tpu.memory_space<vmem>>
      %dma_start3A_145 = tpu.memref_squeeze %dma_start3A_144 : memref<1x128x128xf32, #tpu.memory_space<vmem>> -> memref<128x128xf32, #tpu.memory_space<vmem>>
      %dma_start3A_146 = arith.constant 0 : i32
      %dma_start3A_147 = tpu.memref_slice %arg7[%add3A_104, %dma_start3A_146] : memref<40x128xi32, #tpu.memory_space<vmem>> -> memref<1x128xi32, #tpu.memory_space<vmem>>
      %dma_start3A_148 = tpu.memref_squeeze %dma_start3A_147 : memref<1x128xi32, #tpu.memory_space<vmem>> -> memref<128xi32, #tpu.memory_space<vmem>>
      %dma_start3A_149 = arith.constant 0 : i32
      %dma_start3A_150 = arith.constant 0 : i32
      %dma_start3A_151 = tpu.memref_slice %arg10[%dma_start3A_149, %dma_start3A_150] : memref<10112x128xf32, #tpu.memory_space<vmem_shared>> -> memref<10112x128xf32, #tpu.memory_space<vmem_shared>>
      %dma_start3A_152 = tpu.memref_slice %arg12[%dma_start3A_141] : memref<2x!tpu.dma_semaphore, #tpu.memory_space<semaphore_mem>> -> memref<1x!tpu.dma_semaphore, #tpu.memory_space<semaphore_mem>>
      %dma_start3A_153 = tpu.memref_squeeze %dma_start3A_152 : memref<1x!tpu.dma_semaphore, #tpu.memory_space<semaphore_mem>> -> memref<!tpu.dma_semaphore, #tpu.memory_space<semaphore_mem>>
      tpu.enqueue_indirect_dma source(%dma_start3A_145 : memref<128x128xf32, #tpu.memory_space<vmem>>) target(%dma_start3A_151 : memref<10112x128xf32, #tpu.memory_space<vmem_shared>>) offsets(%dma_start3A_148 : memref<128xi32, #tpu.memory_space<vmem>>) semaphore(%dma_start3A_153 : memref<!tpu.dma_semaphore, #tpu.memory_space<semaphore_mem>>) {add = true}
      %mul3A_154 = arith.constant 8 : i32
      %mul3A_155 = arith.muli %scan3A_46, %mul3A_154 : i32
      %add3A_156 = arith.constant 2 : i32
      %add3A_157 = arith.addi %mul3A_155, %add3A_156 : i32
      %dma_start3A_158 = arith.constant 2 : i32
      %dma_start3A_159 = arith.constant 0 : i32
      %dma_start3A_160 = arith.constant 0 : i32
      %dma_start3A_161 = arith.constant 0 : i32
      %dma_start3A_162 = arith.constant 0 : i32
      %dma_start3A_163 = tpu.memref_slice %arg9[%dma_start3A_159, %dma_start3A_161, %dma_start3A_162] : memref<2x128x128xf32, #tpu.memory_space<vmem>> -> memref<1x128x128xf32, #tpu.memory_space<vmem>>
      %dma_start3A_164 = tpu.memref_squeeze %dma_start3A_163 : memref<1x128x128xf32, #tpu.memory_space<vmem>> -> memref<128x128xf32, #tpu.memory_space<vmem>>
      %dma_start3A_165 = arith.constant 0 : i32
      %dma_start3A_166 = tpu.memref_slice %arg8[%dma_start3A_158, %dma_start3A_165] : memref<8x128xi32, #tpu.memory_space<vmem>> -> memref<1x128xi32, #tpu.memory_space<vmem>>
      %dma_start3A_167 = tpu.memref_squeeze %dma_start3A_166 : memref<1x128xi32, #tpu.memory_space<vmem>> -> memref<128xi32, #tpu.memory_space<vmem>>
      %dma_start3A_168 = arith.constant 0 : i32
      %dma_start3A_169 = arith.constant 0 : i32
      %dma_start3A_170 = tpu.memref_slice %arg2[%dma_start3A_168, %dma_start3A_169] : memref<10112x128xf32, #tpu.memory_space<hbm>> -> memref<10112x128xf32, #tpu.memory_space<hbm>>
      %dma_start3A_171 = tpu.memref_slice %arg11[%dma_start3A_160] : memref<2x!tpu.dma_semaphore, #tpu.memory_space<semaphore_mem>> -> memref<1x!tpu.dma_semaphore, #tpu.memory_space<semaphore_mem>>
      %dma_start3A_172 = tpu.memref_squeeze %dma_start3A_171 : memref<1x!tpu.dma_semaphore, #tpu.memory_space<semaphore_mem>> -> memref<!tpu.dma_semaphore, #tpu.memory_space<semaphore_mem>>
      tpu.enqueue_indirect_dma source(%dma_start3A_170 : memref<10112x128xf32, #tpu.memory_space<hbm>>) target(%dma_start3A_164 : memref<128x128xf32, #tpu.memory_space<vmem>>) offsets(%dma_start3A_167 : memref<128xi32, #tpu.memory_space<vmem>>) semaphore(%dma_start3A_172 : memref<!tpu.dma_semaphore, #tpu.memory_space<semaphore_mem>>)
      %ge3A_173 = arith.constant 1 : i32
      %ge3A_174 = arith.cmpi sge, %add3A_157, %ge3A_173 : i32
      %convert_element_type3A_175 = arith.extui %ge3A_174 : i1 to i32
      %cond3A_176 = arith.constant 0 : i32
      %cond3A_177 = arith.cmpi ne, %convert_element_type3A_175, %cond3A_176 : i32
      scf.if %cond3A_177 {
        %dma_wait3A_473 = arith.constant 1 : i32
        %dma_wait3A_474 = arith.constant 0 : i32
        %dma_wait3A_475 = arith.constant 1 : i32
        %dma_wait3A_476 = arith.constant 0 : i32
        %dma_wait3A_477 = arith.constant 0 : i32
        %dma_wait3A_478 = tpu.memref_slice %arg9[%dma_wait3A_473, %dma_wait3A_476, %dma_wait3A_477] : memref<2x128x128xf32, #tpu.memory_space<vmem>> -> memref<1x128x128xf32, #tpu.memory_space<vmem>>
        %dma_wait3A_479 = tpu.memref_squeeze %dma_wait3A_478 : memref<1x128x128xf32, #tpu.memory_space<vmem>> -> memref<128x128xf32, #tpu.memory_space<vmem>>
        %dma_wait3A_480 = arith.constant 0 : i32
        %dma_wait3A_481 = tpu.memref_slice %arg7[%dma_wait3A_474, %dma_wait3A_480] : memref<40x128xi32, #tpu.memory_space<vmem>> -> memref<1x128xi32, #tpu.memory_space<vmem>>
        %dma_wait3A_482 = tpu.memref_squeeze %dma_wait3A_481 : memref<1x128xi32, #tpu.memory_space<vmem>> -> memref<128xi32, #tpu.memory_space<vmem>>
        %dma_wait3A_483 = arith.constant 0 : i32
        %dma_wait3A_484 = arith.constant 0 : i32
        %dma_wait3A_485 = tpu.memref_slice %arg10[%dma_wait3A_483, %dma_wait3A_484] : memref<10112x128xf32, #tpu.memory_space<vmem_shared>> -> memref<10112x128xf32, #tpu.memory_space<vmem_shared>>
        %dma_wait3A_486 = tpu.memref_slice %arg12[%dma_wait3A_475] : memref<2x!tpu.dma_semaphore, #tpu.memory_space<semaphore_mem>> -> memref<1x!tpu.dma_semaphore, #tpu.memory_space<semaphore_mem>>
        %dma_wait3A_487 = tpu.memref_squeeze %dma_wait3A_486 : memref<1x!tpu.dma_semaphore, #tpu.memory_space<semaphore_mem>> -> memref<!tpu.dma_semaphore, #tpu.memory_space<semaphore_mem>>
        tpu.wait_indirect_dma semaphore(%dma_wait3A_487 : memref<!tpu.dma_semaphore, #tpu.memory_space<semaphore_mem>>) src(%dma_wait3A_479 : memref<128x128xf32, #tpu.memory_space<vmem>>) dst(%dma_wait3A_485 : memref<10112x128xf32, #tpu.memory_space<vmem_shared>>)
      } else {
      }
      %dma_wait3A_178 = arith.constant 2 : i32
      %dma_wait3A_179 = arith.constant 0 : i32
      %dma_wait3A_180 = arith.constant 0 : i32
      %dma_wait3A_181 = arith.constant 0 : i32
      %dma_wait3A_182 = arith.constant 0 : i32
      %dma_wait3A_183 = tpu.memref_slice %arg9[%dma_wait3A_179, %dma_wait3A_181, %dma_wait3A_182] : memref<2x128x128xf32, #tpu.memory_space<vmem>> -> memref<1x128x128xf32, #tpu.memory_space<vmem>>
      %dma_wait3A_184 = tpu.memref_squeeze %dma_wait3A_183 : memref<1x128x128xf32, #tpu.memory_space<vmem>> -> memref<128x128xf32, #tpu.memory_space<vmem>>
      %dma_wait3A_185 = arith.constant 0 : i32
      %dma_wait3A_186 = tpu.memref_slice %arg8[%dma_wait3A_178, %dma_wait3A_185] : memref<8x128xi32, #tpu.memory_space<vmem>> -> memref<1x128xi32, #tpu.memory_space<vmem>>
      %dma_wait3A_187 = tpu.memref_squeeze %dma_wait3A_186 : memref<1x128xi32, #tpu.memory_space<vmem>> -> memref<128xi32, #tpu.memory_space<vmem>>
      %dma_wait3A_188 = arith.constant 0 : i32
      %dma_wait3A_189 = arith.constant 0 : i32
      %dma_wait3A_190 = tpu.memref_slice %arg2[%dma_wait3A_188, %dma_wait3A_189] : memref<10112x128xf32, #tpu.memory_space<hbm>> -> memref<10112x128xf32, #tpu.memory_space<hbm>>
      %dma_wait3A_191 = tpu.memref_slice %arg11[%dma_wait3A_180] : memref<2x!tpu.dma_semaphore, #tpu.memory_space<semaphore_mem>> -> memref<1x!tpu.dma_semaphore, #tpu.memory_space<semaphore_mem>>
      %dma_wait3A_192 = tpu.memref_squeeze %dma_wait3A_191 : memref<1x!tpu.dma_semaphore, #tpu.memory_space<semaphore_mem>> -> memref<!tpu.dma_semaphore, #tpu.memory_space<semaphore_mem>>
      tpu.wait_indirect_dma semaphore(%dma_wait3A_192 : memref<!tpu.dma_semaphore, #tpu.memory_space<semaphore_mem>>) src(%dma_wait3A_190 : memref<10112x128xf32, #tpu.memory_space<hbm>>) dst(%dma_wait3A_184 : memref<128x128xf32, #tpu.memory_space<vmem>>)
      %dma_start3A_193 = arith.constant 0 : i32
      %dma_start3A_194 = arith.constant 0 : i32
      %dma_start3A_195 = arith.constant 0 : i32
      %dma_start3A_196 = arith.constant 0 : i32
      %dma_start3A_197 = tpu.memref_slice %arg9[%dma_start3A_193, %dma_start3A_195, %dma_start3A_196] : memref<2x128x128xf32, #tpu.memory_space<vmem>> -> memref<1x128x128xf32, #tpu.memory_space<vmem>>
      %dma_start3A_198 = tpu.memref_squeeze %dma_start3A_197 : memref<1x128x128xf32, #tpu.memory_space<vmem>> -> memref<128x128xf32, #tpu.memory_space<vmem>>
      %dma_start3A_199 = arith.constant 0 : i32
      %dma_start3A_200 = tpu.memref_slice %arg7[%add3A_157, %dma_start3A_199] : memref<40x128xi32, #tpu.memory_space<vmem>> -> memref<1x128xi32, #tpu.memory_space<vmem>>
      %dma_start3A_201 = tpu.memref_squeeze %dma_start3A_200 : memref<1x128xi32, #tpu.memory_space<vmem>> -> memref<128xi32, #tpu.memory_space<vmem>>
      %dma_start3A_202 = arith.constant 0 : i32
      %dma_start3A_203 = arith.constant 0 : i32
      %dma_start3A_204 = tpu.memref_slice %arg10[%dma_start3A_202, %dma_start3A_203] : memref<10112x128xf32, #tpu.memory_space<vmem_shared>> -> memref<10112x128xf32, #tpu.memory_space<vmem_shared>>
      %dma_start3A_205 = tpu.memref_slice %arg12[%dma_start3A_194] : memref<2x!tpu.dma_semaphore, #tpu.memory_space<semaphore_mem>> -> memref<1x!tpu.dma_semaphore, #tpu.memory_space<semaphore_mem>>
      %dma_start3A_206 = tpu.memref_squeeze %dma_start3A_205 : memref<1x!tpu.dma_semaphore, #tpu.memory_space<semaphore_mem>> -> memref<!tpu.dma_semaphore, #tpu.memory_space<semaphore_mem>>
      tpu.enqueue_indirect_dma source(%dma_start3A_198 : memref<128x128xf32, #tpu.memory_space<vmem>>) target(%dma_start3A_204 : memref<10112x128xf32, #tpu.memory_space<vmem_shared>>) offsets(%dma_start3A_201 : memref<128xi32, #tpu.memory_space<vmem>>) semaphore(%dma_start3A_206 : memref<!tpu.dma_semaphore, #tpu.memory_space<semaphore_mem>>) {add = true}
      %mul3A_207 = arith.constant 8 : i32
      %mul3A_208 = arith.muli %scan3A_46, %mul3A_207 : i32
      %add3A_209 = arith.constant 3 : i32
      %add3A_210 = arith.addi %mul3A_208, %add3A_209 : i32
      %dma_start3A_211 = arith.constant 3 : i32
      %dma_start3A_212 = arith.constant 1 : i32
      %dma_start3A_213 = arith.constant 1 : i32
      %dma_start3A_214 = arith.constant 0 : i32
      %dma_start3A_215 = arith.constant 0 : i32
      %dma_start3A_216 = tpu.memref_slice %arg9[%dma_start3A_212, %dma_start3A_214, %dma_start3A_215] : memref<2x128x128xf32, #tpu.memory_space<vmem>> -> memref<1x128x128xf32, #tpu.memory_space<vmem>>
      %dma_start3A_217 = tpu.memref_squeeze %dma_start3A_216 : memref<1x128x128xf32, #tpu.memory_space<vmem>> -> memref<128x128xf32, #tpu.memory_space<vmem>>
      %dma_start3A_218 = arith.constant 0 : i32
      %dma_start3A_219 = tpu.memref_slice %arg8[%dma_start3A_211, %dma_start3A_218] : memref<8x128xi32, #tpu.memory_space<vmem>> -> memref<1x128xi32, #tpu.memory_space<vmem>>
      %dma_start3A_220 = tpu.memref_squeeze %dma_start3A_219 : memref<1x128xi32, #tpu.memory_space<vmem>> -> memref<128xi32, #tpu.memory_space<vmem>>
      %dma_start3A_221 = arith.constant 0 : i32
      %dma_start3A_222 = arith.constant 0 : i32
      %dma_start3A_223 = tpu.memref_slice %arg2[%dma_start3A_221, %dma_start3A_222] : memref<10112x128xf32, #tpu.memory_space<hbm>> -> memref<10112x128xf32, #tpu.memory_space<hbm>>
      %dma_start3A_224 = tpu.memref_slice %arg11[%dma_start3A_213] : memref<2x!tpu.dma_semaphore, #tpu.memory_space<semaphore_mem>> -> memref<1x!tpu.dma_semaphore, #tpu.memory_space<semaphore_mem>>
      %dma_start3A_225 = tpu.memref_squeeze %dma_start3A_224 : memref<1x!tpu.dma_semaphore, #tpu.memory_space<semaphore_mem>> -> memref<!tpu.dma_semaphore, #tpu.memory_space<semaphore_mem>>
      tpu.enqueue_indirect_dma source(%dma_start3A_223 : memref<10112x128xf32, #tpu.memory_space<hbm>>) target(%dma_start3A_217 : memref<128x128xf32, #tpu.memory_space<vmem>>) offsets(%dma_start3A_220 : memref<128xi32, #tpu.memory_space<vmem>>) semaphore(%dma_start3A_225 : memref<!tpu.dma_semaphore, #tpu.memory_space<semaphore_mem>>)
      %ge3A_226 = arith.constant 1 : i32
      %ge3A_227 = arith.cmpi sge, %add3A_210, %ge3A_226 : i32
      %convert_element_type3A_228 = arith.extui %ge3A_227 : i1 to i32
      %cond3A_229 = arith.constant 0 : i32
      %cond3A_230 = arith.cmpi ne, %convert_element_type3A_228, %cond3A_229 : i32
      scf.if %cond3A_230 {
        %dma_wait3A_473 = arith.constant 0 : i32
        %dma_wait3A_474 = arith.constant 0 : i32
        %dma_wait3A_475 = arith.constant 0 : i32
        %dma_wait3A_476 = arith.constant 0 : i32
        %dma_wait3A_477 = arith.constant 0 : i32
        %dma_wait3A_478 = tpu.memref_slice %arg9[%dma_wait3A_473, %dma_wait3A_476, %dma_wait3A_477] : memref<2x128x128xf32, #tpu.memory_space<vmem>> -> memref<1x128x128xf32, #tpu.memory_space<vmem>>
        %dma_wait3A_479 = tpu.memref_squeeze %dma_wait3A_478 : memref<1x128x128xf32, #tpu.memory_space<vmem>> -> memref<128x128xf32, #tpu.memory_space<vmem>>
        %dma_wait3A_480 = arith.constant 0 : i32
        %dma_wait3A_481 = tpu.memref_slice %arg7[%dma_wait3A_474, %dma_wait3A_480] : memref<40x128xi32, #tpu.memory_space<vmem>> -> memref<1x128xi32, #tpu.memory_space<vmem>>
        %dma_wait3A_482 = tpu.memref_squeeze %dma_wait3A_481 : memref<1x128xi32, #tpu.memory_space<vmem>> -> memref<128xi32, #tpu.memory_space<vmem>>
        %dma_wait3A_483 = arith.constant 0 : i32
        %dma_wait3A_484 = arith.constant 0 : i32
        %dma_wait3A_485 = tpu.memref_slice %arg10[%dma_wait3A_483, %dma_wait3A_484] : memref<10112x128xf32, #tpu.memory_space<vmem_shared>> -> memref<10112x128xf32, #tpu.memory_space<vmem_shared>>
        %dma_wait3A_486 = tpu.memref_slice %arg12[%dma_wait3A_475] : memref<2x!tpu.dma_semaphore, #tpu.memory_space<semaphore_mem>> -> memref<1x!tpu.dma_semaphore, #tpu.memory_space<semaphore_mem>>
        %dma_wait3A_487 = tpu.memref_squeeze %dma_wait3A_486 : memref<1x!tpu.dma_semaphore, #tpu.memory_space<semaphore_mem>> -> memref<!tpu.dma_semaphore, #tpu.memory_space<semaphore_mem>>
        tpu.wait_indirect_dma semaphore(%dma_wait3A_487 : memref<!tpu.dma_semaphore, #tpu.memory_space<semaphore_mem>>) src(%dma_wait3A_479 : memref<128x128xf32, #tpu.memory_space<vmem>>) dst(%dma_wait3A_485 : memref<10112x128xf32, #tpu.memory_space<vmem_shared>>)
      } else {
      }
      %dma_wait3A_231 = arith.constant 3 : i32
      %dma_wait3A_232 = arith.constant 1 : i32
      %dma_wait3A_233 = arith.constant 1 : i32
      %dma_wait3A_234 = arith.constant 0 : i32
      %dma_wait3A_235 = arith.constant 0 : i32
      %dma_wait3A_236 = tpu.memref_slice %arg9[%dma_wait3A_232, %dma_wait3A_234, %dma_wait3A_235] : memref<2x128x128xf32, #tpu.memory_space<vmem>> -> memref<1x128x128xf32, #tpu.memory_space<vmem>>
      %dma_wait3A_237 = tpu.memref_squeeze %dma_wait3A_236 : memref<1x128x128xf32, #tpu.memory_space<vmem>> -> memref<128x128xf32, #tpu.memory_space<vmem>>
      %dma_wait3A_238 = arith.constant 0 : i32
      %dma_wait3A_239 = tpu.memref_slice %arg8[%dma_wait3A_231, %dma_wait3A_238] : memref<8x128xi32, #tpu.memory_space<vmem>> -> memref<1x128xi32, #tpu.memory_space<vmem>>
      %dma_wait3A_240 = tpu.memref_squeeze %dma_wait3A_239 : memref<1x128xi32, #tpu.memory_space<vmem>> -> memref<128xi32, #tpu.memory_space<vmem>>
      %dma_wait3A_241 = arith.constant 0 : i32
      %dma_wait3A_242 = arith.constant 0 : i32
      %dma_wait3A_243 = tpu.memref_slice %arg2[%dma_wait3A_241, %dma_wait3A_242] : memref<10112x128xf32, #tpu.memory_space<hbm>> -> memref<10112x128xf32, #tpu.memory_space<hbm>>
      %dma_wait3A_244 = tpu.memref_slice %arg11[%dma_wait3A_233] : memref<2x!tpu.dma_semaphore, #tpu.memory_space<semaphore_mem>> -> memref<1x!tpu.dma_semaphore, #tpu.memory_space<semaphore_mem>>
      %dma_wait3A_245 = tpu.memref_squeeze %dma_wait3A_244 : memref<1x!tpu.dma_semaphore, #tpu.memory_space<semaphore_mem>> -> memref<!tpu.dma_semaphore, #tpu.memory_space<semaphore_mem>>
      tpu.wait_indirect_dma semaphore(%dma_wait3A_245 : memref<!tpu.dma_semaphore, #tpu.memory_space<semaphore_mem>>) src(%dma_wait3A_243 : memref<10112x128xf32, #tpu.memory_space<hbm>>) dst(%dma_wait3A_237 : memref<128x128xf32, #tpu.memory_space<vmem>>)
      %dma_start3A_246 = arith.constant 1 : i32
      %dma_start3A_247 = arith.constant 1 : i32
      %dma_start3A_248 = arith.constant 0 : i32
      %dma_start3A_249 = arith.constant 0 : i32
      %dma_start3A_250 = tpu.memref_slice %arg9[%dma_start3A_246, %dma_start3A_248, %dma_start3A_249] : memref<2x128x128xf32, #tpu.memory_space<vmem>> -> memref<1x128x128xf32, #tpu.memory_space<vmem>>
      %dma_start3A_251 = tpu.memref_squeeze %dma_start3A_250 : memref<1x128x128xf32, #tpu.memory_space<vmem>> -> memref<128x128xf32, #tpu.memory_space<vmem>>
      %dma_start3A_252 = arith.constant 0 : i32
      %dma_start3A_253 = tpu.memref_slice %arg7[%add3A_210, %dma_start3A_252] : memref<40x128xi32, #tpu.memory_space<vmem>> -> memref<1x128xi32, #tpu.memory_space<vmem>>
      %dma_start3A_254 = tpu.memref_squeeze %dma_start3A_253 : memref<1x128xi32, #tpu.memory_space<vmem>> -> memref<128xi32, #tpu.memory_space<vmem>>
      %dma_start3A_255 = arith.constant 0 : i32
      %dma_start3A_256 = arith.constant 0 : i32
      %dma_start3A_257 = tpu.memref_slice %arg10[%dma_start3A_255, %dma_start3A_256] : memref<10112x128xf32, #tpu.memory_space<vmem_shared>> -> memref<10112x128xf32, #tpu.memory_space<vmem_shared>>
      %dma_start3A_258 = tpu.memref_slice %arg12[%dma_start3A_247] : memref<2x!tpu.dma_semaphore, #tpu.memory_space<semaphore_mem>> -> memref<1x!tpu.dma_semaphore, #tpu.memory_space<semaphore_mem>>
      %dma_start3A_259 = tpu.memref_squeeze %dma_start3A_258 : memref<1x!tpu.dma_semaphore, #tpu.memory_space<semaphore_mem>> -> memref<!tpu.dma_semaphore, #tpu.memory_space<semaphore_mem>>
      tpu.enqueue_indirect_dma source(%dma_start3A_251 : memref<128x128xf32, #tpu.memory_space<vmem>>) target(%dma_start3A_257 : memref<10112x128xf32, #tpu.memory_space<vmem_shared>>) offsets(%dma_start3A_254 : memref<128xi32, #tpu.memory_space<vmem>>) semaphore(%dma_start3A_259 : memref<!tpu.dma_semaphore, #tpu.memory_space<semaphore_mem>>) {add = true}
      %mul3A_260 = arith.constant 8 : i32
      %mul3A_261 = arith.muli %scan3A_46, %mul3A_260 : i32
      %add3A_262 = arith.constant 4 : i32
      %add3A_263 = arith.addi %mul3A_261, %add3A_262 : i32
      %dma_start3A_264 = arith.constant 4 : i32
      %dma_start3A_265 = arith.constant 0 : i32
      %dma_start3A_266 = arith.constant 0 : i32
      %dma_start3A_267 = arith.constant 0 : i32
      %dma_start3A_268 = arith.constant 0 : i32
      %dma_start3A_269 = tpu.memref_slice %arg9[%dma_start3A_265, %dma_start3A_267, %dma_start3A_268] : memref<2x128x128xf32, #tpu.memory_space<vmem>> -> memref<1x128x128xf32, #tpu.memory_space<vmem>>
      %dma_start3A_270 = tpu.memref_squeeze %dma_start3A_269 : memref<1x128x128xf32, #tpu.memory_space<vmem>> -> memref<128x128xf32, #tpu.memory_space<vmem>>
      %dma_start3A_271 = arith.constant 0 : i32
      %dma_start3A_272 = tpu.memref_slice %arg8[%dma_start3A_264, %dma_start3A_271] : memref<8x128xi32, #tpu.memory_space<vmem>> -> memref<1x128xi32, #tpu.memory_space<vmem>>
      %dma_start3A_273 = tpu.memref_squeeze %dma_start3A_272 : memref<1x128xi32, #tpu.memory_space<vmem>> -> memref<128xi32, #tpu.memory_space<vmem>>
      %dma_start3A_274 = arith.constant 0 : i32
      %dma_start3A_275 = arith.constant 0 : i32
      %dma_start3A_276 = tpu.memref_slice %arg2[%dma_start3A_274, %dma_start3A_275] : memref<10112x128xf32, #tpu.memory_space<hbm>> -> memref<10112x128xf32, #tpu.memory_space<hbm>>
      %dma_start3A_277 = tpu.memref_slice %arg11[%dma_start3A_266] : memref<2x!tpu.dma_semaphore, #tpu.memory_space<semaphore_mem>> -> memref<1x!tpu.dma_semaphore, #tpu.memory_space<semaphore_mem>>
      %dma_start3A_278 = tpu.memref_squeeze %dma_start3A_277 : memref<1x!tpu.dma_semaphore, #tpu.memory_space<semaphore_mem>> -> memref<!tpu.dma_semaphore, #tpu.memory_space<semaphore_mem>>
      tpu.enqueue_indirect_dma source(%dma_start3A_276 : memref<10112x128xf32, #tpu.memory_space<hbm>>) target(%dma_start3A_270 : memref<128x128xf32, #tpu.memory_space<vmem>>) offsets(%dma_start3A_273 : memref<128xi32, #tpu.memory_space<vmem>>) semaphore(%dma_start3A_278 : memref<!tpu.dma_semaphore, #tpu.memory_space<semaphore_mem>>)
      %ge3A_279 = arith.constant 1 : i32
      %ge3A_280 = arith.cmpi sge, %add3A_263, %ge3A_279 : i32
      %convert_element_type3A_281 = arith.extui %ge3A_280 : i1 to i32
      %cond3A_282 = arith.constant 0 : i32
      %cond3A_283 = arith.cmpi ne, %convert_element_type3A_281, %cond3A_282 : i32
      scf.if %cond3A_283 {
        %dma_wait3A_473 = arith.constant 1 : i32
        %dma_wait3A_474 = arith.constant 0 : i32
        %dma_wait3A_475 = arith.constant 1 : i32
        %dma_wait3A_476 = arith.constant 0 : i32
        %dma_wait3A_477 = arith.constant 0 : i32
        %dma_wait3A_478 = tpu.memref_slice %arg9[%dma_wait3A_473, %dma_wait3A_476, %dma_wait3A_477] : memref<2x128x128xf32, #tpu.memory_space<vmem>> -> memref<1x128x128xf32, #tpu.memory_space<vmem>>
        %dma_wait3A_479 = tpu.memref_squeeze %dma_wait3A_478 : memref<1x128x128xf32, #tpu.memory_space<vmem>> -> memref<128x128xf32, #tpu.memory_space<vmem>>
        %dma_wait3A_480 = arith.constant 0 : i32
        %dma_wait3A_481 = tpu.memref_slice %arg7[%dma_wait3A_474, %dma_wait3A_480] : memref<40x128xi32, #tpu.memory_space<vmem>> -> memref<1x128xi32, #tpu.memory_space<vmem>>
        %dma_wait3A_482 = tpu.memref_squeeze %dma_wait3A_481 : memref<1x128xi32, #tpu.memory_space<vmem>> -> memref<128xi32, #tpu.memory_space<vmem>>
        %dma_wait3A_483 = arith.constant 0 : i32
        %dma_wait3A_484 = arith.constant 0 : i32
        %dma_wait3A_485 = tpu.memref_slice %arg10[%dma_wait3A_483, %dma_wait3A_484] : memref<10112x128xf32, #tpu.memory_space<vmem_shared>> -> memref<10112x128xf32, #tpu.memory_space<vmem_shared>>
        %dma_wait3A_486 = tpu.memref_slice %arg12[%dma_wait3A_475] : memref<2x!tpu.dma_semaphore, #tpu.memory_space<semaphore_mem>> -> memref<1x!tpu.dma_semaphore, #tpu.memory_space<semaphore_mem>>
        %dma_wait3A_487 = tpu.memref_squeeze %dma_wait3A_486 : memref<1x!tpu.dma_semaphore, #tpu.memory_space<semaphore_mem>> -> memref<!tpu.dma_semaphore, #tpu.memory_space<semaphore_mem>>
        tpu.wait_indirect_dma semaphore(%dma_wait3A_487 : memref<!tpu.dma_semaphore, #tpu.memory_space<semaphore_mem>>) src(%dma_wait3A_479 : memref<128x128xf32, #tpu.memory_space<vmem>>) dst(%dma_wait3A_485 : memref<10112x128xf32, #tpu.memory_space<vmem_shared>>)
      } else {
      }
      %dma_wait3A_284 = arith.constant 4 : i32
      %dma_wait3A_285 = arith.constant 0 : i32
      %dma_wait3A_286 = arith.constant 0 : i32
      %dma_wait3A_287 = arith.constant 0 : i32
      %dma_wait3A_288 = arith.constant 0 : i32
      %dma_wait3A_289 = tpu.memref_slice %arg9[%dma_wait3A_285, %dma_wait3A_287, %dma_wait3A_288] : memref<2x128x128xf32, #tpu.memory_space<vmem>> -> memref<1x128x128xf32, #tpu.memory_space<vmem>>
      %dma_wait3A_290 = tpu.memref_squeeze %dma_wait3A_289 : memref<1x128x128xf32, #tpu.memory_space<vmem>> -> memref<128x128xf32, #tpu.memory_space<vmem>>
      %dma_wait3A_291 = arith.constant 0 : i32
      %dma_wait3A_292 = tpu.memref_slice %arg8[%dma_wait3A_284, %dma_wait3A_291] : memref<8x128xi32, #tpu.memory_space<vmem>> -> memref<1x128xi32, #tpu.memory_space<vmem>>
      %dma_wait3A_293 = tpu.memref_squeeze %dma_wait3A_292 : memref<1x128xi32, #tpu.memory_space<vmem>> -> memref<128xi32, #tpu.memory_space<vmem>>
      %dma_wait3A_294 = arith.constant 0 : i32
      %dma_wait3A_295 = arith.constant 0 : i32
      %dma_wait3A_296 = tpu.memref_slice %arg2[%dma_wait3A_294, %dma_wait3A_295] : memref<10112x128xf32, #tpu.memory_space<hbm>> -> memref<10112x128xf32, #tpu.memory_space<hbm>>
      %dma_wait3A_297 = tpu.memref_slice %arg11[%dma_wait3A_286] : memref<2x!tpu.dma_semaphore, #tpu.memory_space<semaphore_mem>> -> memref<1x!tpu.dma_semaphore, #tpu.memory_space<semaphore_mem>>
      %dma_wait3A_298 = tpu.memref_squeeze %dma_wait3A_297 : memref<1x!tpu.dma_semaphore, #tpu.memory_space<semaphore_mem>> -> memref<!tpu.dma_semaphore, #tpu.memory_space<semaphore_mem>>
      tpu.wait_indirect_dma semaphore(%dma_wait3A_298 : memref<!tpu.dma_semaphore, #tpu.memory_space<semaphore_mem>>) src(%dma_wait3A_296 : memref<10112x128xf32, #tpu.memory_space<hbm>>) dst(%dma_wait3A_290 : memref<128x128xf32, #tpu.memory_space<vmem>>)
      %dma_start3A_299 = arith.constant 0 : i32
      %dma_start3A_300 = arith.constant 0 : i32
      %dma_start3A_301 = arith.constant 0 : i32
      %dma_start3A_302 = arith.constant 0 : i32
      %dma_start3A_303 = tpu.memref_slice %arg9[%dma_start3A_299, %dma_start3A_301, %dma_start3A_302] : memref<2x128x128xf32, #tpu.memory_space<vmem>> -> memref<1x128x128xf32, #tpu.memory_space<vmem>>
      %dma_start3A_304 = tpu.memref_squeeze %dma_start3A_303 : memref<1x128x128xf32, #tpu.memory_space<vmem>> -> memref<128x128xf32, #tpu.memory_space<vmem>>
      %dma_start3A_305 = arith.constant 0 : i32
      %dma_start3A_306 = tpu.memref_slice %arg7[%add3A_263, %dma_start3A_305] : memref<40x128xi32, #tpu.memory_space<vmem>> -> memref<1x128xi32, #tpu.memory_space<vmem>>
      %dma_start3A_307 = tpu.memref_squeeze %dma_start3A_306 : memref<1x128xi32, #tpu.memory_space<vmem>> -> memref<128xi32, #tpu.memory_space<vmem>>
      %dma_start3A_308 = arith.constant 0 : i32
      %dma_start3A_309 = arith.constant 0 : i32
      %dma_start3A_310 = tpu.memref_slice %arg10[%dma_start3A_308, %dma_start3A_309] : memref<10112x128xf32, #tpu.memory_space<vmem_shared>> -> memref<10112x128xf32, #tpu.memory_space<vmem_shared>>
      %dma_start3A_311 = tpu.memref_slice %arg12[%dma_start3A_300] : memref<2x!tpu.dma_semaphore, #tpu.memory_space<semaphore_mem>> -> memref<1x!tpu.dma_semaphore, #tpu.memory_space<semaphore_mem>>
      %dma_start3A_312 = tpu.memref_squeeze %dma_start3A_311 : memref<1x!tpu.dma_semaphore, #tpu.memory_space<semaphore_mem>> -> memref<!tpu.dma_semaphore, #tpu.memory_space<semaphore_mem>>
      tpu.enqueue_indirect_dma source(%dma_start3A_304 : memref<128x128xf32, #tpu.memory_space<vmem>>) target(%dma_start3A_310 : memref<10112x128xf32, #tpu.memory_space<vmem_shared>>) offsets(%dma_start3A_307 : memref<128xi32, #tpu.memory_space<vmem>>) semaphore(%dma_start3A_312 : memref<!tpu.dma_semaphore, #tpu.memory_space<semaphore_mem>>) {add = true}
      %mul3A_313 = arith.constant 8 : i32
      %mul3A_314 = arith.muli %scan3A_46, %mul3A_313 : i32
      %add3A_315 = arith.constant 5 : i32
      %add3A_316 = arith.addi %mul3A_314, %add3A_315 : i32
      %dma_start3A_317 = arith.constant 5 : i32
      %dma_start3A_318 = arith.constant 1 : i32
      %dma_start3A_319 = arith.constant 1 : i32
      %dma_start3A_320 = arith.constant 0 : i32
      %dma_start3A_321 = arith.constant 0 : i32
      %dma_start3A_322 = tpu.memref_slice %arg9[%dma_start3A_318, %dma_start3A_320, %dma_start3A_321] : memref<2x128x128xf32, #tpu.memory_space<vmem>> -> memref<1x128x128xf32, #tpu.memory_space<vmem>>
      %dma_start3A_323 = tpu.memref_squeeze %dma_start3A_322 : memref<1x128x128xf32, #tpu.memory_space<vmem>> -> memref<128x128xf32, #tpu.memory_space<vmem>>
      %dma_start3A_324 = arith.constant 0 : i32
      %dma_start3A_325 = tpu.memref_slice %arg8[%dma_start3A_317, %dma_start3A_324] : memref<8x128xi32, #tpu.memory_space<vmem>> -> memref<1x128xi32, #tpu.memory_space<vmem>>
      %dma_start3A_326 = tpu.memref_squeeze %dma_start3A_325 : memref<1x128xi32, #tpu.memory_space<vmem>> -> memref<128xi32, #tpu.memory_space<vmem>>
      %dma_start3A_327 = arith.constant 0 : i32
      %dma_start3A_328 = arith.constant 0 : i32
      %dma_start3A_329 = tpu.memref_slice %arg2[%dma_start3A_327, %dma_start3A_328] : memref<10112x128xf32, #tpu.memory_space<hbm>> -> memref<10112x128xf32, #tpu.memory_space<hbm>>
      %dma_start3A_330 = tpu.memref_slice %arg11[%dma_start3A_319] : memref<2x!tpu.dma_semaphore, #tpu.memory_space<semaphore_mem>> -> memref<1x!tpu.dma_semaphore, #tpu.memory_space<semaphore_mem>>
      %dma_start3A_331 = tpu.memref_squeeze %dma_start3A_330 : memref<1x!tpu.dma_semaphore, #tpu.memory_space<semaphore_mem>> -> memref<!tpu.dma_semaphore, #tpu.memory_space<semaphore_mem>>
      tpu.enqueue_indirect_dma source(%dma_start3A_329 : memref<10112x128xf32, #tpu.memory_space<hbm>>) target(%dma_start3A_323 : memref<128x128xf32, #tpu.memory_space<vmem>>) offsets(%dma_start3A_326 : memref<128xi32, #tpu.memory_space<vmem>>) semaphore(%dma_start3A_331 : memref<!tpu.dma_semaphore, #tpu.memory_space<semaphore_mem>>)
      %ge3A_332 = arith.constant 1 : i32
      %ge3A_333 = arith.cmpi sge, %add3A_316, %ge3A_332 : i32
      %convert_element_type3A_334 = arith.extui %ge3A_333 : i1 to i32
      %cond3A_335 = arith.constant 0 : i32
      %cond3A_336 = arith.cmpi ne, %convert_element_type3A_334, %cond3A_335 : i32
      scf.if %cond3A_336 {
        %dma_wait3A_473 = arith.constant 0 : i32
        %dma_wait3A_474 = arith.constant 0 : i32
        %dma_wait3A_475 = arith.constant 0 : i32
        %dma_wait3A_476 = arith.constant 0 : i32
        %dma_wait3A_477 = arith.constant 0 : i32
        %dma_wait3A_478 = tpu.memref_slice %arg9[%dma_wait3A_473, %dma_wait3A_476, %dma_wait3A_477] : memref<2x128x128xf32, #tpu.memory_space<vmem>> -> memref<1x128x128xf32, #tpu.memory_space<vmem>>
        %dma_wait3A_479 = tpu.memref_squeeze %dma_wait3A_478 : memref<1x128x128xf32, #tpu.memory_space<vmem>> -> memref<128x128xf32, #tpu.memory_space<vmem>>
        %dma_wait3A_480 = arith.constant 0 : i32
        %dma_wait3A_481 = tpu.memref_slice %arg7[%dma_wait3A_474, %dma_wait3A_480] : memref<40x128xi32, #tpu.memory_space<vmem>> -> memref<1x128xi32, #tpu.memory_space<vmem>>
        %dma_wait3A_482 = tpu.memref_squeeze %dma_wait3A_481 : memref<1x128xi32, #tpu.memory_space<vmem>> -> memref<128xi32, #tpu.memory_space<vmem>>
        %dma_wait3A_483 = arith.constant 0 : i32
        %dma_wait3A_484 = arith.constant 0 : i32
        %dma_wait3A_485 = tpu.memref_slice %arg10[%dma_wait3A_483, %dma_wait3A_484] : memref<10112x128xf32, #tpu.memory_space<vmem_shared>> -> memref<10112x128xf32, #tpu.memory_space<vmem_shared>>
        %dma_wait3A_486 = tpu.memref_slice %arg12[%dma_wait3A_475] : memref<2x!tpu.dma_semaphore, #tpu.memory_space<semaphore_mem>> -> memref<1x!tpu.dma_semaphore, #tpu.memory_space<semaphore_mem>>
        %dma_wait3A_487 = tpu.memref_squeeze %dma_wait3A_486 : memref<1x!tpu.dma_semaphore, #tpu.memory_space<semaphore_mem>> -> memref<!tpu.dma_semaphore, #tpu.memory_space<semaphore_mem>>
        tpu.wait_indirect_dma semaphore(%dma_wait3A_487 : memref<!tpu.dma_semaphore, #tpu.memory_space<semaphore_mem>>) src(%dma_wait3A_479 : memref<128x128xf32, #tpu.memory_space<vmem>>) dst(%dma_wait3A_485 : memref<10112x128xf32, #tpu.memory_space<vmem_shared>>)
      } else {
      }
      %dma_wait3A_337 = arith.constant 5 : i32
      %dma_wait3A_338 = arith.constant 1 : i32
      %dma_wait3A_339 = arith.constant 1 : i32
      %dma_wait3A_340 = arith.constant 0 : i32
      %dma_wait3A_341 = arith.constant 0 : i32
      %dma_wait3A_342 = tpu.memref_slice %arg9[%dma_wait3A_338, %dma_wait3A_340, %dma_wait3A_341] : memref<2x128x128xf32, #tpu.memory_space<vmem>> -> memref<1x128x128xf32, #tpu.memory_space<vmem>>
      %dma_wait3A_343 = tpu.memref_squeeze %dma_wait3A_342 : memref<1x128x128xf32, #tpu.memory_space<vmem>> -> memref<128x128xf32, #tpu.memory_space<vmem>>
      %dma_wait3A_344 = arith.constant 0 : i32
      %dma_wait3A_345 = tpu.memref_slice %arg8[%dma_wait3A_337, %dma_wait3A_344] : memref<8x128xi32, #tpu.memory_space<vmem>> -> memref<1x128xi32, #tpu.memory_space<vmem>>
      %dma_wait3A_346 = tpu.memref_squeeze %dma_wait3A_345 : memref<1x128xi32, #tpu.memory_space<vmem>> -> memref<128xi32, #tpu.memory_space<vmem>>
      %dma_wait3A_347 = arith.constant 0 : i32
      %dma_wait3A_348 = arith.constant 0 : i32
      %dma_wait3A_349 = tpu.memref_slice %arg2[%dma_wait3A_347, %dma_wait3A_348] : memref<10112x128xf32, #tpu.memory_space<hbm>> -> memref<10112x128xf32, #tpu.memory_space<hbm>>
      %dma_wait3A_350 = tpu.memref_slice %arg11[%dma_wait3A_339] : memref<2x!tpu.dma_semaphore, #tpu.memory_space<semaphore_mem>> -> memref<1x!tpu.dma_semaphore, #tpu.memory_space<semaphore_mem>>
      %dma_wait3A_351 = tpu.memref_squeeze %dma_wait3A_350 : memref<1x!tpu.dma_semaphore, #tpu.memory_space<semaphore_mem>> -> memref<!tpu.dma_semaphore, #tpu.memory_space<semaphore_mem>>
      tpu.wait_indirect_dma semaphore(%dma_wait3A_351 : memref<!tpu.dma_semaphore, #tpu.memory_space<semaphore_mem>>) src(%dma_wait3A_349 : memref<10112x128xf32, #tpu.memory_space<hbm>>) dst(%dma_wait3A_343 : memref<128x128xf32, #tpu.memory_space<vmem>>)
      %dma_start3A_352 = arith.constant 1 : i32
      %dma_start3A_353 = arith.constant 1 : i32
      %dma_start3A_354 = arith.constant 0 : i32
      %dma_start3A_355 = arith.constant 0 : i32
      %dma_start3A_356 = tpu.memref_slice %arg9[%dma_start3A_352, %dma_start3A_354, %dma_start3A_355] : memref<2x128x128xf32, #tpu.memory_space<vmem>> -> memref<1x128x128xf32, #tpu.memory_space<vmem>>
      %dma_start3A_357 = tpu.memref_squeeze %dma_start3A_356 : memref<1x128x128xf32, #tpu.memory_space<vmem>> -> memref<128x128xf32, #tpu.memory_space<vmem>>
      %dma_start3A_358 = arith.constant 0 : i32
      %dma_start3A_359 = tpu.memref_slice %arg7[%add3A_316, %dma_start3A_358] : memref<40x128xi32, #tpu.memory_space<vmem>> -> memref<1x128xi32, #tpu.memory_space<vmem>>
      %dma_start3A_360 = tpu.memref_squeeze %dma_start3A_359 : memref<1x128xi32, #tpu.memory_space<vmem>> -> memref<128xi32, #tpu.memory_space<vmem>>
      %dma_start3A_361 = arith.constant 0 : i32
      %dma_start3A_362 = arith.constant 0 : i32
      %dma_start3A_363 = tpu.memref_slice %arg10[%dma_start3A_361, %dma_start3A_362] : memref<10112x128xf32, #tpu.memory_space<vmem_shared>> -> memref<10112x128xf32, #tpu.memory_space<vmem_shared>>
      %dma_start3A_364 = tpu.memref_slice %arg12[%dma_start3A_353] : memref<2x!tpu.dma_semaphore, #tpu.memory_space<semaphore_mem>> -> memref<1x!tpu.dma_semaphore, #tpu.memory_space<semaphore_mem>>
      %dma_start3A_365 = tpu.memref_squeeze %dma_start3A_364 : memref<1x!tpu.dma_semaphore, #tpu.memory_space<semaphore_mem>> -> memref<!tpu.dma_semaphore, #tpu.memory_space<semaphore_mem>>
      tpu.enqueue_indirect_dma source(%dma_start3A_357 : memref<128x128xf32, #tpu.memory_space<vmem>>) target(%dma_start3A_363 : memref<10112x128xf32, #tpu.memory_space<vmem_shared>>) offsets(%dma_start3A_360 : memref<128xi32, #tpu.memory_space<vmem>>) semaphore(%dma_start3A_365 : memref<!tpu.dma_semaphore, #tpu.memory_space<semaphore_mem>>) {add = true}
      %mul3A_366 = arith.constant 8 : i32
      %mul3A_367 = arith.muli %scan3A_46, %mul3A_366 : i32
      %add3A_368 = arith.constant 6 : i32
      %add3A_369 = arith.addi %mul3A_367, %add3A_368 : i32
      %dma_start3A_370 = arith.constant 6 : i32
      %dma_start3A_371 = arith.constant 0 : i32
      %dma_start3A_372 = arith.constant 0 : i32
      %dma_start3A_373 = arith.constant 0 : i32
      %dma_start3A_374 = arith.constant 0 : i32
      %dma_start3A_375 = tpu.memref_slice %arg9[%dma_start3A_371, %dma_start3A_373, %dma_start3A_374] : memref<2x128x128xf32, #tpu.memory_space<vmem>> -> memref<1x128x128xf32, #tpu.memory_space<vmem>>
      %dma_start3A_376 = tpu.memref_squeeze %dma_start3A_375 : memref<1x128x128xf32, #tpu.memory_space<vmem>> -> memref<128x128xf32, #tpu.memory_space<vmem>>
      %dma_start3A_377 = arith.constant 0 : i32
      %dma_start3A_378 = tpu.memref_slice %arg8[%dma_start3A_370, %dma_start3A_377] : memref<8x128xi32, #tpu.memory_space<vmem>> -> memref<1x128xi32, #tpu.memory_space<vmem>>
      %dma_start3A_379 = tpu.memref_squeeze %dma_start3A_378 : memref<1x128xi32, #tpu.memory_space<vmem>> -> memref<128xi32, #tpu.memory_space<vmem>>
      %dma_start3A_380 = arith.constant 0 : i32
      %dma_start3A_381 = arith.constant 0 : i32
      %dma_start3A_382 = tpu.memref_slice %arg2[%dma_start3A_380, %dma_start3A_381] : memref<10112x128xf32, #tpu.memory_space<hbm>> -> memref<10112x128xf32, #tpu.memory_space<hbm>>
      %dma_start3A_383 = tpu.memref_slice %arg11[%dma_start3A_372] : memref<2x!tpu.dma_semaphore, #tpu.memory_space<semaphore_mem>> -> memref<1x!tpu.dma_semaphore, #tpu.memory_space<semaphore_mem>>
      %dma_start3A_384 = tpu.memref_squeeze %dma_start3A_383 : memref<1x!tpu.dma_semaphore, #tpu.memory_space<semaphore_mem>> -> memref<!tpu.dma_semaphore, #tpu.memory_space<semaphore_mem>>
      tpu.enqueue_indirect_dma source(%dma_start3A_382 : memref<10112x128xf32, #tpu.memory_space<hbm>>) target(%dma_start3A_376 : memref<128x128xf32, #tpu.memory_space<vmem>>) offsets(%dma_start3A_379 : memref<128xi32, #tpu.memory_space<vmem>>) semaphore(%dma_start3A_384 : memref<!tpu.dma_semaphore, #tpu.memory_space<semaphore_mem>>)
      %ge3A_385 = arith.constant 1 : i32
      %ge3A_386 = arith.cmpi sge, %add3A_369, %ge3A_385 : i32
      %convert_element_type3A_387 = arith.extui %ge3A_386 : i1 to i32
      %cond3A_388 = arith.constant 0 : i32
      %cond3A_389 = arith.cmpi ne, %convert_element_type3A_387, %cond3A_388 : i32
      scf.if %cond3A_389 {
        %dma_wait3A_473 = arith.constant 1 : i32
        %dma_wait3A_474 = arith.constant 0 : i32
        %dma_wait3A_475 = arith.constant 1 : i32
        %dma_wait3A_476 = arith.constant 0 : i32
        %dma_wait3A_477 = arith.constant 0 : i32
        %dma_wait3A_478 = tpu.memref_slice %arg9[%dma_wait3A_473, %dma_wait3A_476, %dma_wait3A_477] : memref<2x128x128xf32, #tpu.memory_space<vmem>> -> memref<1x128x128xf32, #tpu.memory_space<vmem>>
        %dma_wait3A_479 = tpu.memref_squeeze %dma_wait3A_478 : memref<1x128x128xf32, #tpu.memory_space<vmem>> -> memref<128x128xf32, #tpu.memory_space<vmem>>
        %dma_wait3A_480 = arith.constant 0 : i32
        %dma_wait3A_481 = tpu.memref_slice %arg7[%dma_wait3A_474, %dma_wait3A_480] : memref<40x128xi32, #tpu.memory_space<vmem>> -> memref<1x128xi32, #tpu.memory_space<vmem>>
        %dma_wait3A_482 = tpu.memref_squeeze %dma_wait3A_481 : memref<1x128xi32, #tpu.memory_space<vmem>> -> memref<128xi32, #tpu.memory_space<vmem>>
        %dma_wait3A_483 = arith.constant 0 : i32
        %dma_wait3A_484 = arith.constant 0 : i32
        %dma_wait3A_485 = tpu.memref_slice %arg10[%dma_wait3A_483, %dma_wait3A_484] : memref<10112x128xf32, #tpu.memory_space<vmem_shared>> -> memref<10112x128xf32, #tpu.memory_space<vmem_shared>>
        %dma_wait3A_486 = tpu.memref_slice %arg12[%dma_wait3A_475] : memref<2x!tpu.dma_semaphore, #tpu.memory_space<semaphore_mem>> -> memref<1x!tpu.dma_semaphore, #tpu.memory_space<semaphore_mem>>
        %dma_wait3A_487 = tpu.memref_squeeze %dma_wait3A_486 : memref<1x!tpu.dma_semaphore, #tpu.memory_space<semaphore_mem>> -> memref<!tpu.dma_semaphore, #tpu.memory_space<semaphore_mem>>
        tpu.wait_indirect_dma semaphore(%dma_wait3A_487 : memref<!tpu.dma_semaphore, #tpu.memory_space<semaphore_mem>>) src(%dma_wait3A_479 : memref<128x128xf32, #tpu.memory_space<vmem>>) dst(%dma_wait3A_485 : memref<10112x128xf32, #tpu.memory_space<vmem_shared>>)
      } else {
      }
      %dma_wait3A_390 = arith.constant 6 : i32
      %dma_wait3A_391 = arith.constant 0 : i32
      %dma_wait3A_392 = arith.constant 0 : i32
      %dma_wait3A_393 = arith.constant 0 : i32
      %dma_wait3A_394 = arith.constant 0 : i32
      %dma_wait3A_395 = tpu.memref_slice %arg9[%dma_wait3A_391, %dma_wait3A_393, %dma_wait3A_394] : memref<2x128x128xf32, #tpu.memory_space<vmem>> -> memref<1x128x128xf32, #tpu.memory_space<vmem>>
      %dma_wait3A_396 = tpu.memref_squeeze %dma_wait3A_395 : memref<1x128x128xf32, #tpu.memory_space<vmem>> -> memref<128x128xf32, #tpu.memory_space<vmem>>
      %dma_wait3A_397 = arith.constant 0 : i32
      %dma_wait3A_398 = tpu.memref_slice %arg8[%dma_wait3A_390, %dma_wait3A_397] : memref<8x128xi32, #tpu.memory_space<vmem>> -> memref<1x128xi32, #tpu.memory_space<vmem>>
      %dma_wait3A_399 = tpu.memref_squeeze %dma_wait3A_398 : memref<1x128xi32, #tpu.memory_space<vmem>> -> memref<128xi32, #tpu.memory_space<vmem>>
      %dma_wait3A_400 = arith.constant 0 : i32
      %dma_wait3A_401 = arith.constant 0 : i32
      %dma_wait3A_402 = tpu.memref_slice %arg2[%dma_wait3A_400, %dma_wait3A_401] : memref<10112x128xf32, #tpu.memory_space<hbm>> -> memref<10112x128xf32, #tpu.memory_space<hbm>>
      %dma_wait3A_403 = tpu.memref_slice %arg11[%dma_wait3A_392] : memref<2x!tpu.dma_semaphore, #tpu.memory_space<semaphore_mem>> -> memref<1x!tpu.dma_semaphore, #tpu.memory_space<semaphore_mem>>
      %dma_wait3A_404 = tpu.memref_squeeze %dma_wait3A_403 : memref<1x!tpu.dma_semaphore, #tpu.memory_space<semaphore_mem>> -> memref<!tpu.dma_semaphore, #tpu.memory_space<semaphore_mem>>
      tpu.wait_indirect_dma semaphore(%dma_wait3A_404 : memref<!tpu.dma_semaphore, #tpu.memory_space<semaphore_mem>>) src(%dma_wait3A_402 : memref<10112x128xf32, #tpu.memory_space<hbm>>) dst(%dma_wait3A_396 : memref<128x128xf32, #tpu.memory_space<vmem>>)
      %dma_start3A_405 = arith.constant 0 : i32
      %dma_start3A_406 = arith.constant 0 : i32
      %dma_start3A_407 = arith.constant 0 : i32
      %dma_start3A_408 = arith.constant 0 : i32
      %dma_start3A_409 = tpu.memref_slice %arg9[%dma_start3A_405, %dma_start3A_407, %dma_start3A_408] : memref<2x128x128xf32, #tpu.memory_space<vmem>> -> memref<1x128x128xf32, #tpu.memory_space<vmem>>
      %dma_start3A_410 = tpu.memref_squeeze %dma_start3A_409 : memref<1x128x128xf32, #tpu.memory_space<vmem>> -> memref<128x128xf32, #tpu.memory_space<vmem>>
      %dma_start3A_411 = arith.constant 0 : i32
      %dma_start3A_412 = tpu.memref_slice %arg7[%add3A_369, %dma_start3A_411] : memref<40x128xi32, #tpu.memory_space<vmem>> -> memref<1x128xi32, #tpu.memory_space<vmem>>
      %dma_start3A_413 = tpu.memref_squeeze %dma_start3A_412 : memref<1x128xi32, #tpu.memory_space<vmem>> -> memref<128xi32, #tpu.memory_space<vmem>>
      %dma_start3A_414 = arith.constant 0 : i32
      %dma_start3A_415 = arith.constant 0 : i32
      %dma_start3A_416 = tpu.memref_slice %arg10[%dma_start3A_414, %dma_start3A_415] : memref<10112x128xf32, #tpu.memory_space<vmem_shared>> -> memref<10112x128xf32, #tpu.memory_space<vmem_shared>>
      %dma_start3A_417 = tpu.memref_slice %arg12[%dma_start3A_406] : memref<2x!tpu.dma_semaphore, #tpu.memory_space<semaphore_mem>> -> memref<1x!tpu.dma_semaphore, #tpu.memory_space<semaphore_mem>>
      %dma_start3A_418 = tpu.memref_squeeze %dma_start3A_417 : memref<1x!tpu.dma_semaphore, #tpu.memory_space<semaphore_mem>> -> memref<!tpu.dma_semaphore, #tpu.memory_space<semaphore_mem>>
      tpu.enqueue_indirect_dma source(%dma_start3A_410 : memref<128x128xf32, #tpu.memory_space<vmem>>) target(%dma_start3A_416 : memref<10112x128xf32, #tpu.memory_space<vmem_shared>>) offsets(%dma_start3A_413 : memref<128xi32, #tpu.memory_space<vmem>>) semaphore(%dma_start3A_418 : memref<!tpu.dma_semaphore, #tpu.memory_space<semaphore_mem>>) {add = true}
      %mul3A_419 = arith.constant 8 : i32
      %mul3A_420 = arith.muli %scan3A_46, %mul3A_419 : i32
      %add3A_421 = arith.constant 7 : i32
      %add3A_422 = arith.addi %mul3A_420, %add3A_421 : i32
      %dma_start3A_423 = arith.constant 7 : i32
      %dma_start3A_424 = arith.constant 1 : i32
      %dma_start3A_425 = arith.constant 1 : i32
      %dma_start3A_426 = arith.constant 0 : i32
      %dma_start3A_427 = arith.constant 0 : i32
      %dma_start3A_428 = tpu.memref_slice %arg9[%dma_start3A_424, %dma_start3A_426, %dma_start3A_427] : memref<2x128x128xf32, #tpu.memory_space<vmem>> -> memref<1x128x128xf32, #tpu.memory_space<vmem>>
      %dma_start3A_429 = tpu.memref_squeeze %dma_start3A_428 : memref<1x128x128xf32, #tpu.memory_space<vmem>> -> memref<128x128xf32, #tpu.memory_space<vmem>>
      %dma_start3A_430 = arith.constant 0 : i32
      %dma_start3A_431 = tpu.memref_slice %arg8[%dma_start3A_423, %dma_start3A_430] : memref<8x128xi32, #tpu.memory_space<vmem>> -> memref<1x128xi32, #tpu.memory_space<vmem>>
      %dma_start3A_432 = tpu.memref_squeeze %dma_start3A_431 : memref<1x128xi32, #tpu.memory_space<vmem>> -> memref<128xi32, #tpu.memory_space<vmem>>
      %dma_start3A_433 = arith.constant 0 : i32
      %dma_start3A_434 = arith.constant 0 : i32
      %dma_start3A_435 = tpu.memref_slice %arg2[%dma_start3A_433, %dma_start3A_434] : memref<10112x128xf32, #tpu.memory_space<hbm>> -> memref<10112x128xf32, #tpu.memory_space<hbm>>
      %dma_start3A_436 = tpu.memref_slice %arg11[%dma_start3A_425] : memref<2x!tpu.dma_semaphore, #tpu.memory_space<semaphore_mem>> -> memref<1x!tpu.dma_semaphore, #tpu.memory_space<semaphore_mem>>
      %dma_start3A_437 = tpu.memref_squeeze %dma_start3A_436 : memref<1x!tpu.dma_semaphore, #tpu.memory_space<semaphore_mem>> -> memref<!tpu.dma_semaphore, #tpu.memory_space<semaphore_mem>>
      tpu.enqueue_indirect_dma source(%dma_start3A_435 : memref<10112x128xf32, #tpu.memory_space<hbm>>) target(%dma_start3A_429 : memref<128x128xf32, #tpu.memory_space<vmem>>) offsets(%dma_start3A_432 : memref<128xi32, #tpu.memory_space<vmem>>) semaphore(%dma_start3A_437 : memref<!tpu.dma_semaphore, #tpu.memory_space<semaphore_mem>>)
      %ge3A_438 = arith.constant 1 : i32
      %ge3A_439 = arith.cmpi sge, %add3A_422, %ge3A_438 : i32
      %convert_element_type3A_440 = arith.extui %ge3A_439 : i1 to i32
      %cond3A_441 = arith.constant 0 : i32
      %cond3A_442 = arith.cmpi ne, %convert_element_type3A_440, %cond3A_441 : i32
      scf.if %cond3A_442 {
        %dma_wait3A_473 = arith.constant 0 : i32
        %dma_wait3A_474 = arith.constant 0 : i32
        %dma_wait3A_475 = arith.constant 0 : i32
        %dma_wait3A_476 = arith.constant 0 : i32
        %dma_wait3A_477 = arith.constant 0 : i32
        %dma_wait3A_478 = tpu.memref_slice %arg9[%dma_wait3A_473, %dma_wait3A_476, %dma_wait3A_477] : memref<2x128x128xf32, #tpu.memory_space<vmem>> -> memref<1x128x128xf32, #tpu.memory_space<vmem>>
        %dma_wait3A_479 = tpu.memref_squeeze %dma_wait3A_478 : memref<1x128x128xf32, #tpu.memory_space<vmem>> -> memref<128x128xf32, #tpu.memory_space<vmem>>
        %dma_wait3A_480 = arith.constant 0 : i32
        %dma_wait3A_481 = tpu.memref_slice %arg7[%dma_wait3A_474, %dma_wait3A_480] : memref<40x128xi32, #tpu.memory_space<vmem>> -> memref<1x128xi32, #tpu.memory_space<vmem>>
        %dma_wait3A_482 = tpu.memref_squeeze %dma_wait3A_481 : memref<1x128xi32, #tpu.memory_space<vmem>> -> memref<128xi32, #tpu.memory_space<vmem>>
        %dma_wait3A_483 = arith.constant 0 : i32
        %dma_wait3A_484 = arith.constant 0 : i32
        %dma_wait3A_485 = tpu.memref_slice %arg10[%dma_wait3A_483, %dma_wait3A_484] : memref<10112x128xf32, #tpu.memory_space<vmem_shared>> -> memref<10112x128xf32, #tpu.memory_space<vmem_shared>>
        %dma_wait3A_486 = tpu.memref_slice %arg12[%dma_wait3A_475] : memref<2x!tpu.dma_semaphore, #tpu.memory_space<semaphore_mem>> -> memref<1x!tpu.dma_semaphore, #tpu.memory_space<semaphore_mem>>
        %dma_wait3A_487 = tpu.memref_squeeze %dma_wait3A_486 : memref<1x!tpu.dma_semaphore, #tpu.memory_space<semaphore_mem>> -> memref<!tpu.dma_semaphore, #tpu.memory_space<semaphore_mem>>
        tpu.wait_indirect_dma semaphore(%dma_wait3A_487 : memref<!tpu.dma_semaphore, #tpu.memory_space<semaphore_mem>>) src(%dma_wait3A_479 : memref<128x128xf32, #tpu.memory_space<vmem>>) dst(%dma_wait3A_485 : memref<10112x128xf32, #tpu.memory_space<vmem_shared>>)
      } else {
      }
      %dma_wait3A_443 = arith.constant 7 : i32
      %dma_wait3A_444 = arith.constant 1 : i32
      %dma_wait3A_445 = arith.constant 1 : i32
      %dma_wait3A_446 = arith.constant 0 : i32
      %dma_wait3A_447 = arith.constant 0 : i32
      %dma_wait3A_448 = tpu.memref_slice %arg9[%dma_wait3A_444, %dma_wait3A_446, %dma_wait3A_447] : memref<2x128x128xf32, #tpu.memory_space<vmem>> -> memref<1x128x128xf32, #tpu.memory_space<vmem>>
      %dma_wait3A_449 = tpu.memref_squeeze %dma_wait3A_448 : memref<1x128x128xf32, #tpu.memory_space<vmem>> -> memref<128x128xf32, #tpu.memory_space<vmem>>
      %dma_wait3A_450 = arith.constant 0 : i32
      %dma_wait3A_451 = tpu.memref_slice %arg8[%dma_wait3A_443, %dma_wait3A_450] : memref<8x128xi32, #tpu.memory_space<vmem>> -> memref<1x128xi32, #tpu.memory_space<vmem>>
      %dma_wait3A_452 = tpu.memref_squeeze %dma_wait3A_451 : memref<1x128xi32, #tpu.memory_space<vmem>> -> memref<128xi32, #tpu.memory_space<vmem>>
      %dma_wait3A_453 = arith.constant 0 : i32
      %dma_wait3A_454 = arith.constant 0 : i32
      %dma_wait3A_455 = tpu.memref_slice %arg2[%dma_wait3A_453, %dma_wait3A_454] : memref<10112x128xf32, #tpu.memory_space<hbm>> -> memref<10112x128xf32, #tpu.memory_space<hbm>>
      %dma_wait3A_456 = tpu.memref_slice %arg11[%dma_wait3A_445] : memref<2x!tpu.dma_semaphore, #tpu.memory_space<semaphore_mem>> -> memref<1x!tpu.dma_semaphore, #tpu.memory_space<semaphore_mem>>
      %dma_wait3A_457 = tpu.memref_squeeze %dma_wait3A_456 : memref<1x!tpu.dma_semaphore, #tpu.memory_space<semaphore_mem>> -> memref<!tpu.dma_semaphore, #tpu.memory_space<semaphore_mem>>
      tpu.wait_indirect_dma semaphore(%dma_wait3A_457 : memref<!tpu.dma_semaphore, #tpu.memory_space<semaphore_mem>>) src(%dma_wait3A_455 : memref<10112x128xf32, #tpu.memory_space<hbm>>) dst(%dma_wait3A_449 : memref<128x128xf32, #tpu.memory_space<vmem>>)
      %dma_start3A_458 = arith.constant 1 : i32
      %dma_start3A_459 = arith.constant 1 : i32
      %dma_start3A_460 = arith.constant 0 : i32
      %dma_start3A_461 = arith.constant 0 : i32
      %dma_start3A_462 = tpu.memref_slice %arg9[%dma_start3A_458, %dma_start3A_460, %dma_start3A_461] : memref<2x128x128xf32, #tpu.memory_space<vmem>> -> memref<1x128x128xf32, #tpu.memory_space<vmem>>
      %dma_start3A_463 = tpu.memref_squeeze %dma_start3A_462 : memref<1x128x128xf32, #tpu.memory_space<vmem>> -> memref<128x128xf32, #tpu.memory_space<vmem>>
      %dma_start3A_464 = arith.constant 0 : i32
      %dma_start3A_465 = tpu.memref_slice %arg7[%add3A_422, %dma_start3A_464] : memref<40x128xi32, #tpu.memory_space<vmem>> -> memref<1x128xi32, #tpu.memory_space<vmem>>
      %dma_start3A_466 = tpu.memref_squeeze %dma_start3A_465 : memref<1x128xi32, #tpu.memory_space<vmem>> -> memref<128xi32, #tpu.memory_space<vmem>>
      %dma_start3A_467 = arith.constant 0 : i32
      %dma_start3A_468 = arith.constant 0 : i32
      %dma_start3A_469 = tpu.memref_slice %arg10[%dma_start3A_467, %dma_start3A_468] : memref<10112x128xf32, #tpu.memory_space<vmem_shared>> -> memref<10112x128xf32, #tpu.memory_space<vmem_shared>>
      %dma_start3A_470 = tpu.memref_slice %arg12[%dma_start3A_459] : memref<2x!tpu.dma_semaphore, #tpu.memory_space<semaphore_mem>> -> memref<1x!tpu.dma_semaphore, #tpu.memory_space<semaphore_mem>>
      %dma_start3A_471 = tpu.memref_squeeze %dma_start3A_470 : memref<1x!tpu.dma_semaphore, #tpu.memory_space<semaphore_mem>> -> memref<!tpu.dma_semaphore, #tpu.memory_space<semaphore_mem>>
      tpu.enqueue_indirect_dma source(%dma_start3A_463 : memref<128x128xf32, #tpu.memory_space<vmem>>) target(%dma_start3A_469 : memref<10112x128xf32, #tpu.memory_space<vmem_shared>>) offsets(%dma_start3A_466 : memref<128xi32, #tpu.memory_space<vmem>>) semaphore(%dma_start3A_471 : memref<!tpu.dma_semaphore, #tpu.memory_space<semaphore_mem>>) {add = true}
      %scan3A_472 = arith.constant 0 : i32
      scf.yield %scan3A_472 : i32
    }
    %scan3A_23 = arith.constant 5 : i32
    %dma_wait3A = arith.constant 1 : i32
    %dma_wait3A_24 = arith.constant 0 : i32
    %dma_wait3A_25 = arith.constant 1 : i32
    %dma_wait3A_26 = arith.constant 0 : i32
    %dma_wait3A_27 = arith.constant 0 : i32
    %dma_wait3A_28 = tpu.memref_slice %arg9[%dma_wait3A, %dma_wait3A_26, %dma_wait3A_27] : memref<2x128x128xf32, #tpu.memory_space<vmem>> -> memref<1x128x128xf32, #tpu.memory_space<vmem>>
    %dma_wait3A_29 = tpu.memref_squeeze %dma_wait3A_28 : memref<1x128x128xf32, #tpu.memory_space<vmem>> -> memref<128x128xf32, #tpu.memory_space<vmem>>
    %dma_wait3A_30 = arith.constant 0 : i32
    %dma_wait3A_31 = tpu.memref_slice %arg7[%dma_wait3A_24, %dma_wait3A_30] : memref<40x128xi32, #tpu.memory_space<vmem>> -> memref<1x128xi32, #tpu.memory_space<vmem>>
    %dma_wait3A_32 = tpu.memref_squeeze %dma_wait3A_31 : memref<1x128xi32, #tpu.memory_space<vmem>> -> memref<128xi32, #tpu.memory_space<vmem>>
    %dma_wait3A_33 = arith.constant 0 : i32
    %dma_wait3A_34 = arith.constant 0 : i32
    %dma_wait3A_35 = tpu.memref_slice %arg10[%dma_wait3A_33, %dma_wait3A_34] : memref<10112x128xf32, #tpu.memory_space<vmem_shared>> -> memref<10112x128xf32, #tpu.memory_space<vmem_shared>>
    %dma_wait3A_36 = tpu.memref_slice %arg12[%dma_wait3A_25] : memref<2x!tpu.dma_semaphore, #tpu.memory_space<semaphore_mem>> -> memref<1x!tpu.dma_semaphore, #tpu.memory_space<semaphore_mem>>
    %dma_wait3A_37 = tpu.memref_squeeze %dma_wait3A_36 : memref<1x!tpu.dma_semaphore, #tpu.memory_space<semaphore_mem>> -> memref<!tpu.dma_semaphore, #tpu.memory_space<semaphore_mem>>
    tpu.wait_indirect_dma semaphore(%dma_wait3A_37 : memref<!tpu.dma_semaphore, #tpu.memory_space<semaphore_mem>>) src(%dma_wait3A_29 : memref<128x128xf32, #tpu.memory_space<vmem>>) dst(%dma_wait3A_35 : memref<10112x128xf32, #tpu.memory_space<vmem_shared>>)
    %barrier3A_38 = arith.constant 0 : index
    tpu.barrier barrier_id(%barrier3A_38)
    %eq3A = arith.constant 0 : i32
    %eq3A_39 = arith.cmpi eq, %arg0, %eq3A : i32
    %convert_element_type3A = arith.extui %eq3A_39 : i1 to i32
    %cond3A = arith.constant 0 : i32
    %cond3A_40 = arith.cmpi ne, %convert_element_type3A, %cond3A : i32
    scf.if %cond3A_40 {
      %add3A_46 = arith.constant 0 : i32
      %add3A_47 = arith.addi %mul3A_2, %add3A_46 : i32
      %add3A_48 = arith.constant 0 : i32
      %add3A_49 = arith.addi %mul3A_2, %add3A_48 : i32
      %run_scoped3A_50 = arith.constant 0 : i32
      "tpu.region"() ({
        %run_scoped3A_71 = tpu.sem_alloc : memref<!tpu.dma_semaphore, #tpu.memory_space<semaphore_mem>>
        %dma_start3A = arith.constant 0 : i32
        %dma_start3A_72 = tpu.memref_slice %arg6[%run_scoped3A_50, %add3A_49, %dma_start3A] : memref<2x10112x128xf32, #tpu.memory_space<hbm>> -> memref<1x128x128xf32, #tpu.memory_space<hbm>>
        %dma_start3A_73 = tpu.memref_squeeze %dma_start3A_72 : memref<1x128x128xf32, #tpu.memory_space<hbm>> -> memref<128x128xf32, #tpu.memory_space<hbm>>
        %dma_start3A_74 = arith.constant 0 : i32
        %dma_start3A_75 = tpu.memref_slice %arg10[%add3A_47, %dma_start3A_74] : memref<10112x128xf32, #tpu.memory_space<vmem_shared>> -> memref<128x128xf32, #tpu.memory_space<vmem_shared>>
        tpu.enqueue_dma source(%dma_start3A_75 : memref<128x128xf32, #tpu.memory_space<vmem_shared>>) target(%dma_start3A_73 : memref<128x128xf32, #tpu.memory_space<hbm>>) target_semaphore(%run_scoped3A_71 : memref<!tpu.dma_semaphore, #tpu.memory_space<semaphore_mem>>)
        %dma_wait3A_76 = arith.constant 0 : i32
        %dma_wait3A_77 = tpu.memref_slice %arg6[%run_scoped3A_50, %add3A_49, %dma_wait3A_76] : memref<2x10112x128xf32, #tpu.memory_space<hbm>> -> memref<1x128x128xf32, #tpu.memory_space<hbm>>
        %dma_wait3A_78 = tpu.memref_squeeze %dma_wait3A_77 : memref<1x128x128xf32, #tpu.memory_space<hbm>> -> memref<128x128xf32, #tpu.memory_space<hbm>>
        %dma_wait3A_79 = arith.constant 0 : i32
        %dma_wait3A_80 = tpu.memref_slice %arg10[%add3A_47, %dma_wait3A_79] : memref<10112x128xf32, #tpu.memory_space<vmem_shared>> -> memref<128x128xf32, #tpu.memory_space<vmem_shared>>
        tpu.wait_dma2 semaphore(%run_scoped3A_71 : memref<!tpu.dma_semaphore, #tpu.memory_space<semaphore_mem>>) src(%dma_wait3A_80 : memref<128x128xf32, #tpu.memory_space<vmem_shared>>) dst(%dma_wait3A_78 : memref<128x128xf32, #tpu.memory_space<hbm>>)
        tpu.yield
      }) : () -> ()
      %add3A_51 = arith.constant 128 : i32
      %add3A_52 = arith.addi %mul3A_2, %add3A_51 : i32
      %add3A_53 = arith.constant 128 : i32
      %add3A_54 = arith.addi %mul3A_2, %add3A_53 : i32
      %run_scoped3A_55 = arith.constant 0 : i32
      "tpu.region"() ({
        %run_scoped3A_71 = tpu.sem_alloc : memref<!tpu.dma_semaphore, #tpu.memory_space<semaphore_mem>>
        %dma_start3A = arith.constant 0 : i32
        %dma_start3A_72 = tpu.memref_slice %arg6[%run_scoped3A_55, %add3A_54, %dma_start3A] : memref<2x10112x128xf32, #tpu.memory_space<hbm>> -> memref<1x128x128xf32, #tpu.memory_space<hbm>>
        %dma_start3A_73 = tpu.memref_squeeze %dma_start3A_72 : memref<1x128x128xf32, #tpu.memory_space<hbm>> -> memref<128x128xf32, #tpu.memory_space<hbm>>
        %dma_start3A_74 = arith.constant 0 : i32
        %dma_start3A_75 = tpu.memref_slice %arg10[%add3A_52, %dma_start3A_74] : memref<10112x128xf32, #tpu.memory_space<vmem_shared>> -> memref<128x128xf32, #tpu.memory_space<vmem_shared>>
        tpu.enqueue_dma source(%dma_start3A_75 : memref<128x128xf32, #tpu.memory_space<vmem_shared>>) target(%dma_start3A_73 : memref<128x128xf32, #tpu.memory_space<hbm>>) target_semaphore(%run_scoped3A_71 : memref<!tpu.dma_semaphore, #tpu.memory_space<semaphore_mem>>)
        %dma_wait3A_76 = arith.constant 0 : i32
        %dma_wait3A_77 = tpu.memref_slice %arg6[%run_scoped3A_55, %add3A_54, %dma_wait3A_76] : memref<2x10112x128xf32, #tpu.memory_space<hbm>> -> memref<1x128x128xf32, #tpu.memory_space<hbm>>
        %dma_wait3A_78 = tpu.memref_squeeze %dma_wait3A_77 : memref<1x128x128xf32, #tpu.memory_space<hbm>> -> memref<128x128xf32, #tpu.memory_space<hbm>>
        %dma_wait3A_79 = arith.constant 0 : i32
        %dma_wait3A_80 = tpu.memref_slice %arg10[%add3A_52, %dma_wait3A_79] : memref<10112x128xf32, #tpu.memory_space<vmem_shared>> -> memref<128x128xf32, #tpu.memory_space<vmem_shared>>
        tpu.wait_dma2 semaphore(%run_scoped3A_71 : memref<!tpu.dma_semaphore, #tpu.memory_space<semaphore_mem>>) src(%dma_wait3A_80 : memref<128x128xf32, #tpu.memory_space<vmem_shared>>) dst(%dma_wait3A_78 : memref<128x128xf32, #tpu.memory_space<hbm>>)
        tpu.yield
      }) : () -> ()
      %add3A_56 = arith.constant 256 : i32
      %add3A_57 = arith.addi %mul3A_2, %add3A_56 : i32
      %add3A_58 = arith.constant 256 : i32
      %add3A_59 = arith.addi %mul3A_2, %add3A_58 : i32
      %run_scoped3A_60 = arith.constant 0 : i32
      "tpu.region"() ({
        %run_scoped3A_71 = tpu.sem_alloc : memref<!tpu.dma_semaphore, #tpu.memory_space<semaphore_mem>>
        %dma_start3A = arith.constant 0 : i32
        %dma_start3A_72 = tpu.memref_slice %arg6[%run_scoped3A_60, %add3A_59, %dma_start3A] : memref<2x10112x128xf32, #tpu.memory_space<hbm>> -> memref<1x128x128xf32, #tpu.memory_space<hbm>>
        %dma_start3A_73 = tpu.memref_squeeze %dma_start3A_72 : memref<1x128x128xf32, #tpu.memory_space<hbm>> -> memref<128x128xf32, #tpu.memory_space<hbm>>
        %dma_start3A_74 = arith.constant 0 : i32
        %dma_start3A_75 = tpu.memref_slice %arg10[%add3A_57, %dma_start3A_74] : memref<10112x128xf32, #tpu.memory_space<vmem_shared>> -> memref<128x128xf32, #tpu.memory_space<vmem_shared>>
        tpu.enqueue_dma source(%dma_start3A_75 : memref<128x128xf32, #tpu.memory_space<vmem_shared>>) target(%dma_start3A_73 : memref<128x128xf32, #tpu.memory_space<hbm>>) target_semaphore(%run_scoped3A_71 : memref<!tpu.dma_semaphore, #tpu.memory_space<semaphore_mem>>)
        %dma_wait3A_76 = arith.constant 0 : i32
        %dma_wait3A_77 = tpu.memref_slice %arg6[%run_scoped3A_60, %add3A_59, %dma_wait3A_76] : memref<2x10112x128xf32, #tpu.memory_space<hbm>> -> memref<1x128x128xf32, #tpu.memory_space<hbm>>
        %dma_wait3A_78 = tpu.memref_squeeze %dma_wait3A_77 : memref<1x128x128xf32, #tpu.memory_space<hbm>> -> memref<128x128xf32, #tpu.memory_space<hbm>>
        %dma_wait3A_79 = arith.constant 0 : i32
        %dma_wait3A_80 = tpu.memref_slice %arg10[%add3A_57, %dma_wait3A_79] : memref<10112x128xf32, #tpu.memory_space<vmem_shared>> -> memref<128x128xf32, #tpu.memory_space<vmem_shared>>
        tpu.wait_dma2 semaphore(%run_scoped3A_71 : memref<!tpu.dma_semaphore, #tpu.memory_space<semaphore_mem>>) src(%dma_wait3A_80 : memref<128x128xf32, #tpu.memory_space<vmem_shared>>) dst(%dma_wait3A_78 : memref<128x128xf32, #tpu.memory_space<hbm>>)
        tpu.yield
      }) : () -> ()
      %add3A_61 = arith.constant 384 : i32
      %add3A_62 = arith.addi %mul3A_2, %add3A_61 : i32
      %add3A_63 = arith.constant 384 : i32
      %add3A_64 = arith.addi %mul3A_2, %add3A_63 : i32
      %run_scoped3A_65 = arith.constant 0 : i32
      "tpu.region"() ({
        %run_scoped3A_71 = tpu.sem_alloc : memref<!tpu.dma_semaphore, #tpu.memory_space<semaphore_mem>>
        %dma_start3A = arith.constant 0 : i32
        %dma_start3A_72 = tpu.memref_slice %arg6[%run_scoped3A_65, %add3A_64, %dma_start3A] : memref<2x10112x128xf32, #tpu.memory_space<hbm>> -> memref<1x128x128xf32, #tpu.memory_space<hbm>>
        %dma_start3A_73 = tpu.memref_squeeze %dma_start3A_72 : memref<1x128x128xf32, #tpu.memory_space<hbm>> -> memref<128x128xf32, #tpu.memory_space<hbm>>
        %dma_start3A_74 = arith.constant 0 : i32
        %dma_start3A_75 = tpu.memref_slice %arg10[%add3A_62, %dma_start3A_74] : memref<10112x128xf32, #tpu.memory_space<vmem_shared>> -> memref<128x128xf32, #tpu.memory_space<vmem_shared>>
        tpu.enqueue_dma source(%dma_start3A_75 : memref<128x128xf32, #tpu.memory_space<vmem_shared>>) target(%dma_start3A_73 : memref<128x128xf32, #tpu.memory_space<hbm>>) target_semaphore(%run_scoped3A_71 : memref<!tpu.dma_semaphore, #tpu.memory_space<semaphore_mem>>)
        %dma_wait3A_76 = arith.constant 0 : i32
        %dma_wait3A_77 = tpu.memref_slice %arg6[%run_scoped3A_65, %add3A_64, %dma_wait3A_76] : memref<2x10112x128xf32, #tpu.memory_space<hbm>> -> memref<1x128x128xf32, #tpu.memory_space<hbm>>
        %dma_wait3A_78 = tpu.memref_squeeze %dma_wait3A_77 : memref<1x128x128xf32, #tpu.memory_space<hbm>> -> memref<128x128xf32, #tpu.memory_space<hbm>>
        %dma_wait3A_79 = arith.constant 0 : i32
        %dma_wait3A_80 = tpu.memref_slice %arg10[%add3A_62, %dma_wait3A_79] : memref<10112x128xf32, #tpu.memory_space<vmem_shared>> -> memref<128x128xf32, #tpu.memory_space<vmem_shared>>
        tpu.wait_dma2 semaphore(%run_scoped3A_71 : memref<!tpu.dma_semaphore, #tpu.memory_space<semaphore_mem>>) src(%dma_wait3A_80 : memref<128x128xf32, #tpu.memory_space<vmem_shared>>) dst(%dma_wait3A_78 : memref<128x128xf32, #tpu.memory_space<hbm>>)
        tpu.yield
      }) : () -> ()
      %add3A_66 = arith.constant 512 : i32
      %add3A_67 = arith.addi %mul3A_2, %add3A_66 : i32
      %add3A_68 = arith.constant 512 : i32
      %add3A_69 = arith.addi %mul3A_2, %add3A_68 : i32
      %run_scoped3A_70 = arith.constant 0 : i32
      "tpu.region"() ({
        %run_scoped3A_71 = tpu.sem_alloc : memref<!tpu.dma_semaphore, #tpu.memory_space<semaphore_mem>>
        %dma_start3A = arith.constant 0 : i32
        %dma_start3A_72 = tpu.memref_slice %arg6[%run_scoped3A_70, %add3A_69, %dma_start3A] : memref<2x10112x128xf32, #tpu.memory_space<hbm>> -> memref<1x120x128xf32, #tpu.memory_space<hbm>>
        %dma_start3A_73 = tpu.memref_squeeze %dma_start3A_72 : memref<1x120x128xf32, #tpu.memory_space<hbm>> -> memref<120x128xf32, #tpu.memory_space<hbm>>
        %dma_start3A_74 = arith.constant 0 : i32
        %dma_start3A_75 = tpu.memref_slice %arg10[%add3A_67, %dma_start3A_74] : memref<10112x128xf32, #tpu.memory_space<vmem_shared>> -> memref<120x128xf32, #tpu.memory_space<vmem_shared>>
        tpu.enqueue_dma source(%dma_start3A_75 : memref<120x128xf32, #tpu.memory_space<vmem_shared>>) target(%dma_start3A_73 : memref<120x128xf32, #tpu.memory_space<hbm>>) target_semaphore(%run_scoped3A_71 : memref<!tpu.dma_semaphore, #tpu.memory_space<semaphore_mem>>)
        %dma_wait3A_76 = arith.constant 0 : i32
        %dma_wait3A_77 = tpu.memref_slice %arg6[%run_scoped3A_70, %add3A_69, %dma_wait3A_76] : memref<2x10112x128xf32, #tpu.memory_space<hbm>> -> memref<1x120x128xf32, #tpu.memory_space<hbm>>
        %dma_wait3A_78 = tpu.memref_squeeze %dma_wait3A_77 : memref<1x120x128xf32, #tpu.memory_space<hbm>> -> memref<120x128xf32, #tpu.memory_space<hbm>>
        %dma_wait3A_79 = arith.constant 0 : i32
        %dma_wait3A_80 = tpu.memref_slice %arg10[%add3A_67, %dma_wait3A_79] : memref<10112x128xf32, #tpu.memory_space<vmem_shared>> -> memref<120x128xf32, #tpu.memory_space<vmem_shared>>
        tpu.wait_dma2 semaphore(%run_scoped3A_71 : memref<!tpu.dma_semaphore, #tpu.memory_space<semaphore_mem>>) src(%dma_wait3A_80 : memref<120x128xf32, #tpu.memory_space<vmem_shared>>) dst(%dma_wait3A_78 : memref<120x128xf32, #tpu.memory_space<hbm>>)
        tpu.yield
      }) : () -> ()
    } else {
    }
    %eq3A_41 = arith.constant 1 : i32
    %eq3A_42 = arith.cmpi eq, %arg0, %eq3A_41 : i32
    %convert_element_type3A_43 = arith.extui %eq3A_42 : i1 to i32
    %cond3A_44 = arith.constant 0 : i32
    %cond3A_45 = arith.cmpi ne, %convert_element_type3A_43, %cond3A_44 : i32
    scf.if %cond3A_45 {
      %add3A_46 = arith.constant 0 : i32
      %add3A_47 = arith.addi %mul3A_2, %add3A_46 : i32
      %add3A_48 = arith.constant 0 : i32
      %add3A_49 = arith.addi %mul3A_2, %add3A_48 : i32
      %run_scoped3A_50 = arith.constant 1 : i32
      "tpu.region"() ({
        %run_scoped3A_71 = tpu.sem_alloc : memref<!tpu.dma_semaphore, #tpu.memory_space<semaphore_mem>>
        %dma_start3A = arith.constant 0 : i32
        %dma_start3A_72 = tpu.memref_slice %arg6[%run_scoped3A_50, %add3A_49, %dma_start3A] : memref<2x10112x128xf32, #tpu.memory_space<hbm>> -> memref<1x128x128xf32, #tpu.memory_space<hbm>>
        %dma_start3A_73 = tpu.memref_squeeze %dma_start3A_72 : memref<1x128x128xf32, #tpu.memory_space<hbm>> -> memref<128x128xf32, #tpu.memory_space<hbm>>
        %dma_start3A_74 = arith.constant 0 : i32
        %dma_start3A_75 = tpu.memref_slice %arg10[%add3A_47, %dma_start3A_74] : memref<10112x128xf32, #tpu.memory_space<vmem_shared>> -> memref<128x128xf32, #tpu.memory_space<vmem_shared>>
        tpu.enqueue_dma source(%dma_start3A_75 : memref<128x128xf32, #tpu.memory_space<vmem_shared>>) target(%dma_start3A_73 : memref<128x128xf32, #tpu.memory_space<hbm>>) target_semaphore(%run_scoped3A_71 : memref<!tpu.dma_semaphore, #tpu.memory_space<semaphore_mem>>)
        %dma_wait3A_76 = arith.constant 0 : i32
        %dma_wait3A_77 = tpu.memref_slice %arg6[%run_scoped3A_50, %add3A_49, %dma_wait3A_76] : memref<2x10112x128xf32, #tpu.memory_space<hbm>> -> memref<1x128x128xf32, #tpu.memory_space<hbm>>
        %dma_wait3A_78 = tpu.memref_squeeze %dma_wait3A_77 : memref<1x128x128xf32, #tpu.memory_space<hbm>> -> memref<128x128xf32, #tpu.memory_space<hbm>>
        %dma_wait3A_79 = arith.constant 0 : i32
        %dma_wait3A_80 = tpu.memref_slice %arg10[%add3A_47, %dma_wait3A_79] : memref<10112x128xf32, #tpu.memory_space<vmem_shared>> -> memref<128x128xf32, #tpu.memory_space<vmem_shared>>
        tpu.wait_dma2 semaphore(%run_scoped3A_71 : memref<!tpu.dma_semaphore, #tpu.memory_space<semaphore_mem>>) src(%dma_wait3A_80 : memref<128x128xf32, #tpu.memory_space<vmem_shared>>) dst(%dma_wait3A_78 : memref<128x128xf32, #tpu.memory_space<hbm>>)
        tpu.yield
      }) : () -> ()
      %add3A_51 = arith.constant 128 : i32
      %add3A_52 = arith.addi %mul3A_2, %add3A_51 : i32
      %add3A_53 = arith.constant 128 : i32
      %add3A_54 = arith.addi %mul3A_2, %add3A_53 : i32
      %run_scoped3A_55 = arith.constant 1 : i32
      "tpu.region"() ({
        %run_scoped3A_71 = tpu.sem_alloc : memref<!tpu.dma_semaphore, #tpu.memory_space<semaphore_mem>>
        %dma_start3A = arith.constant 0 : i32
        %dma_start3A_72 = tpu.memref_slice %arg6[%run_scoped3A_55, %add3A_54, %dma_start3A] : memref<2x10112x128xf32, #tpu.memory_space<hbm>> -> memref<1x128x128xf32, #tpu.memory_space<hbm>>
        %dma_start3A_73 = tpu.memref_squeeze %dma_start3A_72 : memref<1x128x128xf32, #tpu.memory_space<hbm>> -> memref<128x128xf32, #tpu.memory_space<hbm>>
        %dma_start3A_74 = arith.constant 0 : i32
        %dma_start3A_75 = tpu.memref_slice %arg10[%add3A_52, %dma_start3A_74] : memref<10112x128xf32, #tpu.memory_space<vmem_shared>> -> memref<128x128xf32, #tpu.memory_space<vmem_shared>>
        tpu.enqueue_dma source(%dma_start3A_75 : memref<128x128xf32, #tpu.memory_space<vmem_shared>>) target(%dma_start3A_73 : memref<128x128xf32, #tpu.memory_space<hbm>>) target_semaphore(%run_scoped3A_71 : memref<!tpu.dma_semaphore, #tpu.memory_space<semaphore_mem>>)
        %dma_wait3A_76 = arith.constant 0 : i32
        %dma_wait3A_77 = tpu.memref_slice %arg6[%run_scoped3A_55, %add3A_54, %dma_wait3A_76] : memref<2x10112x128xf32, #tpu.memory_space<hbm>> -> memref<1x128x128xf32, #tpu.memory_space<hbm>>
        %dma_wait3A_78 = tpu.memref_squeeze %dma_wait3A_77 : memref<1x128x128xf32, #tpu.memory_space<hbm>> -> memref<128x128xf32, #tpu.memory_space<hbm>>
        %dma_wait3A_79 = arith.constant 0 : i32
        %dma_wait3A_80 = tpu.memref_slice %arg10[%add3A_52, %dma_wait3A_79] : memref<10112x128xf32, #tpu.memory_space<vmem_shared>> -> memref<128x128xf32, #tpu.memory_space<vmem_shared>>
        tpu.wait_dma2 semaphore(%run_scoped3A_71 : memref<!tpu.dma_semaphore, #tpu.memory_space<semaphore_mem>>) src(%dma_wait3A_80 : memref<128x128xf32, #tpu.memory_space<vmem_shared>>) dst(%dma_wait3A_78 : memref<128x128xf32, #tpu.memory_space<hbm>>)
        tpu.yield
      }) : () -> ()
      %add3A_56 = arith.constant 256 : i32
      %add3A_57 = arith.addi %mul3A_2, %add3A_56 : i32
      %add3A_58 = arith.constant 256 : i32
      %add3A_59 = arith.addi %mul3A_2, %add3A_58 : i32
      %run_scoped3A_60 = arith.constant 1 : i32
      "tpu.region"() ({
        %run_scoped3A_71 = tpu.sem_alloc : memref<!tpu.dma_semaphore, #tpu.memory_space<semaphore_mem>>
        %dma_start3A = arith.constant 0 : i32
        %dma_start3A_72 = tpu.memref_slice %arg6[%run_scoped3A_60, %add3A_59, %dma_start3A] : memref<2x10112x128xf32, #tpu.memory_space<hbm>> -> memref<1x128x128xf32, #tpu.memory_space<hbm>>
        %dma_start3A_73 = tpu.memref_squeeze %dma_start3A_72 : memref<1x128x128xf32, #tpu.memory_space<hbm>> -> memref<128x128xf32, #tpu.memory_space<hbm>>
        %dma_start3A_74 = arith.constant 0 : i32
        %dma_start3A_75 = tpu.memref_slice %arg10[%add3A_57, %dma_start3A_74] : memref<10112x128xf32, #tpu.memory_space<vmem_shared>> -> memref<128x128xf32, #tpu.memory_space<vmem_shared>>
        tpu.enqueue_dma source(%dma_start3A_75 : memref<128x128xf32, #tpu.memory_space<vmem_shared>>) target(%dma_start3A_73 : memref<128x128xf32, #tpu.memory_space<hbm>>) target_semaphore(%run_scoped3A_71 : memref<!tpu.dma_semaphore, #tpu.memory_space<semaphore_mem>>)
        %dma_wait3A_76 = arith.constant 0 : i32
        %dma_wait3A_77 = tpu.memref_slice %arg6[%run_scoped3A_60, %add3A_59, %dma_wait3A_76] : memref<2x10112x128xf32, #tpu.memory_space<hbm>> -> memref<1x128x128xf32, #tpu.memory_space<hbm>>
        %dma_wait3A_78 = tpu.memref_squeeze %dma_wait3A_77 : memref<1x128x128xf32, #tpu.memory_space<hbm>> -> memref<128x128xf32, #tpu.memory_space<hbm>>
        %dma_wait3A_79 = arith.constant 0 : i32
        %dma_wait3A_80 = tpu.memref_slice %arg10[%add3A_57, %dma_wait3A_79] : memref<10112x128xf32, #tpu.memory_space<vmem_shared>> -> memref<128x128xf32, #tpu.memory_space<vmem_shared>>
        tpu.wait_dma2 semaphore(%run_scoped3A_71 : memref<!tpu.dma_semaphore, #tpu.memory_space<semaphore_mem>>) src(%dma_wait3A_80 : memref<128x128xf32, #tpu.memory_space<vmem_shared>>) dst(%dma_wait3A_78 : memref<128x128xf32, #tpu.memory_space<hbm>>)
        tpu.yield
      }) : () -> ()
      %add3A_61 = arith.constant 384 : i32
      %add3A_62 = arith.addi %mul3A_2, %add3A_61 : i32
      %add3A_63 = arith.constant 384 : i32
      %add3A_64 = arith.addi %mul3A_2, %add3A_63 : i32
      %run_scoped3A_65 = arith.constant 1 : i32
      "tpu.region"() ({
        %run_scoped3A_71 = tpu.sem_alloc : memref<!tpu.dma_semaphore, #tpu.memory_space<semaphore_mem>>
        %dma_start3A = arith.constant 0 : i32
        %dma_start3A_72 = tpu.memref_slice %arg6[%run_scoped3A_65, %add3A_64, %dma_start3A] : memref<2x10112x128xf32, #tpu.memory_space<hbm>> -> memref<1x128x128xf32, #tpu.memory_space<hbm>>
        %dma_start3A_73 = tpu.memref_squeeze %dma_start3A_72 : memref<1x128x128xf32, #tpu.memory_space<hbm>> -> memref<128x128xf32, #tpu.memory_space<hbm>>
        %dma_start3A_74 = arith.constant 0 : i32
        %dma_start3A_75 = tpu.memref_slice %arg10[%add3A_62, %dma_start3A_74] : memref<10112x128xf32, #tpu.memory_space<vmem_shared>> -> memref<128x128xf32, #tpu.memory_space<vmem_shared>>
        tpu.enqueue_dma source(%dma_start3A_75 : memref<128x128xf32, #tpu.memory_space<vmem_shared>>) target(%dma_start3A_73 : memref<128x128xf32, #tpu.memory_space<hbm>>) target_semaphore(%run_scoped3A_71 : memref<!tpu.dma_semaphore, #tpu.memory_space<semaphore_mem>>)
        %dma_wait3A_76 = arith.constant 0 : i32
        %dma_wait3A_77 = tpu.memref_slice %arg6[%run_scoped3A_65, %add3A_64, %dma_wait3A_76] : memref<2x10112x128xf32, #tpu.memory_space<hbm>> -> memref<1x128x128xf32, #tpu.memory_space<hbm>>
        %dma_wait3A_78 = tpu.memref_squeeze %dma_wait3A_77 : memref<1x128x128xf32, #tpu.memory_space<hbm>> -> memref<128x128xf32, #tpu.memory_space<hbm>>
        %dma_wait3A_79 = arith.constant 0 : i32
        %dma_wait3A_80 = tpu.memref_slice %arg10[%add3A_62, %dma_wait3A_79] : memref<10112x128xf32, #tpu.memory_space<vmem_shared>> -> memref<128x128xf32, #tpu.memory_space<vmem_shared>>
        tpu.wait_dma2 semaphore(%run_scoped3A_71 : memref<!tpu.dma_semaphore, #tpu.memory_space<semaphore_mem>>) src(%dma_wait3A_80 : memref<128x128xf32, #tpu.memory_space<vmem_shared>>) dst(%dma_wait3A_78 : memref<128x128xf32, #tpu.memory_space<hbm>>)
        tpu.yield
      }) : () -> ()
      %add3A_66 = arith.constant 512 : i32
      %add3A_67 = arith.addi %mul3A_2, %add3A_66 : i32
      %add3A_68 = arith.constant 512 : i32
      %add3A_69 = arith.addi %mul3A_2, %add3A_68 : i32
      %run_scoped3A_70 = arith.constant 1 : i32
      "tpu.region"() ({
        %run_scoped3A_71 = tpu.sem_alloc : memref<!tpu.dma_semaphore, #tpu.memory_space<semaphore_mem>>
        %dma_start3A = arith.constant 0 : i32
        %dma_start3A_72 = tpu.memref_slice %arg6[%run_scoped3A_70, %add3A_69, %dma_start3A] : memref<2x10112x128xf32, #tpu.memory_space<hbm>> -> memref<1x120x128xf32, #tpu.memory_space<hbm>>
        %dma_start3A_73 = tpu.memref_squeeze %dma_start3A_72 : memref<1x120x128xf32, #tpu.memory_space<hbm>> -> memref<120x128xf32, #tpu.memory_space<hbm>>
        %dma_start3A_74 = arith.constant 0 : i32
        %dma_start3A_75 = tpu.memref_slice %arg10[%add3A_67, %dma_start3A_74] : memref<10112x128xf32, #tpu.memory_space<vmem_shared>> -> memref<120x128xf32, #tpu.memory_space<vmem_shared>>
        tpu.enqueue_dma source(%dma_start3A_75 : memref<120x128xf32, #tpu.memory_space<vmem_shared>>) target(%dma_start3A_73 : memref<120x128xf32, #tpu.memory_space<hbm>>) target_semaphore(%run_scoped3A_71 : memref<!tpu.dma_semaphore, #tpu.memory_space<semaphore_mem>>)
        %dma_wait3A_76 = arith.constant 0 : i32
        %dma_wait3A_77 = tpu.memref_slice %arg6[%run_scoped3A_70, %add3A_69, %dma_wait3A_76] : memref<2x10112x128xf32, #tpu.memory_space<hbm>> -> memref<1x120x128xf32, #tpu.memory_space<hbm>>
        %dma_wait3A_78 = tpu.memref_squeeze %dma_wait3A_77 : memref<1x120x128xf32, #tpu.memory_space<hbm>> -> memref<120x128xf32, #tpu.memory_space<hbm>>
        %dma_wait3A_79 = arith.constant 0 : i32
        %dma_wait3A_80 = tpu.memref_slice %arg10[%add3A_67, %dma_wait3A_79] : memref<10112x128xf32, #tpu.memory_space<vmem_shared>> -> memref<120x128xf32, #tpu.memory_space<vmem_shared>>
        tpu.wait_dma2 semaphore(%run_scoped3A_71 : memref<!tpu.dma_semaphore, #tpu.memory_space<semaphore_mem>>) src(%dma_wait3A_80 : memref<120x128xf32, #tpu.memory_space<vmem_shared>>) dst(%dma_wait3A_78 : memref<120x128xf32, #tpu.memory_space<hbm>>)
        tpu.yield
      }) : () -> ()
    } else {
    }
    return
  }
}

module attributes {stable_mosaic.version = 14 : i64} {
  func.func @_mm_sub_body(%arg0: memref<10000x128xf32, #tpu.memory_space<vmem>>, %arg1: memref<128x128xf32, #tpu.memory_space<vmem>>, %arg2: memref<2x2x10112x1xf32, #tpu.memory_space<vmem>>, %arg3: memref<10112x128xf32, #tpu.memory_space<vmem>>) attributes {dimension_semantics = [], scalar_prefetch = 0 : i64, scratch_operands = 0 : i64, tpu.core_type = #tpu.core_type<tc>} {
    %get3A = arith.constant 0 : index
    %get3A_0 = arith.constant 0 : index
    %get3A_1 = vector.load %arg0[%get3A, %get3A_0] : memref<10000x128xf32, #tpu.memory_space<vmem>>, vector<10000x128xf32>
    %get3A_2 = arith.constant 0 : index
    %get3A_3 = arith.constant 0 : index
    %get3A_4 = vector.load %arg1[%get3A_2, %get3A_3] : memref<128x128xf32, #tpu.memory_space<vmem>>, vector<128x128xf32>
    %dot_general3A = arith.constant dense<0.000000e+00> : vector<10000x128xf32>
    %dot_general3A_5 = tpu.matmul %get3A_1, %get3A_4, %dot_general3A {dimension_numbers = #tpu.dot_dimension_numbers<[1], [0], [0], [1], [0, 0, 1, 1], [], []>, transpose_lhs_hint = false} : vector<10000x128xf32>, vector<128x128xf32>, vector<10000x128xf32> -> vector<10000x128xf32>
    %get3A_6 = arith.constant 0 : index
    %get3A_7 = arith.constant 0 : index
    %get3A_8 = arith.constant 0 : index
    %get3A_9 = arith.constant 0 : index
    %get3A_10 = vector.load %arg2[%get3A_6, %get3A_7, %get3A_8, %get3A_9] : memref<2x2x10112x1xf32, #tpu.memory_space<vmem>>, vector<1x1x10000x1xf32>
    %get3A_11 = vector.shape_cast %get3A_10 : vector<1x1x10000x1xf32> to vector<10000x1xf32>
    %get3A_12 = arith.constant 0 : index
    %get3A_13 = arith.constant 1 : index
    %get3A_14 = arith.constant 0 : index
    %get3A_15 = arith.constant 0 : index
    %get3A_16 = vector.load %arg2[%get3A_12, %get3A_13, %get3A_14, %get3A_15] : memref<2x2x10112x1xf32, #tpu.memory_space<vmem>>, vector<1x1x10000x1xf32>
    %get3A_17 = vector.shape_cast %get3A_16 : vector<1x1x10000x1xf32> to vector<10000x1xf32>
    %add3A = arith.addf %get3A_11, %get3A_17 : vector<10000x1xf32>
    %add3A_18 = arith.constant 1.000000e+00 : f32
    %add3A_19 = vector.broadcast %add3A_18 : f32 to vector<10000x1xf32>
    %add3A_20 = arith.addf %add3A, %add3A_19 : vector<10000x1xf32>
    %max3A = arith.constant 9.99999996E-13 : f32
    %max3A_21 = vector.broadcast %max3A : f32 to vector<10000x1xf32>
    %max3A_22 = arith.maximumf %add3A_20, %max3A_21 : vector<10000x1xf32>
    %rsqrt3A = math.rsqrt %max3A_22 : vector<10000x1xf32>
    %mul3A = vector.broadcast %rsqrt3A : vector<10000x1xf32> to vector<10000x128xf32>
    %mul3A_23 = arith.mulf %dot_general3A_5, %mul3A : vector<10000x128xf32>
    %swap3A = arith.constant 0 : index
    %swap3A_24 = arith.constant 0 : index
    %swap3A_25 = vector.load %arg3[%swap3A, %swap3A_24] : memref<10112x128xf32, #tpu.memory_space<vmem>>, vector<10000x128xf32>
    tpu.vector_store %arg3[%swap3A, %swap3A_24], %mul3A_23 {strides = array<i32>} : memref<10112x128xf32, #tpu.memory_space<vmem>>, vector<10000x128xf32>,
    %broadcast_in_dim3A = arith.constant 0.000000e+00 : f32
    %broadcast_in_dim3A_26 = vector.broadcast %broadcast_in_dim3A : f32 to vector<112x128xf32>
    %swap3A_27 = arith.constant 10000 : index
    %swap3A_28 = arith.constant 0 : index
    %swap3A_29 = vector.load %arg3[%swap3A_27, %swap3A_28] : memref<10112x128xf32, #tpu.memory_space<vmem>>, vector<112x128xf32>
    tpu.vector_store %arg3[%swap3A_27, %swap3A_28], %broadcast_in_dim3A_26 {strides = array<i32>} : memref<10112x128xf32, #tpu.memory_space<vmem>>, vector<112x128xf32>,
    return
  }
}

module attributes {stable_mosaic.version = 14 : i64} {
  func.func @_fin_sub_body(%arg0: memref<10112x128xf32, #tpu.memory_space<vmem>>, %arg1: memref<2x10112x128xf32, #tpu.memory_space<vmem>>, %arg2: memref<2x2x10112x1xf32, #tpu.memory_space<vmem>>, %arg3: memref<1x128xf32, #tpu.memory_space<vmem>>, %arg4: memref<10000x1xi32, #tpu.memory_space<vmem>>, %arg5: memref<16x128xf32, #tpu.memory_space<vmem>>) attributes {dimension_semantics = [], scalar_prefetch = 0 : i64, scratch_operands = 0 : i64, tpu.core_type = #tpu.core_type<tc>} {
    %get3A = arith.constant 0 : index
    %get3A_0 = arith.constant 0 : index
    %get3A_1 = arith.constant 0 : index
    %get3A_2 = arith.constant 0 : index
    %get3A_3 = vector.load %arg2[%get3A, %get3A_0, %get3A_1, %get3A_2] : memref<2x2x10112x1xf32, #tpu.memory_space<vmem>>, vector<1x1x10000x1xf32>
    %get3A_4 = vector.shape_cast %get3A_3 : vector<1x1x10000x1xf32> to vector<10000x1xf32>
    %get3A_5 = arith.constant 0 : index
    %get3A_6 = arith.constant 1 : index
    %get3A_7 = arith.constant 0 : index
    %get3A_8 = arith.constant 0 : index
    %get3A_9 = vector.load %arg2[%get3A_5, %get3A_6, %get3A_7, %get3A_8] : memref<2x2x10112x1xf32, #tpu.memory_space<vmem>>, vector<1x1x10000x1xf32>
    %get3A_10 = vector.shape_cast %get3A_9 : vector<1x1x10000x1xf32> to vector<10000x1xf32>
    %add3A = arith.addf %get3A_4, %get3A_10 : vector<10000x1xf32>
    %add3A_11 = arith.constant 1.000000e+00 : f32
    %add3A_12 = vector.broadcast %add3A_11 : f32 to vector<10000x1xf32>
    %add3A_13 = arith.addf %add3A, %add3A_12 : vector<10000x1xf32>
    %max3A = arith.constant 9.99999996E-13 : f32
    %max3A_14 = vector.broadcast %max3A : f32 to vector<10000x1xf32>
    %max3A_15 = arith.maximumf %add3A_13, %max3A_14 : vector<10000x1xf32>
    %rsqrt3A = math.rsqrt %max3A_15 : vector<10000x1xf32>
    %get3A_16 = arith.constant 0 : index
    %get3A_17 = arith.constant 0 : index
    %get3A_18 = vector.load %arg0[%get3A_16, %get3A_17] : memref<10112x128xf32, #tpu.memory_space<vmem>>, vector<10000x128xf32>
    %get3A_19 = arith.constant 0 : index
    %get3A_20 = arith.constant 0 : index
    %get3A_21 = arith.constant 0 : index
    %get3A_22 = vector.load %arg1[%get3A_19, %get3A_20, %get3A_21] : memref<2x10112x128xf32, #tpu.memory_space<vmem>>, vector<1x10000x128xf32>
    %get3A_23 = vector.shape_cast %get3A_22 : vector<1x10000x128xf32> to vector<10000x128xf32>
    %add3A_24 = arith.addf %get3A_18, %get3A_23 : vector<10000x128xf32>
    %get3A_25 = arith.constant 1 : index
    %get3A_26 = arith.constant 0 : index
    %get3A_27 = arith.constant 0 : index
    %get3A_28 = vector.load %arg1[%get3A_25, %get3A_26, %get3A_27] : memref<2x10112x128xf32, #tpu.memory_space<vmem>>, vector<1x10000x128xf32>
    %get3A_29 = vector.shape_cast %get3A_28 : vector<1x10000x128xf32> to vector<10000x128xf32>
    %add3A_30 = arith.addf %add3A_24, %get3A_29 : vector<10000x128xf32>
    %mul3A = vector.broadcast %rsqrt3A : vector<10000x1xf32> to vector<10000x128xf32>
    %mul3A_31 = arith.mulf %add3A_30, %mul3A : vector<10000x128xf32>
    %get3A_32 = arith.constant 0 : index
    %get3A_33 = arith.constant 0 : index
    %get3A_34 = vector.load %arg3[%get3A_32, %get3A_33] : memref<1x128xf32, #tpu.memory_space<vmem>>, vector<1x128xf32>
    %add3A_35 = vector.broadcast %get3A_34 : vector<1x128xf32> to vector<10000x128xf32>
    %add3A_36 = arith.addf %mul3A_31, %add3A_35 : vector<10000x128xf32>
    %max3A_37 = arith.constant 0.000000e+00 : f32
    %max3A_38 = vector.broadcast %max3A_37 : f32 to vector<10000x128xf32>
    %max3A_39 = arith.maximumf %add3A_36, %max3A_38 : vector<10000x128xf32>
    %get3A_40 = arith.constant 0 : index
    %get3A_41 = arith.constant 0 : index
    %get3A_42 = vector.load %arg4[%get3A_40, %get3A_41] : memref<10000x1xi32, #tpu.memory_space<vmem>>, vector<10000x1xi32>
    %iota3A = tpu.iota {dimensions = array<i32: 1>} : vector<10000x16xi32>
    %eq3A = vector.broadcast %get3A_42 : vector<10000x1xi32> to vector<10000x16xi32>
    %eq3A_43 = arith.cmpi eq, %eq3A, %iota3A : vector<10000x16xi32>
    %convert_element_type3A = arith.extui %eq3A_43 : vector<10000x16xi1> to vector<10000x16xi32>
    %convert_element_type3A_44 = arith.sitofp %convert_element_type3A : vector<10000x16xi32> to vector<10000x16xf32>
    %dot_general3A = arith.constant dense<0.000000e+00> : vector<16x128xf32>
    %dot_general3A_45 = tpu.matmul %convert_element_type3A_44, %max3A_39, %dot_general3A {dimension_numbers = #tpu.dot_dimension_numbers<[0], [0], [1], [1], [0, 1, 1, 1], [], []>, transpose_lhs_hint = false} : vector<10000x16xf32>, vector<10000x128xf32>, vector<16x128xf32> -> vector<16x128xf32>
    %broadcast_in_dim3A = arith.constant 1.000000e+00 : f32
    %broadcast_in_dim3A_46 = vector.broadcast %broadcast_in_dim3A : f32 to vector<10000x1xf32>
    %dot_general3A_47 = arith.constant dense<0.000000e+00> : vector<16x1xf32>
    %dot_general3A_48 = tpu.matmul %convert_element_type3A_44, %broadcast_in_dim3A_46, %dot_general3A_47 {dimension_numbers = #tpu.dot_dimension_numbers<[0], [0], [1], [1], [0, 1, 1, 1], [], []>, transpose_lhs_hint = false} : vector<10000x16xf32>, vector<10000x1xf32>, vector<16x1xf32> -> vector<16x1xf32>
    %max3A_49 = arith.constant 1.000000e+00 : f32
    %max3A_50 = vector.broadcast %max3A_49 : f32 to vector<16x1xf32>
    %max3A_51 = arith.maximumf %dot_general3A_48, %max3A_50 : vector<16x1xf32>
    %div3A = vector.broadcast %max3A_51 : vector<16x1xf32> to vector<16x128xf32>
    %div3A_52 = arith.divf %dot_general3A_45, %div3A : vector<16x128xf32>
    %swap3A = arith.constant 0 : index
    %swap3A_53 = arith.constant 0 : index
    %swap3A_54 = vector.load %arg5[%swap3A, %swap3A_53] : memref<16x128xf32, #tpu.memory_space<vmem>>, vector<16x128xf32>
    tpu.vector_store %arg5[%swap3A, %swap3A_53], %div3A_52 {strides = array<i32>} : memref<16x128xf32, #tpu.memory_space<vmem>>, vector<16x128xf32>,
    return
  }
}

module attributes {stable_mosaic.version = 14 : i64} {
  func.func @_mm_glob_body(%arg0: memref<10000x128xf32, #tpu.memory_space<vmem>>, %arg1: memref<128x128xf32, #tpu.memory_space<vmem>>, %arg2: memref<2x2x10112x1xf32, #tpu.memory_space<vmem>>, %arg3: memref<16x128xf32, #tpu.memory_space<vmem>>, %arg4: memref<16xi32, #tpu.memory_space<smem>>, %arg5: memref<10112x128xf32, #tpu.memory_space<vmem>>) attributes {dimension_semantics = [], scalar_prefetch = 0 : i64, scratch_operands = 0 : i64, tpu.core_type = #tpu.core_type<tc>} {
    %get3A = arith.constant 0 : index
    %get3A_0 = arith.constant 0 : index
    %get3A_1 = vector.load %arg0[%get3A, %get3A_0] : memref<10000x128xf32, #tpu.memory_space<vmem>>, vector<10000x128xf32>
    %get3A_2 = arith.constant 0 : index
    %get3A_3 = arith.constant 0 : index
    %get3A_4 = vector.load %arg1[%get3A_2, %get3A_3] : memref<128x128xf32, #tpu.memory_space<vmem>>, vector<128x128xf32>
    %dot_general3A = arith.constant dense<0.000000e+00> : vector<10000x128xf32>
    %dot_general3A_5 = tpu.matmul %get3A_1, %get3A_4, %dot_general3A {dimension_numbers = #tpu.dot_dimension_numbers<[1], [0], [0], [1], [0, 0, 1, 1], [], []>, transpose_lhs_hint = false} : vector<10000x128xf32>, vector<128x128xf32>, vector<10000x128xf32> -> vector<10000x128xf32>
    %swap3A = arith.constant 0 : index
    %swap3A_6 = arith.constant 0 : index
    %swap3A_7 = vector.load %arg5[%swap3A, %swap3A_6] : memref<10112x128xf32, #tpu.memory_space<vmem>>, vector<10000x128xf32>
    tpu.vector_store %arg5[%swap3A, %swap3A_6], %dot_general3A_5 {strides = array<i32>} : memref<10112x128xf32, #tpu.memory_space<vmem>>, vector<10000x128xf32>,
    %get3A_8 = arith.constant 0 : index
    %get3A_9 = memref.load %arg4[%get3A_8] : memref<16xi32, #tpu.memory_space<smem>>
    %sub3A = arith.constant 1 : i32
    %sub3A_10 = arith.subi %get3A_9, %sub3A : i32
    %jit3A = arith.constant 10000 : i32
    %eq3A = arith.constant 0 : i32
    %eq3A_11 = arith.cmpi eq, %jit3A, %eq3A : i32
    %jit3A_12 = arith.constant 1 : i32
    %select_n3A = arith.select %eq3A_11, %jit3A_12, %jit3A : i32
    %rem3A = arith.remsi %sub3A_10, %select_n3A : i32
    %ne3A = arith.constant 0 : i32
    %ne3A_13 = arith.cmpi ne, %rem3A, %ne3A : i32
    %lt3A = arith.constant 0 : i32
    %lt3A_14 = arith.cmpi slt, %rem3A, %lt3A : i32
    %lt3A_15 = arith.constant 0 : i32
    %lt3A_16 = arith.cmpi slt, %select_n3A, %lt3A_15 : i32
    %ne3A_17 = arith.xori %lt3A_14, %lt3A_16 : i1
    %and3A = arith.andi %ne3A_17, %ne3A_13 : i1
    %add3A = arith.addi %rem3A, %select_n3A : i32
    %select_n3A_18 = arith.select %and3A, %add3A, %rem3A : i32
    %get3A_19 = arith.index_cast %select_n3A_18 : i32 to index
    %get3A_20 = arith.constant 0 : index
    %get3A_21 = vector.load %arg0[%get3A_19, %get3A_20] : memref<10000x128xf32, #tpu.memory_space<vmem>>, vector<1x128xf32>
    %get3A_22 = arith.constant 0 : index
    %get3A_23 = arith.constant 0 : index
    %get3A_24 = vector.load %arg3[%get3A_22, %get3A_23] : memref<16x128xf32, #tpu.memory_space<vmem>>, vector<1x128xf32>
    %add3A_25 = arith.addf %get3A_21, %get3A_24 : vector<1x128xf32>
    %get3A_26 = arith.constant 0 : index
    %get3A_27 = arith.constant 0 : index
    %get3A_28 = vector.load %arg1[%get3A_26, %get3A_27] : memref<128x128xf32, #tpu.memory_space<vmem>>, vector<128x128xf32>
    %dot_general3A_29 = arith.constant dense<0.000000e+00> : vector<1x128xf32>
    %dot_general3A_30 = tpu.matmul %add3A_25, %get3A_28, %dot_general3A_29 {dimension_numbers = #tpu.dot_dimension_numbers<[1], [0], [0], [1], [0, 0, 1, 1], [], []>, transpose_lhs_hint = false} : vector<1x128xf32>, vector<128x128xf32>, vector<1x128xf32> -> vector<1x128xf32>
    %swap3A_31 = arith.index_cast %select_n3A_18 : i32 to index
    %swap3A_32 = arith.constant 0 : index
    %swap3A_33 = vector.load %arg5[%swap3A_31, %swap3A_32] : memref<10112x128xf32, #tpu.memory_space<vmem>>, vector<1x128xf32>
    tpu.vector_store %arg5[%swap3A_31, %swap3A_32], %dot_general3A_30 {strides = array<i32>} : memref<10112x128xf32, #tpu.memory_space<vmem>>, vector<1x128xf32>,
    %get3A_34 = arith.constant 1 : index
    %get3A_35 = memref.load %arg4[%get3A_34] : memref<16xi32, #tpu.memory_space<smem>>
    %sub3A_36 = arith.constant 1 : i32
    %sub3A_37 = arith.subi %get3A_35, %sub3A_36 : i32
    %jit3A_38 = arith.constant 10000 : i32
    %eq3A_39 = arith.constant 0 : i32
    %eq3A_40 = arith.cmpi eq, %jit3A_38, %eq3A_39 : i32
    %jit3A_41 = arith.constant 1 : i32
    %select_n3A_42 = arith.select %eq3A_40, %jit3A_41, %jit3A_38 : i32
    %rem3A_43 = arith.remsi %sub3A_37, %select_n3A_42 : i32
    %ne3A_44 = arith.constant 0 : i32
    %ne3A_45 = arith.cmpi ne, %rem3A_43, %ne3A_44 : i32
    %lt3A_46 = arith.constant 0 : i32
    %lt3A_47 = arith.cmpi slt, %rem3A_43, %lt3A_46 : i32
    %lt3A_48 = arith.constant 0 : i32
    %lt3A_49 = arith.cmpi slt, %select_n3A_42, %lt3A_48 : i32
    %ne3A_50 = arith.xori %lt3A_47, %lt3A_49 : i1
    %and3A_51 = arith.andi %ne3A_50, %ne3A_45 : i1
    %add3A_52 = arith.addi %rem3A_43, %select_n3A_42 : i32
    %select_n3A_53 = arith.select %and3A_51, %add3A_52, %rem3A_43 : i32
    %get3A_54 = arith.index_cast %select_n3A_53 : i32 to index
    %get3A_55 = arith.constant 0 : index
    %get3A_56 = vector.load %arg0[%get3A_54, %get3A_55] : memref<10000x128xf32, #tpu.memory_space<vmem>>, vector<1x128xf32>
    %get3A_57 = arith.constant 1 : index
    %get3A_58 = arith.constant 0 : index
    %get3A_59 = vector.load %arg3[%get3A_57, %get3A_58] : memref<16x128xf32, #tpu.memory_space<vmem>>, vector<1x128xf32>
    %add3A_60 = arith.addf %get3A_56, %get3A_59 : vector<1x128xf32>
    %get3A_61 = arith.constant 0 : index
    %get3A_62 = arith.constant 0 : index
    %get3A_63 = vector.load %arg1[%get3A_61, %get3A_62] : memref<128x128xf32, #tpu.memory_space<vmem>>, vector<128x128xf32>
    %dot_general3A_64 = arith.constant dense<0.000000e+00> : vector<1x128xf32>
    %dot_general3A_65 = tpu.matmul %add3A_60, %get3A_63, %dot_general3A_64 {dimension_numbers = #tpu.dot_dimension_numbers<[1], [0], [0], [1], [0, 0, 1, 1], [], []>, transpose_lhs_hint = false} : vector<1x128xf32>, vector<128x128xf32>, vector<1x128xf32> -> vector<1x128xf32>
    %swap3A_66 = arith.index_cast %select_n3A_53 : i32 to index
    %swap3A_67 = arith.constant 0 : index
    %swap3A_68 = vector.load %arg5[%swap3A_66, %swap3A_67] : memref<10112x128xf32, #tpu.memory_space<vmem>>, vector<1x128xf32>
    tpu.vector_store %arg5[%swap3A_66, %swap3A_67], %dot_general3A_65 {strides = array<i32>} : memref<10112x128xf32, #tpu.memory_space<vmem>>, vector<1x128xf32>,
    %get3A_69 = arith.constant 2 : index
    %get3A_70 = memref.load %arg4[%get3A_69] : memref<16xi32, #tpu.memory_space<smem>>
    %sub3A_71 = arith.constant 1 : i32
    %sub3A_72 = arith.subi %get3A_70, %sub3A_71 : i32
    %jit3A_73 = arith.constant 10000 : i32
    %eq3A_74 = arith.constant 0 : i32
    %eq3A_75 = arith.cmpi eq, %jit3A_73, %eq3A_74 : i32
    %jit3A_76 = arith.constant 1 : i32
    %select_n3A_77 = arith.select %eq3A_75, %jit3A_76, %jit3A_73 : i32
    %rem3A_78 = arith.remsi %sub3A_72, %select_n3A_77 : i32
    %ne3A_79 = arith.constant 0 : i32
    %ne3A_80 = arith.cmpi ne, %rem3A_78, %ne3A_79 : i32
    %lt3A_81 = arith.constant 0 : i32
    %lt3A_82 = arith.cmpi slt, %rem3A_78, %lt3A_81 : i32
    %lt3A_83 = arith.constant 0 : i32
    %lt3A_84 = arith.cmpi slt, %select_n3A_77, %lt3A_83 : i32
    %ne3A_85 = arith.xori %lt3A_82, %lt3A_84 : i1
    %and3A_86 = arith.andi %ne3A_85, %ne3A_80 : i1
    %add3A_87 = arith.addi %rem3A_78, %select_n3A_77 : i32
    %select_n3A_88 = arith.select %and3A_86, %add3A_87, %rem3A_78 : i32
    %get3A_89 = arith.index_cast %select_n3A_88 : i32 to index
    %get3A_90 = arith.constant 0 : index
    %get3A_91 = vector.load %arg0[%get3A_89, %get3A_90] : memref<10000x128xf32, #tpu.memory_space<vmem>>, vector<1x128xf32>
    %get3A_92 = arith.constant 2 : index
    %get3A_93 = arith.constant 0 : index
    %get3A_94 = vector.load %arg3[%get3A_92, %get3A_93] : memref<16x128xf32, #tpu.memory_space<vmem>>, vector<1x128xf32>
    %add3A_95 = arith.addf %get3A_91, %get3A_94 : vector<1x128xf32>
    %get3A_96 = arith.constant 0 : index
    %get3A_97 = arith.constant 0 : index
    %get3A_98 = vector.load %arg1[%get3A_96, %get3A_97] : memref<128x128xf32, #tpu.memory_space<vmem>>, vector<128x128xf32>
    %dot_general3A_99 = arith.constant dense<0.000000e+00> : vector<1x128xf32>
    %dot_general3A_100 = tpu.matmul %add3A_95, %get3A_98, %dot_general3A_99 {dimension_numbers = #tpu.dot_dimension_numbers<[1], [0], [0], [1], [0, 0, 1, 1], [], []>, transpose_lhs_hint = false} : vector<1x128xf32>, vector<128x128xf32>, vector<1x128xf32> -> vector<1x128xf32>
    %swap3A_101 = arith.index_cast %select_n3A_88 : i32 to index
    %swap3A_102 = arith.constant 0 : index
    %swap3A_103 = vector.load %arg5[%swap3A_101, %swap3A_102] : memref<10112x128xf32, #tpu.memory_space<vmem>>, vector<1x128xf32>
    tpu.vector_store %arg5[%swap3A_101, %swap3A_102], %dot_general3A_100 {strides = array<i32>} : memref<10112x128xf32, #tpu.memory_space<vmem>>, vector<1x128xf32>,
    %get3A_104 = arith.constant 3 : index
    %get3A_105 = memref.load %arg4[%get3A_104] : memref<16xi32, #tpu.memory_space<smem>>
    %sub3A_106 = arith.constant 1 : i32
    %sub3A_107 = arith.subi %get3A_105, %sub3A_106 : i32
    %jit3A_108 = arith.constant 10000 : i32
    %eq3A_109 = arith.constant 0 : i32
    %eq3A_110 = arith.cmpi eq, %jit3A_108, %eq3A_109 : i32
    %jit3A_111 = arith.constant 1 : i32
    %select_n3A_112 = arith.select %eq3A_110, %jit3A_111, %jit3A_108 : i32
    %rem3A_113 = arith.remsi %sub3A_107, %select_n3A_112 : i32
    %ne3A_114 = arith.constant 0 : i32
    %ne3A_115 = arith.cmpi ne, %rem3A_113, %ne3A_114 : i32
    %lt3A_116 = arith.constant 0 : i32
    %lt3A_117 = arith.cmpi slt, %rem3A_113, %lt3A_116 : i32
    %lt3A_118 = arith.constant 0 : i32
    %lt3A_119 = arith.cmpi slt, %select_n3A_112, %lt3A_118 : i32
    %ne3A_120 = arith.xori %lt3A_117, %lt3A_119 : i1
    %and3A_121 = arith.andi %ne3A_120, %ne3A_115 : i1
    %add3A_122 = arith.addi %rem3A_113, %select_n3A_112 : i32
    %select_n3A_123 = arith.select %and3A_121, %add3A_122, %rem3A_113 : i32
    %get3A_124 = arith.index_cast %select_n3A_123 : i32 to index
    %get3A_125 = arith.constant 0 : index
    %get3A_126 = vector.load %arg0[%get3A_124, %get3A_125] : memref<10000x128xf32, #tpu.memory_space<vmem>>, vector<1x128xf32>
    %get3A_127 = arith.constant 3 : index
    %get3A_128 = arith.constant 0 : index
    %get3A_129 = vector.load %arg3[%get3A_127, %get3A_128] : memref<16x128xf32, #tpu.memory_space<vmem>>, vector<1x128xf32>
    %add3A_130 = arith.addf %get3A_126, %get3A_129 : vector<1x128xf32>
    %get3A_131 = arith.constant 0 : index
    %get3A_132 = arith.constant 0 : index
    %get3A_133 = vector.load %arg1[%get3A_131, %get3A_132] : memref<128x128xf32, #tpu.memory_space<vmem>>, vector<128x128xf32>
    %dot_general3A_134 = arith.constant dense<0.000000e+00> : vector<1x128xf32>
    %dot_general3A_135 = tpu.matmul %add3A_130, %get3A_133, %dot_general3A_134 {dimension_numbers = #tpu.dot_dimension_numbers<[1], [0], [0], [1], [0, 0, 1, 1], [], []>, transpose_lhs_hint = false} : vector<1x128xf32>, vector<128x128xf32>, vector<1x128xf32> -> vector<1x128xf32>
    %swap3A_136 = arith.index_cast %select_n3A_123 : i32 to index
    %swap3A_137 = arith.constant 0 : index
    %swap3A_138 = vector.load %arg5[%swap3A_136, %swap3A_137] : memref<10112x128xf32, #tpu.memory_space<vmem>>, vector<1x128xf32>
    tpu.vector_store %arg5[%swap3A_136, %swap3A_137], %dot_general3A_135 {strides = array<i32>} : memref<10112x128xf32, #tpu.memory_space<vmem>>, vector<1x128xf32>,
    %get3A_139 = arith.constant 4 : index
    %get3A_140 = memref.load %arg4[%get3A_139] : memref<16xi32, #tpu.memory_space<smem>>
    %sub3A_141 = arith.constant 1 : i32
    %sub3A_142 = arith.subi %get3A_140, %sub3A_141 : i32
    %jit3A_143 = arith.constant 10000 : i32
    %eq3A_144 = arith.constant 0 : i32
    %eq3A_145 = arith.cmpi eq, %jit3A_143, %eq3A_144 : i32
    %jit3A_146 = arith.constant 1 : i32
    %select_n3A_147 = arith.select %eq3A_145, %jit3A_146, %jit3A_143 : i32
    %rem3A_148 = arith.remsi %sub3A_142, %select_n3A_147 : i32
    %ne3A_149 = arith.constant 0 : i32
    %ne3A_150 = arith.cmpi ne, %rem3A_148, %ne3A_149 : i32
    %lt3A_151 = arith.constant 0 : i32
    %lt3A_152 = arith.cmpi slt, %rem3A_148, %lt3A_151 : i32
    %lt3A_153 = arith.constant 0 : i32
    %lt3A_154 = arith.cmpi slt, %select_n3A_147, %lt3A_153 : i32
    %ne3A_155 = arith.xori %lt3A_152, %lt3A_154 : i1
    %and3A_156 = arith.andi %ne3A_155, %ne3A_150 : i1
    %add3A_157 = arith.addi %rem3A_148, %select_n3A_147 : i32
    %select_n3A_158 = arith.select %and3A_156, %add3A_157, %rem3A_148 : i32
    %get3A_159 = arith.index_cast %select_n3A_158 : i32 to index
    %get3A_160 = arith.constant 0 : index
    %get3A_161 = vector.load %arg0[%get3A_159, %get3A_160] : memref<10000x128xf32, #tpu.memory_space<vmem>>, vector<1x128xf32>
    %get3A_162 = arith.constant 4 : index
    %get3A_163 = arith.constant 0 : index
    %get3A_164 = vector.load %arg3[%get3A_162, %get3A_163] : memref<16x128xf32, #tpu.memory_space<vmem>>, vector<1x128xf32>
    %add3A_165 = arith.addf %get3A_161, %get3A_164 : vector<1x128xf32>
    %get3A_166 = arith.constant 0 : index
    %get3A_167 = arith.constant 0 : index
    %get3A_168 = vector.load %arg1[%get3A_166, %get3A_167] : memref<128x128xf32, #tpu.memory_space<vmem>>, vector<128x128xf32>
    %dot_general3A_169 = arith.constant dense<0.000000e+00> : vector<1x128xf32>
    %dot_general3A_170 = tpu.matmul %add3A_165, %get3A_168, %dot_general3A_169 {dimension_numbers = #tpu.dot_dimension_numbers<[1], [0], [0], [1], [0, 0, 1, 1], [], []>, transpose_lhs_hint = false} : vector<1x128xf32>, vector<128x128xf32>, vector<1x128xf32> -> vector<1x128xf32>
    %swap3A_171 = arith.index_cast %select_n3A_158 : i32 to index
    %swap3A_172 = arith.constant 0 : index
    %swap3A_173 = vector.load %arg5[%swap3A_171, %swap3A_172] : memref<10112x128xf32, #tpu.memory_space<vmem>>, vector<1x128xf32>
    tpu.vector_store %arg5[%swap3A_171, %swap3A_172], %dot_general3A_170 {strides = array<i32>} : memref<10112x128xf32, #tpu.memory_space<vmem>>, vector<1x128xf32>,
    %get3A_174 = arith.constant 5 : index
    %get3A_175 = memref.load %arg4[%get3A_174] : memref<16xi32, #tpu.memory_space<smem>>
    %sub3A_176 = arith.constant 1 : i32
    %sub3A_177 = arith.subi %get3A_175, %sub3A_176 : i32
    %jit3A_178 = arith.constant 10000 : i32
    %eq3A_179 = arith.constant 0 : i32
    %eq3A_180 = arith.cmpi eq, %jit3A_178, %eq3A_179 : i32
    %jit3A_181 = arith.constant 1 : i32
    %select_n3A_182 = arith.select %eq3A_180, %jit3A_181, %jit3A_178 : i32
    %rem3A_183 = arith.remsi %sub3A_177, %select_n3A_182 : i32
    %ne3A_184 = arith.constant 0 : i32
    %ne3A_185 = arith.cmpi ne, %rem3A_183, %ne3A_184 : i32
    %lt3A_186 = arith.constant 0 : i32
    %lt3A_187 = arith.cmpi slt, %rem3A_183, %lt3A_186 : i32
    %lt3A_188 = arith.constant 0 : i32
    %lt3A_189 = arith.cmpi slt, %select_n3A_182, %lt3A_188 : i32
    %ne3A_190 = arith.xori %lt3A_187, %lt3A_189 : i1
    %and3A_191 = arith.andi %ne3A_190, %ne3A_185 : i1
    %add3A_192 = arith.addi %rem3A_183, %select_n3A_182 : i32
    %select_n3A_193 = arith.select %and3A_191, %add3A_192, %rem3A_183 : i32
    %get3A_194 = arith.index_cast %select_n3A_193 : i32 to index
    %get3A_195 = arith.constant 0 : index
    %get3A_196 = vector.load %arg0[%get3A_194, %get3A_195] : memref<10000x128xf32, #tpu.memory_space<vmem>>, vector<1x128xf32>
    %get3A_197 = arith.constant 5 : index
    %get3A_198 = arith.constant 0 : index
    %get3A_199 = vector.load %arg3[%get3A_197, %get3A_198] : memref<16x128xf32, #tpu.memory_space<vmem>>, vector<1x128xf32>
    %add3A_200 = arith.addf %get3A_196, %get3A_199 : vector<1x128xf32>
    %get3A_201 = arith.constant 0 : index
    %get3A_202 = arith.constant 0 : index
    %get3A_203 = vector.load %arg1[%get3A_201, %get3A_202] : memref<128x128xf32, #tpu.memory_space<vmem>>, vector<128x128xf32>
    %dot_general3A_204 = arith.constant dense<0.000000e+00> : vector<1x128xf32>
    %dot_general3A_205 = tpu.matmul %add3A_200, %get3A_203, %dot_general3A_204 {dimension_numbers = #tpu.dot_dimension_numbers<[1], [0], [0], [1], [0, 0, 1, 1], [], []>, transpose_lhs_hint = false} : vector<1x128xf32>, vector<128x128xf32>, vector<1x128xf32> -> vector<1x128xf32>
    %swap3A_206 = arith.index_cast %select_n3A_193 : i32 to index
    %swap3A_207 = arith.constant 0 : index
    %swap3A_208 = vector.load %arg5[%swap3A_206, %swap3A_207] : memref<10112x128xf32, #tpu.memory_space<vmem>>, vector<1x128xf32>
    tpu.vector_store %arg5[%swap3A_206, %swap3A_207], %dot_general3A_205 {strides = array<i32>} : memref<10112x128xf32, #tpu.memory_space<vmem>>, vector<1x128xf32>,
    %get3A_209 = arith.constant 6 : index
    %get3A_210 = memref.load %arg4[%get3A_209] : memref<16xi32, #tpu.memory_space<smem>>
    %sub3A_211 = arith.constant 1 : i32
    %sub3A_212 = arith.subi %get3A_210, %sub3A_211 : i32
    %jit3A_213 = arith.constant 10000 : i32
    %eq3A_214 = arith.constant 0 : i32
    %eq3A_215 = arith.cmpi eq, %jit3A_213, %eq3A_214 : i32
    %jit3A_216 = arith.constant 1 : i32
    %select_n3A_217 = arith.select %eq3A_215, %jit3A_216, %jit3A_213 : i32
    %rem3A_218 = arith.remsi %sub3A_212, %select_n3A_217 : i32
    %ne3A_219 = arith.constant 0 : i32
    %ne3A_220 = arith.cmpi ne, %rem3A_218, %ne3A_219 : i32
    %lt3A_221 = arith.constant 0 : i32
    %lt3A_222 = arith.cmpi slt, %rem3A_218, %lt3A_221 : i32
    %lt3A_223 = arith.constant 0 : i32
    %lt3A_224 = arith.cmpi slt, %select_n3A_217, %lt3A_223 : i32
    %ne3A_225 = arith.xori %lt3A_222, %lt3A_224 : i1
    %and3A_226 = arith.andi %ne3A_225, %ne3A_220 : i1
    %add3A_227 = arith.addi %rem3A_218, %select_n3A_217 : i32
    %select_n3A_228 = arith.select %and3A_226, %add3A_227, %rem3A_218 : i32
    %get3A_229 = arith.index_cast %select_n3A_228 : i32 to index
    %get3A_230 = arith.constant 0 : index
    %get3A_231 = vector.load %arg0[%get3A_229, %get3A_230] : memref<10000x128xf32, #tpu.memory_space<vmem>>, vector<1x128xf32>
    %get3A_232 = arith.constant 6 : index
    %get3A_233 = arith.constant 0 : index
    %get3A_234 = vector.load %arg3[%get3A_232, %get3A_233] : memref<16x128xf32, #tpu.memory_space<vmem>>, vector<1x128xf32>
    %add3A_235 = arith.addf %get3A_231, %get3A_234 : vector<1x128xf32>
    %get3A_236 = arith.constant 0 : index
    %get3A_237 = arith.constant 0 : index
    %get3A_238 = vector.load %arg1[%get3A_236, %get3A_237] : memref<128x128xf32, #tpu.memory_space<vmem>>, vector<128x128xf32>
    %dot_general3A_239 = arith.constant dense<0.000000e+00> : vector<1x128xf32>
    %dot_general3A_240 = tpu.matmul %add3A_235, %get3A_238, %dot_general3A_239 {dimension_numbers = #tpu.dot_dimension_numbers<[1], [0], [0], [1], [0, 0, 1, 1], [], []>, transpose_lhs_hint = false} : vector<1x128xf32>, vector<128x128xf32>, vector<1x128xf32> -> vector<1x128xf32>
    %swap3A_241 = arith.index_cast %select_n3A_228 : i32 to index
    %swap3A_242 = arith.constant 0 : index
    %swap3A_243 = vector.load %arg5[%swap3A_241, %swap3A_242] : memref<10112x128xf32, #tpu.memory_space<vmem>>, vector<1x128xf32>
    tpu.vector_store %arg5[%swap3A_241, %swap3A_242], %dot_general3A_240 {strides = array<i32>} : memref<10112x128xf32, #tpu.memory_space<vmem>>, vector<1x128xf32>,
    %get3A_244 = arith.constant 7 : index
    %get3A_245 = memref.load %arg4[%get3A_244] : memref<16xi32, #tpu.memory_space<smem>>
    %sub3A_246 = arith.constant 1 : i32
    %sub3A_247 = arith.subi %get3A_245, %sub3A_246 : i32
    %jit3A_248 = arith.constant 10000 : i32
    %eq3A_249 = arith.constant 0 : i32
    %eq3A_250 = arith.cmpi eq, %jit3A_248, %eq3A_249 : i32
    %jit3A_251 = arith.constant 1 : i32
    %select_n3A_252 = arith.select %eq3A_250, %jit3A_251, %jit3A_248 : i32
    %rem3A_253 = arith.remsi %sub3A_247, %select_n3A_252 : i32
    %ne3A_254 = arith.constant 0 : i32
    %ne3A_255 = arith.cmpi ne, %rem3A_253, %ne3A_254 : i32
    %lt3A_256 = arith.constant 0 : i32
    %lt3A_257 = arith.cmpi slt, %rem3A_253, %lt3A_256 : i32
    %lt3A_258 = arith.constant 0 : i32
    %lt3A_259 = arith.cmpi slt, %select_n3A_252, %lt3A_258 : i32
    %ne3A_260 = arith.xori %lt3A_257, %lt3A_259 : i1
    %and3A_261 = arith.andi %ne3A_260, %ne3A_255 : i1
    %add3A_262 = arith.addi %rem3A_253, %select_n3A_252 : i32
    %select_n3A_263 = arith.select %and3A_261, %add3A_262, %rem3A_253 : i32
    %get3A_264 = arith.index_cast %select_n3A_263 : i32 to index
    %get3A_265 = arith.constant 0 : index
    %get3A_266 = vector.load %arg0[%get3A_264, %get3A_265] : memref<10000x128xf32, #tpu.memory_space<vmem>>, vector<1x128xf32>
    %get3A_267 = arith.constant 7 : index
    %get3A_268 = arith.constant 0 : index
    %get3A_269 = vector.load %arg3[%get3A_267, %get3A_268] : memref<16x128xf32, #tpu.memory_space<vmem>>, vector<1x128xf32>
    %add3A_270 = arith.addf %get3A_266, %get3A_269 : vector<1x128xf32>
    %get3A_271 = arith.constant 0 : index
    %get3A_272 = arith.constant 0 : index
    %get3A_273 = vector.load %arg1[%get3A_271, %get3A_272] : memref<128x128xf32, #tpu.memory_space<vmem>>, vector<128x128xf32>
    %dot_general3A_274 = arith.constant dense<0.000000e+00> : vector<1x128xf32>
    %dot_general3A_275 = tpu.matmul %add3A_270, %get3A_273, %dot_general3A_274 {dimension_numbers = #tpu.dot_dimension_numbers<[1], [0], [0], [1], [0, 0, 1, 1], [], []>, transpose_lhs_hint = false} : vector<1x128xf32>, vector<128x128xf32>, vector<1x128xf32> -> vector<1x128xf32>
    %swap3A_276 = arith.index_cast %select_n3A_263 : i32 to index
    %swap3A_277 = arith.constant 0 : index
    %swap3A_278 = vector.load %arg5[%swap3A_276, %swap3A_277] : memref<10112x128xf32, #tpu.memory_space<vmem>>, vector<1x128xf32>
    tpu.vector_store %arg5[%swap3A_276, %swap3A_277], %dot_general3A_275 {strides = array<i32>} : memref<10112x128xf32, #tpu.memory_space<vmem>>, vector<1x128xf32>,
    %get3A_279 = arith.constant 8 : index
    %get3A_280 = memref.load %arg4[%get3A_279] : memref<16xi32, #tpu.memory_space<smem>>
    %sub3A_281 = arith.constant 1 : i32
    %sub3A_282 = arith.subi %get3A_280, %sub3A_281 : i32
    %jit3A_283 = arith.constant 10000 : i32
    %eq3A_284 = arith.constant 0 : i32
    %eq3A_285 = arith.cmpi eq, %jit3A_283, %eq3A_284 : i32
    %jit3A_286 = arith.constant 1 : i32
    %select_n3A_287 = arith.select %eq3A_285, %jit3A_286, %jit3A_283 : i32
    %rem3A_288 = arith.remsi %sub3A_282, %select_n3A_287 : i32
    %ne3A_289 = arith.constant 0 : i32
    %ne3A_290 = arith.cmpi ne, %rem3A_288, %ne3A_289 : i32
    %lt3A_291 = arith.constant 0 : i32
    %lt3A_292 = arith.cmpi slt, %rem3A_288, %lt3A_291 : i32
    %lt3A_293 = arith.constant 0 : i32
    %lt3A_294 = arith.cmpi slt, %select_n3A_287, %lt3A_293 : i32
    %ne3A_295 = arith.xori %lt3A_292, %lt3A_294 : i1
    %and3A_296 = arith.andi %ne3A_295, %ne3A_290 : i1
    %add3A_297 = arith.addi %rem3A_288, %select_n3A_287 : i32
    %select_n3A_298 = arith.select %and3A_296, %add3A_297, %rem3A_288 : i32
    %get3A_299 = arith.index_cast %select_n3A_298 : i32 to index
    %get3A_300 = arith.constant 0 : index
    %get3A_301 = vector.load %arg0[%get3A_299, %get3A_300] : memref<10000x128xf32, #tpu.memory_space<vmem>>, vector<1x128xf32>
    %get3A_302 = arith.constant 8 : index
    %get3A_303 = arith.constant 0 : index
    %get3A_304 = vector.load %arg3[%get3A_302, %get3A_303] : memref<16x128xf32, #tpu.memory_space<vmem>>, vector<1x128xf32>
    %add3A_305 = arith.addf %get3A_301, %get3A_304 : vector<1x128xf32>
    %get3A_306 = arith.constant 0 : index
    %get3A_307 = arith.constant 0 : index
    %get3A_308 = vector.load %arg1[%get3A_306, %get3A_307] : memref<128x128xf32, #tpu.memory_space<vmem>>, vector<128x128xf32>
    %dot_general3A_309 = arith.constant dense<0.000000e+00> : vector<1x128xf32>
    %dot_general3A_310 = tpu.matmul %add3A_305, %get3A_308, %dot_general3A_309 {dimension_numbers = #tpu.dot_dimension_numbers<[1], [0], [0], [1], [0, 0, 1, 1], [], []>, transpose_lhs_hint = false} : vector<1x128xf32>, vector<128x128xf32>, vector<1x128xf32> -> vector<1x128xf32>
    %swap3A_311 = arith.index_cast %select_n3A_298 : i32 to index
    %swap3A_312 = arith.constant 0 : index
    %swap3A_313 = vector.load %arg5[%swap3A_311, %swap3A_312] : memref<10112x128xf32, #tpu.memory_space<vmem>>, vector<1x128xf32>
    tpu.vector_store %arg5[%swap3A_311, %swap3A_312], %dot_general3A_310 {strides = array<i32>} : memref<10112x128xf32, #tpu.memory_space<vmem>>, vector<1x128xf32>,
    %get3A_314 = arith.constant 9 : index
    %get3A_315 = memref.load %arg4[%get3A_314] : memref<16xi32, #tpu.memory_space<smem>>
    %sub3A_316 = arith.constant 1 : i32
    %sub3A_317 = arith.subi %get3A_315, %sub3A_316 : i32
    %jit3A_318 = arith.constant 10000 : i32
    %eq3A_319 = arith.constant 0 : i32
    %eq3A_320 = arith.cmpi eq, %jit3A_318, %eq3A_319 : i32
    %jit3A_321 = arith.constant 1 : i32
    %select_n3A_322 = arith.select %eq3A_320, %jit3A_321, %jit3A_318 : i32
    %rem3A_323 = arith.remsi %sub3A_317, %select_n3A_322 : i32
    %ne3A_324 = arith.constant 0 : i32
    %ne3A_325 = arith.cmpi ne, %rem3A_323, %ne3A_324 : i32
    %lt3A_326 = arith.constant 0 : i32
    %lt3A_327 = arith.cmpi slt, %rem3A_323, %lt3A_326 : i32
    %lt3A_328 = arith.constant 0 : i32
    %lt3A_329 = arith.cmpi slt, %select_n3A_322, %lt3A_328 : i32
    %ne3A_330 = arith.xori %lt3A_327, %lt3A_329 : i1
    %and3A_331 = arith.andi %ne3A_330, %ne3A_325 : i1
    %add3A_332 = arith.addi %rem3A_323, %select_n3A_322 : i32
    %select_n3A_333 = arith.select %and3A_331, %add3A_332, %rem3A_323 : i32
    %get3A_334 = arith.index_cast %select_n3A_333 : i32 to index
    %get3A_335 = arith.constant 0 : index
    %get3A_336 = vector.load %arg0[%get3A_334, %get3A_335] : memref<10000x128xf32, #tpu.memory_space<vmem>>, vector<1x128xf32>
    %get3A_337 = arith.constant 9 : index
    %get3A_338 = arith.constant 0 : index
    %get3A_339 = vector.load %arg3[%get3A_337, %get3A_338] : memref<16x128xf32, #tpu.memory_space<vmem>>, vector<1x128xf32>
    %add3A_340 = arith.addf %get3A_336, %get3A_339 : vector<1x128xf32>
    %get3A_341 = arith.constant 0 : index
    %get3A_342 = arith.constant 0 : index
    %get3A_343 = vector.load %arg1[%get3A_341, %get3A_342] : memref<128x128xf32, #tpu.memory_space<vmem>>, vector<128x128xf32>
    %dot_general3A_344 = arith.constant dense<0.000000e+00> : vector<1x128xf32>
    %dot_general3A_345 = tpu.matmul %add3A_340, %get3A_343, %dot_general3A_344 {dimension_numbers = #tpu.dot_dimension_numbers<[1], [0], [0], [1], [0, 0, 1, 1], [], []>, transpose_lhs_hint = false} : vector<1x128xf32>, vector<128x128xf32>, vector<1x128xf32> -> vector<1x128xf32>
    %swap3A_346 = arith.index_cast %select_n3A_333 : i32 to index
    %swap3A_347 = arith.constant 0 : index
    %swap3A_348 = vector.load %arg5[%swap3A_346, %swap3A_347] : memref<10112x128xf32, #tpu.memory_space<vmem>>, vector<1x128xf32>
    tpu.vector_store %arg5[%swap3A_346, %swap3A_347], %dot_general3A_345 {strides = array<i32>} : memref<10112x128xf32, #tpu.memory_space<vmem>>, vector<1x128xf32>,
    %get3A_349 = arith.constant 10 : index
    %get3A_350 = memref.load %arg4[%get3A_349] : memref<16xi32, #tpu.memory_space<smem>>
    %sub3A_351 = arith.constant 1 : i32
    %sub3A_352 = arith.subi %get3A_350, %sub3A_351 : i32
    %jit3A_353 = arith.constant 10000 : i32
    %eq3A_354 = arith.constant 0 : i32
    %eq3A_355 = arith.cmpi eq, %jit3A_353, %eq3A_354 : i32
    %jit3A_356 = arith.constant 1 : i32
    %select_n3A_357 = arith.select %eq3A_355, %jit3A_356, %jit3A_353 : i32
    %rem3A_358 = arith.remsi %sub3A_352, %select_n3A_357 : i32
    %ne3A_359 = arith.constant 0 : i32
    %ne3A_360 = arith.cmpi ne, %rem3A_358, %ne3A_359 : i32
    %lt3A_361 = arith.constant 0 : i32
    %lt3A_362 = arith.cmpi slt, %rem3A_358, %lt3A_361 : i32
    %lt3A_363 = arith.constant 0 : i32
    %lt3A_364 = arith.cmpi slt, %select_n3A_357, %lt3A_363 : i32
    %ne3A_365 = arith.xori %lt3A_362, %lt3A_364 : i1
    %and3A_366 = arith.andi %ne3A_365, %ne3A_360 : i1
    %add3A_367 = arith.addi %rem3A_358, %select_n3A_357 : i32
    %select_n3A_368 = arith.select %and3A_366, %add3A_367, %rem3A_358 : i32
    %get3A_369 = arith.index_cast %select_n3A_368 : i32 to index
    %get3A_370 = arith.constant 0 : index
    %get3A_371 = vector.load %arg0[%get3A_369, %get3A_370] : memref<10000x128xf32, #tpu.memory_space<vmem>>, vector<1x128xf32>
    %get3A_372 = arith.constant 10 : index
    %get3A_373 = arith.constant 0 : index
    %get3A_374 = vector.load %arg3[%get3A_372, %get3A_373] : memref<16x128xf32, #tpu.memory_space<vmem>>, vector<1x128xf32>
    %add3A_375 = arith.addf %get3A_371, %get3A_374 : vector<1x128xf32>
    %get3A_376 = arith.constant 0 : index
    %get3A_377 = arith.constant 0 : index
    %get3A_378 = vector.load %arg1[%get3A_376, %get3A_377] : memref<128x128xf32, #tpu.memory_space<vmem>>, vector<128x128xf32>
    %dot_general3A_379 = arith.constant dense<0.000000e+00> : vector<1x128xf32>
    %dot_general3A_380 = tpu.matmul %add3A_375, %get3A_378, %dot_general3A_379 {dimension_numbers = #tpu.dot_dimension_numbers<[1], [0], [0], [1], [0, 0, 1, 1], [], []>, transpose_lhs_hint = false} : vector<1x128xf32>, vector<128x128xf32>, vector<1x128xf32> -> vector<1x128xf32>
    %swap3A_381 = arith.index_cast %select_n3A_368 : i32 to index
    %swap3A_382 = arith.constant 0 : index
    %swap3A_383 = vector.load %arg5[%swap3A_381, %swap3A_382] : memref<10112x128xf32, #tpu.memory_space<vmem>>, vector<1x128xf32>
    tpu.vector_store %arg5[%swap3A_381, %swap3A_382], %dot_general3A_380 {strides = array<i32>} : memref<10112x128xf32, #tpu.memory_space<vmem>>, vector<1x128xf32>,
    %get3A_384 = arith.constant 11 : index
    %get3A_385 = memref.load %arg4[%get3A_384] : memref<16xi32, #tpu.memory_space<smem>>
    %sub3A_386 = arith.constant 1 : i32
    %sub3A_387 = arith.subi %get3A_385, %sub3A_386 : i32
    %jit3A_388 = arith.constant 10000 : i32
    %eq3A_389 = arith.constant 0 : i32
    %eq3A_390 = arith.cmpi eq, %jit3A_388, %eq3A_389 : i32
    %jit3A_391 = arith.constant 1 : i32
    %select_n3A_392 = arith.select %eq3A_390, %jit3A_391, %jit3A_388 : i32
    %rem3A_393 = arith.remsi %sub3A_387, %select_n3A_392 : i32
    %ne3A_394 = arith.constant 0 : i32
    %ne3A_395 = arith.cmpi ne, %rem3A_393, %ne3A_394 : i32
    %lt3A_396 = arith.constant 0 : i32
    %lt3A_397 = arith.cmpi slt, %rem3A_393, %lt3A_396 : i32
    %lt3A_398 = arith.constant 0 : i32
    %lt3A_399 = arith.cmpi slt, %select_n3A_392, %lt3A_398 : i32
    %ne3A_400 = arith.xori %lt3A_397, %lt3A_399 : i1
    %and3A_401 = arith.andi %ne3A_400, %ne3A_395 : i1
    %add3A_402 = arith.addi %rem3A_393, %select_n3A_392 : i32
    %select_n3A_403 = arith.select %and3A_401, %add3A_402, %rem3A_393 : i32
    %get3A_404 = arith.index_cast %select_n3A_403 : i32 to index
    %get3A_405 = arith.constant 0 : index
    %get3A_406 = vector.load %arg0[%get3A_404, %get3A_405] : memref<10000x128xf32, #tpu.memory_space<vmem>>, vector<1x128xf32>
    %get3A_407 = arith.constant 11 : index
    %get3A_408 = arith.constant 0 : index
    %get3A_409 = vector.load %arg3[%get3A_407, %get3A_408] : memref<16x128xf32, #tpu.memory_space<vmem>>, vector<1x128xf32>
    %add3A_410 = arith.addf %get3A_406, %get3A_409 : vector<1x128xf32>
    %get3A_411 = arith.constant 0 : index
    %get3A_412 = arith.constant 0 : index
    %get3A_413 = vector.load %arg1[%get3A_411, %get3A_412] : memref<128x128xf32, #tpu.memory_space<vmem>>, vector<128x128xf32>
    %dot_general3A_414 = arith.constant dense<0.000000e+00> : vector<1x128xf32>
    %dot_general3A_415 = tpu.matmul %add3A_410, %get3A_413, %dot_general3A_414 {dimension_numbers = #tpu.dot_dimension_numbers<[1], [0], [0], [1], [0, 0, 1, 1], [], []>, transpose_lhs_hint = false} : vector<1x128xf32>, vector<128x128xf32>, vector<1x128xf32> -> vector<1x128xf32>
    %swap3A_416 = arith.index_cast %select_n3A_403 : i32 to index
    %swap3A_417 = arith.constant 0 : index
    %swap3A_418 = vector.load %arg5[%swap3A_416, %swap3A_417] : memref<10112x128xf32, #tpu.memory_space<vmem>>, vector<1x128xf32>
    tpu.vector_store %arg5[%swap3A_416, %swap3A_417], %dot_general3A_415 {strides = array<i32>} : memref<10112x128xf32, #tpu.memory_space<vmem>>, vector<1x128xf32>,
    %get3A_419 = arith.constant 12 : index
    %get3A_420 = memref.load %arg4[%get3A_419] : memref<16xi32, #tpu.memory_space<smem>>
    %sub3A_421 = arith.constant 1 : i32
    %sub3A_422 = arith.subi %get3A_420, %sub3A_421 : i32
    %jit3A_423 = arith.constant 10000 : i32
    %eq3A_424 = arith.constant 0 : i32
    %eq3A_425 = arith.cmpi eq, %jit3A_423, %eq3A_424 : i32
    %jit3A_426 = arith.constant 1 : i32
    %select_n3A_427 = arith.select %eq3A_425, %jit3A_426, %jit3A_423 : i32
    %rem3A_428 = arith.remsi %sub3A_422, %select_n3A_427 : i32
    %ne3A_429 = arith.constant 0 : i32
    %ne3A_430 = arith.cmpi ne, %rem3A_428, %ne3A_429 : i32
    %lt3A_431 = arith.constant 0 : i32
    %lt3A_432 = arith.cmpi slt, %rem3A_428, %lt3A_431 : i32
    %lt3A_433 = arith.constant 0 : i32
    %lt3A_434 = arith.cmpi slt, %select_n3A_427, %lt3A_433 : i32
    %ne3A_435 = arith.xori %lt3A_432, %lt3A_434 : i1
    %and3A_436 = arith.andi %ne3A_435, %ne3A_430 : i1
    %add3A_437 = arith.addi %rem3A_428, %select_n3A_427 : i32
    %select_n3A_438 = arith.select %and3A_436, %add3A_437, %rem3A_428 : i32
    %get3A_439 = arith.index_cast %select_n3A_438 : i32 to index
    %get3A_440 = arith.constant 0 : index
    %get3A_441 = vector.load %arg0[%get3A_439, %get3A_440] : memref<10000x128xf32, #tpu.memory_space<vmem>>, vector<1x128xf32>
    %get3A_442 = arith.constant 12 : index
    %get3A_443 = arith.constant 0 : index
    %get3A_444 = vector.load %arg3[%get3A_442, %get3A_443] : memref<16x128xf32, #tpu.memory_space<vmem>>, vector<1x128xf32>
    %add3A_445 = arith.addf %get3A_441, %get3A_444 : vector<1x128xf32>
    %get3A_446 = arith.constant 0 : index
    %get3A_447 = arith.constant 0 : index
    %get3A_448 = vector.load %arg1[%get3A_446, %get3A_447] : memref<128x128xf32, #tpu.memory_space<vmem>>, vector<128x128xf32>
    %dot_general3A_449 = arith.constant dense<0.000000e+00> : vector<1x128xf32>
    %dot_general3A_450 = tpu.matmul %add3A_445, %get3A_448, %dot_general3A_449 {dimension_numbers = #tpu.dot_dimension_numbers<[1], [0], [0], [1], [0, 0, 1, 1], [], []>, transpose_lhs_hint = false} : vector<1x128xf32>, vector<128x128xf32>, vector<1x128xf32> -> vector<1x128xf32>
    %swap3A_451 = arith.index_cast %select_n3A_438 : i32 to index
    %swap3A_452 = arith.constant 0 : index
    %swap3A_453 = vector.load %arg5[%swap3A_451, %swap3A_452] : memref<10112x128xf32, #tpu.memory_space<vmem>>, vector<1x128xf32>
    tpu.vector_store %arg5[%swap3A_451, %swap3A_452], %dot_general3A_450 {strides = array<i32>} : memref<10112x128xf32, #tpu.memory_space<vmem>>, vector<1x128xf32>,
    %get3A_454 = arith.constant 13 : index
    %get3A_455 = memref.load %arg4[%get3A_454] : memref<16xi32, #tpu.memory_space<smem>>
    %sub3A_456 = arith.constant 1 : i32
    %sub3A_457 = arith.subi %get3A_455, %sub3A_456 : i32
    %jit3A_458 = arith.constant 10000 : i32
    %eq3A_459 = arith.constant 0 : i32
    %eq3A_460 = arith.cmpi eq, %jit3A_458, %eq3A_459 : i32
    %jit3A_461 = arith.constant 1 : i32
    %select_n3A_462 = arith.select %eq3A_460, %jit3A_461, %jit3A_458 : i32
    %rem3A_463 = arith.remsi %sub3A_457, %select_n3A_462 : i32
    %ne3A_464 = arith.constant 0 : i32
    %ne3A_465 = arith.cmpi ne, %rem3A_463, %ne3A_464 : i32
    %lt3A_466 = arith.constant 0 : i32
    %lt3A_467 = arith.cmpi slt, %rem3A_463, %lt3A_466 : i32
    %lt3A_468 = arith.constant 0 : i32
    %lt3A_469 = arith.cmpi slt, %select_n3A_462, %lt3A_468 : i32
    %ne3A_470 = arith.xori %lt3A_467, %lt3A_469 : i1
    %and3A_471 = arith.andi %ne3A_470, %ne3A_465 : i1
    %add3A_472 = arith.addi %rem3A_463, %select_n3A_462 : i32
    %select_n3A_473 = arith.select %and3A_471, %add3A_472, %rem3A_463 : i32
    %get3A_474 = arith.index_cast %select_n3A_473 : i32 to index
    %get3A_475 = arith.constant 0 : index
    %get3A_476 = vector.load %arg0[%get3A_474, %get3A_475] : memref<10000x128xf32, #tpu.memory_space<vmem>>, vector<1x128xf32>
    %get3A_477 = arith.constant 13 : index
    %get3A_478 = arith.constant 0 : index
    %get3A_479 = vector.load %arg3[%get3A_477, %get3A_478] : memref<16x128xf32, #tpu.memory_space<vmem>>, vector<1x128xf32>
    %add3A_480 = arith.addf %get3A_476, %get3A_479 : vector<1x128xf32>
    %get3A_481 = arith.constant 0 : index
    %get3A_482 = arith.constant 0 : index
    %get3A_483 = vector.load %arg1[%get3A_481, %get3A_482] : memref<128x128xf32, #tpu.memory_space<vmem>>, vector<128x128xf32>
    %dot_general3A_484 = arith.constant dense<0.000000e+00> : vector<1x128xf32>
    %dot_general3A_485 = tpu.matmul %add3A_480, %get3A_483, %dot_general3A_484 {dimension_numbers = #tpu.dot_dimension_numbers<[1], [0], [0], [1], [0, 0, 1, 1], [], []>, transpose_lhs_hint = false} : vector<1x128xf32>, vector<128x128xf32>, vector<1x128xf32> -> vector<1x128xf32>
    %swap3A_486 = arith.index_cast %select_n3A_473 : i32 to index
    %swap3A_487 = arith.constant 0 : index
    %swap3A_488 = vector.load %arg5[%swap3A_486, %swap3A_487] : memref<10112x128xf32, #tpu.memory_space<vmem>>, vector<1x128xf32>
    tpu.vector_store %arg5[%swap3A_486, %swap3A_487], %dot_general3A_485 {strides = array<i32>} : memref<10112x128xf32, #tpu.memory_space<vmem>>, vector<1x128xf32>,
    %get3A_489 = arith.constant 14 : index
    %get3A_490 = memref.load %arg4[%get3A_489] : memref<16xi32, #tpu.memory_space<smem>>
    %sub3A_491 = arith.constant 1 : i32
    %sub3A_492 = arith.subi %get3A_490, %sub3A_491 : i32
    %jit3A_493 = arith.constant 10000 : i32
    %eq3A_494 = arith.constant 0 : i32
    %eq3A_495 = arith.cmpi eq, %jit3A_493, %eq3A_494 : i32
    %jit3A_496 = arith.constant 1 : i32
    %select_n3A_497 = arith.select %eq3A_495, %jit3A_496, %jit3A_493 : i32
    %rem3A_498 = arith.remsi %sub3A_492, %select_n3A_497 : i32
    %ne3A_499 = arith.constant 0 : i32
    %ne3A_500 = arith.cmpi ne, %rem3A_498, %ne3A_499 : i32
    %lt3A_501 = arith.constant 0 : i32
    %lt3A_502 = arith.cmpi slt, %rem3A_498, %lt3A_501 : i32
    %lt3A_503 = arith.constant 0 : i32
    %lt3A_504 = arith.cmpi slt, %select_n3A_497, %lt3A_503 : i32
    %ne3A_505 = arith.xori %lt3A_502, %lt3A_504 : i1
    %and3A_506 = arith.andi %ne3A_505, %ne3A_500 : i1
    %add3A_507 = arith.addi %rem3A_498, %select_n3A_497 : i32
    %select_n3A_508 = arith.select %and3A_506, %add3A_507, %rem3A_498 : i32
    %get3A_509 = arith.index_cast %select_n3A_508 : i32 to index
    %get3A_510 = arith.constant 0 : index
    %get3A_511 = vector.load %arg0[%get3A_509, %get3A_510] : memref<10000x128xf32, #tpu.memory_space<vmem>>, vector<1x128xf32>
    %get3A_512 = arith.constant 14 : index
    %get3A_513 = arith.constant 0 : index
    %get3A_514 = vector.load %arg3[%get3A_512, %get3A_513] : memref<16x128xf32, #tpu.memory_space<vmem>>, vector<1x128xf32>
    %add3A_515 = arith.addf %get3A_511, %get3A_514 : vector<1x128xf32>
    %get3A_516 = arith.constant 0 : index
    %get3A_517 = arith.constant 0 : index
    %get3A_518 = vector.load %arg1[%get3A_516, %get3A_517] : memref<128x128xf32, #tpu.memory_space<vmem>>, vector<128x128xf32>
    %dot_general3A_519 = arith.constant dense<0.000000e+00> : vector<1x128xf32>
    %dot_general3A_520 = tpu.matmul %add3A_515, %get3A_518, %dot_general3A_519 {dimension_numbers = #tpu.dot_dimension_numbers<[1], [0], [0], [1], [0, 0, 1, 1], [], []>, transpose_lhs_hint = false} : vector<1x128xf32>, vector<128x128xf32>, vector<1x128xf32> -> vector<1x128xf32>
    %swap3A_521 = arith.index_cast %select_n3A_508 : i32 to index
    %swap3A_522 = arith.constant 0 : index
    %swap3A_523 = vector.load %arg5[%swap3A_521, %swap3A_522] : memref<10112x128xf32, #tpu.memory_space<vmem>>, vector<1x128xf32>
    tpu.vector_store %arg5[%swap3A_521, %swap3A_522], %dot_general3A_520 {strides = array<i32>} : memref<10112x128xf32, #tpu.memory_space<vmem>>, vector<1x128xf32>,
    %get3A_524 = arith.constant 15 : index
    %get3A_525 = memref.load %arg4[%get3A_524] : memref<16xi32, #tpu.memory_space<smem>>
    %sub3A_526 = arith.constant 1 : i32
    %sub3A_527 = arith.subi %get3A_525, %sub3A_526 : i32
    %jit3A_528 = arith.constant 10000 : i32
    %eq3A_529 = arith.constant 0 : i32
    %eq3A_530 = arith.cmpi eq, %jit3A_528, %eq3A_529 : i32
    %jit3A_531 = arith.constant 1 : i32
    %select_n3A_532 = arith.select %eq3A_530, %jit3A_531, %jit3A_528 : i32
    %rem3A_533 = arith.remsi %sub3A_527, %select_n3A_532 : i32
    %ne3A_534 = arith.constant 0 : i32
    %ne3A_535 = arith.cmpi ne, %rem3A_533, %ne3A_534 : i32
    %lt3A_536 = arith.constant 0 : i32
    %lt3A_537 = arith.cmpi slt, %rem3A_533, %lt3A_536 : i32
    %lt3A_538 = arith.constant 0 : i32
    %lt3A_539 = arith.cmpi slt, %select_n3A_532, %lt3A_538 : i32
    %ne3A_540 = arith.xori %lt3A_537, %lt3A_539 : i1
    %and3A_541 = arith.andi %ne3A_540, %ne3A_535 : i1
    %add3A_542 = arith.addi %rem3A_533, %select_n3A_532 : i32
    %select_n3A_543 = arith.select %and3A_541, %add3A_542, %rem3A_533 : i32
    %get3A_544 = arith.index_cast %select_n3A_543 : i32 to index
    %get3A_545 = arith.constant 0 : index
    %get3A_546 = vector.load %arg0[%get3A_544, %get3A_545] : memref<10000x128xf32, #tpu.memory_space<vmem>>, vector<1x128xf32>
    %get3A_547 = arith.constant 15 : index
    %get3A_548 = arith.constant 0 : index
    %get3A_549 = vector.load %arg3[%get3A_547, %get3A_548] : memref<16x128xf32, #tpu.memory_space<vmem>>, vector<1x128xf32>
    %add3A_550 = arith.addf %get3A_546, %get3A_549 : vector<1x128xf32>
    %get3A_551 = arith.constant 0 : index
    %get3A_552 = arith.constant 0 : index
    %get3A_553 = vector.load %arg1[%get3A_551, %get3A_552] : memref<128x128xf32, #tpu.memory_space<vmem>>, vector<128x128xf32>
    %dot_general3A_554 = arith.constant dense<0.000000e+00> : vector<1x128xf32>
    %dot_general3A_555 = tpu.matmul %add3A_550, %get3A_553, %dot_general3A_554 {dimension_numbers = #tpu.dot_dimension_numbers<[1], [0], [0], [1], [0, 0, 1, 1], [], []>, transpose_lhs_hint = false} : vector<1x128xf32>, vector<128x128xf32>, vector<1x128xf32> -> vector<1x128xf32>
    %swap3A_556 = arith.index_cast %select_n3A_543 : i32 to index
    %swap3A_557 = arith.constant 0 : index
    %swap3A_558 = vector.load %arg5[%swap3A_556, %swap3A_557] : memref<10112x128xf32, #tpu.memory_space<vmem>>, vector<1x128xf32>
    tpu.vector_store %arg5[%swap3A_556, %swap3A_557], %dot_general3A_555 {strides = array<i32>} : memref<10112x128xf32, #tpu.memory_space<vmem>>, vector<1x128xf32>,
    %get3A_559 = arith.constant 0 : index
    %get3A_560 = arith.constant 0 : index
    %get3A_561 = vector.load %arg5[%get3A_559, %get3A_560] : memref<10112x128xf32, #tpu.memory_space<vmem>>, vector<10000x128xf32>
    %get3A_562 = arith.constant 1 : index
    %get3A_563 = arith.constant 0 : index
    %get3A_564 = arith.constant 0 : index
    %get3A_565 = arith.constant 0 : index
    %get3A_566 = vector.load %arg2[%get3A_562, %get3A_563, %get3A_564, %get3A_565] : memref<2x2x10112x1xf32, #tpu.memory_space<vmem>>, vector<1x1x10000x1xf32>
    %get3A_567 = vector.shape_cast %get3A_566 : vector<1x1x10000x1xf32> to vector<10000x1xf32>
    %get3A_568 = arith.constant 1 : index
    %get3A_569 = arith.constant 1 : index
    %get3A_570 = arith.constant 0 : index
    %get3A_571 = arith.constant 0 : index
    %get3A_572 = vector.load %arg2[%get3A_568, %get3A_569, %get3A_570, %get3A_571] : memref<2x2x10112x1xf32, #tpu.memory_space<vmem>>, vector<1x1x10000x1xf32>
    %get3A_573 = vector.shape_cast %get3A_572 : vector<1x1x10000x1xf32> to vector<10000x1xf32>
    %add3A_574 = arith.addf %get3A_567, %get3A_573 : vector<10000x1xf32>
    %add3A_575 = arith.constant 1.000000e+00 : f32
    %add3A_576 = vector.broadcast %add3A_575 : f32 to vector<10000x1xf32>
    %add3A_577 = arith.addf %add3A_574, %add3A_576 : vector<10000x1xf32>
    %max3A = arith.constant 9.99999996E-13 : f32
    %max3A_578 = vector.broadcast %max3A : f32 to vector<10000x1xf32>
    %max3A_579 = arith.maximumf %add3A_577, %max3A_578 : vector<10000x1xf32>
    %rsqrt3A = math.rsqrt %max3A_579 : vector<10000x1xf32>
    %mul3A = vector.broadcast %rsqrt3A : vector<10000x1xf32> to vector<10000x128xf32>
    %mul3A_580 = arith.mulf %get3A_561, %mul3A : vector<10000x128xf32>
    %swap3A_581 = arith.constant 0 : index
    %swap3A_582 = arith.constant 0 : index
    %swap3A_583 = vector.load %arg5[%swap3A_581, %swap3A_582] : memref<10112x128xf32, #tpu.memory_space<vmem>>, vector<10000x128xf32>
    tpu.vector_store %arg5[%swap3A_581, %swap3A_582], %mul3A_580 {strides = array<i32>} : memref<10112x128xf32, #tpu.memory_space<vmem>>, vector<10000x128xf32>,
    %broadcast_in_dim3A = arith.constant 0.000000e+00 : f32
    %broadcast_in_dim3A_584 = vector.broadcast %broadcast_in_dim3A : f32 to vector<112x128xf32>
    %swap3A_585 = arith.constant 10000 : index
    %swap3A_586 = arith.constant 0 : index
    %swap3A_587 = vector.load %arg5[%swap3A_585, %swap3A_586] : memref<10112x128xf32, #tpu.memory_space<vmem>>, vector<112x128xf32>
    tpu.vector_store %arg5[%swap3A_585, %swap3A_586], %broadcast_in_dim3A_584 {strides = array<i32>} : memref<10112x128xf32, #tpu.memory_space<vmem>>, vector<112x128xf32>,
    return
  }
}

module attributes {stable_mosaic.version = 14 : i64} {
  func.func @_fin_glob_body(%arg0: memref<10112x128xf32, #tpu.memory_space<vmem>>, %arg1: memref<2x10112x128xf32, #tpu.memory_space<vmem>>, %arg2: memref<2x2x10112x1xf32, #tpu.memory_space<vmem>>, %arg3: memref<1x128xf32, #tpu.memory_space<vmem>>, %arg4: memref<128x128xf32, #tpu.memory_space<vmem>>, %arg5: memref<1x128xf32, #tpu.memory_space<vmem>>, %arg6: memref<1x128xf32, #tpu.memory_space<vmem>>) attributes {dimension_semantics = [], scalar_prefetch = 0 : i64, scratch_operands = 0 : i64, tpu.core_type = #tpu.core_type<tc>} {
    %get3A = arith.constant 1 : index
    %get3A_0 = arith.constant 0 : index
    %get3A_1 = arith.constant 0 : index
    %get3A_2 = arith.constant 0 : index
    %get3A_3 = vector.load %arg2[%get3A, %get3A_0, %get3A_1, %get3A_2] : memref<2x2x10112x1xf32, #tpu.memory_space<vmem>>, vector<1x1x10000x1xf32>
    %get3A_4 = vector.shape_cast %get3A_3 : vector<1x1x10000x1xf32> to vector<10000x1xf32>
    %get3A_5 = arith.constant 1 : index
    %get3A_6 = arith.constant 1 : index
    %get3A_7 = arith.constant 0 : index
    %get3A_8 = arith.constant 0 : index
    %get3A_9 = vector.load %arg2[%get3A_5, %get3A_6, %get3A_7, %get3A_8] : memref<2x2x10112x1xf32, #tpu.memory_space<vmem>>, vector<1x1x10000x1xf32>
    %get3A_10 = vector.shape_cast %get3A_9 : vector<1x1x10000x1xf32> to vector<10000x1xf32>
    %add3A = arith.addf %get3A_4, %get3A_10 : vector<10000x1xf32>
    %add3A_11 = arith.constant 1.000000e+00 : f32
    %add3A_12 = vector.broadcast %add3A_11 : f32 to vector<10000x1xf32>
    %add3A_13 = arith.addf %add3A, %add3A_12 : vector<10000x1xf32>
    %max3A = arith.constant 9.99999996E-13 : f32
    %max3A_14 = vector.broadcast %max3A : f32 to vector<10000x1xf32>
    %max3A_15 = arith.maximumf %add3A_13, %max3A_14 : vector<10000x1xf32>
    %rsqrt3A = math.rsqrt %max3A_15 : vector<10000x1xf32>
    %get3A_16 = arith.constant 0 : index
    %get3A_17 = arith.constant 0 : index
    %get3A_18 = vector.load %arg0[%get3A_16, %get3A_17] : memref<10112x128xf32, #tpu.memory_space<vmem>>, vector<10000x128xf32>
    %get3A_19 = arith.constant 0 : index
    %get3A_20 = arith.constant 0 : index
    %get3A_21 = arith.constant 0 : index
    %get3A_22 = vector.load %arg1[%get3A_19, %get3A_20, %get3A_21] : memref<2x10112x128xf32, #tpu.memory_space<vmem>>, vector<1x10000x128xf32>
    %get3A_23 = vector.shape_cast %get3A_22 : vector<1x10000x128xf32> to vector<10000x128xf32>
    %add3A_24 = arith.addf %get3A_18, %get3A_23 : vector<10000x128xf32>
    %get3A_25 = arith.constant 1 : index
    %get3A_26 = arith.constant 0 : index
    %get3A_27 = arith.constant 0 : index
    %get3A_28 = vector.load %arg1[%get3A_25, %get3A_26, %get3A_27] : memref<2x10112x128xf32, #tpu.memory_space<vmem>>, vector<1x10000x128xf32>
    %get3A_29 = vector.shape_cast %get3A_28 : vector<1x10000x128xf32> to vector<10000x128xf32>
    %add3A_30 = arith.addf %add3A_24, %get3A_29 : vector<10000x128xf32>
    %mul3A = vector.broadcast %rsqrt3A : vector<10000x1xf32> to vector<10000x128xf32>
    %mul3A_31 = arith.mulf %add3A_30, %mul3A : vector<10000x128xf32>
    %get3A_32 = arith.constant 0 : index
    %get3A_33 = arith.constant 0 : index
    %get3A_34 = vector.load %arg3[%get3A_32, %get3A_33] : memref<1x128xf32, #tpu.memory_space<vmem>>, vector<1x128xf32>
    %add3A_35 = vector.broadcast %get3A_34 : vector<1x128xf32> to vector<10000x128xf32>
    %add3A_36 = arith.addf %mul3A_31, %add3A_35 : vector<10000x128xf32>
    %max3A_37 = arith.constant 0.000000e+00 : f32
    %max3A_38 = vector.broadcast %max3A_37 : f32 to vector<10000x128xf32>
    %max3A_39 = arith.maximumf %add3A_36, %max3A_38 : vector<10000x128xf32>
    %reduce_sum3A = arith.constant dense<0.000000e+00> : vector<128xf32>
    %reduce_sum3A_40 = vector.multi_reduction <add>, %max3A_39, %reduce_sum3A [0] : vector<10000x128xf32> to vector<128xf32>
    %broadcast_in_dim3A = vector.shape_cast %reduce_sum3A_40 : vector<128xf32> to vector<1x128xf32>
    %div3A = arith.constant 1.000000e+04 : f32
    %div3A_41 = vector.broadcast %div3A : f32 to vector<1x128xf32>
    %div3A_42 = arith.divf %broadcast_in_dim3A, %div3A_41 : vector<1x128xf32>
    %get3A_43 = arith.constant 0 : index
    %get3A_44 = arith.constant 0 : index
    %get3A_45 = vector.load %arg4[%get3A_43, %get3A_44] : memref<128x128xf32, #tpu.memory_space<vmem>>, vector<128x128xf32>
    %dot_general3A = arith.constant dense<0.000000e+00> : vector<1x128xf32>
    %dot_general3A_46 = tpu.matmul %div3A_42, %get3A_45, %dot_general3A {dimension_numbers = #tpu.dot_dimension_numbers<[1], [0], [0], [1], [0, 0, 1, 1], [], []>, transpose_lhs_hint = false} : vector<1x128xf32>, vector<128x128xf32>, vector<1x128xf32> -> vector<1x128xf32>
    %get3A_47 = arith.constant 0 : index
    %get3A_48 = arith.constant 0 : index
    %get3A_49 = vector.load %arg5[%get3A_47, %get3A_48] : memref<1x128xf32, #tpu.memory_space<vmem>>, vector<1x128xf32>
    %add3A_50 = arith.addf %dot_general3A_46, %get3A_49 : vector<1x128xf32>
    %swap3A = arith.constant 0 : index
    %swap3A_51 = arith.constant 0 : index
    %swap3A_52 = vector.load %arg6[%swap3A, %swap3A_51] : memref<1x128xf32, #tpu.memory_space<vmem>>, vector<1x128xf32>
    tpu.vector_store %arg6[%swap3A, %swap3A_51], %add3A_50 {strides = array<i32>} : memref<1x128xf32, #tpu.memory_space<vmem>>, vector<1x128xf32>,
    return
  }
}

</mosaic_0001>

<sc_bundles>
// kernel: kernel.12.cloned.1.call-start
scs
__scs_entry_jumppad:
0x0: {  	(pc) =	sbr.rel $0x88, $3  }
0x1: {  	(tag) =	ssettag $0x0;
	lr =	simm.s32 $0x1  }
0x2: {  	[smem:$0x3F95] =	sst lr;
	_ =	strace $0xD0000000  }
0x3: {  	_ = 	snop  }
0x4: {  	_ = 	snop  }
0x5: {  	_ = 	snop  }
0x6: {  	_ = 	snop  }
0x7: {  	_ = 	snop  }
__scs_overlays_trampoline_lowered:
0x8: {  	[smem:$0x3FA4] =	sst s0  }
0x9: {  	[smem:$0x3FA5] =	sst s1  }
0xa: {  	[smem:$0x3FA6] =	sst s2  }
0xb: {  	[smem:$0x3FA7] =	sst s3  }
0xc: {  	[smem:$0x3FA8] =	sst s4  }
0xd: {  	[smem:$0x3FA9] =	sst s5  }
0xe: {  	[smem:$0x3FAA] =	sst s6  }
0xf: {  	[smem:$0x3FAB] =	sst s7  }
0x10: {  	[smem:$0x3FAC] =	sst s8  }
0x11: {  	[smem:$0x3FAD] =	sst s9;
	s0 =	simm.s32 @!p0 $0x0  }
0x12: {  	s1 =	sld [smem:$0x3F93];
	s0 =	simm.s32 @p0 $0x1  }
0x13: {  	[smem:$0x3FAE] =	sst s0;
	s0 =	simm.s32 @!p1 $0x0  }
0x14: {  	s2 =	sld [smem:$0x3F92];
	s0 =	simm.s32 @p1 $0x1  }
0x15: {  	[smem:$0x3FAF] =	sst s0;
	s0 =	simm.s32 @!p2 $0x0  }
0x16: {  	s3 =	sld [smem:$0x3FDB];
	s0 =	simm.s32 @p2 $0x1  }
0x17: {  	s4 =	simm.s32 $0x1BF5;
	[smem:$0x3FB1] =	sst s0  }
0x18: {  	s0 =	sld [smem:$0x3F94];
	_ =	swait.ge [sflag:s4], $0x0  }
0x19: {  	s7 =	sld [smem:$0x3F95]  }
0x1a: {  	s8 =	sadd.s32 $0xFFFFE003, lr  }
0x1b: {  	s9 =	sadd.s32 $0xFFFFFEF7, lr;
	s5 =	simm.s32 $0xFFFFFFFF;
	p2 =	slt.u32 s8, $0xFFFFF086  }
0x1c: {  	p1 =	slt.u32 s9, $0xF7A;
	s5 =	simm.s32 @!p2 $0x0  }
0x1d: {  	s5 =	simm.s32 @p1 $0x1;
	p0 =	seq.s32 s7, s2  }
0x1e: {  	s7 =	smul.u32 @!p0 $0xF7A, s2;
	p2 =	seq.s32 @!p0 s5, $0x0  }
0x1f: {  	s9 =	smul.u32 $0xF7A, s1;
	s8 =	simm.s32 @!p0 $0x1BF5;
	p2 =	por !p2, p0  }
0x20: {  	[sflag:s8] =	ssyncset.s32 @!p0 $0xFFFFF086;
	s6 =	sadd.s32 @!p0 s3, s7;
	s7 =	simm.s32 @!p0 $0x108  }
0x21: {  	s3 =	sadd.s32 s3, s9;
	s6 =	sadd.s32 @!p0 $0x88, s6;
	s7 =	simm.s32 @p2 $0x1082  }
0x22: {  	[simem:s7], [sflag:s8] =	dma.local @!p0 [hbm:s6], $0xF7A  }
0x23: {  	s9 =	sor.u32 $0xD0000000, s2;
	s6 =	simm.s32 $0x108;
	_ =	swait.ge @!p0 [sflag:s8], $0x0  }
0x24: {  	s3 =	sadd.s32 $0x88, s3;
	s6 =	simm.s32 @!p1 $0x1082;
	[sflag:s4] =	ssyncset.s32 $0xFFFFF086  }
0x25: {  	[simem:s6], [sflag:s4] =	dma.local [hbm:s3], $0xF7A  }
0x26: {  	[smem:$0x3F95] =	sst s1;
	(tag) =	ssettag s2;
	_ =	strace s9  }
0x27: {  	s1 =	sld [smem:$0x3FA5]  }
0x28: {  	s2 =	sld [smem:$0x3FA6]  }
0x29: {  	s4 =	sld [smem:$0x3FA8]  }
0x2a: {  	p0 =	seq.s32 s5, $0x0;
	s5 =	sld [smem:$0x3FA9]  }
0x2b: {  	s6 =	sld [smem:$0x3FAA]  }
0x2c: {  	s7 =	sld [smem:$0x3FAB]  }
0x2d: {  	s3 =	simm.s32 $0x108;
	s8 =	sld [smem:$0x3FAC]  }
0x2e: {  	s3 =	simm.s32 @!p0 $0x1082;
	s9 =	sld [smem:$0x3FAD]  }
0x2f: {  	lr =	sadd.s32 s0, s3;
	s0 =	sld [smem:$0x3FA4]  }
0x30: {  	s3 =	sld [smem:$0x3FA7]  }
0x31: {  	[smem:$0x3FB0] =	sst s10  }
0x32: {  	s10 =	sld [smem:$0x3FAE];
	_ =	sdelay $0x3  }
0x33: {  	p0 =	seq.s32 s10, $0x1;
	s10 =	sld [smem:$0x3FB0];
	_ =	sdelay $0x3  }
0x34: {  	[smem:$0x3FB0] =	sst s10  }
0x35: {  	s10 =	sld [smem:$0x3FAF];
	_ =	sdelay $0x3  }
0x36: {  	p1 =	seq.s32 s10, $0x1;
	s10 =	sld [smem:$0x3FB0];
	_ =	sdelay $0x3  }
0x37: {  	[smem:$0x3FB0] =	sst s10  }
0x38: {  	s10 =	sld [smem:$0x3FB1]  }
0x39: {  	_ = 	snop;
	(pc) =	sbr.ind lr, $3  }
0x3a: {  	_ = 	snop  }
0x3b: {  	_ = 	snop  }
0x3c: {  	p2 =	seq.s32 s10, $0x1;
	s10 =	sld [smem:$0x3FB0]  }
0x3d: {  	_ =	shalt  }
0x3e: {  	_ =	shalt  }
0x3f: {  	_ =	shalt  }
0x40: {  	_ =	shalt  }
0x41: {  	_ =	shalt  }
0x42: {  	_ =	shalt  }
0x43: {  	_ =	shalt  }
0x44: {  	_ =	shalt  }
0x45: {  	_ =	shalt  }
0x46: {  	_ =	shalt  }
0x47: {  	_ =	shalt  }
0x48: {  	_ =	shalt  }
0x49: {  	_ =	shalt  }
0x4a: {  	_ =	shalt  }
0x4b: {  	_ =	shalt  }
0x4c: {  	_ =	shalt  }
0x4d: {  	_ =	shalt  }
0x4e: {  	_ =	shalt  }
0x4f: {  	_ =	shalt  }
0x50: {  	_ =	shalt  }
0x51: {  	_ =	shalt  }
0x52: {  	_ =	shalt  }
0x53: {  	_ =	shalt  }
0x54: {  	_ =	shalt  }
0x55: {  	_ =	shalt  }
0x56: {  	_ =	shalt  }
0x57: {  	_ =	shalt  }
0x58: {  	_ =	shalt  }
0x59: {  	_ =	shalt  }
0x5a: {  	_ =	shalt  }
0x5b: {  	_ =	shalt  }
0x5c: {  	_ =	shalt  }
0x5d: {  	_ =	shalt  }
0x5e: {  	_ =	shalt  }
0x5f: {  	_ =	shalt  }
0x60: {  	_ =	shalt  }
0x61: {  	_ =	shalt  }
0x62: {  	_ =	shalt  }
0x63: {  	_ =	shalt  }
0x64: {  	_ =	shalt  }
0x65: {  	_ =	shalt  }
0x66: {  	_ =	shalt  }
0x67: {  	_ =	shalt  }
0x68: {  	_ =	shalt  }
0x69: {  	_ =	shalt  }
0x6a: {  	_ =	shalt  }
0x6b: {  	_ =	shalt  }
0x6c: {  	_ =	shalt  }
0x6d: {  	_ =	shalt  }
0x6e: {  	_ =	shalt  }
0x6f: {  	_ =	shalt  }
0x70: {  	_ =	shalt  }
0x71: {  	_ =	shalt  }
0x72: {  	_ =	shalt  }
0x73: {  	_ =	shalt  }
0x74: {  	_ =	shalt  }
0x75: {  	_ =	shalt  }
0x76: {  	_ =	shalt  }
0x77: {  	_ =	shalt  }
0x78: {  	_ =	shalt  }
0x79: {  	_ =	shalt  }
0x7a: {  	_ =	shalt  }
0x7b: {  	_ =	shalt  }
0x7c: {  	_ =	shalt  }
0x7d: {  	_ =	shalt  }
0x7e: {  	_ =	shalt  }
0x7f: {  	_ =	shalt  }
0x80: {  	_ =	shalt  }
0x81: {  	_ =	shalt  }
0x82: {  	_ =	shalt  }
0x83: {  	_ =	shalt  }
0x84: {  	_ =	shalt  }
0x85: {  	_ =	shalt  }
0x86: {  	_ =	shalt  }
0x87: {  	_ =	shalt  }
.Lfunc_end0:
.L_simem_size_0:
called_computation.1_lowered:
.L_overlay_start_0:
0x88: {  	s2 =	sld [smem:$0x3FD9]  }
0x89: {  	s3 =	sld [smem:$0x3FFE];
	_ =	sdelay $0x1  }
0x8a: {  	s1 =	srdreg.scid  }
0x8b: {  	s0 =	sand.u32 $0x1, s1  }
0x8c: {  	s16 =	sshll.u32 s0, $0xA;
	s2 =	sadd.s32 s3, s2  }
0x8d: {  	s2 =	sadd.s32 s2, s16  }
0x8e: {  	[smem:$0x3FBC] =	sst s2  }
0x8f: {  	_ = 	snop  }
0x90: {  	(tm) =	ssettm $0x1  }
0x91: {  	s17 =	sld [smem:$0x3FFB];
	_ =	sdelay $0x3  }
0x92: {  	_ =	strace s17  }
0x93: {  	s2 =	sld [smem:$0x3FFC];
	_ =	sdelay $0x3  }
0x94: {  	_ =	strace s2  }
0x95: {  	s2 =	sld [smem:$0x3FFD];
	_ =	sdelay $0x3  }
0x96: {  	_ =	strace s2  }
0x97: {  	_ =	strace $0x8FFFFFFF  }
0x98: {  	s18 =	sld [smem:$0x3FDB];
	_ =	sdelay $0x1  }
0x99: {  	s19 =	simm.s32 $_scs_section_size  }
0x9a: {  	s4 =	simm.s32 $_size__tile_overlayer_lowered;
	s5 =	simm.s32 $_tile_overlayer_lowered  }
0x9b: {  	s22 =	simm.s32 $0x1BFF;
	s21 =	sshll.u32 s5, $0x1;
	s2 =	sadd.s32 s19, s18  }
0x9c: {  	s6 =	simm.s32 $0x0;
	s20 =	sshll.u32 s4, $0x1;
	s4 =	sadd.s32 s21, s2  }
0x9d: {  	[timem:s6], [sflag:s22] =	dma.local [hbm:s4], s20  }
0x9e: {  	_ =	swait.ge [sflag:s22], s20  }
0x9f: {  	s3 =	ssub.s32 $0x0, s20;
	[sflag:s22] =	ssyncset.done $0x0  }
0xa0: {  	[sflag:s22] =	ssyncadd.s32 s3;
	_ =	sdelay $0x1  }
0xa1: {  	s23 =	simm.s32 $0x1B8B  }
0xa2: {  	_ =	swait.ge [sflag:s23], $0x1  }
0xa3: {  	[sflag:s23] =	ssyncset.done $0x0  }
0xa4: {  	s25 =	simm.s32 $0x1B8E;
	s24 =	sld [smem:$0x3FFE];
	[sflag:s23] =	ssyncadd.s32 $0xFFFFFFFF  }
0xa5: {  	s26 =	simm.s32 $execute0_lowered;
	[smem:$0x3FD2] =	sst s25  }
0xa6: {  	s4 =	sshll.u32 s26, $0x1;
	_ =	strace $0x80000049;
	[dreg:$0x1] =	wrdreg $0xFFFFFFFF  }
0xa7: {  	s28 =	simm.s32 $_size_execute0_lowered;
	s2 =	sadd.s32 s2, s4;
	[dreg:$0x0] =	wrdreg $0x0  }
0xa8: {  	s4 =	sshll.u32 s28, $0x1;
	[dreg:$0x2] =	wrdreg s2  }
0xa9: {  	[dreg:$0x3] =	wrdreg s4  }
0xaa: {  	[dreg:$0x4] =	wrdreg $0xC0  }
0xab: {  	_ =	task [dreg:s6], $0x5FFFF  }
0xac: {  	[dreg:$0x1] =	wrdreg $0xFFFFFFFF  }
0xad: {  	[dreg:$0x0] =	wrdreg $0x60  }
0xae: {  	[dreg:$0x2] =	wrdreg s24  }
0xaf: {  	[dreg:$0x3] =	wrdreg $0x98000  }
0xb0: {  	[dreg:$0x4] =	wrdreg $0x9  }
0xb1: {  	_ =	task.clear_ibuf [dreg:s6], $0x5FFFF;
	_ =	strace $0x90000049  }
0xb2: {  	s29 =	simm.s32 $0x9;
	_ =	strace $0x8000004B  }
0xb3: {  	_ =	swait.ge [sflag:s29], $0x1  }
0xb4: {  	[sflag:s29] =	ssyncadd.s32 $0xFFFFFFFF  }
0xb5: {  	_ =	strace $0x9000004B  }
0xb6: {  	_ =	sfence  }
0xb7: {  	s30 =	sld [smem:$0x0];
	_ =	sdelay $0x2  }
0xb8: {  	s31 =	sshll.u32 s1, $0xD;
	s1 =	sshrl.u32 s1, $0x2  }
0xb9: {  	s3 =	sand.u32 $0x4000, s31;
	s1 =	sadd.s32 s1, s30  }
0xba: {  	s0 =	sor.u32 s3, s0;
	s1 =	sshll.u32 s1, $0x11  }
0xbb: {  	s0 =	sor.u32 s1, s0  }
0xbc: {  	s0 =	sadd.s32 $0x8F2B, s0  }
0xbd: {  	[sflag:s0] =	ssyncadd.remote.s32 $0x1  }
0xbe: {  	_ =	sfence.sel $0xFFFF  }
0xbf: {  	[dreg:$0x0] =	wrdreg $0xFFFFFFFF;
	(pc) =	sbr.abs _section_cstart, $3  }
0xc0: {  	[dreg:$0x1] =	wrdreg $0xFFFFFFFF  }
0xc1: {  	_ =	task.clear_ibuf [dreg:s6], $0x2FFFF;
	_ =	strace $0x9FFFFFFF  }
0xc2: {  	(tm) =	ssettm $0x7FFFFFFF  }
0xc3: {  	_ =	shalt  }
tec
execute0_lowered:
.L_overlay_start_1:
0x0: {  	(tag) =	ssettag $0x1  }
0x1: {  	s0 =	srdreg.scid  }
0x2: {  	s1 =	rddreg [dreg:$0x0];
	s18 =	stileid.u32  }
0x3: {  	s2 =	rddreg [dreg:$0x1];
	s3 =	simm.s32 $0x0;
	s5 =	smul.u32 $0x1400, s18  }
0x4: {  	s28 =	simm.s32 $0x2;
	s29 =	simm.s32 $0x1500;
	s10 =	smul.u32 $0x278, s18  }
0x5: {  	s30 =	simm.s32 $0x4;
	s31 =	simm.s32 $0x1580;
	s9 =	smul.u32 $0x4F000, s18  }
0x6: {  	s0 =	sand.u32 $0x1, s0;
	[smem:$0x7FF] =	sst s3;
	s25 =	smul.u32 $0x13C00, s18  }
0x7: {  	s11 =	sadd.s32 $0x21800, s1;
	s12 =	sadd.s32 $0xE8400, s1;
	s4 =	smul.u32 $0x14000, s0  }
0x8: {  	s6 =	sshll.u32 s0, $0x4;
	_ =	strace $0x8000004A;
	s7 =	ssub.s32 $0x2, s0  }
0x9: {  	[dreg:$0x3] =	wrdreg s11;
	p0 =	seq.s32 s0, $0x1;
	s20 =	sor.u32 s18, s6  }
0xa: {  	s8 =	sshrl.u32 s7, $0x1;
	s22 =	sshrl.u32 s9, $0x2;
	s14 =	sadd.s32 $0x80, s10  }
0xb: {  	s15 =	sadd.s32 $0x100, s10;
	s16 =	sadd.s32 $0x180, s10;
	s17 =	sadd.s32 $0x200, s10  }
0xc: {  	s18 =	smul.u32 $0x2780, s18;
	s11 =	sshrl.u32 s25, $0x3;
	s4 =	sadd.s32 s5, s4  }
0xd: {  	s5 =	smul.u32 $0x1400, s20;
	s13 =	ssub.s32 s7, s8;
	s7 =	sadd.s32 s22, s2  }
0xe: {  	s23 =	sshll.u32 s14, $0x7;
	s24 =	sshll.u32 s15, $0x7;
	s26 =	sshll.u32 s16, $0x7  }
0xf: {  	s19 =	sshll.u32 s17, $0x7;
	s0 =	sadd.s32 $0x27800, s11;
	s20 =	sshll.u32 s14, $0x4  }
0x10: {  	s22 =	sshll.u32 s15, $0x4;
	s21 =	sshrl.u32 s4, $0x3;
	s4 =	sadd.s32 $0xC0C00, s1  }
0x11: {  	s8 =	sadd.s32 s23, s2;
	s9 =	sadd.s32 s24, s2;
	s10 =	sadd.s32 s26, s2  }
0x12: {  	s11 =	sadd.s32 s19, s2;
	s18 =	smov.u32 @p0 s0;
	s23 =	sshll.u32 s16, $0x4  }
0x13: {  	s24 =	sshll.u32 s17, $0x4;
	s13 =	smax.u32 s13, $0x1;
	s19 =	simm.s32 $0x5  }
0x14: {  	s6 =	sadd.s32 s21, s1;
	s5 =	sshrl.u32 s5, $0x3;
	s21 =	sadd.s32 s12, s18  }
0x15: {  	[dreg:$0x6] =	wrdreg s13;
	s5 =	sadd.s32 s5, s1;
	s1 =	sadd.s32 $0x10FC00, s1  }
0x16: {  	[dreg:$0x5] =	wrdreg s21;
	s14 =	sadd.s32 $0x17800, s6;
	s21 =	simm.s32 $0x1400  }
0x17: {  	s6 =	simm.s32 $0x1780;
	s5 =	sadd.s32 $0x1C800, s5;
	s12 =	smov.u32 @p0 s1  }
0x18: {  	s1 =	simm.s32 $0x1600;
	[dreg:$0x4] =	wrdreg s5;
	s0 =	sadd.s32 s20, s12  }
0x19: {  	s25 =	sadd.s32 s22, s12;
	s26 =	sadd.s32 s23, s12;
	s17 =	sadd.s32 s24, s12  }
0x1a: {  	s20 =	simm.s32 $0x1800;
	s22 =	simm.s32 $0x80;
	[dreg:$0x7] =	wrdreg s0  }
0x1b: {  	s23 =	simm.s32 $0x1;
	s24 =	simm.s32 $0x1480;
	[dreg:$0x8] =	wrdreg s25  }
0x1c: {  	s5 =	simm.s32 $0x1700;
	s12 =	simm.s32 $0x0;
	[dreg:$0x9] =	wrdreg s26  }
0x1d: {  	s25 =	simm.s32 $0x5800;
	s26 =	simm.s32 $0x3;
	s0 =	simm.s32 $0x1680  }
.LBB2_1:
0x1e: {  	s13 =	rddreg [dreg:$0x4]  }
0x1f: {  	[tilespmem:s3], [sflag:$0x5] =	stream.linear.gather [hbm4b:s13+s3], $0x1400, $0x38;
	[tilespmem:$0x1D400] =	vst v63  }
0x20: {  	_ =	swait.ge [sflag:s19], $0x1400  }
0x21: {  	[sflag:s19] =	ssyncset.done $0x0  }
0x22: {  	s16 =	rddreg [dreg:$0x3];
	[sflag:s19] =	ssyncadd.s32 $0xFFFFEC00  }
0x23: {  	[tilespmem:s20], [sflag:$0x5] =	stream.linear.gather [hbm4b:s16+s3], $0x4000, $0x38;
	[tilespmem:$0x1D400] =	vst v63  }
0x24: {  	_ =	swait.ge [sflag:s19], $0x4000  }
0x25: {  	[sflag:s19] =	ssyncset.done $0x0  }
0x26: {  	[sflag:s19] =	ssyncadd.s32 $0xFFFFC000  }
0x27: {  	[spmem:s7] =	stream.linear.scatter [tilespmem:s20], [sflag:$0x5], $0x4000, $0x38;
	[tilespmem:$0x1D400] =	vst v63  }
0x28: {  	_ =	swait.ge [sflag:s19], $0x4000  }
0x29: {  	[sflag:s19] =	ssyncset.done $0x0  }
0x2a: {  	[sflag:s19] =	ssyncadd.s32 $0xFFFFC000  }
0x2b: {  	[spmem:s8] =	stream.linear.scatter [tilespmem:s20], [sflag:$0x5], $0x4000, $0x38;
	[tilespmem:$0x1D400] =	vst v63  }
0x2c: {  	_ =	swait.ge [sflag:s19], $0x4000  }
0x2d: {  	[sflag:s19] =	ssyncset.done $0x0  }
0x2e: {  	[sflag:s19] =	ssyncadd.s32 $0xFFFFC000  }
0x2f: {  	[spmem:s9] =	stream.linear.scatter [tilespmem:s20], [sflag:$0x5], $0x4000, $0x38;
	[tilespmem:$0x1D400] =	vst v63  }
0x30: {  	_ =	swait.ge [sflag:s19], $0x4000  }
0x31: {  	[sflag:s19] =	ssyncset.done $0x0  }
0x32: {  	[sflag:s19] =	ssyncadd.s32 $0xFFFFC000  }
0x33: {  	[spmem:s10] =	stream.linear.scatter [tilespmem:s20], [sflag:$0x5], $0x4000, $0x38;
	[tilespmem:$0x1D400] =	vst v63  }
0x34: {  	_ =	swait.ge [sflag:s19], $0x4000  }
0x35: {  	[sflag:s19] =	ssyncset.done $0x0  }
0x36: {  	[sflag:s19] =	ssyncadd.s32 $0xFFFFC000  }
0x37: {  	[spmem:s11] =	stream.linear.scatter [tilespmem:s20], [sflag:$0x5], $0x3C00, $0x38;
	[tilespmem:$0x1D400] =	vst v63  }
0x38: {  	_ =	swait.ge [sflag:s19], $0x3C00  }
0x39: {  	[sflag:s19] =	ssyncset.done $0x0  }
0x3a: {  	[sflag:s19] =	ssyncadd.s32 $0xFFFFC400  }
0x3b: {  	[bflag:$0x0] =	sbarrier.arrive $0xFFFF  }
0x3c: {  	[tilespmem:s21], [sflag:$0x5] =	stream.linear.gather [hbm4b:s14+s3], $0x400, $0x38;
	[tilespmem:$0x1D400] =	vst v63  }
0x3d: {  	_ =	swait.ge [sflag:s19], $0x400  }
0x3e: {  	p0 =	por $0x1, $0x1;
	[sflag:s19] =	ssyncset.done $0x0  }
0x3f: {  	s13 =	simm.s32 @!p0 $0x4;
	[sflag:s19] =	ssyncadd.s32 $0xFFFFFC00  }
0x40: {  	[tilespmem:s20], [sflag:$0x1] =	stream.indirect.gather [hbm4b:s4+s22], $0x80, s21, s22, $0xb8;
	[tilespmem:$0x1D400] =	vst v63  }
0x41: {  	_ =	swait.ge @!p0 [sflag:s13], $0x4000  }
0x42: {  	[sflag:s13] =	ssyncset.done @!p0 $0x0  }
0x43: {  	[sflag:s13] =	ssyncadd.s32 @!p0 $0xFFFFC000  }
0x44: {  	_ =	swait.ge [sflag:s23], $0x4000  }
0x45: {  	[sflag:s23] =	ssyncset.done $0x0  }
0x46: {  	s18 =	simm.s32 $0x0;
	[sflag:s23] =	ssyncadd.s32 $0xFFFFC000  }
0x47: {  	[spmem:s2] =	stream.indirect.scatter.add.f32 [tilespmem:s20], [sflag:$0x3], $0x80, s18, s22, $0xb8;
	[tilespmem:$0x1D400] =	vst v63  }
0x48: {  	_ = 	snop  }
0x49: {  	[tilespmem:s25], [sflag:$0x2] =	stream.indirect.gather [hbm4b:s4+s22], $0x80, s24, s22, $0xb8;
	[tilespmem:$0x1D400] =	vst v63  }
0x4a: {  	_ =	swait.ge [sflag:s26], $0x4000  }
0x4b: {  	[sflag:s26] =	ssyncset.done $0x0  }
0x4c: {  	[sflag:s26] =	ssyncadd.s32 $0xFFFFC000  }
0x4d: {  	_ =	swait.ge [sflag:s28], $0x4000  }
0x4e: {  	[sflag:s28] =	ssyncset.done $0x0  }
0x4f: {  	s15 =	simm.s32 $0x80;
	[sflag:s28] =	ssyncadd.s32 $0xFFFFC000  }
0x50: {  	[spmem:s2] =	stream.indirect.scatter.add.f32 [tilespmem:s25], [sflag:$0x4], $0x80, s15, s22, $0xb8;
	[tilespmem:$0x1D400] =	vst v63  }
0x51: {  	_ = 	snop  }
0x52: {  	[tilespmem:s20], [sflag:$0x1] =	stream.indirect.gather [hbm4b:s4+s22], $0x80, s29, s22, $0xb8;
	[tilespmem:$0x1D400] =	vst v63  }
0x53: {  	_ =	swait.ge [sflag:s30], $0x4000  }
0x54: {  	[sflag:s30] =	ssyncset.done $0x0  }
0x55: {  	[sflag:s30] =	ssyncadd.s32 $0xFFFFC000  }
0x56: {  	_ =	swait.ge [sflag:s23], $0x4000  }
0x57: {  	[sflag:s23] =	ssyncset.done $0x0  }
0x58: {  	s16 =	simm.s32 $0x100;
	[sflag:s23] =	ssyncadd.s32 $0xFFFFC000  }
0x59: {  	[spmem:s2] =	stream.indirect.scatter.add.f32 [tilespmem:s20], [sflag:$0x3], $0x80, s16, s22, $0xb8;
	[tilespmem:$0x1D400] =	vst v63  }
0x5a: {  	_ = 	snop  }
0x5b: {  	[tilespmem:s25], [sflag:$0x2] =	stream.indirect.gather [hbm4b:s4+s22], $0x80, s31, s22, $0xb8;
	[tilespmem:$0x1D400] =	vst v63  }
0x5c: {  	_ =	swait.ge [sflag:s26], $0x4000  }
0x5d: {  	[sflag:s26] =	ssyncset.done $0x0  }
0x5e: {  	[sflag:s26] =	ssyncadd.s32 $0xFFFFC000  }
0x5f: {  	_ =	swait.ge [sflag:s28], $0x4000  }
0x60: {  	[sflag:s28] =	ssyncset.done $0x0  }
0x61: {  	s18 =	simm.s32 $0x180;
	[sflag:s28] =	ssyncadd.s32 $0xFFFFC000  }
0x62: {  	[spmem:s2] =	stream.indirect.scatter.add.f32 [tilespmem:s25], [sflag:$0x4], $0x80, s18, s22, $0xb8;
	[tilespmem:$0x1D400] =	vst v63  }
0x63: {  	_ = 	snop  }
0x64: {  	[tilespmem:s20], [sflag:$0x1] =	stream.indirect.gather [hbm4b:s4+s22], $0x80, s1, s22, $0xb8;
	[tilespmem:$0x1D400] =	vst v63  }
0x65: {  	_ =	swait.ge [sflag:s30], $0x4000  }
0x66: {  	[sflag:s30] =	ssyncset.done $0x0  }
0x67: {  	[sflag:s30] =	ssyncadd.s32 $0xFFFFC000  }
0x68: {  	_ =	swait.ge [sflag:s23], $0x4000  }
0x69: {  	[sflag:s23] =	ssyncset.done $0x0  }
0x6a: {  	s15 =	simm.s32 $0x200;
	[sflag:s23] =	ssyncadd.s32 $0xFFFFC000  }
0x6b: {  	[spmem:s2] =	stream.indirect.scatter.add.f32 [tilespmem:s20], [sflag:$0x3], $0x80, s15, s22, $0xb8;
	[tilespmem:$0x1D400] =	vst v63  }
0x6c: {  	_ = 	snop  }
0x6d: {  	[tilespmem:s25], [sflag:$0x2] =	stream.indirect.gather [hbm4b:s4+s22], $0x80, s0, s22, $0xb8;
	[tilespmem:$0x1D400] =	vst v63  }
0x6e: {  	_ =	swait.ge [sflag:s26], $0x4000  }
0x6f: {  	[sflag:s26] =	ssyncset.done $0x0  }
0x70: {  	[sflag:s26] =	ssyncadd.s32 $0xFFFFC000  }
0x71: {  	_ =	swait.ge [sflag:s28], $0x4000  }
0x72: {  	[sflag:s28] =	ssyncset.done $0x0  }
0x73: {  	s16 =	simm.s32 $0x280;
	[sflag:s28] =	ssyncadd.s32 $0xFFFFC000  }
0x74: {  	[spmem:s2] =	stream.indirect.scatter.add.f32 [tilespmem:s25], [sflag:$0x4], $0x80, s16, s22, $0xb8;
	[tilespmem:$0x1D400] =	vst v63  }
0x75: {  	_ = 	snop  }
0x76: {  	[tilespmem:s20], [sflag:$0x1] =	stream.indirect.gather [hbm4b:s4+s22], $0x80, s5, s22, $0xb8;
	[tilespmem:$0x1D400] =	vst v63  }
0x77: {  	_ =	swait.ge [sflag:s30], $0x4000  }
0x78: {  	[sflag:s30] =	ssyncset.done $0x0  }
0x79: {  	[sflag:s30] =	ssyncadd.s32 $0xFFFFC000  }
0x7a: {  	_ =	swait.ge [sflag:s23], $0x4000  }
0x7b: {  	[sflag:s23] =	ssyncset.done $0x0  }
0x7c: {  	s18 =	simm.s32 $0x300;
	[sflag:s23] =	ssyncadd.s32 $0xFFFFC000  }
0x7d: {  	[spmem:s2] =	stream.indirect.scatter.add.f32 [tilespmem:s20], [sflag:$0x3], $0x80, s18, s22, $0xb8;
	[tilespmem:$0x1D400] =	vst v63  }
0x7e: {  	_ = 	snop  }
0x7f: {  	[tilespmem:s25], [sflag:$0x2] =	stream.indirect.gather [hbm4b:s4+s22], $0x80, s6, s22, $0xb8;
	[tilespmem:$0x1D400] =	vst v63  }
0x80: {  	_ =	swait.ge [sflag:s26], $0x4000  }
0x81: {  	[sflag:s26] =	ssyncset.done $0x0  }
0x82: {  	[sflag:s26] =	ssyncadd.s32 $0xFFFFC000  }
0x83: {  	s13 =	simm.s32 $0x1000;
	_ =	swait.ge [sflag:s28], $0x4000  }
0x84: {  	s15 =	simm.s32 $0x380;
	s18 =	smov.u32 s14;
	[sflag:s28] =	ssyncset.done $0x0  }
.LBB2_2:
0x85: {  	[sflag:s28] =	ssyncadd.s32 $0xFFFFC000  }
0x86: {  	s18 =	sadd.s32 $0x80, s18;
	s16 =	smov.u32 s13;
	s13 =	sadd.s32 $0x1000, s13  }
0x87: {  	[spmem:s2] =	stream.indirect.scatter.add.f32 [tilespmem:s25], [sflag:$0x4], $0x80, s15, s22, $0xb8;
	[tilespmem:$0x1D400] =	vst v63  }
0x88: {  	p0 =	sne.s32 s13, $0x5000  }
0x89: {  	[tilespmem:s21], [sflag:$0x5] =	stream.linear.gather [hbm4b:s18+s3], $0x400, $0x38;
	[tilespmem:$0x1D400] =	vst v63  }
0x8a: {  	_ =	swait.ge [sflag:s19], $0x400  }
0x8b: {  	p1 =	seq.s32 s16, $0x0;
	[sflag:s19] =	ssyncset.done $0x0  }
0x8c: {  	s15 =	simm.s32 @!p1 $0x4;
	[sflag:s19] =	ssyncadd.s32 $0xFFFFFC00  }
0x8d: {  	[tilespmem:s20], [sflag:$0x1] =	stream.indirect.gather [hbm4b:s4+s22], $0x80, s21, s22, $0xb8;
	[tilespmem:$0x1D400] =	vst v63  }
0x8e: {  	_ =	swait.ge @!p1 [sflag:s15], $0x4000  }
0x8f: {  	[sflag:s15] =	ssyncset.done @!p1 $0x0  }
0x90: {  	[sflag:s15] =	ssyncadd.s32 @!p1 $0xFFFFC000  }
0x91: {  	_ =	swait.ge [sflag:s23], $0x4000  }
0x92: {  	s15 =	sshra.s32 s16, $0x2;
	[sflag:s23] =	ssyncset.done $0x0  }
0x93: {  	[sflag:s23] =	ssyncadd.s32 $0xFFFFC000  }
0x94: {  	[spmem:s2] =	stream.indirect.scatter.add.f32 [tilespmem:s20], [sflag:$0x3], $0x80, s15, s22, $0xb8;
	[tilespmem:$0x1D400] =	vst v63  }
0x95: {  	_ = 	snop  }
0x96: {  	[tilespmem:s25], [sflag:$0x2] =	stream.indirect.gather [hbm4b:s4+s22], $0x80, s24, s22, $0xb8;
	[tilespmem:$0x1D400] =	vst v63  }
0x97: {  	_ =	swait.ge [sflag:s26], $0x4000  }
0x98: {  	[sflag:s26] =	ssyncset.done $0x0  }
0x99: {  	[sflag:s26] =	ssyncadd.s32 $0xFFFFC000  }
0x9a: {  	_ =	swait.ge [sflag:s28], $0x4000  }
0x9b: {  	s16 =	sadd.s32 $0x80, s15;
	[sflag:s28] =	ssyncset.done $0x0  }
0x9c: {  	[sflag:s28] =	ssyncadd.s32 $0xFFFFC000  }
0x9d: {  	[spmem:s2] =	stream.indirect.scatter.add.f32 [tilespmem:s25], [sflag:$0x4], $0x80, s16, s22, $0xb8;
	[tilespmem:$0x1D400] =	vst v63  }
0x9e: {  	_ = 	snop  }
0x9f: {  	[tilespmem:s20], [sflag:$0x1] =	stream.indirect.gather [hbm4b:s4+s22], $0x80, s29, s22, $0xb8;
	[tilespmem:$0x1D400] =	vst v63  }
0xa0: {  	_ =	swait.ge [sflag:s30], $0x4000  }
0xa1: {  	[sflag:s30] =	ssyncset.done $0x0  }
0xa2: {  	[sflag:s30] =	ssyncadd.s32 $0xFFFFC000  }
0xa3: {  	_ =	swait.ge [sflag:s23], $0x4000  }
0xa4: {  	s16 =	sadd.s32 $0x100, s15;
	[sflag:s23] =	ssyncset.done $0x0  }
0xa5: {  	[sflag:s23] =	ssyncadd.s32 $0xFFFFC000  }
0xa6: {  	[spmem:s2] =	stream.indirect.scatter.add.f32 [tilespmem:s20], [sflag:$0x3], $0x80, s16, s22, $0xb8;
	[tilespmem:$0x1D400] =	vst v63  }
0xa7: {  	_ = 	snop  }
0xa8: {  	[tilespmem:s25], [sflag:$0x2] =	stream.indirect.gather [hbm4b:s4+s22], $0x80, s31, s22, $0xb8;
	[tilespmem:$0x1D400] =	vst v63  }
0xa9: {  	_ =	swait.ge [sflag:s26], $0x4000  }
0xaa: {  	[sflag:s26] =	ssyncset.done $0x0  }
0xab: {  	[sflag:s26] =	ssyncadd.s32 $0xFFFFC000  }
0xac: {  	_ =	swait.ge [sflag:s28], $0x4000  }
0xad: {  	s16 =	sadd.s32 $0x180, s15;
	[sflag:s28] =	ssyncset.done $0x0  }
0xae: {  	[sflag:s28] =	ssyncadd.s32 $0xFFFFC000  }
0xaf: {  	[spmem:s2] =	stream.indirect.scatter.add.f32 [tilespmem:s25], [sflag:$0x4], $0x80, s16, s22, $0xb8;
	[tilespmem:$0x1D400] =	vst v63  }
0xb0: {  	_ = 	snop  }
0xb1: {  	[tilespmem:s20], [sflag:$0x1] =	stream.indirect.gather [hbm4b:s4+s22], $0x80, s1, s22, $0xb8;
	[tilespmem:$0x1D400] =	vst v63  }
0xb2: {  	_ =	swait.ge [sflag:s30], $0x4000  }
0xb3: {  	[sflag:s30] =	ssyncset.done $0x0  }
0xb4: {  	[sflag:s30] =	ssyncadd.s32 $0xFFFFC000  }
0xb5: {  	_ =	swait.ge [sflag:s23], $0x4000  }
0xb6: {  	s16 =	sadd.s32 $0x200, s15;
	[sflag:s23] =	ssyncset.done $0x0  }
0xb7: {  	[sflag:s23] =	ssyncadd.s32 $0xFFFFC000  }
0xb8: {  	[spmem:s2] =	stream.indirect.scatter.add.f32 [tilespmem:s20], [sflag:$0x3], $0x80, s16, s22, $0xb8;
	[tilespmem:$0x1D400] =	vst v63  }
0xb9: {  	_ = 	snop  }
0xba: {  	[tilespmem:s25], [sflag:$0x2] =	stream.indirect.gather [hbm4b:s4+s22], $0x80, s0, s22, $0xb8;
	[tilespmem:$0x1D400] =	vst v63  }
0xbb: {  	_ =	swait.ge [sflag:s26], $0x4000  }
0xbc: {  	[sflag:s26] =	ssyncset.done $0x0  }
0xbd: {  	[sflag:s26] =	ssyncadd.s32 $0xFFFFC000  }
0xbe: {  	_ =	swait.ge [sflag:s28], $0x4000  }
0xbf: {  	s16 =	sadd.s32 $0x280, s15;
	[sflag:s28] =	ssyncset.done $0x0  }
0xc0: {  	[sflag:s28] =	ssyncadd.s32 $0xFFFFC000  }
0xc1: {  	[spmem:s2] =	stream.indirect.scatter.add.f32 [tilespmem:s25], [sflag:$0x4], $0x80, s16, s22, $0xb8;
	[tilespmem:$0x1D400] =	vst v63  }
0xc2: {  	_ = 	snop  }
0xc3: {  	[tilespmem:s20], [sflag:$0x1] =	stream.indirect.gather [hbm4b:s4+s22], $0x80, s5, s22, $0xb8;
	[tilespmem:$0x1D400] =	vst v63  }
0xc4: {  	_ =	swait.ge [sflag:s30], $0x4000  }
0xc5: {  	[sflag:s30] =	ssyncset.done $0x0  }
0xc6: {  	[sflag:s30] =	ssyncadd.s32 $0xFFFFC000  }
0xc7: {  	_ =	swait.ge [sflag:s23], $0x4000  }
0xc8: {  	s16 =	sadd.s32 $0x300, s15;
	[sflag:s23] =	ssyncset.done $0x0  }
0xc9: {  	[sflag:s23] =	ssyncadd.s32 $0xFFFFC000  }
0xca: {  	[spmem:s2] =	stream.indirect.scatter.add.f32 [tilespmem:s20], [sflag:$0x3], $0x80, s16, s22, $0xb8;
	[tilespmem:$0x1D400] =	vst v63  }
0xcb: {  	_ = 	snop  }
0xcc: {  	[tilespmem:s25], [sflag:$0x2] =	stream.indirect.gather [hbm4b:s4+s22], $0x80, s6, s22, $0xb8;
	[tilespmem:$0x1D400] =	vst v63  }
.Ltmp0:
0xcd: {  	_ =	swait.ge [sflag:s26], $0x4000;
	(pc) =	sbr.rel @p0 .LBB2_2-.Ltmp0, $4  }
0xce: {  	[sflag:s26] =	ssyncset.done $0x0  }
0xcf: {  	[sflag:s26] =	ssyncadd.s32 $0xFFFFC000  }
0xd0: {  	_ =	swait.ge [sflag:s28], $0x4000  }
0xd1: {  	s15 =	sadd.s32 $0x380, s15;
	[sflag:s28] =	ssyncset.done $0x0  }
0xd2: {  	[sflag:s28] =	ssyncadd.s32 $0xFFFFC000  }
0xd3: {  	[spmem:s2] =	stream.indirect.scatter.add.f32 [tilespmem:s25], [sflag:$0x4], $0x80, s15, s22, $0xb8;
	[tilespmem:$0x1D400] =	vst v63  }
0xd4: {  	_ =	swait.ge [sflag:s30], $0x4000  }
0xd5: {  	[sflag:s30] =	ssyncset.done $0x0  }
0xd6: {  	s13 =	stileid.u32;
	[sflag:s30] =	ssyncadd.s32 $0xFFFFC000  }
0xd7: {  	s13 =	sshll.u32 s13, $0x6;
	[bflag:$0x0] =	sbarrier.arrive $0xFFFF  }
0xd8: {  	s18 =	sshrl.u32 s7, $0x3;
	s13 =	sor.u32 $0x1C05, s13;
	s16 =	rddreg [dreg:$0x5]  }
0xd9: {  	[hbm:s16], [sflag:s13] =	dma.local [spmem:s18], $0x800  }
0xda: {  	_ =	swait.ge [sflag:s19], $0x800  }
0xdb: {  	[sflag:s19] =	ssyncset.done $0x0  }
0xdc: {  	s16 =	sshrl.u32 s8, $0x3;
	s18 =	rddreg [dreg:$0x7];
	[sflag:s19] =	ssyncadd.s32 $0xFFFFF800  }
0xdd: {  	[hbm:s18], [sflag:s13] =	dma.local [spmem:s16], $0x800  }
0xde: {  	_ =	swait.ge [sflag:s19], $0x800  }
0xdf: {  	[sflag:s19] =	ssyncset.done $0x0  }
0xe0: {  	s16 =	sshrl.u32 s9, $0x3;
	s18 =	rddreg [dreg:$0x8];
	[sflag:s19] =	ssyncadd.s32 $0xFFFFF800  }
0xe1: {  	[hbm:s18], [sflag:s13] =	dma.local [spmem:s16], $0x800  }
0xe2: {  	_ =	swait.ge [sflag:s19], $0x800  }
0xe3: {  	[sflag:s19] =	ssyncset.done $0x0  }
0xe4: {  	s16 =	sshrl.u32 s10, $0x3;
	s18 =	rddreg [dreg:$0x9];
	[sflag:s19] =	ssyncadd.s32 $0xFFFFF800  }
0xe5: {  	[hbm:s18], [sflag:s13] =	dma.local [spmem:s16], $0x800  }
0xe6: {  	_ =	swait.ge [sflag:s19], $0x800  }
0xe7: {  	[sflag:s19] =	ssyncset.done $0x0  }
0xe8: {  	s16 =	sshrl.u32 s11, $0x3;
	[sflag:s19] =	ssyncadd.s32 $0xFFFFF800  }
0xe9: {  	[hbm:s17], [sflag:s13] =	dma.local [spmem:s16], $0x780  }
0xea: {  	_ =	swait.ge [sflag:s19], $0x780  }
0xeb: {  	s12 =	sadd.s32 $0x1, s12;
	s18 =	rddreg [dreg:$0x6]  }
0xec: {  	p0 =	sne.s32 s12, s18  }
.Ltmp1:
0xed: {  	_ = 	snop;
	(pc) =	sbr.rel @p0 .LBB2_1-.Ltmp1, $3  }
0xee: {  	_ =	sdelay $0x1  }
0xef: {  	[sflag:s19] =	ssyncset.done $0x0  }
0xf0: {  	[sflag:s19] =	ssyncadd.s32 $0xFFFFF880  }
0xf1: {  	_ =	sfence.sel $0x180000  }
0xf2: {  	[bflag:$0x0] =	sbarrier.arrive $0xFFFF  }
0xf3: {  	_ =	strace $0x9000004A  }
0xf4: {  	s0 =	stileid.u32;
	[bflag:$0x2] =	sbarrier.arrive $0xFFFF  }
0xf5: {  	p0 =	sne.s32 s0, $0x0;
	s0 =	rddreg [dreg:$0x2]  }
0xf6: {  	s0 =	sadd.s32 @!p0 $0x100000, s0  }
0xf7: {  	[sflag:s0] =	ssyncadd.tile.s32 @!p0 $0x1;
	_ =	shalt  }
.Lfunc_end2:
_tile_overlayer_lowered:
.L_overlay_start_2:
0xf8: {  	(tag) =	ssettag $0x2  }
0xf9: {  	s0 =	rddreg [dreg:$0x0];
	s2 =	stileid.u32  }
0xfa: {  	s1 =	rddreg [dreg:$0x1];
	p0 =	sne.s32 s2, $0x0  }
0xfb: {  	s3 =	rddreg [dreg:$0x2];
	[bflag:$0x3] =	sbarrier.arrive $0xFFFF;
	s2 =	simm.s32 @!p0 $0x1C05  }
0xfc: {  	[timem:s3], [sflag:s2] =	dma.local @!p0 [hbm:s0], s1  }
0xfd: {  	s0 =	simm.s32 @!p0 $0x5  }
0xfe: {  	_ =	swait.ge @!p0 [sflag:s0], s1  }
0xff: {  	s1 =	ssub.s32 @!p0 $0x0, s1;
	[sflag:s0] =	ssyncset.done @!p0 $0x0  }
0x100: {  	[sflag:s0] =	ssyncadd.s32 @!p0 s1  }
0x101: {  	[bflag:$0x3] =	sbarrier.arrive $0xFFFF  }
0x102: {  	_ =	shalt  }

// kernel: kernel.15.cloned.1.call-start
scs
__scs_entry_jumppad:
0x0: {  	(pc) =	sbr.rel $0x88, $3  }
0x1: {  	(tag) =	ssettag $0x0;
	lr =	simm.s32 $0x1  }
0x2: {  	[smem:$0x3F95] =	sst lr;
	_ =	strace $0xD0000000  }
0x3: {  	_ = 	snop  }
0x4: {  	_ = 	snop  }
0x5: {  	_ = 	snop  }
0x6: {  	_ = 	snop  }
0x7: {  	_ = 	snop  }
__scs_overlays_trampoline_lowered:
0x8: {  	[smem:$0x3FA4] =	sst s0  }
0x9: {  	[smem:$0x3FA5] =	sst s1  }
0xa: {  	[smem:$0x3FA6] =	sst s2  }
0xb: {  	[smem:$0x3FA7] =	sst s3  }
0xc: {  	[smem:$0x3FA8] =	sst s4  }
0xd: {  	[smem:$0x3FA9] =	sst s5  }
0xe: {  	[smem:$0x3FAA] =	sst s6  }
0xf: {  	[smem:$0x3FAB] =	sst s7  }
0x10: {  	[smem:$0x3FAC] =	sst s8  }
0x11: {  	[smem:$0x3FAD] =	sst s9;
	s0 =	simm.s32 @!p0 $0x0  }
0x12: {  	s1 =	sld [smem:$0x3F93];
	s0 =	simm.s32 @p0 $0x1  }
0x13: {  	[smem:$0x3FAE] =	sst s0;
	s0 =	simm.s32 @!p1 $0x0  }
0x14: {  	s2 =	sld [smem:$0x3F92];
	s0 =	simm.s32 @p1 $0x1  }
0x15: {  	[smem:$0x3FAF] =	sst s0;
	s0 =	simm.s32 @!p2 $0x0  }
0x16: {  	s3 =	sld [smem:$0x3FDB];
	s0 =	simm.s32 @p2 $0x1  }
0x17: {  	s4 =	simm.s32 $0x1BF5;
	[smem:$0x3FB1] =	sst s0  }
0x18: {  	s0 =	sld [smem:$0x3F94];
	_ =	swait.ge [sflag:s4], $0x0  }
0x19: {  	s7 =	sld [smem:$0x3F95]  }
0x1a: {  	s8 =	sadd.s32 $0xFFFFE003, lr  }
0x1b: {  	s9 =	sadd.s32 $0xFFFFFEF7, lr;
	s5 =	simm.s32 $0xFFFFFFFF;
	p2 =	slt.u32 s8, $0xFFFFF086  }
0x1c: {  	p1 =	slt.u32 s9, $0xF7A;
	s5 =	simm.s32 @!p2 $0x0  }
0x1d: {  	s5 =	simm.s32 @p1 $0x1;
	p0 =	seq.s32 s7, s2  }
0x1e: {  	s7 =	smul.u32 @!p0 $0xF7A, s2;
	p2 =	seq.s32 @!p0 s5, $0x0  }
0x1f: {  	s9 =	smul.u32 $0xF7A, s1;
	s8 =	simm.s32 @!p0 $0x1BF5;
	p2 =	por !p2, p0  }
0x20: {  	[sflag:s8] =	ssyncset.s32 @!p0 $0xFFFFF086;
	s6 =	sadd.s32 @!p0 s3, s7;
	s7 =	simm.s32 @!p0 $0x108  }
0x21: {  	s3 =	sadd.s32 s3, s9;
	s6 =	sadd.s32 @!p0 $0x88, s6;
	s7 =	simm.s32 @p2 $0x1082  }
0x22: {  	[simem:s7], [sflag:s8] =	dma.local @!p0 [hbm:s6], $0xF7A  }
0x23: {  	s9 =	sor.u32 $0xD0000000, s2;
	s6 =	simm.s32 $0x108;
	_ =	swait.ge @!p0 [sflag:s8], $0x0  }
0x24: {  	s3 =	sadd.s32 $0x88, s3;
	s6 =	simm.s32 @!p1 $0x1082;
	[sflag:s4] =	ssyncset.s32 $0xFFFFF086  }
0x25: {  	[simem:s6], [sflag:s4] =	dma.local [hbm:s3], $0xF7A  }
0x26: {  	[smem:$0x3F95] =	sst s1;
	(tag) =	ssettag s2;
	_ =	strace s9  }
0x27: {  	s1 =	sld [smem:$0x3FA5]  }
0x28: {  	s2 =	sld [smem:$0x3FA6]  }
0x29: {  	s4 =	sld [smem:$0x3FA8]  }
0x2a: {  	p0 =	seq.s32 s5, $0x0;
	s5 =	sld [smem:$0x3FA9]  }
0x2b: {  	s6 =	sld [smem:$0x3FAA]  }
0x2c: {  	s7 =	sld [smem:$0x3FAB]  }
0x2d: {  	s3 =	simm.s32 $0x108;
	s8 =	sld [smem:$0x3FAC]  }
0x2e: {  	s3 =	simm.s32 @!p0 $0x1082;
	s9 =	sld [smem:$0x3FAD]  }
0x2f: {  	lr =	sadd.s32 s0, s3;
	s0 =	sld [smem:$0x3FA4]  }
0x30: {  	s3 =	sld [smem:$0x3FA7]  }
0x31: {  	[smem:$0x3FB0] =	sst s10  }
0x32: {  	s10 =	sld [smem:$0x3FAE];
	_ =	sdelay $0x3  }
0x33: {  	p0 =	seq.s32 s10, $0x1;
	s10 =	sld [smem:$0x3FB0];
	_ =	sdelay $0x3  }
0x34: {  	[smem:$0x3FB0] =	sst s10  }
0x35: {  	s10 =	sld [smem:$0x3FAF];
	_ =	sdelay $0x3  }
0x36: {  	p1 =	seq.s32 s10, $0x1;
	s10 =	sld [smem:$0x3FB0];
	_ =	sdelay $0x3  }
0x37: {  	[smem:$0x3FB0] =	sst s10  }
0x38: {  	s10 =	sld [smem:$0x3FB1]  }
0x39: {  	_ = 	snop;
	(pc) =	sbr.ind lr, $3  }
0x3a: {  	_ = 	snop  }
0x3b: {  	_ = 	snop  }
0x3c: {  	p2 =	seq.s32 s10, $0x1;
	s10 =	sld [smem:$0x3FB0]  }
0x3d: {  	_ =	shalt  }
0x3e: {  	_ =	shalt  }
0x3f: {  	_ =	shalt  }
0x40: {  	_ =	shalt  }
0x41: {  	_ =	shalt  }
0x42: {  	_ =	shalt  }
0x43: {  	_ =	shalt  }
0x44: {  	_ =	shalt  }
0x45: {  	_ =	shalt  }
0x46: {  	_ =	shalt  }
0x47: {  	_ =	shalt  }
0x48: {  	_ =	shalt  }
0x49: {  	_ =	shalt  }
0x4a: {  	_ =	shalt  }
0x4b: {  	_ =	shalt  }
0x4c: {  	_ =	shalt  }
0x4d: {  	_ =	shalt  }
0x4e: {  	_ =	shalt  }
0x4f: {  	_ =	shalt  }
0x50: {  	_ =	shalt  }
0x51: {  	_ =	shalt  }
0x52: {  	_ =	shalt  }
0x53: {  	_ =	shalt  }
0x54: {  	_ =	shalt  }
0x55: {  	_ =	shalt  }
0x56: {  	_ =	shalt  }
0x57: {  	_ =	shalt  }
0x58: {  	_ =	shalt  }
0x59: {  	_ =	shalt  }
0x5a: {  	_ =	shalt  }
0x5b: {  	_ =	shalt  }
0x5c: {  	_ =	shalt  }
0x5d: {  	_ =	shalt  }
0x5e: {  	_ =	shalt  }
0x5f: {  	_ =	shalt  }
0x60: {  	_ =	shalt  }
0x61: {  	_ =	shalt  }
0x62: {  	_ =	shalt  }
0x63: {  	_ =	shalt  }
0x64: {  	_ =	shalt  }
0x65: {  	_ =	shalt  }
0x66: {  	_ =	shalt  }
0x67: {  	_ =	shalt  }
0x68: {  	_ =	shalt  }
0x69: {  	_ =	shalt  }
0x6a: {  	_ =	shalt  }
0x6b: {  	_ =	shalt  }
0x6c: {  	_ =	shalt  }
0x6d: {  	_ =	shalt  }
0x6e: {  	_ =	shalt  }
0x6f: {  	_ =	shalt  }
0x70: {  	_ =	shalt  }
0x71: {  	_ =	shalt  }
0x72: {  	_ =	shalt  }
0x73: {  	_ =	shalt  }
0x74: {  	_ =	shalt  }
0x75: {  	_ =	shalt  }
0x76: {  	_ =	shalt  }
0x77: {  	_ =	shalt  }
0x78: {  	_ =	shalt  }
0x79: {  	_ =	shalt  }
0x7a: {  	_ =	shalt  }
0x7b: {  	_ =	shalt  }
0x7c: {  	_ =	shalt  }
0x7d: {  	_ =	shalt  }
0x7e: {  	_ =	shalt  }
0x7f: {  	_ =	shalt  }
0x80: {  	_ =	shalt  }
0x81: {  	_ =	shalt  }
0x82: {  	_ =	shalt  }
0x83: {  	_ =	shalt  }
0x84: {  	_ =	shalt  }
0x85: {  	_ =	shalt  }
0x86: {  	_ =	shalt  }
0x87: {  	_ =	shalt  }
.Lfunc_end0:
.L_simem_size_0:
called_computation.2_lowered:
.L_overlay_start_0:
0x88: {  	s2 =	sld [smem:$0x3FD9]  }
0x89: {  	s3 =	sld [smem:$0x3FFE];
	_ =	sdelay $0x1  }
0x8a: {  	s1 =	srdreg.scid  }
0x8b: {  	s0 =	sand.u32 $0x1, s1  }
0x8c: {  	s16 =	sshll.u32 s0, $0xA;
	s2 =	sadd.s32 s3, s2  }
0x8d: {  	s2 =	sadd.s32 s2, s16  }
0x8e: {  	[smem:$0x3FBC] =	sst s2  }
0x8f: {  	_ = 	snop  }
0x90: {  	(tm) =	ssettm $0x1  }
0x91: {  	s17 =	sld [smem:$0x3FFB];
	_ =	sdelay $0x3  }
0x92: {  	_ =	strace s17  }
0x93: {  	s2 =	sld [smem:$0x3FFC];
	_ =	sdelay $0x3  }
0x94: {  	_ =	strace s2  }
0x95: {  	s2 =	sld [smem:$0x3FFD];
	_ =	sdelay $0x3  }
0x96: {  	_ =	strace s2  }
0x97: {  	_ =	strace $0x8FFFFFFF  }
0x98: {  	s18 =	sld [smem:$0x3FDB];
	_ =	sdelay $0x1  }
0x99: {  	s19 =	simm.s32 $_scs_section_size  }
0x9a: {  	s4 =	simm.s32 $_size__tile_overlayer_lowered;
	s5 =	simm.s32 $_tile_overlayer_lowered  }
0x9b: {  	s22 =	simm.s32 $0x1BFF;
	s21 =	sshll.u32 s5, $0x1;
	s2 =	sadd.s32 s19, s18  }
0x9c: {  	s6 =	simm.s32 $0x0;
	s20 =	sshll.u32 s4, $0x1;
	s4 =	sadd.s32 s21, s2  }
0x9d: {  	[timem:s6], [sflag:s22] =	dma.local [hbm:s4], s20  }
0x9e: {  	_ =	swait.ge [sflag:s22], s20  }
0x9f: {  	s3 =	ssub.s32 $0x0, s20;
	[sflag:s22] =	ssyncset.done $0x0  }
0xa0: {  	[sflag:s22] =	ssyncadd.s32 s3;
	_ =	sdelay $0x1  }
0xa1: {  	s23 =	simm.s32 $0x1B8B  }
0xa2: {  	_ =	swait.ge [sflag:s23], $0x1  }
0xa3: {  	[sflag:s23] =	ssyncset.done $0x0  }
0xa4: {  	s25 =	simm.s32 $0x1B8E;
	s24 =	sld [smem:$0x3FFE];
	[sflag:s23] =	ssyncadd.s32 $0xFFFFFFFF  }
0xa5: {  	s26 =	simm.s32 $execute0_lowered;
	[smem:$0x3FD2] =	sst s25  }
0xa6: {  	s4 =	sshll.u32 s26, $0x1;
	_ =	strace $0x8000004C;
	[dreg:$0x1] =	wrdreg $0xFFFFFFFF  }
0xa7: {  	s28 =	simm.s32 $_size_execute0_lowered;
	s2 =	sadd.s32 s2, s4;
	[dreg:$0x0] =	wrdreg $0x0  }
0xa8: {  	s4 =	sshll.u32 s28, $0x1;
	[dreg:$0x2] =	wrdreg s2  }
0xa9: {  	[dreg:$0x3] =	wrdreg s4  }
0xaa: {  	[dreg:$0x4] =	wrdreg $0xC0  }
0xab: {  	_ =	task [dreg:s6], $0x5FFFF  }
0xac: {  	[dreg:$0x1] =	wrdreg $0xFFFFFFFF  }
0xad: {  	[dreg:$0x0] =	wrdreg $0x60  }
0xae: {  	[dreg:$0x2] =	wrdreg s24  }
0xaf: {  	[dreg:$0x3] =	wrdreg $0xAC000  }
0xb0: {  	[dreg:$0x4] =	wrdreg $0x9  }
0xb1: {  	_ =	task.clear_ibuf [dreg:s6], $0x5FFFF;
	_ =	strace $0x9000004C  }
0xb2: {  	s29 =	simm.s32 $0x9;
	_ =	strace $0x8000004E  }
0xb3: {  	_ =	swait.ge [sflag:s29], $0x1  }
0xb4: {  	[sflag:s29] =	ssyncadd.s32 $0xFFFFFFFF  }
0xb5: {  	_ =	strace $0x9000004E  }
0xb6: {  	_ =	sfence  }
0xb7: {  	s30 =	sld [smem:$0x0];
	_ =	sdelay $0x2  }
0xb8: {  	s31 =	sshll.u32 s1, $0xD;
	s1 =	sshrl.u32 s1, $0x2  }
0xb9: {  	s3 =	sand.u32 $0x4000, s31;
	s1 =	sadd.s32 s1, s30  }
0xba: {  	s0 =	sor.u32 s3, s0;
	s1 =	sshll.u32 s1, $0x11  }
0xbb: {  	s0 =	sor.u32 s1, s0  }
0xbc: {  	s0 =	sadd.s32 $0x8F2B, s0  }
0xbd: {  	[sflag:s0] =	ssyncadd.remote.s32 $0x1  }
0xbe: {  	_ =	sfence.sel $0xFFFF  }
0xbf: {  	[dreg:$0x0] =	wrdreg $0xFFFFFFFF;
	(pc) =	sbr.abs _section_cstart, $3  }
0xc0: {  	[dreg:$0x1] =	wrdreg $0xFFFFFFFF  }
0xc1: {  	_ =	task.clear_ibuf [dreg:s6], $0x2FFFF;
	_ =	strace $0x9FFFFFFF  }
0xc2: {  	(tm) =	ssettm $0x7FFFFFFF  }
0xc3: {  	_ =	shalt  }
tec
execute0_lowered:
.L_overlay_start_1:
0x0: {  	(tag) =	ssettag $0x1  }
0x1: {  	s0 =	srdreg.scid  }
0x2: {  	s1 =	rddreg [dreg:$0x0];
	s18 =	stileid.u32  }
0x3: {  	s2 =	rddreg [dreg:$0x1];
	s3 =	simm.s32 $0x0;
	s5 =	smul.u32 $0x2800, s18  }
0x4: {  	s28 =	simm.s32 $0x2;
	s29 =	simm.s32 $0x2900;
	s10 =	smul.u32 $0x278, s18  }
0x5: {  	s30 =	simm.s32 $0x4;
	s31 =	simm.s32 $0x2980;
	s9 =	smul.u32 $0x4F000, s18  }
0x6: {  	s0 =	sand.u32 $0x1, s0;
	[smem:$0x7FF] =	sst s3;
	s25 =	smul.u32 $0x13C00, s18  }
0x7: {  	s11 =	sadd.s32 $0x21800, s1;
	s12 =	sadd.s32 $0xE8400, s1;
	s4 =	smul.u32 $0x28000, s0  }
0x8: {  	s6 =	sshll.u32 s0, $0x4;
	_ =	strace $0x8000004D;
	s7 =	ssub.s32 $0x2, s0  }
0x9: {  	[dreg:$0x3] =	wrdreg s11;
	p0 =	seq.s32 s0, $0x1;
	s20 =	sor.u32 s18, s6  }
0xa: {  	s8 =	sshrl.u32 s7, $0x1;
	s22 =	sshrl.u32 s9, $0x2;
	s14 =	sadd.s32 $0x80, s10  }
0xb: {  	s15 =	sadd.s32 $0x100, s10;
	s16 =	sadd.s32 $0x180, s10;
	s17 =	sadd.s32 $0x200, s10  }
0xc: {  	s18 =	smul.u32 $0x2780, s18;
	s11 =	sshrl.u32 s25, $0x3;
	s4 =	sadd.s32 s5, s4  }
0xd: {  	s5 =	smul.u32 $0x2800, s20;
	s13 =	ssub.s32 s7, s8;
	s7 =	sadd.s32 s22, s2  }
0xe: {  	s23 =	sshll.u32 s14, $0x7;
	s24 =	sshll.u32 s15, $0x7;
	s26 =	sshll.u32 s16, $0x7  }
0xf: {  	s19 =	sshll.u32 s17, $0x7;
	s0 =	sadd.s32 $0x27800, s11;
	s20 =	sshll.u32 s14, $0x4  }
0x10: {  	s22 =	sshll.u32 s15, $0x4;
	s21 =	sshrl.u32 s4, $0x3;
	s4 =	sadd.s32 $0xC0C00, s1  }
0x11: {  	s8 =	sadd.s32 s23, s2;
	s9 =	sadd.s32 s24, s2;
	s10 =	sadd.s32 s26, s2  }
0x12: {  	s11 =	sadd.s32 s19, s2;
	s18 =	smov.u32 @p0 s0;
	s23 =	sshll.u32 s16, $0x4  }
0x13: {  	s24 =	sshll.u32 s17, $0x4;
	s13 =	smax.u32 s13, $0x1;
	s19 =	simm.s32 $0x5  }
0x14: {  	s6 =	sadd.s32 s21, s1;
	s5 =	sshrl.u32 s5, $0x3;
	s21 =	sadd.s32 s12, s18  }
0x15: {  	[dreg:$0x6] =	wrdreg s13;
	s5 =	sadd.s32 s5, s1;
	s1 =	sadd.s32 $0x10FC00, s1  }
0x16: {  	[dreg:$0x5] =	wrdreg s21;
	s14 =	sadd.s32 $0x3800, s6;
	s21 =	simm.s32 $0x2800  }
0x17: {  	s6 =	simm.s32 $0x2B80;
	s5 =	sadd.s32 $0xD800, s5;
	s12 =	smov.u32 @p0 s1  }
0x18: {  	s1 =	simm.s32 $0x2A00;
	[dreg:$0x4] =	wrdreg s5;
	s0 =	sadd.s32 s20, s12  }
0x19: {  	s25 =	sadd.s32 s22, s12;
	s26 =	sadd.s32 s23, s12;
	s17 =	sadd.s32 s24, s12  }
0x1a: {  	s20 =	simm.s32 $0x2C00;
	s22 =	simm.s32 $0x80;
	[dreg:$0x7] =	wrdreg s0  }
0x1b: {  	s23 =	simm.s32 $0x1;
	s24 =	simm.s32 $0x2880;
	[dreg:$0x8] =	wrdreg s25  }
0x1c: {  	s5 =	simm.s32 $0x2B00;
	s12 =	simm.s32 $0x0;
	[dreg:$0x9] =	wrdreg s26  }
0x1d: {  	s25 =	simm.s32 $0x6C00;
	s26 =	simm.s32 $0x3;
	s0 =	simm.s32 $0x2A80  }
.LBB2_1:
0x1e: {  	s13 =	rddreg [dreg:$0x4]  }
0x1f: {  	[tilespmem:s3], [sflag:$0x5] =	stream.linear.gather [hbm4b:s13+s3], $0x2800, $0x38;
	[tilespmem:$0x1E800] =	vst v63  }
0x20: {  	_ =	swait.ge [sflag:s19], $0x2800  }
0x21: {  	[sflag:s19] =	ssyncset.done $0x0  }
0x22: {  	s16 =	rddreg [dreg:$0x3];
	[sflag:s19] =	ssyncadd.s32 $0xFFFFD800  }
0x23: {  	[tilespmem:s20], [sflag:$0x5] =	stream.linear.gather [hbm4b:s16+s3], $0x4000, $0x38;
	[tilespmem:$0x1E800] =	vst v63  }
0x24: {  	_ =	swait.ge [sflag:s19], $0x4000  }
0x25: {  	[sflag:s19] =	ssyncset.done $0x0  }
0x26: {  	[sflag:s19] =	ssyncadd.s32 $0xFFFFC000  }
0x27: {  	[spmem:s7] =	stream.linear.scatter [tilespmem:s20], [sflag:$0x5], $0x4000, $0x38;
	[tilespmem:$0x1E800] =	vst v63  }
0x28: {  	_ =	swait.ge [sflag:s19], $0x4000  }
0x29: {  	[sflag:s19] =	ssyncset.done $0x0  }
0x2a: {  	[sflag:s19] =	ssyncadd.s32 $0xFFFFC000  }
0x2b: {  	[spmem:s8] =	stream.linear.scatter [tilespmem:s20], [sflag:$0x5], $0x4000, $0x38;
	[tilespmem:$0x1E800] =	vst v63  }
0x2c: {  	_ =	swait.ge [sflag:s19], $0x4000  }
0x2d: {  	[sflag:s19] =	ssyncset.done $0x0  }
0x2e: {  	[sflag:s19] =	ssyncadd.s32 $0xFFFFC000  }
0x2f: {  	[spmem:s9] =	stream.linear.scatter [tilespmem:s20], [sflag:$0x5], $0x4000, $0x38;
	[tilespmem:$0x1E800] =	vst v63  }
0x30: {  	_ =	swait.ge [sflag:s19], $0x4000  }
0x31: {  	[sflag:s19] =	ssyncset.done $0x0  }
0x32: {  	[sflag:s19] =	ssyncadd.s32 $0xFFFFC000  }
0x33: {  	[spmem:s10] =	stream.linear.scatter [tilespmem:s20], [sflag:$0x5], $0x4000, $0x38;
	[tilespmem:$0x1E800] =	vst v63  }
0x34: {  	_ =	swait.ge [sflag:s19], $0x4000  }
0x35: {  	[sflag:s19] =	ssyncset.done $0x0  }
0x36: {  	[sflag:s19] =	ssyncadd.s32 $0xFFFFC000  }
0x37: {  	[spmem:s11] =	stream.linear.scatter [tilespmem:s20], [sflag:$0x5], $0x3C00, $0x38;
	[tilespmem:$0x1E800] =	vst v63  }
0x38: {  	_ =	swait.ge [sflag:s19], $0x3C00  }
0x39: {  	[sflag:s19] =	ssyncset.done $0x0  }
0x3a: {  	[sflag:s19] =	ssyncadd.s32 $0xFFFFC400  }
0x3b: {  	[bflag:$0x0] =	sbarrier.arrive $0xFFFF  }
0x3c: {  	[tilespmem:s21], [sflag:$0x5] =	stream.linear.gather [hbm4b:s14+s3], $0x400, $0x38;
	[tilespmem:$0x1E800] =	vst v63  }
0x3d: {  	_ =	swait.ge [sflag:s19], $0x400  }
0x3e: {  	p0 =	por $0x1, $0x1;
	[sflag:s19] =	ssyncset.done $0x0  }
0x3f: {  	s13 =	simm.s32 @!p0 $0x4;
	[sflag:s19] =	ssyncadd.s32 $0xFFFFFC00  }
0x40: {  	[tilespmem:s20], [sflag:$0x1] =	stream.indirect.gather [hbm4b:s4+s22], $0x80, s21, s22, $0xb8;
	[tilespmem:$0x1E800] =	vst v63  }
0x41: {  	_ =	swait.ge @!p0 [sflag:s13], $0x4000  }
0x42: {  	[sflag:s13] =	ssyncset.done @!p0 $0x0  }
0x43: {  	[sflag:s13] =	ssyncadd.s32 @!p0 $0xFFFFC000  }
0x44: {  	_ =	swait.ge [sflag:s23], $0x4000  }
0x45: {  	[sflag:s23] =	ssyncset.done $0x0  }
0x46: {  	s18 =	simm.s32 $0x0;
	[sflag:s23] =	ssyncadd.s32 $0xFFFFC000  }
0x47: {  	[spmem:s2] =	stream.indirect.scatter.add.f32 [tilespmem:s20], [sflag:$0x3], $0x80, s18, s22, $0xb8;
	[tilespmem:$0x1E800] =	vst v63  }
0x48: {  	_ = 	snop  }
0x49: {  	[tilespmem:s25], [sflag:$0x2] =	stream.indirect.gather [hbm4b:s4+s22], $0x80, s24, s22, $0xb8;
	[tilespmem:$0x1E800] =	vst v63  }
0x4a: {  	_ =	swait.ge [sflag:s26], $0x4000  }
0x4b: {  	[sflag:s26] =	ssyncset.done $0x0  }
0x4c: {  	[sflag:s26] =	ssyncadd.s32 $0xFFFFC000  }
0x4d: {  	_ =	swait.ge [sflag:s28], $0x4000  }
0x4e: {  	[sflag:s28] =	ssyncset.done $0x0  }
0x4f: {  	s15 =	simm.s32 $0x80;
	[sflag:s28] =	ssyncadd.s32 $0xFFFFC000  }
0x50: {  	[spmem:s2] =	stream.indirect.scatter.add.f32 [tilespmem:s25], [sflag:$0x4], $0x80, s15, s22, $0xb8;
	[tilespmem:$0x1E800] =	vst v63  }
0x51: {  	_ = 	snop  }
0x52: {  	[tilespmem:s20], [sflag:$0x1] =	stream.indirect.gather [hbm4b:s4+s22], $0x80, s29, s22, $0xb8;
	[tilespmem:$0x1E800] =	vst v63  }
0x53: {  	_ =	swait.ge [sflag:s30], $0x4000  }
0x54: {  	[sflag:s30] =	ssyncset.done $0x0  }
0x55: {  	[sflag:s30] =	ssyncadd.s32 $0xFFFFC000  }
0x56: {  	_ =	swait.ge [sflag:s23], $0x4000  }
0x57: {  	[sflag:s23] =	ssyncset.done $0x0  }
0x58: {  	s16 =	simm.s32 $0x100;
	[sflag:s23] =	ssyncadd.s32 $0xFFFFC000  }
0x59: {  	[spmem:s2] =	stream.indirect.scatter.add.f32 [tilespmem:s20], [sflag:$0x3], $0x80, s16, s22, $0xb8;
	[tilespmem:$0x1E800] =	vst v63  }
0x5a: {  	_ = 	snop  }
0x5b: {  	[tilespmem:s25], [sflag:$0x2] =	stream.indirect.gather [hbm4b:s4+s22], $0x80, s31, s22, $0xb8;
	[tilespmem:$0x1E800] =	vst v63  }
0x5c: {  	_ =	swait.ge [sflag:s26], $0x4000  }
0x5d: {  	[sflag:s26] =	ssyncset.done $0x0  }
0x5e: {  	[sflag:s26] =	ssyncadd.s32 $0xFFFFC000  }
0x5f: {  	_ =	swait.ge [sflag:s28], $0x4000  }
0x60: {  	[sflag:s28] =	ssyncset.done $0x0  }
0x61: {  	s18 =	simm.s32 $0x180;
	[sflag:s28] =	ssyncadd.s32 $0xFFFFC000  }
0x62: {  	[spmem:s2] =	stream.indirect.scatter.add.f32 [tilespmem:s25], [sflag:$0x4], $0x80, s18, s22, $0xb8;
	[tilespmem:$0x1E800] =	vst v63  }
0x63: {  	_ = 	snop  }
0x64: {  	[tilespmem:s20], [sflag:$0x1] =	stream.indirect.gather [hbm4b:s4+s22], $0x80, s1, s22, $0xb8;
	[tilespmem:$0x1E800] =	vst v63  }
0x65: {  	_ =	swait.ge [sflag:s30], $0x4000  }
0x66: {  	[sflag:s30] =	ssyncset.done $0x0  }
0x67: {  	[sflag:s30] =	ssyncadd.s32 $0xFFFFC000  }
0x68: {  	_ =	swait.ge [sflag:s23], $0x4000  }
0x69: {  	[sflag:s23] =	ssyncset.done $0x0  }
0x6a: {  	s15 =	simm.s32 $0x200;
	[sflag:s23] =	ssyncadd.s32 $0xFFFFC000  }
0x6b: {  	[spmem:s2] =	stream.indirect.scatter.add.f32 [tilespmem:s20], [sflag:$0x3], $0x80, s15, s22, $0xb8;
	[tilespmem:$0x1E800] =	vst v63  }
0x6c: {  	_ = 	snop  }
0x6d: {  	[tilespmem:s25], [sflag:$0x2] =	stream.indirect.gather [hbm4b:s4+s22], $0x80, s0, s22, $0xb8;
	[tilespmem:$0x1E800] =	vst v63  }
0x6e: {  	_ =	swait.ge [sflag:s26], $0x4000  }
0x6f: {  	[sflag:s26] =	ssyncset.done $0x0  }
0x70: {  	[sflag:s26] =	ssyncadd.s32 $0xFFFFC000  }
0x71: {  	_ =	swait.ge [sflag:s28], $0x4000  }
0x72: {  	[sflag:s28] =	ssyncset.done $0x0  }
0x73: {  	s16 =	simm.s32 $0x280;
	[sflag:s28] =	ssyncadd.s32 $0xFFFFC000  }
0x74: {  	[spmem:s2] =	stream.indirect.scatter.add.f32 [tilespmem:s25], [sflag:$0x4], $0x80, s16, s22, $0xb8;
	[tilespmem:$0x1E800] =	vst v63  }
0x75: {  	_ = 	snop  }
0x76: {  	[tilespmem:s20], [sflag:$0x1] =	stream.indirect.gather [hbm4b:s4+s22], $0x80, s5, s22, $0xb8;
	[tilespmem:$0x1E800] =	vst v63  }
0x77: {  	_ =	swait.ge [sflag:s30], $0x4000  }
0x78: {  	[sflag:s30] =	ssyncset.done $0x0  }
0x79: {  	[sflag:s30] =	ssyncadd.s32 $0xFFFFC000  }
0x7a: {  	_ =	swait.ge [sflag:s23], $0x4000  }
0x7b: {  	[sflag:s23] =	ssyncset.done $0x0  }
0x7c: {  	s18 =	simm.s32 $0x300;
	[sflag:s23] =	ssyncadd.s32 $0xFFFFC000  }
0x7d: {  	[spmem:s2] =	stream.indirect.scatter.add.f32 [tilespmem:s20], [sflag:$0x3], $0x80, s18, s22, $0xb8;
	[tilespmem:$0x1E800] =	vst v63  }
0x7e: {  	_ = 	snop  }
0x7f: {  	[tilespmem:s25], [sflag:$0x2] =	stream.indirect.gather [hbm4b:s4+s22], $0x80, s6, s22, $0xb8;
	[tilespmem:$0x1E800] =	vst v63  }
0x80: {  	_ =	swait.ge [sflag:s26], $0x4000  }
0x81: {  	[sflag:s26] =	ssyncset.done $0x0  }
0x82: {  	[sflag:s26] =	ssyncadd.s32 $0xFFFFC000  }
0x83: {  	s13 =	simm.s32 $0x1000;
	_ =	swait.ge [sflag:s28], $0x4000  }
0x84: {  	s15 =	simm.s32 $0x380;
	s18 =	smov.u32 s14;
	[sflag:s28] =	ssyncset.done $0x0  }
.LBB2_2:
0x85: {  	[sflag:s28] =	ssyncadd.s32 $0xFFFFC000  }
0x86: {  	s18 =	sadd.s32 $0x80, s18;
	s16 =	smov.u32 s13;
	s13 =	sadd.s32 $0x1000, s13  }
0x87: {  	[spmem:s2] =	stream.indirect.scatter.add.f32 [tilespmem:s25], [sflag:$0x4], $0x80, s15, s22, $0xb8;
	[tilespmem:$0x1E800] =	vst v63  }
0x88: {  	p0 =	sne.s32 s13, $0xA000  }
0x89: {  	[tilespmem:s21], [sflag:$0x5] =	stream.linear.gather [hbm4b:s18+s3], $0x400, $0x38;
	[tilespmem:$0x1E800] =	vst v63  }
0x8a: {  	_ =	swait.ge [sflag:s19], $0x400  }
0x8b: {  	p1 =	seq.s32 s16, $0x0;
	[sflag:s19] =	ssyncset.done $0x0  }
0x8c: {  	s15 =	simm.s32 @!p1 $0x4;
	[sflag:s19] =	ssyncadd.s32 $0xFFFFFC00  }
0x8d: {  	[tilespmem:s20], [sflag:$0x1] =	stream.indirect.gather [hbm4b:s4+s22], $0x80, s21, s22, $0xb8;
	[tilespmem:$0x1E800] =	vst v63  }
0x8e: {  	_ =	swait.ge @!p1 [sflag:s15], $0x4000  }
0x8f: {  	[sflag:s15] =	ssyncset.done @!p1 $0x0  }
0x90: {  	[sflag:s15] =	ssyncadd.s32 @!p1 $0xFFFFC000  }
0x91: {  	_ =	swait.ge [sflag:s23], $0x4000  }
0x92: {  	s15 =	sshra.s32 s16, $0x2;
	[sflag:s23] =	ssyncset.done $0x0  }
0x93: {  	[sflag:s23] =	ssyncadd.s32 $0xFFFFC000  }
0x94: {  	[spmem:s2] =	stream.indirect.scatter.add.f32 [tilespmem:s20], [sflag:$0x3], $0x80, s15, s22, $0xb8;
	[tilespmem:$0x1E800] =	vst v63  }
0x95: {  	_ = 	snop  }
0x96: {  	[tilespmem:s25], [sflag:$0x2] =	stream.indirect.gather [hbm4b:s4+s22], $0x80, s24, s22, $0xb8;
	[tilespmem:$0x1E800] =	vst v63  }
0x97: {  	_ =	swait.ge [sflag:s26], $0x4000  }
0x98: {  	[sflag:s26] =	ssyncset.done $0x0  }
0x99: {  	[sflag:s26] =	ssyncadd.s32 $0xFFFFC000  }
0x9a: {  	_ =	swait.ge [sflag:s28], $0x4000  }
0x9b: {  	s16 =	sadd.s32 $0x80, s15;
	[sflag:s28] =	ssyncset.done $0x0  }
0x9c: {  	[sflag:s28] =	ssyncadd.s32 $0xFFFFC000  }
0x9d: {  	[spmem:s2] =	stream.indirect.scatter.add.f32 [tilespmem:s25], [sflag:$0x4], $0x80, s16, s22, $0xb8;
	[tilespmem:$0x1E800] =	vst v63  }
0x9e: {  	_ = 	snop  }
0x9f: {  	[tilespmem:s20], [sflag:$0x1] =	stream.indirect.gather [hbm4b:s4+s22], $0x80, s29, s22, $0xb8;
	[tilespmem:$0x1E800] =	vst v63  }
0xa0: {  	_ =	swait.ge [sflag:s30], $0x4000  }
0xa1: {  	[sflag:s30] =	ssyncset.done $0x0  }
0xa2: {  	[sflag:s30] =	ssyncadd.s32 $0xFFFFC000  }
0xa3: {  	_ =	swait.ge [sflag:s23], $0x4000  }
0xa4: {  	s16 =	sadd.s32 $0x100, s15;
	[sflag:s23] =	ssyncset.done $0x0  }
0xa5: {  	[sflag:s23] =	ssyncadd.s32 $0xFFFFC000  }
0xa6: {  	[spmem:s2] =	stream.indirect.scatter.add.f32 [tilespmem:s20], [sflag:$0x3], $0x80, s16, s22, $0xb8;
	[tilespmem:$0x1E800] =	vst v63  }
0xa7: {  	_ = 	snop  }
0xa8: {  	[tilespmem:s25], [sflag:$0x2] =	stream.indirect.gather [hbm4b:s4+s22], $0x80, s31, s22, $0xb8;
	[tilespmem:$0x1E800] =	vst v63  }
0xa9: {  	_ =	swait.ge [sflag:s26], $0x4000  }
0xaa: {  	[sflag:s26] =	ssyncset.done $0x0  }
0xab: {  	[sflag:s26] =	ssyncadd.s32 $0xFFFFC000  }
0xac: {  	_ =	swait.ge [sflag:s28], $0x4000  }
0xad: {  	s16 =	sadd.s32 $0x180, s15;
	[sflag:s28] =	ssyncset.done $0x0  }
0xae: {  	[sflag:s28] =	ssyncadd.s32 $0xFFFFC000  }
0xaf: {  	[spmem:s2] =	stream.indirect.scatter.add.f32 [tilespmem:s25], [sflag:$0x4], $0x80, s16, s22, $0xb8;
	[tilespmem:$0x1E800] =	vst v63  }
0xb0: {  	_ = 	snop  }
0xb1: {  	[tilespmem:s20], [sflag:$0x1] =	stream.indirect.gather [hbm4b:s4+s22], $0x80, s1, s22, $0xb8;
	[tilespmem:$0x1E800] =	vst v63  }
0xb2: {  	_ =	swait.ge [sflag:s30], $0x4000  }
0xb3: {  	[sflag:s30] =	ssyncset.done $0x0  }
0xb4: {  	[sflag:s30] =	ssyncadd.s32 $0xFFFFC000  }
0xb5: {  	_ =	swait.ge [sflag:s23], $0x4000  }
0xb6: {  	s16 =	sadd.s32 $0x200, s15;
	[sflag:s23] =	ssyncset.done $0x0  }
0xb7: {  	[sflag:s23] =	ssyncadd.s32 $0xFFFFC000  }
0xb8: {  	[spmem:s2] =	stream.indirect.scatter.add.f32 [tilespmem:s20], [sflag:$0x3], $0x80, s16, s22, $0xb8;
	[tilespmem:$0x1E800] =	vst v63  }
0xb9: {  	_ = 	snop  }
0xba: {  	[tilespmem:s25], [sflag:$0x2] =	stream.indirect.gather [hbm4b:s4+s22], $0x80, s0, s22, $0xb8;
	[tilespmem:$0x1E800] =	vst v63  }
0xbb: {  	_ =	swait.ge [sflag:s26], $0x4000  }
0xbc: {  	[sflag:s26] =	ssyncset.done $0x0  }
0xbd: {  	[sflag:s26] =	ssyncadd.s32 $0xFFFFC000  }
0xbe: {  	_ =	swait.ge [sflag:s28], $0x4000  }
0xbf: {  	s16 =	sadd.s32 $0x280, s15;
	[sflag:s28] =	ssyncset.done $0x0  }
0xc0: {  	[sflag:s28] =	ssyncadd.s32 $0xFFFFC000  }
0xc1: {  	[spmem:s2] =	stream.indirect.scatter.add.f32 [tilespmem:s25], [sflag:$0x4], $0x80, s16, s22, $0xb8;
	[tilespmem:$0x1E800] =	vst v63  }
0xc2: {  	_ = 	snop  }
0xc3: {  	[tilespmem:s20], [sflag:$0x1] =	stream.indirect.gather [hbm4b:s4+s22], $0x80, s5, s22, $0xb8;
	[tilespmem:$0x1E800] =	vst v63  }
0xc4: {  	_ =	swait.ge [sflag:s30], $0x4000  }
0xc5: {  	[sflag:s30] =	ssyncset.done $0x0  }
0xc6: {  	[sflag:s30] =	ssyncadd.s32 $0xFFFFC000  }
0xc7: {  	_ =	swait.ge [sflag:s23], $0x4000  }
0xc8: {  	s16 =	sadd.s32 $0x300, s15;
	[sflag:s23] =	ssyncset.done $0x0  }
0xc9: {  	[sflag:s23] =	ssyncadd.s32 $0xFFFFC000  }
0xca: {  	[spmem:s2] =	stream.indirect.scatter.add.f32 [tilespmem:s20], [sflag:$0x3], $0x80, s16, s22, $0xb8;
	[tilespmem:$0x1E800] =	vst v63  }
0xcb: {  	_ = 	snop  }
0xcc: {  	[tilespmem:s25], [sflag:$0x2] =	stream.indirect.gather [hbm4b:s4+s22], $0x80, s6, s22, $0xb8;
	[tilespmem:$0x1E800] =	vst v63  }
.Ltmp0:
0xcd: {  	_ =	swait.ge [sflag:s26], $0x4000;
	(pc) =	sbr.rel @p0 .LBB2_2-.Ltmp0, $4  }
0xce: {  	[sflag:s26] =	ssyncset.done $0x0  }
0xcf: {  	[sflag:s26] =	ssyncadd.s32 $0xFFFFC000  }
0xd0: {  	_ =	swait.ge [sflag:s28], $0x4000  }
0xd1: {  	s15 =	sadd.s32 $0x380, s15;
	[sflag:s28] =	ssyncset.done $0x0  }
0xd2: {  	[sflag:s28] =	ssyncadd.s32 $0xFFFFC000  }
0xd3: {  	[spmem:s2] =	stream.indirect.scatter.add.f32 [tilespmem:s25], [sflag:$0x4], $0x80, s15, s22, $0xb8;
	[tilespmem:$0x1E800] =	vst v63  }
0xd4: {  	_ =	swait.ge [sflag:s30], $0x4000  }
0xd5: {  	[sflag:s30] =	ssyncset.done $0x0  }
0xd6: {  	s13 =	stileid.u32;
	[sflag:s30] =	ssyncadd.s32 $0xFFFFC000  }
0xd7: {  	s13 =	sshll.u32 s13, $0x6;
	[bflag:$0x0] =	sbarrier.arrive $0xFFFF  }
0xd8: {  	s18 =	sshrl.u32 s7, $0x3;
	s13 =	sor.u32 $0x1C05, s13;
	s16 =	rddreg [dreg:$0x5]  }
0xd9: {  	[hbm:s16], [sflag:s13] =	dma.local [spmem:s18], $0x800  }
0xda: {  	_ =	swait.ge [sflag:s19], $0x800  }
0xdb: {  	[sflag:s19] =	ssyncset.done $0x0  }
0xdc: {  	s16 =	sshrl.u32 s8, $0x3;
	s18 =	rddreg [dreg:$0x7];
	[sflag:s19] =	ssyncadd.s32 $0xFFFFF800  }
0xdd: {  	[hbm:s18], [sflag:s13] =	dma.local [spmem:s16], $0x800  }
0xde: {  	_ =	swait.ge [sflag:s19], $0x800  }
0xdf: {  	[sflag:s19] =	ssyncset.done $0x0  }
0xe0: {  	s16 =	sshrl.u32 s9, $0x3;
	s18 =	rddreg [dreg:$0x8];
	[sflag:s19] =	ssyncadd.s32 $0xFFFFF800  }
0xe1: {  	[hbm:s18], [sflag:s13] =	dma.local [spmem:s16], $0x800  }
0xe2: {  	_ =	swait.ge [sflag:s19], $0x800  }
0xe3: {  	[sflag:s19] =	ssyncset.done $0x0  }
0xe4: {  	s16 =	sshrl.u32 s10, $0x3;
	s18 =	rddreg [dreg:$0x9];
	[sflag:s19] =	ssyncadd.s32 $0xFFFFF800  }
0xe5: {  	[hbm:s18], [sflag:s13] =	dma.local [spmem:s16], $0x800  }
0xe6: {  	_ =	swait.ge [sflag:s19], $0x800  }
0xe7: {  	[sflag:s19] =	ssyncset.done $0x0  }
0xe8: {  	s16 =	sshrl.u32 s11, $0x3;
	[sflag:s19] =	ssyncadd.s32 $0xFFFFF800  }
0xe9: {  	[hbm:s17], [sflag:s13] =	dma.local [spmem:s16], $0x780  }
0xea: {  	_ =	swait.ge [sflag:s19], $0x780  }
0xeb: {  	s12 =	sadd.s32 $0x1, s12;
	s18 =	rddreg [dreg:$0x6]  }
0xec: {  	p0 =	sne.s32 s12, s18  }
.Ltmp1:
0xed: {  	_ = 	snop;
	(pc) =	sbr.rel @p0 .LBB2_1-.Ltmp1, $3  }
0xee: {  	_ =	sdelay $0x1  }
0xef: {  	[sflag:s19] =	ssyncset.done $0x0  }
0xf0: {  	[sflag:s19] =	ssyncadd.s32 $0xFFFFF880  }
0xf1: {  	_ =	sfence.sel $0x180000  }
0xf2: {  	[bflag:$0x0] =	sbarrier.arrive $0xFFFF  }
0xf3: {  	_ =	strace $0x9000004D  }
0xf4: {  	s0 =	stileid.u32;
	[bflag:$0x2] =	sbarrier.arrive $0xFFFF  }
0xf5: {  	p0 =	sne.s32 s0, $0x0;
	s0 =	rddreg [dreg:$0x2]  }
0xf6: {  	s0 =	sadd.s32 @!p0 $0x100000, s0  }
0xf7: {  	[sflag:s0] =	ssyncadd.tile.s32 @!p0 $0x1;
	_ =	shalt  }
.Lfunc_end2:
_tile_overlayer_lowered:
.L_overlay_start_2:
0xf8: {  	(tag) =	ssettag $0x2  }
0xf9: {  	s0 =	rddreg [dreg:$0x0];
	s2 =	stileid.u32  }
0xfa: {  	s1 =	rddreg [dreg:$0x1];
	p0 =	sne.s32 s2, $0x0  }
0xfb: {  	s3 =	rddreg [dreg:$0x2];
	[bflag:$0x3] =	sbarrier.arrive $0xFFFF;
	s2 =	simm.s32 @!p0 $0x1C05  }
0xfc: {  	[timem:s3], [sflag:s2] =	dma.local @!p0 [hbm:s0], s1  }
0xfd: {  	s0 =	simm.s32 @!p0 $0x5  }
0xfe: {  	_ =	swait.ge @!p0 [sflag:s0], s1  }
0xff: {  	s1 =	ssub.s32 @!p0 $0x0, s1;
	[sflag:s0] =	ssyncset.done @!p0 $0x0  }
0x100: {  	[sflag:s0] =	ssyncadd.s32 @!p0 s1  }
0x101: {  	[bflag:$0x3] =	sbarrier.arrive $0xFFFF  }
0x102: {  	_ =	shalt  }

// kernel: kernel.9.cloned.1.call-start
scs
__scs_entry_jumppad:
0x0: {  	(pc) =	sbr.rel $0x88, $3  }
0x1: {  	(tag) =	ssettag $0x0;
	lr =	simm.s32 $0x1  }
0x2: {  	[smem:$0x3F95] =	sst lr;
	_ =	strace $0xD0000000  }
0x3: {  	_ = 	snop  }
0x4: {  	_ = 	snop  }
0x5: {  	_ = 	snop  }
0x6: {  	_ = 	snop  }
0x7: {  	_ = 	snop  }
__scs_overlays_trampoline_lowered:
0x8: {  	[smem:$0x3FA4] =	sst s0  }
0x9: {  	[smem:$0x3FA5] =	sst s1  }
0xa: {  	[smem:$0x3FA6] =	sst s2  }
0xb: {  	[smem:$0x3FA7] =	sst s3  }
0xc: {  	[smem:$0x3FA8] =	sst s4  }
0xd: {  	[smem:$0x3FA9] =	sst s5  }
0xe: {  	[smem:$0x3FAA] =	sst s6  }
0xf: {  	[smem:$0x3FAB] =	sst s7  }
0x10: {  	[smem:$0x3FAC] =	sst s8  }
0x11: {  	[smem:$0x3FAD] =	sst s9;
	s0 =	simm.s32 @!p0 $0x0  }
0x12: {  	s1 =	sld [smem:$0x3F93];
	s0 =	simm.s32 @p0 $0x1  }
0x13: {  	[smem:$0x3FAE] =	sst s0;
	s0 =	simm.s32 @!p1 $0x0  }
0x14: {  	s2 =	sld [smem:$0x3F92];
	s0 =	simm.s32 @p1 $0x1  }
0x15: {  	[smem:$0x3FAF] =	sst s0;
	s0 =	simm.s32 @!p2 $0x0  }
0x16: {  	s3 =	sld [smem:$0x3FDB];
	s0 =	simm.s32 @p2 $0x1  }
0x17: {  	s4 =	simm.s32 $0x1BF5;
	[smem:$0x3FB1] =	sst s0  }
0x18: {  	s0 =	sld [smem:$0x3F94];
	_ =	swait.ge [sflag:s4], $0x0  }
0x19: {  	s7 =	sld [smem:$0x3F95]  }
0x1a: {  	s8 =	sadd.s32 $0xFFFFE003, lr  }
0x1b: {  	s9 =	sadd.s32 $0xFFFFFEF7, lr;
	s5 =	simm.s32 $0xFFFFFFFF;
	p2 =	slt.u32 s8, $0xFFFFF086  }
0x1c: {  	p1 =	slt.u32 s9, $0xF7A;
	s5 =	simm.s32 @!p2 $0x0  }
0x1d: {  	s5 =	simm.s32 @p1 $0x1;
	p0 =	seq.s32 s7, s2  }
0x1e: {  	s7 =	smul.u32 @!p0 $0xF7A, s2;
	p2 =	seq.s32 @!p0 s5, $0x0  }
0x1f: {  	s9 =	smul.u32 $0xF7A, s1;
	s8 =	simm.s32 @!p0 $0x1BF5;
	p2 =	por !p2, p0  }
0x20: {  	[sflag:s8] =	ssyncset.s32 @!p0 $0xFFFFF086;
	s6 =	sadd.s32 @!p0 s3, s7;
	s7 =	simm.s32 @!p0 $0x108  }
0x21: {  	s3 =	sadd.s32 s3, s9;
	s6 =	sadd.s32 @!p0 $0x88, s6;
	s7 =	simm.s32 @p2 $0x1082  }
0x22: {  	[simem:s7], [sflag:s8] =	dma.local @!p0 [hbm:s6], $0xF7A  }
0x23: {  	s9 =	sor.u32 $0xD0000000, s2;
	s6 =	simm.s32 $0x108;
	_ =	swait.ge @!p0 [sflag:s8], $0x0  }
0x24: {  	s3 =	sadd.s32 $0x88, s3;
	s6 =	simm.s32 @!p1 $0x1082;
	[sflag:s4] =	ssyncset.s32 $0xFFFFF086  }
0x25: {  	[simem:s6], [sflag:s4] =	dma.local [hbm:s3], $0xF7A  }
0x26: {  	[smem:$0x3F95] =	sst s1;
	(tag) =	ssettag s2;
	_ =	strace s9  }
0x27: {  	s1 =	sld [smem:$0x3FA5]  }
0x28: {  	s2 =	sld [smem:$0x3FA6]  }
0x29: {  	s4 =	sld [smem:$0x3FA8]  }
0x2a: {  	p0 =	seq.s32 s5, $0x0;
	s5 =	sld [smem:$0x3FA9]  }
0x2b: {  	s6 =	sld [smem:$0x3FAA]  }
0x2c: {  	s7 =	sld [smem:$0x3FAB]  }
0x2d: {  	s3 =	simm.s32 $0x108;
	s8 =	sld [smem:$0x3FAC]  }
0x2e: {  	s3 =	simm.s32 @!p0 $0x1082;
	s9 =	sld [smem:$0x3FAD]  }
0x2f: {  	lr =	sadd.s32 s0, s3;
	s0 =	sld [smem:$0x3FA4]  }
0x30: {  	s3 =	sld [smem:$0x3FA7]  }
0x31: {  	[smem:$0x3FB0] =	sst s10  }
0x32: {  	s10 =	sld [smem:$0x3FAE];
	_ =	sdelay $0x3  }
0x33: {  	p0 =	seq.s32 s10, $0x1;
	s10 =	sld [smem:$0x3FB0];
	_ =	sdelay $0x3  }
0x34: {  	[smem:$0x3FB0] =	sst s10  }
0x35: {  	s10 =	sld [smem:$0x3FAF];
	_ =	sdelay $0x3  }
0x36: {  	p1 =	seq.s32 s10, $0x1;
	s10 =	sld [smem:$0x3FB0];
	_ =	sdelay $0x3  }
0x37: {  	[smem:$0x3FB0] =	sst s10  }
0x38: {  	s10 =	sld [smem:$0x3FB1]  }
0x39: {  	_ = 	snop;
	(pc) =	sbr.ind lr, $3  }
0x3a: {  	_ = 	snop  }
0x3b: {  	_ = 	snop  }
0x3c: {  	p2 =	seq.s32 s10, $0x1;
	s10 =	sld [smem:$0x3FB0]  }
0x3d: {  	_ =	shalt  }
0x3e: {  	_ =	shalt  }
0x3f: {  	_ =	shalt  }
0x40: {  	_ =	shalt  }
0x41: {  	_ =	shalt  }
0x42: {  	_ =	shalt  }
0x43: {  	_ =	shalt  }
0x44: {  	_ =	shalt  }
0x45: {  	_ =	shalt  }
0x46: {  	_ =	shalt  }
0x47: {  	_ =	shalt  }
0x48: {  	_ =	shalt  }
0x49: {  	_ =	shalt  }
0x4a: {  	_ =	shalt  }
0x4b: {  	_ =	shalt  }
0x4c: {  	_ =	shalt  }
0x4d: {  	_ =	shalt  }
0x4e: {  	_ =	shalt  }
0x4f: {  	_ =	shalt  }
0x50: {  	_ =	shalt  }
0x51: {  	_ =	shalt  }
0x52: {  	_ =	shalt  }
0x53: {  	_ =	shalt  }
0x54: {  	_ =	shalt  }
0x55: {  	_ =	shalt  }
0x56: {  	_ =	shalt  }
0x57: {  	_ =	shalt  }
0x58: {  	_ =	shalt  }
0x59: {  	_ =	shalt  }
0x5a: {  	_ =	shalt  }
0x5b: {  	_ =	shalt  }
0x5c: {  	_ =	shalt  }
0x5d: {  	_ =	shalt  }
0x5e: {  	_ =	shalt  }
0x5f: {  	_ =	shalt  }
0x60: {  	_ =	shalt  }
0x61: {  	_ =	shalt  }
0x62: {  	_ =	shalt  }
0x63: {  	_ =	shalt  }
0x64: {  	_ =	shalt  }
0x65: {  	_ =	shalt  }
0x66: {  	_ =	shalt  }
0x67: {  	_ =	shalt  }
0x68: {  	_ =	shalt  }
0x69: {  	_ =	shalt  }
0x6a: {  	_ =	shalt  }
0x6b: {  	_ =	shalt  }
0x6c: {  	_ =	shalt  }
0x6d: {  	_ =	shalt  }
0x6e: {  	_ =	shalt  }
0x6f: {  	_ =	shalt  }
0x70: {  	_ =	shalt  }
0x71: {  	_ =	shalt  }
0x72: {  	_ =	shalt  }
0x73: {  	_ =	shalt  }
0x74: {  	_ =	shalt  }
0x75: {  	_ =	shalt  }
0x76: {  	_ =	shalt  }
0x77: {  	_ =	shalt  }
0x78: {  	_ =	shalt  }
0x79: {  	_ =	shalt  }
0x7a: {  	_ =	shalt  }
0x7b: {  	_ =	shalt  }
0x7c: {  	_ =	shalt  }
0x7d: {  	_ =	shalt  }
0x7e: {  	_ =	shalt  }
0x7f: {  	_ =	shalt  }
0x80: {  	_ =	shalt  }
0x81: {  	_ =	shalt  }
0x82: {  	_ =	shalt  }
0x83: {  	_ =	shalt  }
0x84: {  	_ =	shalt  }
0x85: {  	_ =	shalt  }
0x86: {  	_ =	shalt  }
0x87: {  	_ =	shalt  }
.Lfunc_end0:
.L_simem_size_0:
called_computation_lowered:
.L_overlay_start_0:
0x88: {  	s2 =	sld [smem:$0x3FD9]  }
0x89: {  	s3 =	sld [smem:$0x3FFE];
	_ =	sdelay $0x1  }
0x8a: {  	s1 =	srdreg.scid  }
0x8b: {  	s0 =	sand.u32 $0x1, s1  }
0x8c: {  	s16 =	sshll.u32 s0, $0xA;
	s2 =	sadd.s32 s3, s2  }
0x8d: {  	s2 =	sadd.s32 s2, s16  }
0x8e: {  	[smem:$0x3FBC] =	sst s2  }
0x8f: {  	_ = 	snop  }
0x90: {  	(tm) =	ssettm $0x1  }
0x91: {  	s17 =	sld [smem:$0x3FFB];
	_ =	sdelay $0x3  }
0x92: {  	_ =	strace s17  }
0x93: {  	s2 =	sld [smem:$0x3FFC];
	_ =	sdelay $0x3  }
0x94: {  	_ =	strace s2  }
0x95: {  	s2 =	sld [smem:$0x3FFD];
	_ =	sdelay $0x3  }
0x96: {  	_ =	strace s2  }
0x97: {  	_ =	strace $0x8FFFFFFF  }
0x98: {  	s18 =	sld [smem:$0x3FDB];
	_ =	sdelay $0x1  }
0x99: {  	s19 =	simm.s32 $_scs_section_size  }
0x9a: {  	s4 =	simm.s32 $_size__tile_overlayer_lowered;
	s5 =	simm.s32 $_tile_overlayer_lowered  }
0x9b: {  	s22 =	simm.s32 $0x1BFF;
	s21 =	sshll.u32 s5, $0x1;
	s2 =	sadd.s32 s19, s18  }
0x9c: {  	s6 =	simm.s32 $0x0;
	s20 =	sshll.u32 s4, $0x1;
	s4 =	sadd.s32 s21, s2  }
0x9d: {  	[timem:s6], [sflag:s22] =	dma.local [hbm:s4], s20  }
0x9e: {  	_ =	swait.ge [sflag:s22], s20  }
0x9f: {  	s3 =	ssub.s32 $0x0, s20;
	[sflag:s22] =	ssyncset.done $0x0  }
0xa0: {  	[sflag:s22] =	ssyncadd.s32 s3;
	_ =	sdelay $0x1  }
0xa1: {  	s23 =	simm.s32 $0x1B8B  }
0xa2: {  	_ =	swait.ge [sflag:s23], $0x1  }
0xa3: {  	[sflag:s23] =	ssyncset.done $0x0  }
0xa4: {  	s25 =	simm.s32 $0x1B8E;
	s24 =	sld [smem:$0x3FFE];
	[sflag:s23] =	ssyncadd.s32 $0xFFFFFFFF  }
0xa5: {  	s26 =	simm.s32 $execute0_lowered;
	[smem:$0x3FD2] =	sst s25  }
0xa6: {  	s4 =	sshll.u32 s26, $0x1;
	_ =	strace $0x80000046;
	[dreg:$0x1] =	wrdreg $0xFFFFFFFF  }
0xa7: {  	s28 =	simm.s32 $_size_execute0_lowered;
	s2 =	sadd.s32 s2, s4;
	[dreg:$0x0] =	wrdreg $0x0  }
0xa8: {  	s4 =	sshll.u32 s28, $0x1;
	[dreg:$0x2] =	wrdreg s2  }
0xa9: {  	[dreg:$0x3] =	wrdreg s4  }
0xaa: {  	[dreg:$0x4] =	wrdreg $0xC0  }
0xab: {  	_ =	task [dreg:s6], $0x5FFFF  }
0xac: {  	[dreg:$0x1] =	wrdreg $0xFFFFFFFF  }
0xad: {  	[dreg:$0x0] =	wrdreg $0x60  }
0xae: {  	[dreg:$0x2] =	wrdreg s24  }
0xaf: {  	[dreg:$0x3] =	wrdreg $0x64000  }
0xb0: {  	[dreg:$0x4] =	wrdreg $0x66780  }
0xb1: {  	[dreg:$0x5] =	wrdreg $0x9  }
0xb2: {  	_ =	task.clear_ibuf [dreg:s6], $0x6FFFF;
	_ =	strace $0x90000046  }
0xb3: {  	s29 =	simm.s32 $0x9;
	_ =	strace $0x80000048  }
0xb4: {  	_ =	swait.ge [sflag:s29], $0x1  }
0xb5: {  	[sflag:s29] =	ssyncadd.s32 $0xFFFFFFFF  }
0xb6: {  	_ =	strace $0x90000048  }
0xb7: {  	_ =	sfence  }
0xb8: {  	s30 =	sld [smem:$0x0];
	_ =	sdelay $0x2  }
0xb9: {  	s31 =	sshll.u32 s1, $0xD;
	s1 =	sshrl.u32 s1, $0x2  }
0xba: {  	s3 =	sand.u32 $0x4000, s31;
	s1 =	sadd.s32 s1, s30  }
0xbb: {  	s0 =	sor.u32 s3, s0;
	s1 =	sshll.u32 s1, $0x11  }
0xbc: {  	s0 =	sor.u32 s1, s0  }
0xbd: {  	s0 =	sadd.s32 $0x8F2B, s0  }
0xbe: {  	[sflag:s0] =	ssyncadd.remote.s32 $0x1  }
0xbf: {  	_ =	sfence.sel $0xFFFF  }
0xc0: {  	[dreg:$0x0] =	wrdreg $0xFFFFFFFF;
	(pc) =	sbr.abs _section_cstart, $3  }
0xc1: {  	[dreg:$0x1] =	wrdreg $0xFFFFFFFF  }
0xc2: {  	_ =	task.clear_ibuf [dreg:s6], $0x2FFFF;
	_ =	strace $0x9FFFFFFF  }
0xc3: {  	(tm) =	ssettm $0x7FFFFFFF  }
tec
execute0_lowered:
.L_overlay_start_1:
0x0: {  	(tag) =	ssettag $0x1  }
0x1: {  	s2 =	rddreg [dreg:$0x0]  }
0x2: {  	s0 =	srdreg.scid;
	s1 =	rddreg [dreg:$0x1]  }
0x3: {  	s13 =	stileid.u32;
	s3 =	rddreg [dreg:$0x2]  }
0x4: {  	s12 =	simm.s32 $0x2;
	s14 =	simm.s32 $0x80;
	s15 =	simm.s32 $0x3C00  }
0x5: {  	s22 =	simm.s32 $0x1;
	s30 =	simm.s32 $0xF00;
	s31 =	simm.s32 $0xF80  }
0x6: {  	s16 =	simm.s32 $0x1100;
	s17 =	simm.s32 $0x1180;
	s18 =	simm.s32 $0x1200  }
0x7: {  	s19 =	simm.s32 $0x1280;
	s20 =	simm.s32 $0x1300;
	s21 =	simm.s32 $0x1380  }
0x8: {  	s0 =	sand.u32 $0x1, s0;
	p0 =	seq.s32 s13, $0x0;
	s10 =	sadd.s32 $0x221F0, s2  }
0x9: {  	s4 =	sshll.u32 s0, $0x4;
	s7 =	ssub.s32 $0x2, s0;
	p1 =	seq.s32 s0, $0x1  }
0xa: {  	s0 =	sor.u32 s0, s13;
	s5 =	sor.u32 s13, s4;
	s4 =	simm.s32 $0x0  }
0xb: {  	s8 =	sshrl.u32 s7, $0x1;
	p0 =	por !p0, !p1;
	p2 =	sne.s32 s0, $0x0  }
0xc: {  	s0 =	simm.s32 $0x1000;
	s6 =	smul.u32 $0x280, s5;
	[smem:$0x7FF] =	sst s4  }
0xd: {  	s5 =	smul.u32 $0x500, s5;
	s11 =	ssub.s32 s7, s8;
	s8 =	sadd.s32 $0x221E0, s2  }
0xe: {  	p1 =	por !p0, !p0;
	p0 =	sne.s32 s13, $0x0;
	s13 =	simm.s32 $0x1080  }
0xf: {  	_ =	strace $0x80000047;
	s11 =	smax.u32 s11, $0x1;
	s6 =	sadd.s32 s6, s2  }
0x10: {  	s9 =	sadd.s32 s5, s2;
	s5 =	sadd.s32 $0x21800, s2;
	s6 =	sadd.s32 $0x1C800, s6  }
0x11: {  	v0 =	vimm.f32 $1.000000000e+00;
	v1 =	vimm.f32 $0.0e+00;
	s7 =	sadd.s32 $0xD800, s9;
	s9 =	sadd.s32 $0x21810, s2;
	s2 =	simm.s32 $0x0  }
.LBB2_1:
0x12: {  	[tilespmem:s4], [sflag:$0x2] =	stream.linear.gather [hbm4b:s6+s4], $0x1400, $0x38;
	[tilespmem:$0x68F0] =	vst v63  }
0x13: {  	_ =	swait.ge [sflag:s12], $0x1400  }
0x14: {  	[sflag:s12] =	ssyncset.done $0x0  }
0x15: {  	s23 =	simm.s32 $0x1400;
	[sflag:s12] =	ssyncadd.s32 $0xFFFFEC00  }
0x16: {  	[tilespmem:s23], [sflag:$0x2] =	stream.linear.gather [hbm4b:s7+s4], $0x2800, $0x38;
	[tilespmem:$0x68F0] =	vst v63  }
0x17: {  	_ =	swait.ge [sflag:s12], $0x2800  }
0x18: {  	[sflag:s12] =	ssyncset.done $0x0  }
0x19: {  	[sflag:s12] =	ssyncadd.s32 $0xFFFFD800  }
0x1a: {  	[tilespmem:$0x3C00] =	vst v0  }
0x1b: {  	[tilespmem:$0x3C10] =	vst v0  }
0x1c: {  	[tilespmem:$0x3C20] =	vst v0  }
0x1d: {  	[tilespmem:$0x3C30] =	vst v0  }
0x1e: {  	[tilespmem:$0x3C40] =	vst v0  }
0x1f: {  	[tilespmem:$0x3C50] =	vst v0  }
0x20: {  	[tilespmem:$0x3C60] =	vst v0  }
0x21: {  	s24 =	simm.s32 $0x0;
	s23 =	simm.s32 $0x40;
	[tilespmem:$0x3C70] =	vst v0  }
.LBB2_2:
0x22: {  	p3 =	sne.s32 s23, $0x9DC0;
	[tilespmem:s24+$0x3C80] =	vst v1;
	s24 =	smov.u32 s23;
	s23 =	sadd.s32 $0x40, s23  }
.Ltmp0:
0x23: {  	(pc) =	sbr.rel @p3 .LBB2_2-.Ltmp0, $2  }
0x24: {  	_ =	sdelay $0x2  }
0x25: {  	s24 =	sshra.s32 s24, $0x2  }
0x26: {  	[tilespmem:s24+$0x3C80] =	vst v1;
	s23 =	simm.s32 @!p0 $0x3C80;
	s24 =	simm.s32 @!p0 $0x2  }
0x27: {  	[spmem:s1] =	stream.linear.scatter @!p0 [tilespmem:s23], [sflag:$0x2], $0x2780, $0x38;
	[tilespmem:$0x68F0] =	vst v63  }
0x28: {  	_ =	swait.ge @!p0 [sflag:s24], $0x2780  }
0x29: {  	[sflag:s24] =	ssyncset.done @!p0 $0x0  }
0x2a: {  	[sflag:s24] =	ssyncadd.s32 @!p0 $0xFFFFD880  }
0x2b: {  	[spmem:s3] =	stream.linear.scatter @!p0 [tilespmem:s23], [sflag:$0x2], $0x2780, $0x38;
	[tilespmem:$0x68F0] =	vst v63  }
0x2c: {  	_ =	swait.ge @!p0 [sflag:s24], $0x2780  }
0x2d: {  	[sflag:s24] =	ssyncset.done @!p0 $0x0  }
0x2e: {  	[sflag:s24] =	ssyncadd.s32 @!p0 $0xFFFFD880  }
0x2f: {  	s28 =	simm.s32 $0x0;
	[bflag:$0x0] =	sbarrier.arrive $0xFFFF  }
0x30: {  	[spmem:s1] =	stream.indirect.scatter.add.f32 [tilespmem:s15], [sflag:$0x1], $0x1, s28, s14, $0xb8;
	[tilespmem:$0x68F0] =	vst v63  }
0x31: {  	_ = 	snop  }
0x32: {  	[spmem:s1] =	stream.indirect.scatter.add.f32 [tilespmem:s15], [sflag:$0x1], $0x1, s14, s14, $0xb8;
	[tilespmem:$0x68F0] =	vst v63  }
0x33: {  	s29 =	simm.s32 $0x100  }
0x34: {  	[spmem:s1] =	stream.indirect.scatter.add.f32 [tilespmem:s15], [sflag:$0x1], $0x1, s29, s14, $0xb8;
	[tilespmem:$0x68F0] =	vst v63  }
0x35: {  	s24 =	simm.s32 $0x180  }
0x36: {  	[spmem:s1] =	stream.indirect.scatter.add.f32 [tilespmem:s15], [sflag:$0x1], $0x1, s24, s14, $0xb8;
	[tilespmem:$0x68F0] =	vst v63  }
0x37: {  	s25 =	simm.s32 $0x200  }
0x38: {  	[spmem:s1] =	stream.indirect.scatter.add.f32 [tilespmem:s15], [sflag:$0x1], $0x1, s25, s14, $0xb8;
	[tilespmem:$0x68F0] =	vst v63  }
0x39: {  	s26 =	simm.s32 $0x280  }
0x3a: {  	[spmem:s1] =	stream.indirect.scatter.add.f32 [tilespmem:s15], [sflag:$0x1], $0x1, s26, s14, $0xb8;
	[tilespmem:$0x68F0] =	vst v63  }
0x3b: {  	s28 =	simm.s32 $0x300  }
0x3c: {  	[spmem:s1] =	stream.indirect.scatter.add.f32 [tilespmem:s15], [sflag:$0x1], $0x1, s28, s14, $0xb8;
	[tilespmem:$0x68F0] =	vst v63  }
0x3d: {  	s29 =	simm.s32 $0x380  }
0x3e: {  	[spmem:s1] =	stream.indirect.scatter.add.f32 [tilespmem:s15], [sflag:$0x1], $0x1, s29, s14, $0xb8;
	[tilespmem:$0x68F0] =	vst v63  }
0x3f: {  	_ =	swait.ge [sflag:s22], $0x80  }
0x40: {  	[sflag:s22] =	ssyncset.done $0x0  }
0x41: {  	[sflag:s22] =	ssyncadd.s32 $0xFFFFFF80  }
0x42: {  	_ =	swait.ge [sflag:s22], $0x80  }
0x43: {  	[sflag:s22] =	ssyncset.done $0x0  }
0x44: {  	[sflag:s22] =	ssyncadd.s32 $0xFFFFFF80  }
0x45: {  	_ =	swait.ge [sflag:s22], $0x80  }
0x46: {  	[sflag:s22] =	ssyncset.done $0x0  }
0x47: {  	[sflag:s22] =	ssyncadd.s32 $0xFFFFFF80  }
0x48: {  	_ =	swait.ge [sflag:s22], $0x80  }
0x49: {  	[sflag:s22] =	ssyncset.done $0x0  }
0x4a: {  	[sflag:s22] =	ssyncadd.s32 $0xFFFFFF80  }
0x4b: {  	_ =	swait.ge [sflag:s22], $0x80  }
0x4c: {  	[sflag:s22] =	ssyncset.done $0x0  }
0x4d: {  	[sflag:s22] =	ssyncadd.s32 $0xFFFFFF80  }
0x4e: {  	_ =	swait.ge [sflag:s22], $0x80  }
0x4f: {  	[sflag:s22] =	ssyncset.done $0x0  }
0x50: {  	[sflag:s22] =	ssyncadd.s32 $0xFFFFFF80  }
0x51: {  	_ =	swait.ge [sflag:s22], $0x80  }
0x52: {  	[sflag:s22] =	ssyncset.done $0x0  }
0x53: {  	[sflag:s22] =	ssyncadd.s32 $0xFFFFFF80  }
0x54: {  	_ =	swait.ge [sflag:s22], $0x80  }
0x55: {  	[sflag:s22] =	ssyncset.done $0x0  }
0x56: {  	s24 =	simm.s32 $0x400;
	[sflag:s22] =	ssyncadd.s32 $0xFFFFFF80  }
0x57: {  	[spmem:s1] =	stream.indirect.scatter.add.f32 [tilespmem:s15], [sflag:$0x1], $0x1, s24, s14, $0xb8;
	[tilespmem:$0x68F0] =	vst v63  }
0x58: {  	s25 =	simm.s32 $0x480  }
0x59: {  	[spmem:s1] =	stream.indirect.scatter.add.f32 [tilespmem:s15], [sflag:$0x1], $0x1, s25, s14, $0xb8;
	[tilespmem:$0x68F0] =	vst v63  }
0x5a: {  	s26 =	simm.s32 $0x500  }
0x5b: {  	[spmem:s1] =	stream.indirect.scatter.add.f32 [tilespmem:s15], [sflag:$0x1], $0x1, s26, s14, $0xb8;
	[tilespmem:$0x68F0] =	vst v63  }
0x5c: {  	s28 =	simm.s32 $0x580  }
0x5d: {  	[spmem:s1] =	stream.indirect.scatter.add.f32 [tilespmem:s15], [sflag:$0x1], $0x1, s28, s14, $0xb8;
	[tilespmem:$0x68F0] =	vst v63  }
0x5e: {  	s29 =	simm.s32 $0x600  }
0x5f: {  	[spmem:s1] =	stream.indirect.scatter.add.f32 [tilespmem:s15], [sflag:$0x1], $0x1, s29, s14, $0xb8;
	[tilespmem:$0x68F0] =	vst v63  }
0x60: {  	s24 =	simm.s32 $0x680  }
0x61: {  	[spmem:s1] =	stream.indirect.scatter.add.f32 [tilespmem:s15], [sflag:$0x1], $0x1, s24, s14, $0xb8;
	[tilespmem:$0x68F0] =	vst v63  }
0x62: {  	s25 =	simm.s32 $0x700  }
0x63: {  	[spmem:s1] =	stream.indirect.scatter.add.f32 [tilespmem:s15], [sflag:$0x1], $0x1, s25, s14, $0xb8;
	[tilespmem:$0x68F0] =	vst v63  }
0x64: {  	s26 =	simm.s32 $0x780  }
0x65: {  	[spmem:s1] =	stream.indirect.scatter.add.f32 [tilespmem:s15], [sflag:$0x1], $0x1, s26, s14, $0xb8;
	[tilespmem:$0x68F0] =	vst v63  }
0x66: {  	_ =	swait.ge [sflag:s22], $0x80  }
0x67: {  	[sflag:s22] =	ssyncset.done $0x0  }
0x68: {  	[sflag:s22] =	ssyncadd.s32 $0xFFFFFF80  }
0x69: {  	_ =	swait.ge [sflag:s22], $0x80  }
0x6a: {  	[sflag:s22] =	ssyncset.done $0x0  }
0x6b: {  	[sflag:s22] =	ssyncadd.s32 $0xFFFFFF80  }
0x6c: {  	_ =	swait.ge [sflag:s22], $0x80  }
0x6d: {  	[sflag:s22] =	ssyncset.done $0x0  }
0x6e: {  	[sflag:s22] =	ssyncadd.s32 $0xFFFFFF80  }
0x6f: {  	_ =	swait.ge [sflag:s22], $0x80  }
0x70: {  	[sflag:s22] =	ssyncset.done $0x0  }
0x71: {  	[sflag:s22] =	ssyncadd.s32 $0xFFFFFF80  }
0x72: {  	_ =	swait.ge [sflag:s22], $0x80  }
0x73: {  	[sflag:s22] =	ssyncset.done $0x0  }
0x74: {  	[sflag:s22] =	ssyncadd.s32 $0xFFFFFF80  }
0x75: {  	_ =	swait.ge [sflag:s22], $0x80  }
0x76: {  	[sflag:s22] =	ssyncset.done $0x0  }
0x77: {  	[sflag:s22] =	ssyncadd.s32 $0xFFFFFF80  }
0x78: {  	_ =	swait.ge [sflag:s22], $0x80  }
0x79: {  	[sflag:s22] =	ssyncset.done $0x0  }
0x7a: {  	[sflag:s22] =	ssyncadd.s32 $0xFFFFFF80  }
0x7b: {  	_ =	swait.ge [sflag:s22], $0x80  }
0x7c: {  	[sflag:s22] =	ssyncset.done $0x0  }
0x7d: {  	s28 =	simm.s32 $0x800;
	[sflag:s22] =	ssyncadd.s32 $0xFFFFFF80  }
0x7e: {  	[spmem:s1] =	stream.indirect.scatter.add.f32 [tilespmem:s15], [sflag:$0x1], $0x1, s28, s14, $0xb8;
	[tilespmem:$0x68F0] =	vst v63  }
0x7f: {  	s29 =	simm.s32 $0x880  }
0x80: {  	[spmem:s1] =	stream.indirect.scatter.add.f32 [tilespmem:s15], [sflag:$0x1], $0x1, s29, s14, $0xb8;
	[tilespmem:$0x68F0] =	vst v63  }
0x81: {  	s24 =	simm.s32 $0x900  }
0x82: {  	[spmem:s1] =	stream.indirect.scatter.add.f32 [tilespmem:s15], [sflag:$0x1], $0x1, s24, s14, $0xb8;
	[tilespmem:$0x68F0] =	vst v63  }
0x83: {  	s25 =	simm.s32 $0x980  }
0x84: {  	[spmem:s1] =	stream.indirect.scatter.add.f32 [tilespmem:s15], [sflag:$0x1], $0x1, s25, s14, $0xb8;
	[tilespmem:$0x68F0] =	vst v63  }
0x85: {  	s26 =	simm.s32 $0xA00  }
0x86: {  	[spmem:s1] =	stream.indirect.scatter.add.f32 [tilespmem:s15], [sflag:$0x1], $0x1, s26, s14, $0xb8;
	[tilespmem:$0x68F0] =	vst v63  }
0x87: {  	s28 =	simm.s32 $0xA80  }
0x88: {  	[spmem:s1] =	stream.indirect.scatter.add.f32 [tilespmem:s15], [sflag:$0x1], $0x1, s28, s14, $0xb8;
	[tilespmem:$0x68F0] =	vst v63  }
0x89: {  	s29 =	simm.s32 $0xB00  }
0x8a: {  	[spmem:s1] =	stream.indirect.scatter.add.f32 [tilespmem:s15], [sflag:$0x1], $0x1, s29, s14, $0xb8;
	[tilespmem:$0x68F0] =	vst v63  }
0x8b: {  	s24 =	simm.s32 $0xB80  }
0x8c: {  	[spmem:s1] =	stream.indirect.scatter.add.f32 [tilespmem:s15], [sflag:$0x1], $0x1, s24, s14, $0xb8;
	[tilespmem:$0x68F0] =	vst v63  }
0x8d: {  	_ =	swait.ge [sflag:s22], $0x80  }
0x8e: {  	[sflag:s22] =	ssyncset.done $0x0  }
0x8f: {  	[sflag:s22] =	ssyncadd.s32 $0xFFFFFF80  }
0x90: {  	_ =	swait.ge [sflag:s22], $0x80  }
0x91: {  	[sflag:s22] =	ssyncset.done $0x0  }
0x92: {  	[sflag:s22] =	ssyncadd.s32 $0xFFFFFF80  }
0x93: {  	_ =	swait.ge [sflag:s22], $0x80  }
0x94: {  	[sflag:s22] =	ssyncset.done $0x0  }
0x95: {  	[sflag:s22] =	ssyncadd.s32 $0xFFFFFF80  }
0x96: {  	_ =	swait.ge [sflag:s22], $0x80  }
0x97: {  	[sflag:s22] =	ssyncset.done $0x0  }
0x98: {  	[sflag:s22] =	ssyncadd.s32 $0xFFFFFF80  }
0x99: {  	_ =	swait.ge [sflag:s22], $0x80  }
0x9a: {  	[sflag:s22] =	ssyncset.done $0x0  }
0x9b: {  	[sflag:s22] =	ssyncadd.s32 $0xFFFFFF80  }
0x9c: {  	_ =	swait.ge [sflag:s22], $0x80  }
0x9d: {  	[sflag:s22] =	ssyncset.done $0x0  }
0x9e: {  	[sflag:s22] =	ssyncadd.s32 $0xFFFFFF80  }
0x9f: {  	_ =	swait.ge [sflag:s22], $0x80  }
0xa0: {  	[sflag:s22] =	ssyncset.done $0x0  }
0xa1: {  	[sflag:s22] =	ssyncadd.s32 $0xFFFFFF80  }
0xa2: {  	_ =	swait.ge [sflag:s22], $0x80  }
0xa3: {  	[sflag:s22] =	ssyncset.done $0x0  }
0xa4: {  	s25 =	simm.s32 $0xC00;
	[sflag:s22] =	ssyncadd.s32 $0xFFFFFF80  }
0xa5: {  	[spmem:s1] =	stream.indirect.scatter.add.f32 [tilespmem:s15], [sflag:$0x1], $0x1, s25, s14, $0xb8;
	[tilespmem:$0x68F0] =	vst v63  }
0xa6: {  	s26 =	simm.s32 $0xC80  }
0xa7: {  	[spmem:s1] =	stream.indirect.scatter.add.f32 [tilespmem:s15], [sflag:$0x1], $0x1, s26, s14, $0xb8;
	[tilespmem:$0x68F0] =	vst v63  }
0xa8: {  	s28 =	simm.s32 $0xD00  }
0xa9: {  	[spmem:s1] =	stream.indirect.scatter.add.f32 [tilespmem:s15], [sflag:$0x1], $0x1, s28, s14, $0xb8;
	[tilespmem:$0x68F0] =	vst v63  }
0xaa: {  	s29 =	simm.s32 $0xD80  }
0xab: {  	[spmem:s1] =	stream.indirect.scatter.add.f32 [tilespmem:s15], [sflag:$0x1], $0x1, s29, s14, $0xb8;
	[tilespmem:$0x68F0] =	vst v63  }
0xac: {  	s24 =	simm.s32 $0xE00  }
0xad: {  	[spmem:s1] =	stream.indirect.scatter.add.f32 [tilespmem:s15], [sflag:$0x1], $0x1, s24, s14, $0xb8;
	[tilespmem:$0x68F0] =	vst v63  }
0xae: {  	s25 =	simm.s32 $0xE80  }
0xaf: {  	[spmem:s1] =	stream.indirect.scatter.add.f32 [tilespmem:s15], [sflag:$0x1], $0x1, s25, s14, $0xb8;
	[tilespmem:$0x68F0] =	vst v63  }
0xb0: {  	_ = 	snop  }
0xb1: {  	[spmem:s1] =	stream.indirect.scatter.add.f32 [tilespmem:s15], [sflag:$0x1], $0x1, s30, s14, $0xb8;
	[tilespmem:$0x68F0] =	vst v63  }
0xb2: {  	_ = 	snop  }
0xb3: {  	[spmem:s1] =	stream.indirect.scatter.add.f32 [tilespmem:s15], [sflag:$0x1], $0x1, s31, s14, $0xb8;
	[tilespmem:$0x68F0] =	vst v63  }
0xb4: {  	_ =	swait.ge [sflag:s22], $0x80  }
0xb5: {  	[sflag:s22] =	ssyncset.done $0x0  }
0xb6: {  	[sflag:s22] =	ssyncadd.s32 $0xFFFFFF80  }
0xb7: {  	_ =	swait.ge [sflag:s22], $0x80  }
0xb8: {  	[sflag:s22] =	ssyncset.done $0x0  }
0xb9: {  	[sflag:s22] =	ssyncadd.s32 $0xFFFFFF80  }
0xba: {  	_ =	swait.ge [sflag:s22], $0x80  }
0xbb: {  	[sflag:s22] =	ssyncset.done $0x0  }
0xbc: {  	[sflag:s22] =	ssyncadd.s32 $0xFFFFFF80  }
0xbd: {  	_ =	swait.ge [sflag:s22], $0x80  }
0xbe: {  	[sflag:s22] =	ssyncset.done $0x0  }
0xbf: {  	[sflag:s22] =	ssyncadd.s32 $0xFFFFFF80  }
0xc0: {  	_ =	swait.ge [sflag:s22], $0x80  }
0xc1: {  	[sflag:s22] =	ssyncset.done $0x0  }
0xc2: {  	[sflag:s22] =	ssyncadd.s32 $0xFFFFFF80  }
0xc3: {  	_ =	swait.ge [sflag:s22], $0x80  }
0xc4: {  	[sflag:s22] =	ssyncset.done $0x0  }
0xc5: {  	[sflag:s22] =	ssyncadd.s32 $0xFFFFFF80  }
0xc6: {  	_ =	swait.ge [sflag:s22], $0x80  }
0xc7: {  	[sflag:s22] =	ssyncset.done $0x0  }
0xc8: {  	[sflag:s22] =	ssyncadd.s32 $0xFFFFFF80  }
0xc9: {  	_ =	swait.ge [sflag:s22], $0x80  }
0xca: {  	[sflag:s22] =	ssyncset.done $0x0  }
0xcb: {  	[sflag:s22] =	ssyncadd.s32 $0xFFFFFF80  }
0xcc: {  	[spmem:s1] =	stream.indirect.scatter.add.f32 [tilespmem:s15], [sflag:$0x1], $0x1, s0, s14, $0xb8;
	[tilespmem:$0x68F0] =	vst v63  }
0xcd: {  	_ = 	snop  }
0xce: {  	[spmem:s1] =	stream.indirect.scatter.add.f32 [tilespmem:s15], [sflag:$0x1], $0x1, s13, s14, $0xb8;
	[tilespmem:$0x68F0] =	vst v63  }
0xcf: {  	_ = 	snop  }
0xd0: {  	[spmem:s1] =	stream.indirect.scatter.add.f32 [tilespmem:s15], [sflag:$0x1], $0x1, s16, s14, $0xb8;
	[tilespmem:$0x68F0] =	vst v63  }
0xd1: {  	_ = 	snop  }
0xd2: {  	[spmem:s1] =	stream.indirect.scatter.add.f32 [tilespmem:s15], [sflag:$0x1], $0x1, s17, s14, $0xb8;
	[tilespmem:$0x68F0] =	vst v63  }
0xd3: {  	_ = 	snop  }
0xd4: {  	[spmem:s1] =	stream.indirect.scatter.add.f32 [tilespmem:s15], [sflag:$0x1], $0x1, s18, s14, $0xb8;
	[tilespmem:$0x68F0] =	vst v63  }
0xd5: {  	_ = 	snop  }
0xd6: {  	[spmem:s1] =	stream.indirect.scatter.add.f32 [tilespmem:s15], [sflag:$0x1], $0x1, s19, s14, $0xb8;
	[tilespmem:$0x68F0] =	vst v63  }
0xd7: {  	_ = 	snop  }
0xd8: {  	[spmem:s1] =	stream.indirect.scatter.add.f32 [tilespmem:s15], [sflag:$0x1], $0x1, s20, s14, $0xb8;
	[tilespmem:$0x68F0] =	vst v63  }
0xd9: {  	_ = 	snop  }
0xda: {  	[spmem:s1] =	stream.indirect.scatter.add.f32 [tilespmem:s15], [sflag:$0x1], $0x1, s21, s14, $0xb8;
	[tilespmem:$0x68F0] =	vst v63  }
0xdb: {  	_ =	swait.ge [sflag:s22], $0x80  }
0xdc: {  	[sflag:s22] =	ssyncset.done $0x0  }
0xdd: {  	[sflag:s22] =	ssyncadd.s32 $0xFFFFFF80  }
0xde: {  	_ =	swait.ge [sflag:s22], $0x80  }
0xdf: {  	[sflag:s22] =	ssyncset.done $0x0  }
0xe0: {  	[sflag:s22] =	ssyncadd.s32 $0xFFFFFF80  }
0xe1: {  	_ =	swait.ge [sflag:s22], $0x80  }
0xe2: {  	[sflag:s22] =	ssyncset.done $0x0  }
0xe3: {  	[sflag:s22] =	ssyncadd.s32 $0xFFFFFF80  }
0xe4: {  	_ =	swait.ge [sflag:s22], $0x80  }
0xe5: {  	[sflag:s22] =	ssyncset.done $0x0  }
0xe6: {  	[sflag:s22] =	ssyncadd.s32 $0xFFFFFF80  }
0xe7: {  	_ =	swait.ge [sflag:s22], $0x80  }
0xe8: {  	[sflag:s22] =	ssyncset.done $0x0  }
0xe9: {  	[sflag:s22] =	ssyncadd.s32 $0xFFFFFF80  }
0xea: {  	_ =	swait.ge [sflag:s22], $0x80  }
0xeb: {  	[sflag:s22] =	ssyncset.done $0x0  }
0xec: {  	[sflag:s22] =	ssyncadd.s32 $0xFFFFFF80  }
0xed: {  	_ =	swait.ge [sflag:s22], $0x80  }
0xee: {  	[sflag:s22] =	ssyncset.done $0x0  }
0xef: {  	[sflag:s22] =	ssyncadd.s32 $0xFFFFFF80  }
0xf0: {  	_ =	swait.ge [sflag:s22], $0x80  }
0xf1: {  	[sflag:s22] =	ssyncset.done $0x0  }
0xf2: {  	s26 =	simm.s32 $0x1400;
	[sflag:s22] =	ssyncadd.s32 $0xFFFFFF80  }
0xf3: {  	[spmem:s3] =	stream.indirect.scatter.add.f32 [tilespmem:s15], [sflag:$0x1], $0x1, s26, s14, $0xb8;
	[tilespmem:$0x68F0] =	vst v63  }
0xf4: {  	s28 =	simm.s32 $0x1480  }
0xf5: {  	[spmem:s3] =	stream.indirect.scatter.add.f32 [tilespmem:s15], [sflag:$0x1], $0x1, s28, s14, $0xb8;
	[tilespmem:$0x68F0] =	vst v63  }
0xf6: {  	s29 =	simm.s32 $0x1500  }
0xf7: {  	[spmem:s3] =	stream.indirect.scatter.add.f32 [tilespmem:s15], [sflag:$0x1], $0x1, s29, s14, $0xb8;
	[tilespmem:$0x68F0] =	vst v63  }
0xf8: {  	s24 =	simm.s32 $0x1580  }
0xf9: {  	[spmem:s3] =	stream.indirect.scatter.add.f32 [tilespmem:s15], [sflag:$0x1], $0x1, s24, s14, $0xb8;
	[tilespmem:$0x68F0] =	vst v63  }
0xfa: {  	s25 =	simm.s32 $0x1600  }
0xfb: {  	[spmem:s3] =	stream.indirect.scatter.add.f32 [tilespmem:s15], [sflag:$0x1], $0x1, s25, s14, $0xb8;
	[tilespmem:$0x68F0] =	vst v63  }
0xfc: {  	s26 =	simm.s32 $0x1680  }
0xfd: {  	[spmem:s3] =	stream.indirect.scatter.add.f32 [tilespmem:s15], [sflag:$0x1], $0x1, s26, s14, $0xb8;
	[tilespmem:$0x68F0] =	vst v63  }
0xfe: {  	s28 =	simm.s32 $0x1700  }
0xff: {  	[spmem:s3] =	stream.indirect.scatter.add.f32 [tilespmem:s15], [sflag:$0x1], $0x1, s28, s14, $0xb8;
	[tilespmem:$0x68F0] =	vst v63  }
0x100: {  	s29 =	simm.s32 $0x1780  }
0x101: {  	[spmem:s3] =	stream.indirect.scatter.add.f32 [tilespmem:s15], [sflag:$0x1], $0x1, s29, s14, $0xb8;
	[tilespmem:$0x68F0] =	vst v63  }
0x102: {  	_ =	swait.ge [sflag:s22], $0x80  }
0x103: {  	[sflag:s22] =	ssyncset.done $0x0  }
0x104: {  	[sflag:s22] =	ssyncadd.s32 $0xFFFFFF80  }
0x105: {  	_ =	swait.ge [sflag:s22], $0x80  }
0x106: {  	[sflag:s22] =	ssyncset.done $0x0  }
0x107: {  	[sflag:s22] =	ssyncadd.s32 $0xFFFFFF80  }
0x108: {  	_ =	swait.ge [sflag:s22], $0x80  }
0x109: {  	[sflag:s22] =	ssyncset.done $0x0  }
0x10a: {  	[sflag:s22] =	ssyncadd.s32 $0xFFFFFF80  }
0x10b: {  	_ =	swait.ge [sflag:s22], $0x80  }
0x10c: {  	[sflag:s22] =	ssyncset.done $0x0  }
0x10d: {  	[sflag:s22] =	ssyncadd.s32 $0xFFFFFF80  }
0x10e: {  	_ =	swait.ge [sflag:s22], $0x80  }
0x10f: {  	[sflag:s22] =	ssyncset.done $0x0  }
0x110: {  	[sflag:s22] =	ssyncadd.s32 $0xFFFFFF80  }
0x111: {  	_ =	swait.ge [sflag:s22], $0x80  }
0x112: {  	[sflag:s22] =	ssyncset.done $0x0  }
0x113: {  	[sflag:s22] =	ssyncadd.s32 $0xFFFFFF80  }
0x114: {  	_ =	swait.ge [sflag:s22], $0x80  }
0x115: {  	[sflag:s22] =	ssyncset.done $0x0  }
0x116: {  	[sflag:s22] =	ssyncadd.s32 $0xFFFFFF80  }
0x117: {  	_ =	swait.ge [sflag:s22], $0x80  }
0x118: {  	s23 =	simm.s32 $0x2000;
	s25 =	simm.s32 $0x400;
	[sflag:s22] =	ssyncset.done $0x0  }
.LBB2_4:
0x119: {  	s28 =	sadd.s32 $0x1400, s25  }
0x11a: {  	[sflag:s22] =	ssyncadd.s32 $0xFFFFFF80;
	s24 =	smov.u32 s23;
	s26 =	sadd.s32 $0x1000, s23  }
0x11b: {  	[spmem:s3] =	stream.indirect.scatter.add.f32 [tilespmem:s15], [sflag:$0x1], $0x1, s28, s14, $0xb8;
	[tilespmem:$0x68F0] =	vst v63  }
0x11c: {  	p3 =	sne.s32 s23, $0x9000;
	s23 =	sadd.s32 $0x1480, s25  }
0x11d: {  	[spmem:s3] =	stream.indirect.scatter.add.f32 [tilespmem:s15], [sflag:$0x1], $0x1, s23, s14, $0xb8;
	[tilespmem:$0x68F0] =	vst v63  }
0x11e: {  	s23 =	sadd.s32 $0x1500, s25  }
0x11f: {  	[spmem:s3] =	stream.indirect.scatter.add.f32 [tilespmem:s15], [sflag:$0x1], $0x1, s23, s14, $0xb8;
	[tilespmem:$0x68F0] =	vst v63  }
0x120: {  	s23 =	sadd.s32 $0x1580, s25  }
0x121: {  	[spmem:s3] =	stream.indirect.scatter.add.f32 [tilespmem:s15], [sflag:$0x1], $0x1, s23, s14, $0xb8;
	[tilespmem:$0x68F0] =	vst v63  }
0x122: {  	s23 =	sadd.s32 $0x1600, s25  }
0x123: {  	[spmem:s3] =	stream.indirect.scatter.add.f32 [tilespmem:s15], [sflag:$0x1], $0x1, s23, s14, $0xb8;
	[tilespmem:$0x68F0] =	vst v63  }
0x124: {  	s23 =	sadd.s32 $0x1680, s25  }
0x125: {  	[spmem:s3] =	stream.indirect.scatter.add.f32 [tilespmem:s15], [sflag:$0x1], $0x1, s23, s14, $0xb8;
	[tilespmem:$0x68F0] =	vst v63  }
0x126: {  	s23 =	sadd.s32 $0x1700, s25  }
0x127: {  	[spmem:s3] =	stream.indirect.scatter.add.f32 [tilespmem:s15], [sflag:$0x1], $0x1, s23, s14, $0xb8;
	[tilespmem:$0x68F0] =	vst v63  }
0x128: {  	s23 =	sadd.s32 $0x1780, s25  }
0x129: {  	[spmem:s3] =	stream.indirect.scatter.add.f32 [tilespmem:s15], [sflag:$0x1], $0x1, s23, s14, $0xb8;
	[tilespmem:$0x68F0] =	vst v63  }
0x12a: {  	_ =	swait.ge [sflag:s22], $0x80  }
0x12b: {  	[sflag:s22] =	ssyncset.done $0x0  }
0x12c: {  	[sflag:s22] =	ssyncadd.s32 $0xFFFFFF80  }
0x12d: {  	_ =	swait.ge [sflag:s22], $0x80  }
0x12e: {  	[sflag:s22] =	ssyncset.done $0x0  }
0x12f: {  	[sflag:s22] =	ssyncadd.s32 $0xFFFFFF80  }
0x130: {  	_ =	swait.ge [sflag:s22], $0x80  }
0x131: {  	[sflag:s22] =	ssyncset.done $0x0  }
0x132: {  	[sflag:s22] =	ssyncadd.s32 $0xFFFFFF80  }
0x133: {  	_ =	swait.ge [sflag:s22], $0x80  }
0x134: {  	[sflag:s22] =	ssyncset.done $0x0  }
0x135: {  	[sflag:s22] =	ssyncadd.s32 $0xFFFFFF80  }
0x136: {  	_ =	swait.ge [sflag:s22], $0x80  }
0x137: {  	[sflag:s22] =	ssyncset.done $0x0  }
0x138: {  	[sflag:s22] =	ssyncadd.s32 $0xFFFFFF80  }
0x139: {  	_ =	swait.ge [sflag:s22], $0x80  }
0x13a: {  	[sflag:s22] =	ssyncset.done $0x0  }
0x13b: {  	[sflag:s22] =	ssyncadd.s32 $0xFFFFFF80  }
.Ltmp1:
0x13c: {  	_ =	swait.ge [sflag:s22], $0x80;
	(pc) =	sbr.rel @p3 .LBB2_4-.Ltmp1, $4  }
0x13d: {  	[sflag:s22] =	ssyncset.done $0x0  }
0x13e: {  	[sflag:s22] =	ssyncadd.s32 $0xFFFFFF80  }
0x13f: {  	_ =	swait.ge [sflag:s22], $0x80  }
0x140: {  	s25 =	sshra.s32 s24, $0x2;
	s23 =	smov.u32 s26;
	[sflag:s22] =	ssyncset.done $0x0  }
0x141: {  	s23 =	sadd.s32 $0x1400, s25;
	[sflag:s22] =	ssyncadd.s32 $0xFFFFFF80  }
0x142: {  	[spmem:s3] =	stream.indirect.scatter.add.f32 [tilespmem:s15], [sflag:$0x1], $0x1, s23, s14, $0xb8;
	[tilespmem:$0x68F0] =	vst v63  }
0x143: {  	s26 =	sadd.s32 $0x1480, s25  }
0x144: {  	[spmem:s3] =	stream.indirect.scatter.add.f32 [tilespmem:s15], [sflag:$0x1], $0x1, s26, s14, $0xb8;
	[tilespmem:$0x68F0] =	vst v63  }
0x145: {  	s28 =	sadd.s32 $0x1500, s25  }
0x146: {  	[spmem:s3] =	stream.indirect.scatter.add.f32 [tilespmem:s15], [sflag:$0x1], $0x1, s28, s14, $0xb8;
	[tilespmem:$0x68F0] =	vst v63  }
0x147: {  	s29 =	sadd.s32 $0x1580, s25  }
0x148: {  	[spmem:s3] =	stream.indirect.scatter.add.f32 [tilespmem:s15], [sflag:$0x1], $0x1, s29, s14, $0xb8;
	[tilespmem:$0x68F0] =	vst v63  }
0x149: {  	s24 =	sadd.s32 $0x1600, s25  }
0x14a: {  	[spmem:s3] =	stream.indirect.scatter.add.f32 [tilespmem:s15], [sflag:$0x1], $0x1, s24, s14, $0xb8;
	[tilespmem:$0x68F0] =	vst v63  }
0x14b: {  	s26 =	sadd.s32 $0x1680, s25  }
0x14c: {  	[spmem:s3] =	stream.indirect.scatter.add.f32 [tilespmem:s15], [sflag:$0x1], $0x1, s26, s14, $0xb8;
	[tilespmem:$0x68F0] =	vst v63  }
0x14d: {  	s28 =	sadd.s32 $0x1700, s25  }
0x14e: {  	[spmem:s3] =	stream.indirect.scatter.add.f32 [tilespmem:s15], [sflag:$0x1], $0x1, s28, s14, $0xb8;
	[tilespmem:$0x68F0] =	vst v63  }
0x14f: {  	s29 =	sadd.s32 $0x1780, s25  }
0x150: {  	[spmem:s3] =	stream.indirect.scatter.add.f32 [tilespmem:s15], [sflag:$0x1], $0x1, s29, s14, $0xb8;
	[tilespmem:$0x68F0] =	vst v63  }
0x151: {  	_ =	swait.ge [sflag:s22], $0x80  }
0x152: {  	[sflag:s22] =	ssyncset.done $0x0  }
0x153: {  	[sflag:s22] =	ssyncadd.s32 $0xFFFFFF80  }
0x154: {  	_ =	swait.ge [sflag:s22], $0x80  }
0x155: {  	[sflag:s22] =	ssyncset.done $0x0  }
0x156: {  	[sflag:s22] =	ssyncadd.s32 $0xFFFFFF80  }
0x157: {  	_ =	swait.ge [sflag:s22], $0x80  }
0x158: {  	[sflag:s22] =	ssyncset.done $0x0  }
0x159: {  	[sflag:s22] =	ssyncadd.s32 $0xFFFFFF80  }
0x15a: {  	_ =	swait.ge [sflag:s22], $0x80  }
0x15b: {  	[sflag:s22] =	ssyncset.done $0x0  }
0x15c: {  	[sflag:s22] =	ssyncadd.s32 $0xFFFFFF80  }
0x15d: {  	_ =	swait.ge [sflag:s22], $0x80  }
0x15e: {  	[sflag:s22] =	ssyncset.done $0x0  }
0x15f: {  	[sflag:s22] =	ssyncadd.s32 $0xFFFFFF80  }
0x160: {  	_ =	swait.ge [sflag:s22], $0x80  }
0x161: {  	[sflag:s22] =	ssyncset.done $0x0  }
0x162: {  	[sflag:s22] =	ssyncadd.s32 $0xFFFFFF80  }
0x163: {  	_ =	swait.ge [sflag:s22], $0x80  }
0x164: {  	[sflag:s22] =	ssyncset.done $0x0  }
0x165: {  	s23 =	stileid.u32;
	[sflag:s22] =	ssyncadd.s32 $0xFFFFFF80  }
0x166: {  	s23 =	sshll.u32 @!p2 s23, $0x6;
	_ =	swait.ge [sflag:s22], $0x80  }
0x167: {  	s23 =	sor.u32 @!p2 $0x1C02, s23;
	[sflag:s22] =	ssyncset.done $0x0  }
0x168: {  	s25 =	simm.s32 @!p2 $0x1;
	s24 =	sshrl.u32 @!p2 s1, $0x3;
	[sflag:s22] =	ssyncadd.s32 $0xFFFFFF80  }
0x169: {  	s26 =	simm.s32 @!p2 $0x20;
	s28 =	simm.s32 @!p2 $0x10;
	[bflag:$0x0] =	sbarrier.arrive $0xFFFF  }
0x16a: {  	[hbm:s5@s26], [sflag:s23] =	dma.strided @!p2 [spmem:s24@s28], $0x4F0, s25, $0x10   }
0x16b: {  	s24 =	simm.s32 @!p2 $0x2  }
0x16c: {  	_ =	swait.ge @!p2 [sflag:s24], $0x4F0  }
0x16d: {  	[sflag:s24] =	ssyncset.done @!p2 $0x0  }
0x16e: {  	s29 =	sshrl.u32 @!p2 s3, $0x3;
	[sflag:s24] =	ssyncadd.s32 @!p2 $0xFFFFFB10  }
0x16f: {  	[hbm:s8@s26], [sflag:s23] =	dma.strided @!p2 [spmem:s29@s28], $0x4F0, s25, $0x10   }
0x170: {  	s23 =	sshrl.u32 @p1 s1, $0x3;
	_ =	swait.ge @!p2 [sflag:s24], $0x4F0  }
0x171: {  	s25 =	simm.s32 @p1 $0x20;
	s26 =	simm.s32 @p1 $0x10;
	[sflag:s24] =	ssyncset.done @!p2 $0x0  }
0x172: {  	s28 =	simm.s32 @p1 $0x1C02;
	[sflag:s24] =	ssyncadd.s32 @!p2 $0xFFFFFB10;
	s24 =	simm.s32 @p1 $0x1  }
0x173: {  	[hbm:s9@s25], [sflag:s28] =	dma.strided @p1 [spmem:s23@s26], $0x4F0, s24, $0x10   }
0x174: {  	s23 =	simm.s32 @p1 $0x2  }
0x175: {  	s2 =	sadd.s32 $0x1, s2;
	_ =	swait.ge @p1 [sflag:s23], $0x4F0  }
0x176: {  	p3 =	sne.s32 s2, s11;
	[sflag:s23] =	ssyncset.done @p1 $0x0  }
.Ltmp2:
0x177: {  	s29 =	sshrl.u32 @p1 s3, $0x3;
	[sflag:s23] =	ssyncadd.s32 @p1 $0xFFFFFB10;
	(pc) =	sbr.rel @p3 .LBB2_1-.Ltmp2, $4  }
0x178: {  	[hbm:s10@s25], [sflag:s28] =	dma.strided @p1 [spmem:s29@s26], $0x4F0, s24, $0x10   }
0x179: {  	_ =	swait.ge @p1 [sflag:s23], $0x4F0  }
0x17a: {  	[sflag:s23] =	ssyncset.done @p1 $0x0  }
0x17b: {  	[sflag:s23] =	ssyncadd.s32 @p1 $0xFFFFFB10  }
0x17c: {  	_ =	sfence.sel $0x180000  }
0x17d: {  	[bflag:$0x0] =	sbarrier.arrive $0xFFFF  }
0x17e: {  	_ =	strace $0x90000047  }
0x17f: {  	[bflag:$0x2] =	sbarrier.arrive $0xFFFF  }
0x180: {  	s0 =	rddreg [dreg:$0x3]  }
0x181: {  	s0 =	sadd.s32 @!p0 $0x100000, s0  }
0x182: {  	[sflag:s0] =	ssyncadd.tile.s32 @!p0 $0x1;
	_ =	shalt  }
.Lfunc_end2:
_tile_overlayer_lowered:
.L_overlay_start_2:
0x183: {  	(tag) =	ssettag $0x2  }
0x184: {  	s0 =	rddreg [dreg:$0x0];
	s2 =	stileid.u32  }
0x185: {  	s1 =	rddreg [dreg:$0x1];
	p0 =	sne.s32 s2, $0x0  }
0x186: {  	s3 =	rddreg [dreg:$0x2];
	[bflag:$0x3] =	sbarrier.arrive $0xFFFF;
	s2 =	simm.s32 @!p0 $0x1C02  }
0x187: {  	[timem:s3], [sflag:s2] =	dma.local @!p0 [hbm:s0], s1  }
0x188: {  	s0 =	simm.s32 @!p0 $0x2  }
0x189: {  	_ =	swait.ge @!p0 [sflag:s0], s1  }
0x18a: {  	s1 =	ssub.s32 @!p0 $0x0, s1;
	[sflag:s0] =	ssyncset.done @!p0 $0x0  }
0x18b: {  	[sflag:s0] =	ssyncadd.s32 @!p0 s1  }
0x18c: {  	[bflag:$0x3] =	sbarrier.arrive $0xFFFF  }
0x18d: {  	_ =	shalt  }

</sc_bundles>
